<compile_context>
chip_gen: v7x
topology: tpu7x:2x2x1
jax: 0.10.2.dev20260603
libtpu: 0.0.44.dev20260713+nightly
codegen_flags: <defaults>
</compile_context>

<pallas_src>
import functools

import jax
import jax.numpy as jnp
from jax import lax
from jax.experimental import pallas as pl
from jax.experimental.pallas import tpu as pltpu
from jax.experimental.pallas import tpu_sc as plsc

_NC = 2
_NS = 16
_NW = _NC * _NS

_CL = 100
_NBUF = 8
_LANES = 16
_UNROLL = 10


@functools.lru_cache(maxsize=None)
def _build(B, L, D, V):
    CPR = L // _CL
    RPW = B // _NW
    CPW = RPW * CPR
    RPI = _NBUF // CPR
    NI = CPW // _NBUF
    NG = D // _LANES
    scale = 1.0 / L

    mesh = plsc.VectorSubcoreMesh(core_axis_name="c", subcore_axis_name="s")

    @functools.partial(
        pl.kernel,
        out_type=jax.ShapeDtypeStruct((B, D), jnp.float32),
        mesh=mesh,
        compiler_params=pltpu.CompilerParams(use_tc_tiling_on_sc=False),
        scratch_types=[
            pltpu.VMEM((CPW, _CL), jnp.int32),
            pltpu.VMEM((_NBUF, _CL, D), jnp.float32),
            pltpu.VMEM((RPW, D), jnp.float32),
        ]
        + [pltpu.SemaphoreType.DMA] * _NBUF,
    )
    def swem(idx_hbm, table_hbm, out_hbm, idx_v, buf_v, out_v, *sems):
        wid = lax.axis_index("s") * _NC + lax.axis_index("c")
        cbase = wid * CPW
        rbase = wid * RPW

        pltpu.sync_copy(idx_hbm.at[pl.ds(cbase, CPW)], idx_v)

        def gather(c, s):
            pltpu.async_copy(table_hbm.at[idx_v.at[c]], buf_v.at[s], sems[s])

        def gwait(c, s):
            pltpu.make_async_copy(
                table_hbm.at[idx_v.at[c]], buf_v.at[s], sems[s]
            ).wait()

        for s in range(_NBUF):
            gather(s, s)

        def accum(s, accs):
            buf = buf_v.at[s]

            def body(k, accs):
                accs = list(accs)
                for u in range(_UNROLL):
                    r = k * _UNROLL + u
                    for g in range(NG):
                        slot = (u % 2) * NG + g
                        accs[slot] = accs[slot] + buf[r, pl.ds(_LANES * g, _LANES)]
                return tuple(accs)

            return lax.fori_loop(0, _CL // _UNROLL, body, accs)

        def iteration(it, carry):
            for j in range(RPI):
                row = RPI * it + j
                accs = tuple(
                    jnp.zeros((_LANES,), jnp.float32) for _ in range(2 * NG)
                )
                for k in range(CPR):
                    s = CPR * j + k
                    c = _NBUF * it + s
                    gwait(c, s)
                    accs = accum(s, accs)

                    @pl.when(it < NI - 1)
                    def _():
                        gather(c + _NBUF, s)

                for g in range(NG):
                    out_v[row, pl.ds(_LANES * g, _LANES)] = (
                        accs[g] + accs[NG + g]
                    ) * scale
            return carry

        lax.fori_loop(0, NI, iteration, 0)

        pltpu.sync_copy(out_v, out_hbm.at[pl.ds(rbase, RPW)])

    return swem


def kernel(input, table):
    B, L = input.shape
    V, D = table.shape
    idx = input.astype(jnp.int32).reshape(B * L // _CL, _CL)
    return _build(B, L, D, V)(idx, table)

# --- scband reference (transcript-rebuilt; emitter-appended) ---
"""Pipeline reference for scband-swem-32487132627004 (READ-ONLY COPY).

The authoritative reference and input builder live on the scoring server;
editing this copy changes nothing except your own understanding.
"""

import jax, jax.numpy as jnp
import numpy as np

VOCAB = 1000000
EMBED_DIM = 64
BATCH = 4096
SEQ_LEN = 200


def setup_inputs(seed: int = 0) -> dict:
    key = jax.random.key(seed)
    k_idx, k_tab = jax.random.split(key)
    indices = jax.random.randint(k_idx, (BATCH, SEQ_LEN), 0, VOCAB, dtype=jnp.int64 if jax.config.jax_enable_x64 else jnp.int32)
    table = jax.random.normal(k_tab, (VOCAB, EMBED_DIM), dtype=jnp.float32) * 0.02
    return {"input": indices, "table": table}


def reference(input, table):
    # Swem forward with pre_pooling_dims=None, post_pooling_dims=None:
    # embedding lookup -> Identity -> mean pooling over sequence -> Identity
    emb = jnp.take(table, input, axis=0)  # [B, L, D] gather (SparseCore-friendly)
    pooled = jnp.mean(emb, axis=1)        # [B, D] mean pooling over words
    return pooled

if __name__ == "__main__":
    import jax
    _d = setup_inputs()
    print(jax.jit(kernel)(*tuple(_d.values())))

</pallas_src>

<mosaic_0001>
#map = affine_map<(d0, d1) -> (0, 0)>
module attributes {stable_mosaic.version = 14 : i64} {
  func.func @swem(%arg0: i32, %arg1: i32, %arg2: memref<8192x100xi32, #tpu.memory_space<hbm>>, %arg3: memref<1000000x64xf32, #tpu.memory_space<hbm>>, %arg4: memref<4096x64xf32, #tpu.memory_space<hbm>>, %arg5: memref<256x100xi32, #tpu.memory_space<vmem>>, %arg6: memref<8x100x64xf32, #tpu.memory_space<vmem>>, %arg7: memref<128x64xf32, #tpu.memory_space<vmem>>, %arg8: memref<!tpu.dma_semaphore, #tpu.memory_space<semaphore_mem>>, %arg9: memref<!tpu.dma_semaphore, #tpu.memory_space<semaphore_mem>>, %arg10: memref<!tpu.dma_semaphore, #tpu.memory_space<semaphore_mem>>, %arg11: memref<!tpu.dma_semaphore, #tpu.memory_space<semaphore_mem>>, %arg12: memref<!tpu.dma_semaphore, #tpu.memory_space<semaphore_mem>>, %arg13: memref<!tpu.dma_semaphore, #tpu.memory_space<semaphore_mem>>, %arg14: memref<!tpu.dma_semaphore, #tpu.memory_space<semaphore_mem>>, %arg15: memref<!tpu.dma_semaphore, #tpu.memory_space<semaphore_mem>>) attributes {dimension_semantics = [#tpu.dimension_semantics<core_parallel>, #tpu.dimension_semantics<subcore_parallel>], iteration_bounds = array<i64: 2, 16>, scalar_prefetch = 0 : i64, scratch_operands = 11 : i64, tpu.core_type = #tpu.core_type<sc_vector_subcore>, window_params = [{transform_indices = #map}, {transform_indices = #map}, {transform_indices = #map}]} {
    %mul3A = arith.constant 2 : i32
    %mul3A_0 = arith.muli %arg1, %mul3A : i32
    %add3A = arith.addi %mul3A_0, %arg0 : i32
    %mul3A_1 = arith.constant 256 : i32
    %mul3A_2 = arith.muli %add3A, %mul3A_1 : i32
    %mul3A_3 = arith.constant 128 : i32
    %mul3A_4 = arith.muli %add3A, %mul3A_3 : i32
    "tpu.region"() ({
      %run_scoped3A = tpu.sem_alloc : memref<!tpu.dma_semaphore, #tpu.memory_space<semaphore_mem>>
      %dma_start3A_105 = arith.constant 0 : i32
      %dma_start3A_106 = tpu.memref_slice %arg2[%mul3A_2, %dma_start3A_105] : memref<8192x100xi32, #tpu.memory_space<hbm>> -> memref<256x100xi32, #tpu.memory_space<hbm>>
      %dma_start3A_107 = arith.constant 0 : i32
      %dma_start3A_108 = tpu.memref_slice %arg2[%mul3A_2, %dma_start3A_107] : memref<8192x100xi32, #tpu.memory_space<hbm>> -> memref<256x100xi32, #tpu.memory_space<hbm>>
      tpu.enqueue_dma source(%dma_start3A_108 : memref<256x100xi32, #tpu.memory_space<hbm>>) target(%arg5 : memref<256x100xi32, #tpu.memory_space<vmem>>) target_semaphore(%run_scoped3A : memref<!tpu.dma_semaphore, #tpu.memory_space<semaphore_mem>>)
      %dma_wait3A = arith.constant 0 : i32
      %dma_wait3A_109 = tpu.memref_slice %arg2[%mul3A_2, %dma_wait3A] : memref<8192x100xi32, #tpu.memory_space<hbm>> -> memref<256x100xi32, #tpu.memory_space<hbm>>
      %dma_wait3A_110 = arith.constant 0 : i32
      %dma_wait3A_111 = tpu.memref_slice %arg2[%mul3A_2, %dma_wait3A_110] : memref<8192x100xi32, #tpu.memory_space<hbm>> -> memref<256x100xi32, #tpu.memory_space<hbm>>
      tpu.wait_dma2 semaphore(%run_scoped3A : memref<!tpu.dma_semaphore, #tpu.memory_space<semaphore_mem>>) src(%dma_wait3A_111 : memref<256x100xi32, #tpu.memory_space<hbm>>) dst(%arg5 : memref<256x100xi32, #tpu.memory_space<vmem>>)
      tpu.yield
    }) : () -> ()
    %dma_start3A = arith.constant 0 : i32
    %dma_start3A_5 = arith.constant 0 : i32
    %dma_start3A_6 = arith.constant 0 : i32
    %dma_start3A_7 = arith.constant 0 : i32
    %dma_start3A_8 = tpu.memref_slice %arg6[%dma_start3A_5, %dma_start3A_6, %dma_start3A_7] : memref<8x100x64xf32, #tpu.memory_space<vmem>> -> memref<1x100x64xf32, #tpu.memory_space<vmem>>
    %dma_start3A_9 = tpu.memref_squeeze %dma_start3A_8 : memref<1x100x64xf32, #tpu.memory_space<vmem>> -> memref<100x64xf32, #tpu.memory_space<vmem>>
    %dma_start3A_10 = arith.constant 0 : i32
    %dma_start3A_11 = tpu.memref_slice %arg5[%dma_start3A, %dma_start3A_10] : memref<256x100xi32, #tpu.memory_space<vmem>> -> memref<1x100xi32, #tpu.memory_space<vmem>>
    %dma_start3A_12 = tpu.memref_squeeze %dma_start3A_11 : memref<1x100xi32, #tpu.memory_space<vmem>> -> memref<100xi32, #tpu.memory_space<vmem>>
    %dma_start3A_13 = arith.constant 0 : i32
    %dma_start3A_14 = arith.constant 0 : i32
    %dma_start3A_15 = tpu.memref_slice %arg3[%dma_start3A_13, %dma_start3A_14] : memref<1000000x64xf32, #tpu.memory_space<hbm>> -> memref<1000000x64xf32, #tpu.memory_space<hbm>>
    tpu.enqueue_indirect_dma source(%dma_start3A_15 : memref<1000000x64xf32, #tpu.memory_space<hbm>>) target(%dma_start3A_9 : memref<100x64xf32, #tpu.memory_space<vmem>>) offsets(%dma_start3A_12 : memref<100xi32, #tpu.memory_space<vmem>>) semaphore(%arg8 : memref<!tpu.dma_semaphore, #tpu.memory_space<semaphore_mem>>)
    %dma_start3A_16 = arith.constant 1 : i32
    %dma_start3A_17 = arith.constant 1 : i32
    %dma_start3A_18 = arith.constant 0 : i32
    %dma_start3A_19 = arith.constant 0 : i32
    %dma_start3A_20 = tpu.memref_slice %arg6[%dma_start3A_17, %dma_start3A_18, %dma_start3A_19] : memref<8x100x64xf32, #tpu.memory_space<vmem>> -> memref<1x100x64xf32, #tpu.memory_space<vmem>>
    %dma_start3A_21 = tpu.memref_squeeze %dma_start3A_20 : memref<1x100x64xf32, #tpu.memory_space<vmem>> -> memref<100x64xf32, #tpu.memory_space<vmem>>
    %dma_start3A_22 = arith.constant 0 : i32
    %dma_start3A_23 = tpu.memref_slice %arg5[%dma_start3A_16, %dma_start3A_22] : memref<256x100xi32, #tpu.memory_space<vmem>> -> memref<1x100xi32, #tpu.memory_space<vmem>>
    %dma_start3A_24 = tpu.memref_squeeze %dma_start3A_23 : memref<1x100xi32, #tpu.memory_space<vmem>> -> memref<100xi32, #tpu.memory_space<vmem>>
    %dma_start3A_25 = arith.constant 0 : i32
    %dma_start3A_26 = arith.constant 0 : i32
    %dma_start3A_27 = tpu.memref_slice %arg3[%dma_start3A_25, %dma_start3A_26] : memref<1000000x64xf32, #tpu.memory_space<hbm>> -> memref<1000000x64xf32, #tpu.memory_space<hbm>>
    tpu.enqueue_indirect_dma source(%dma_start3A_27 : memref<1000000x64xf32, #tpu.memory_space<hbm>>) target(%dma_start3A_21 : memref<100x64xf32, #tpu.memory_space<vmem>>) offsets(%dma_start3A_24 : memref<100xi32, #tpu.memory_space<vmem>>) semaphore(%arg9 : memref<!tpu.dma_semaphore, #tpu.memory_space<semaphore_mem>>)
    %dma_start3A_28 = arith.constant 2 : i32
    %dma_start3A_29 = arith.constant 2 : i32
    %dma_start3A_30 = arith.constant 0 : i32
    %dma_start3A_31 = arith.constant 0 : i32
    %dma_start3A_32 = tpu.memref_slice %arg6[%dma_start3A_29, %dma_start3A_30, %dma_start3A_31] : memref<8x100x64xf32, #tpu.memory_space<vmem>> -> memref<1x100x64xf32, #tpu.memory_space<vmem>>
    %dma_start3A_33 = tpu.memref_squeeze %dma_start3A_32 : memref<1x100x64xf32, #tpu.memory_space<vmem>> -> memref<100x64xf32, #tpu.memory_space<vmem>>
    %dma_start3A_34 = arith.constant 0 : i32
    %dma_start3A_35 = tpu.memref_slice %arg5[%dma_start3A_28, %dma_start3A_34] : memref<256x100xi32, #tpu.memory_space<vmem>> -> memref<1x100xi32, #tpu.memory_space<vmem>>
    %dma_start3A_36 = tpu.memref_squeeze %dma_start3A_35 : memref<1x100xi32, #tpu.memory_space<vmem>> -> memref<100xi32, #tpu.memory_space<vmem>>
    %dma_start3A_37 = arith.constant 0 : i32
    %dma_start3A_38 = arith.constant 0 : i32
    %dma_start3A_39 = tpu.memref_slice %arg3[%dma_start3A_37, %dma_start3A_38] : memref<1000000x64xf32, #tpu.memory_space<hbm>> -> memref<1000000x64xf32, #tpu.memory_space<hbm>>
    tpu.enqueue_indirect_dma source(%dma_start3A_39 : memref<1000000x64xf32, #tpu.memory_space<hbm>>) target(%dma_start3A_33 : memref<100x64xf32, #tpu.memory_space<vmem>>) offsets(%dma_start3A_36 : memref<100xi32, #tpu.memory_space<vmem>>) semaphore(%arg10 : memref<!tpu.dma_semaphore, #tpu.memory_space<semaphore_mem>>)
    %dma_start3A_40 = arith.constant 3 : i32
    %dma_start3A_41 = arith.constant 3 : i32
    %dma_start3A_42 = arith.constant 0 : i32
    %dma_start3A_43 = arith.constant 0 : i32
    %dma_start3A_44 = tpu.memref_slice %arg6[%dma_start3A_41, %dma_start3A_42, %dma_start3A_43] : memref<8x100x64xf32, #tpu.memory_space<vmem>> -> memref<1x100x64xf32, #tpu.memory_space<vmem>>
    %dma_start3A_45 = tpu.memref_squeeze %dma_start3A_44 : memref<1x100x64xf32, #tpu.memory_space<vmem>> -> memref<100x64xf32, #tpu.memory_space<vmem>>
    %dma_start3A_46 = arith.constant 0 : i32
    %dma_start3A_47 = tpu.memref_slice %arg5[%dma_start3A_40, %dma_start3A_46] : memref<256x100xi32, #tpu.memory_space<vmem>> -> memref<1x100xi32, #tpu.memory_space<vmem>>
    %dma_start3A_48 = tpu.memref_squeeze %dma_start3A_47 : memref<1x100xi32, #tpu.memory_space<vmem>> -> memref<100xi32, #tpu.memory_space<vmem>>
    %dma_start3A_49 = arith.constant 0 : i32
    %dma_start3A_50 = arith.constant 0 : i32
    %dma_start3A_51 = tpu.memref_slice %arg3[%dma_start3A_49, %dma_start3A_50] : memref<1000000x64xf32, #tpu.memory_space<hbm>> -> memref<1000000x64xf32, #tpu.memory_space<hbm>>
    tpu.enqueue_indirect_dma source(%dma_start3A_51 : memref<1000000x64xf32, #tpu.memory_space<hbm>>) target(%dma_start3A_45 : memref<100x64xf32, #tpu.memory_space<vmem>>) offsets(%dma_start3A_48 : memref<100xi32, #tpu.memory_space<vmem>>) semaphore(%arg11 : memref<!tpu.dma_semaphore, #tpu.memory_space<semaphore_mem>>)
    %dma_start3A_52 = arith.constant 4 : i32
    %dma_start3A_53 = arith.constant 4 : i32
    %dma_start3A_54 = arith.constant 0 : i32
    %dma_start3A_55 = arith.constant 0 : i32
    %dma_start3A_56 = tpu.memref_slice %arg6[%dma_start3A_53, %dma_start3A_54, %dma_start3A_55] : memref<8x100x64xf32, #tpu.memory_space<vmem>> -> memref<1x100x64xf32, #tpu.memory_space<vmem>>
    %dma_start3A_57 = tpu.memref_squeeze %dma_start3A_56 : memref<1x100x64xf32, #tpu.memory_space<vmem>> -> memref<100x64xf32, #tpu.memory_space<vmem>>
    %dma_start3A_58 = arith.constant 0 : i32
    %dma_start3A_59 = tpu.memref_slice %arg5[%dma_start3A_52, %dma_start3A_58] : memref<256x100xi32, #tpu.memory_space<vmem>> -> memref<1x100xi32, #tpu.memory_space<vmem>>
    %dma_start3A_60 = tpu.memref_squeeze %dma_start3A_59 : memref<1x100xi32, #tpu.memory_space<vmem>> -> memref<100xi32, #tpu.memory_space<vmem>>
    %dma_start3A_61 = arith.constant 0 : i32
    %dma_start3A_62 = arith.constant 0 : i32
    %dma_start3A_63 = tpu.memref_slice %arg3[%dma_start3A_61, %dma_start3A_62] : memref<1000000x64xf32, #tpu.memory_space<hbm>> -> memref<1000000x64xf32, #tpu.memory_space<hbm>>
    tpu.enqueue_indirect_dma source(%dma_start3A_63 : memref<1000000x64xf32, #tpu.memory_space<hbm>>) target(%dma_start3A_57 : memref<100x64xf32, #tpu.memory_space<vmem>>) offsets(%dma_start3A_60 : memref<100xi32, #tpu.memory_space<vmem>>) semaphore(%arg12 : memref<!tpu.dma_semaphore, #tpu.memory_space<semaphore_mem>>)
    %dma_start3A_64 = arith.constant 5 : i32
    %dma_start3A_65 = arith.constant 5 : i32
    %dma_start3A_66 = arith.constant 0 : i32
    %dma_start3A_67 = arith.constant 0 : i32
    %dma_start3A_68 = tpu.memref_slice %arg6[%dma_start3A_65, %dma_start3A_66, %dma_start3A_67] : memref<8x100x64xf32, #tpu.memory_space<vmem>> -> memref<1x100x64xf32, #tpu.memory_space<vmem>>
    %dma_start3A_69 = tpu.memref_squeeze %dma_start3A_68 : memref<1x100x64xf32, #tpu.memory_space<vmem>> -> memref<100x64xf32, #tpu.memory_space<vmem>>
    %dma_start3A_70 = arith.constant 0 : i32
    %dma_start3A_71 = tpu.memref_slice %arg5[%dma_start3A_64, %dma_start3A_70] : memref<256x100xi32, #tpu.memory_space<vmem>> -> memref<1x100xi32, #tpu.memory_space<vmem>>
    %dma_start3A_72 = tpu.memref_squeeze %dma_start3A_71 : memref<1x100xi32, #tpu.memory_space<vmem>> -> memref<100xi32, #tpu.memory_space<vmem>>
    %dma_start3A_73 = arith.constant 0 : i32
    %dma_start3A_74 = arith.constant 0 : i32
    %dma_start3A_75 = tpu.memref_slice %arg3[%dma_start3A_73, %dma_start3A_74] : memref<1000000x64xf32, #tpu.memory_space<hbm>> -> memref<1000000x64xf32, #tpu.memory_space<hbm>>
    tpu.enqueue_indirect_dma source(%dma_start3A_75 : memref<1000000x64xf32, #tpu.memory_space<hbm>>) target(%dma_start3A_69 : memref<100x64xf32, #tpu.memory_space<vmem>>) offsets(%dma_start3A_72 : memref<100xi32, #tpu.memory_space<vmem>>) semaphore(%arg13 : memref<!tpu.dma_semaphore, #tpu.memory_space<semaphore_mem>>)
    %dma_start3A_76 = arith.constant 6 : i32
    %dma_start3A_77 = arith.constant 6 : i32
    %dma_start3A_78 = arith.constant 0 : i32
    %dma_start3A_79 = arith.constant 0 : i32
    %dma_start3A_80 = tpu.memref_slice %arg6[%dma_start3A_77, %dma_start3A_78, %dma_start3A_79] : memref<8x100x64xf32, #tpu.memory_space<vmem>> -> memref<1x100x64xf32, #tpu.memory_space<vmem>>
    %dma_start3A_81 = tpu.memref_squeeze %dma_start3A_80 : memref<1x100x64xf32, #tpu.memory_space<vmem>> -> memref<100x64xf32, #tpu.memory_space<vmem>>
    %dma_start3A_82 = arith.constant 0 : i32
    %dma_start3A_83 = tpu.memref_slice %arg5[%dma_start3A_76, %dma_start3A_82] : memref<256x100xi32, #tpu.memory_space<vmem>> -> memref<1x100xi32, #tpu.memory_space<vmem>>
    %dma_start3A_84 = tpu.memref_squeeze %dma_start3A_83 : memref<1x100xi32, #tpu.memory_space<vmem>> -> memref<100xi32, #tpu.memory_space<vmem>>
    %dma_start3A_85 = arith.constant 0 : i32
    %dma_start3A_86 = arith.constant 0 : i32
    %dma_start3A_87 = tpu.memref_slice %arg3[%dma_start3A_85, %dma_start3A_86] : memref<1000000x64xf32, #tpu.memory_space<hbm>> -> memref<1000000x64xf32, #tpu.memory_space<hbm>>
    tpu.enqueue_indirect_dma source(%dma_start3A_87 : memref<1000000x64xf32, #tpu.memory_space<hbm>>) target(%dma_start3A_81 : memref<100x64xf32, #tpu.memory_space<vmem>>) offsets(%dma_start3A_84 : memref<100xi32, #tpu.memory_space<vmem>>) semaphore(%arg14 : memref<!tpu.dma_semaphore, #tpu.memory_space<semaphore_mem>>)
    %dma_start3A_88 = arith.constant 7 : i32
    %dma_start3A_89 = arith.constant 7 : i32
    %dma_start3A_90 = arith.constant 0 : i32
    %dma_start3A_91 = arith.constant 0 : i32
    %dma_start3A_92 = tpu.memref_slice %arg6[%dma_start3A_89, %dma_start3A_90, %dma_start3A_91] : memref<8x100x64xf32, #tpu.memory_space<vmem>> -> memref<1x100x64xf32, #tpu.memory_space<vmem>>
    %dma_start3A_93 = tpu.memref_squeeze %dma_start3A_92 : memref<1x100x64xf32, #tpu.memory_space<vmem>> -> memref<100x64xf32, #tpu.memory_space<vmem>>
    %dma_start3A_94 = arith.constant 0 : i32
    %dma_start3A_95 = tpu.memref_slice %arg5[%dma_start3A_88, %dma_start3A_94] : memref<256x100xi32, #tpu.memory_space<vmem>> -> memref<1x100xi32, #tpu.memory_space<vmem>>
    %dma_start3A_96 = tpu.memref_squeeze %dma_start3A_95 : memref<1x100xi32, #tpu.memory_space<vmem>> -> memref<100xi32, #tpu.memory_space<vmem>>
    %dma_start3A_97 = arith.constant 0 : i32
    %dma_start3A_98 = arith.constant 0 : i32
    %dma_start3A_99 = tpu.memref_slice %arg3[%dma_start3A_97, %dma_start3A_98] : memref<1000000x64xf32, #tpu.memory_space<hbm>> -> memref<1000000x64xf32, #tpu.memory_space<hbm>>
    tpu.enqueue_indirect_dma source(%dma_start3A_99 : memref<1000000x64xf32, #tpu.memory_space<hbm>>) target(%dma_start3A_93 : memref<100x64xf32, #tpu.memory_space<vmem>>) offsets(%dma_start3A_96 : memref<100xi32, #tpu.memory_space<vmem>>) semaphore(%arg15 : memref<!tpu.dma_semaphore, #tpu.memory_space<semaphore_mem>>)
    %scan3A = arith.constant 0 : i32
    %scan3A_100 = arith.constant 0 : i32
    %scan3A_101 = arith.constant 32 : i32
    %scan3A_102 = arith.addi %scan3A_100, %scan3A_101 : i32
    %scan3A_103 = arith.constant 1 : i32
    scf.for %scan3A_105 = %scan3A_100 to %scan3A_102 step %scan3A_103  : i32 {
      %mul3A_106 = arith.constant 4 : i32
      %mul3A_107 = arith.muli %mul3A_106, %scan3A_105 : i32
      %add3A_108 = arith.constant 0 : i32
      %add3A_109 = arith.addi %mul3A_107, %add3A_108 : i32
      %broadcast_in_dim3A = arith.constant 0.000000e+00 : f32
      %broadcast_in_dim3A_110 = vector.broadcast %broadcast_in_dim3A : f32 to vector<16xf32>
      %broadcast_in_dim3A_111 = arith.constant 0.000000e+00 : f32
      %broadcast_in_dim3A_112 = vector.broadcast %broadcast_in_dim3A_111 : f32 to vector<16xf32>
      %broadcast_in_dim3A_113 = arith.constant 0.000000e+00 : f32
      %broadcast_in_dim3A_114 = vector.broadcast %broadcast_in_dim3A_113 : f32 to vector<16xf32>
      %broadcast_in_dim3A_115 = arith.constant 0.000000e+00 : f32
      %broadcast_in_dim3A_116 = vector.broadcast %broadcast_in_dim3A_115 : f32 to vector<16xf32>
      %broadcast_in_dim3A_117 = arith.constant 0.000000e+00 : f32
      %broadcast_in_dim3A_118 = vector.broadcast %broadcast_in_dim3A_117 : f32 to vector<16xf32>
      %broadcast_in_dim3A_119 = arith.constant 0.000000e+00 : f32
      %broadcast_in_dim3A_120 = vector.broadcast %broadcast_in_dim3A_119 : f32 to vector<16xf32>
      %broadcast_in_dim3A_121 = arith.constant 0.000000e+00 : f32
      %broadcast_in_dim3A_122 = vector.broadcast %broadcast_in_dim3A_121 : f32 to vector<16xf32>
      %broadcast_in_dim3A_123 = arith.constant 0.000000e+00 : f32
      %broadcast_in_dim3A_124 = vector.broadcast %broadcast_in_dim3A_123 : f32 to vector<16xf32>
      %mul3A_125 = arith.constant 8 : i32
      %mul3A_126 = arith.muli %mul3A_125, %scan3A_105 : i32
      %add3A_127 = arith.constant 0 : i32
      %add3A_128 = arith.addi %mul3A_126, %add3A_127 : i32
      %dma_wait3A = arith.constant 0 : i32
      %dma_wait3A_129 = arith.constant 0 : i32
      %dma_wait3A_130 = arith.constant 0 : i32
      %dma_wait3A_131 = tpu.memref_slice %arg6[%dma_wait3A, %dma_wait3A_129, %dma_wait3A_130] : memref<8x100x64xf32, #tpu.memory_space<vmem>> -> memref<1x100x64xf32, #tpu.memory_space<vmem>>
      %dma_wait3A_132 = tpu.memref_squeeze %dma_wait3A_131 : memref<1x100x64xf32, #tpu.memory_space<vmem>> -> memref<100x64xf32, #tpu.memory_space<vmem>>
      %dma_wait3A_133 = arith.constant 0 : i32
      %dma_wait3A_134 = tpu.memref_slice %arg5[%add3A_128, %dma_wait3A_133] : memref<256x100xi32, #tpu.memory_space<vmem>> -> memref<1x100xi32, #tpu.memory_space<vmem>>
      %dma_wait3A_135 = tpu.memref_squeeze %dma_wait3A_134 : memref<1x100xi32, #tpu.memory_space<vmem>> -> memref<100xi32, #tpu.memory_space<vmem>>
      %dma_wait3A_136 = arith.constant 0 : i32
      %dma_wait3A_137 = arith.constant 0 : i32
      %dma_wait3A_138 = tpu.memref_slice %arg3[%dma_wait3A_136, %dma_wait3A_137] : memref<1000000x64xf32, #tpu.memory_space<hbm>> -> memref<1000000x64xf32, #tpu.memory_space<hbm>>
      tpu.wait_indirect_dma semaphore(%arg8 : memref<!tpu.dma_semaphore, #tpu.memory_space<semaphore_mem>>) src(%dma_wait3A_138 : memref<1000000x64xf32, #tpu.memory_space<hbm>>) dst(%dma_wait3A_132 : memref<100x64xf32, #tpu.memory_space<vmem>>)
      %scan3A_139 = arith.constant 0 : i32
      %scan3A_140 = arith.constant 0 : i32
      %scan3A_141 = arith.constant 10 : i32
      %scan3A_142 = arith.addi %scan3A_140, %scan3A_141 : i32
      %scan3A_143 = arith.constant 1 : i32
      %scan3A_144:8 = scf.for %scan3A_540 = %scan3A_140 to %scan3A_142 step %scan3A_143 iter_args(%scan3A_541 = %broadcast_in_dim3A_110, %scan3A_542 = %broadcast_in_dim3A_112, %scan3A_543 = %broadcast_in_dim3A_114, %scan3A_544 = %broadcast_in_dim3A_116, %scan3A_545 = %broadcast_in_dim3A_118, %scan3A_546 = %broadcast_in_dim3A_120, %scan3A_547 = %broadcast_in_dim3A_122, %scan3A_548 = %broadcast_in_dim3A_124) -> (vector<16xf32>, vector<16xf32>, vector<16xf32>, vector<16xf32>, vector<16xf32>, vector<16xf32>, vector<16xf32>, vector<16xf32>)  : i32 {
        %mul3A_549 = arith.constant 10 : i32
        %mul3A_550 = arith.muli %scan3A_540, %mul3A_549 : i32
        %add3A_551 = arith.constant 0 : i32
        %add3A_552 = arith.addi %mul3A_550, %add3A_551 : i32
        %get3A = arith.constant 0 : i32
        %get3A_553 = arith.constant 0 : i32
        %get3A_554 = tpu.memref_slice %arg6[%scan3A_139, %get3A, %get3A_553] : memref<8x100x64xf32, #tpu.memory_space<vmem>> -> memref<1x100x64xf32, #tpu.memory_space<vmem>>
        %get3A_555 = tpu.memref_squeeze %get3A_554 : memref<1x100x64xf32, #tpu.memory_space<vmem>> -> memref<100x64xf32, #tpu.memory_space<vmem>>
        %get3A_556 = arith.index_cast %add3A_552 : i32 to index
        %get3A_557 = arith.constant 0 : index
        %get3A_558 = tpu.vector_load %get3A_555[%get3A_556, %get3A_557] {strides = array<i32>} : memref<100x64xf32, #tpu.memory_space<vmem>>, vector<1x16xf32>,
        %get3A_559 = vector.shape_cast %get3A_558 : vector<1x16xf32> to vector<16xf32>
        %add3A_560 = arith.addf %scan3A_541, %get3A_559 : vector<16xf32>
        %get3A_561 = arith.constant 0 : i32
        %get3A_562 = arith.constant 0 : i32
        %get3A_563 = tpu.memref_slice %arg6[%scan3A_139, %get3A_561, %get3A_562] : memref<8x100x64xf32, #tpu.memory_space<vmem>> -> memref<1x100x64xf32, #tpu.memory_space<vmem>>
        %get3A_564 = tpu.memref_squeeze %get3A_563 : memref<1x100x64xf32, #tpu.memory_space<vmem>> -> memref<100x64xf32, #tpu.memory_space<vmem>>
        %get3A_565 = arith.index_cast %add3A_552 : i32 to index
        %get3A_566 = arith.constant 16 : index
        %get3A_567 = tpu.vector_load %get3A_564[%get3A_565, %get3A_566] {strides = array<i32>} : memref<100x64xf32, #tpu.memory_space<vmem>>, vector<1x16xf32>,
        %get3A_568 = vector.shape_cast %get3A_567 : vector<1x16xf32> to vector<16xf32>
        %add3A_569 = arith.addf %scan3A_542, %get3A_568 : vector<16xf32>
        %get3A_570 = arith.constant 0 : i32
        %get3A_571 = arith.constant 0 : i32
        %get3A_572 = tpu.memref_slice %arg6[%scan3A_139, %get3A_570, %get3A_571] : memref<8x100x64xf32, #tpu.memory_space<vmem>> -> memref<1x100x64xf32, #tpu.memory_space<vmem>>
        %get3A_573 = tpu.memref_squeeze %get3A_572 : memref<1x100x64xf32, #tpu.memory_space<vmem>> -> memref<100x64xf32, #tpu.memory_space<vmem>>
        %get3A_574 = arith.index_cast %add3A_552 : i32 to index
        %get3A_575 = arith.constant 32 : index
        %get3A_576 = tpu.vector_load %get3A_573[%get3A_574, %get3A_575] {strides = array<i32>} : memref<100x64xf32, #tpu.memory_space<vmem>>, vector<1x16xf32>,
        %get3A_577 = vector.shape_cast %get3A_576 : vector<1x16xf32> to vector<16xf32>
        %add3A_578 = arith.addf %scan3A_543, %get3A_577 : vector<16xf32>
        %get3A_579 = arith.constant 0 : i32
        %get3A_580 = arith.constant 0 : i32
        %get3A_581 = tpu.memref_slice %arg6[%scan3A_139, %get3A_579, %get3A_580] : memref<8x100x64xf32, #tpu.memory_space<vmem>> -> memref<1x100x64xf32, #tpu.memory_space<vmem>>
        %get3A_582 = tpu.memref_squeeze %get3A_581 : memref<1x100x64xf32, #tpu.memory_space<vmem>> -> memref<100x64xf32, #tpu.memory_space<vmem>>
        %get3A_583 = arith.index_cast %add3A_552 : i32 to index
        %get3A_584 = arith.constant 48 : index
        %get3A_585 = tpu.vector_load %get3A_582[%get3A_583, %get3A_584] {strides = array<i32>} : memref<100x64xf32, #tpu.memory_space<vmem>>, vector<1x16xf32>,
        %get3A_586 = vector.shape_cast %get3A_585 : vector<1x16xf32> to vector<16xf32>
        %add3A_587 = arith.addf %scan3A_544, %get3A_586 : vector<16xf32>
        %mul3A_588 = arith.constant 10 : i32
        %mul3A_589 = arith.muli %scan3A_540, %mul3A_588 : i32
        %add3A_590 = arith.constant 1 : i32
        %add3A_591 = arith.addi %mul3A_589, %add3A_590 : i32
        %get3A_592 = arith.constant 0 : i32
        %get3A_593 = arith.constant 0 : i32
        %get3A_594 = tpu.memref_slice %arg6[%scan3A_139, %get3A_592, %get3A_593] : memref<8x100x64xf32, #tpu.memory_space<vmem>> -> memref<1x100x64xf32, #tpu.memory_space<vmem>>
        %get3A_595 = tpu.memref_squeeze %get3A_594 : memref<1x100x64xf32, #tpu.memory_space<vmem>> -> memref<100x64xf32, #tpu.memory_space<vmem>>
        %get3A_596 = arith.index_cast %add3A_591 : i32 to index
        %get3A_597 = arith.constant 0 : index
        %get3A_598 = tpu.vector_load %get3A_595[%get3A_596, %get3A_597] {strides = array<i32>} : memref<100x64xf32, #tpu.memory_space<vmem>>, vector<1x16xf32>,
        %get3A_599 = vector.shape_cast %get3A_598 : vector<1x16xf32> to vector<16xf32>
        %add3A_600 = arith.addf %scan3A_545, %get3A_599 : vector<16xf32>
        %get3A_601 = arith.constant 0 : i32
        %get3A_602 = arith.constant 0 : i32
        %get3A_603 = tpu.memref_slice %arg6[%scan3A_139, %get3A_601, %get3A_602] : memref<8x100x64xf32, #tpu.memory_space<vmem>> -> memref<1x100x64xf32, #tpu.memory_space<vmem>>
        %get3A_604 = tpu.memref_squeeze %get3A_603 : memref<1x100x64xf32, #tpu.memory_space<vmem>> -> memref<100x64xf32, #tpu.memory_space<vmem>>
        %get3A_605 = arith.index_cast %add3A_591 : i32 to index
        %get3A_606 = arith.constant 16 : index
        %get3A_607 = tpu.vector_load %get3A_604[%get3A_605, %get3A_606] {strides = array<i32>} : memref<100x64xf32, #tpu.memory_space<vmem>>, vector<1x16xf32>,
        %get3A_608 = vector.shape_cast %get3A_607 : vector<1x16xf32> to vector<16xf32>
        %add3A_609 = arith.addf %scan3A_546, %get3A_608 : vector<16xf32>
        %get3A_610 = arith.constant 0 : i32
        %get3A_611 = arith.constant 0 : i32
        %get3A_612 = tpu.memref_slice %arg6[%scan3A_139, %get3A_610, %get3A_611] : memref<8x100x64xf32, #tpu.memory_space<vmem>> -> memref<1x100x64xf32, #tpu.memory_space<vmem>>
        %get3A_613 = tpu.memref_squeeze %get3A_612 : memref<1x100x64xf32, #tpu.memory_space<vmem>> -> memref<100x64xf32, #tpu.memory_space<vmem>>
        %get3A_614 = arith.index_cast %add3A_591 : i32 to index
        %get3A_615 = arith.constant 32 : index
        %get3A_616 = tpu.vector_load %get3A_613[%get3A_614, %get3A_615] {strides = array<i32>} : memref<100x64xf32, #tpu.memory_space<vmem>>, vector<1x16xf32>,
        %get3A_617 = vector.shape_cast %get3A_616 : vector<1x16xf32> to vector<16xf32>
        %add3A_618 = arith.addf %scan3A_547, %get3A_617 : vector<16xf32>
        %get3A_619 = arith.constant 0 : i32
        %get3A_620 = arith.constant 0 : i32
        %get3A_621 = tpu.memref_slice %arg6[%scan3A_139, %get3A_619, %get3A_620] : memref<8x100x64xf32, #tpu.memory_space<vmem>> -> memref<1x100x64xf32, #tpu.memory_space<vmem>>
        %get3A_622 = tpu.memref_squeeze %get3A_621 : memref<1x100x64xf32, #tpu.memory_space<vmem>> -> memref<100x64xf32, #tpu.memory_space<vmem>>
        %get3A_623 = arith.index_cast %add3A_591 : i32 to index
        %get3A_624 = arith.constant 48 : index
        %get3A_625 = tpu.vector_load %get3A_622[%get3A_623, %get3A_624] {strides = array<i32>} : memref<100x64xf32, #tpu.memory_space<vmem>>, vector<1x16xf32>,
        %get3A_626 = vector.shape_cast %get3A_625 : vector<1x16xf32> to vector<16xf32>
        %add3A_627 = arith.addf %scan3A_548, %get3A_626 : vector<16xf32>
        %mul3A_628 = arith.constant 10 : i32
        %mul3A_629 = arith.muli %scan3A_540, %mul3A_628 : i32
        %add3A_630 = arith.constant 2 : i32
        %add3A_631 = arith.addi %mul3A_629, %add3A_630 : i32
        %get3A_632 = arith.constant 0 : i32
        %get3A_633 = arith.constant 0 : i32
        %get3A_634 = tpu.memref_slice %arg6[%scan3A_139, %get3A_632, %get3A_633] : memref<8x100x64xf32, #tpu.memory_space<vmem>> -> memref<1x100x64xf32, #tpu.memory_space<vmem>>
        %get3A_635 = tpu.memref_squeeze %get3A_634 : memref<1x100x64xf32, #tpu.memory_space<vmem>> -> memref<100x64xf32, #tpu.memory_space<vmem>>
        %get3A_636 = arith.index_cast %add3A_631 : i32 to index
        %get3A_637 = arith.constant 0 : index
        %get3A_638 = tpu.vector_load %get3A_635[%get3A_636, %get3A_637] {strides = array<i32>} : memref<100x64xf32, #tpu.memory_space<vmem>>, vector<1x16xf32>,
        %get3A_639 = vector.shape_cast %get3A_638 : vector<1x16xf32> to vector<16xf32>
        %add3A_640 = arith.addf %add3A_560, %get3A_639 : vector<16xf32>
        %get3A_641 = arith.constant 0 : i32
        %get3A_642 = arith.constant 0 : i32
        %get3A_643 = tpu.memref_slice %arg6[%scan3A_139, %get3A_641, %get3A_642] : memref<8x100x64xf32, #tpu.memory_space<vmem>> -> memref<1x100x64xf32, #tpu.memory_space<vmem>>
        %get3A_644 = tpu.memref_squeeze %get3A_643 : memref<1x100x64xf32, #tpu.memory_space<vmem>> -> memref<100x64xf32, #tpu.memory_space<vmem>>
        %get3A_645 = arith.index_cast %add3A_631 : i32 to index
        %get3A_646 = arith.constant 16 : index
        %get3A_647 = tpu.vector_load %get3A_644[%get3A_645, %get3A_646] {strides = array<i32>} : memref<100x64xf32, #tpu.memory_space<vmem>>, vector<1x16xf32>,
        %get3A_648 = vector.shape_cast %get3A_647 : vector<1x16xf32> to vector<16xf32>
        %add3A_649 = arith.addf %add3A_569, %get3A_648 : vector<16xf32>
        %get3A_650 = arith.constant 0 : i32
        %get3A_651 = arith.constant 0 : i32
        %get3A_652 = tpu.memref_slice %arg6[%scan3A_139, %get3A_650, %get3A_651] : memref<8x100x64xf32, #tpu.memory_space<vmem>> -> memref<1x100x64xf32, #tpu.memory_space<vmem>>
        %get3A_653 = tpu.memref_squeeze %get3A_652 : memref<1x100x64xf32, #tpu.memory_space<vmem>> -> memref<100x64xf32, #tpu.memory_space<vmem>>
        %get3A_654 = arith.index_cast %add3A_631 : i32 to index
        %get3A_655 = arith.constant 32 : index
        %get3A_656 = tpu.vector_load %get3A_653[%get3A_654, %get3A_655] {strides = array<i32>} : memref<100x64xf32, #tpu.memory_space<vmem>>, vector<1x16xf32>,
        %get3A_657 = vector.shape_cast %get3A_656 : vector<1x16xf32> to vector<16xf32>
        %add3A_658 = arith.addf %add3A_578, %get3A_657 : vector<16xf32>
        %get3A_659 = arith.constant 0 : i32
        %get3A_660 = arith.constant 0 : i32
        %get3A_661 = tpu.memref_slice %arg6[%scan3A_139, %get3A_659, %get3A_660] : memref<8x100x64xf32, #tpu.memory_space<vmem>> -> memref<1x100x64xf32, #tpu.memory_space<vmem>>
        %get3A_662 = tpu.memref_squeeze %get3A_661 : memref<1x100x64xf32, #tpu.memory_space<vmem>> -> memref<100x64xf32, #tpu.memory_space<vmem>>
        %get3A_663 = arith.index_cast %add3A_631 : i32 to index
        %get3A_664 = arith.constant 48 : index
        %get3A_665 = tpu.vector_load %get3A_662[%get3A_663, %get3A_664] {strides = array<i32>} : memref<100x64xf32, #tpu.memory_space<vmem>>, vector<1x16xf32>,
        %get3A_666 = vector.shape_cast %get3A_665 : vector<1x16xf32> to vector<16xf32>
        %add3A_667 = arith.addf %add3A_587, %get3A_666 : vector<16xf32>
        %mul3A_668 = arith.constant 10 : i32
        %mul3A_669 = arith.muli %scan3A_540, %mul3A_668 : i32
        %add3A_670 = arith.constant 3 : i32
        %add3A_671 = arith.addi %mul3A_669, %add3A_670 : i32
        %get3A_672 = arith.constant 0 : i32
        %get3A_673 = arith.constant 0 : i32
        %get3A_674 = tpu.memref_slice %arg6[%scan3A_139, %get3A_672, %get3A_673] : memref<8x100x64xf32, #tpu.memory_space<vmem>> -> memref<1x100x64xf32, #tpu.memory_space<vmem>>
        %get3A_675 = tpu.memref_squeeze %get3A_674 : memref<1x100x64xf32, #tpu.memory_space<vmem>> -> memref<100x64xf32, #tpu.memory_space<vmem>>
        %get3A_676 = arith.index_cast %add3A_671 : i32 to index
        %get3A_677 = arith.constant 0 : index
        %get3A_678 = tpu.vector_load %get3A_675[%get3A_676, %get3A_677] {strides = array<i32>} : memref<100x64xf32, #tpu.memory_space<vmem>>, vector<1x16xf32>,
        %get3A_679 = vector.shape_cast %get3A_678 : vector<1x16xf32> to vector<16xf32>
        %add3A_680 = arith.addf %add3A_600, %get3A_679 : vector<16xf32>
        %get3A_681 = arith.constant 0 : i32
        %get3A_682 = arith.constant 0 : i32
        %get3A_683 = tpu.memref_slice %arg6[%scan3A_139, %get3A_681, %get3A_682] : memref<8x100x64xf32, #tpu.memory_space<vmem>> -> memref<1x100x64xf32, #tpu.memory_space<vmem>>
        %get3A_684 = tpu.memref_squeeze %get3A_683 : memref<1x100x64xf32, #tpu.memory_space<vmem>> -> memref<100x64xf32, #tpu.memory_space<vmem>>
        %get3A_685 = arith.index_cast %add3A_671 : i32 to index
        %get3A_686 = arith.constant 16 : index
        %get3A_687 = tpu.vector_load %get3A_684[%get3A_685, %get3A_686] {strides = array<i32>} : memref<100x64xf32, #tpu.memory_space<vmem>>, vector<1x16xf32>,
        %get3A_688 = vector.shape_cast %get3A_687 : vector<1x16xf32> to vector<16xf32>
        %add3A_689 = arith.addf %add3A_609, %get3A_688 : vector<16xf32>
        %get3A_690 = arith.constant 0 : i32
        %get3A_691 = arith.constant 0 : i32
        %get3A_692 = tpu.memref_slice %arg6[%scan3A_139, %get3A_690, %get3A_691] : memref<8x100x64xf32, #tpu.memory_space<vmem>> -> memref<1x100x64xf32, #tpu.memory_space<vmem>>
        %get3A_693 = tpu.memref_squeeze %get3A_692 : memref<1x100x64xf32, #tpu.memory_space<vmem>> -> memref<100x64xf32, #tpu.memory_space<vmem>>
        %get3A_694 = arith.index_cast %add3A_671 : i32 to index
        %get3A_695 = arith.constant 32 : index
        %get3A_696 = tpu.vector_load %get3A_693[%get3A_694, %get3A_695] {strides = array<i32>} : memref<100x64xf32, #tpu.memory_space<vmem>>, vector<1x16xf32>,
        %get3A_697 = vector.shape_cast %get3A_696 : vector<1x16xf32> to vector<16xf32>
        %add3A_698 = arith.addf %add3A_618, %get3A_697 : vector<16xf32>
        %get3A_699 = arith.constant 0 : i32
        %get3A_700 = arith.constant 0 : i32
        %get3A_701 = tpu.memref_slice %arg6[%scan3A_139, %get3A_699, %get3A_700] : memref<8x100x64xf32, #tpu.memory_space<vmem>> -> memref<1x100x64xf32, #tpu.memory_space<vmem>>
        %get3A_702 = tpu.memref_squeeze %get3A_701 : memref<1x100x64xf32, #tpu.memory_space<vmem>> -> memref<100x64xf32, #tpu.memory_space<vmem>>
        %get3A_703 = arith.index_cast %add3A_671 : i32 to index
        %get3A_704 = arith.constant 48 : index
        %get3A_705 = tpu.vector_load %get3A_702[%get3A_703, %get3A_704] {strides = array<i32>} : memref<100x64xf32, #tpu.memory_space<vmem>>, vector<1x16xf32>,
        %get3A_706 = vector.shape_cast %get3A_705 : vector<1x16xf32> to vector<16xf32>
        %add3A_707 = arith.addf %add3A_627, %get3A_706 : vector<16xf32>
        %mul3A_708 = arith.constant 10 : i32
        %mul3A_709 = arith.muli %scan3A_540, %mul3A_708 : i32
        %add3A_710 = arith.constant 4 : i32
        %add3A_711 = arith.addi %mul3A_709, %add3A_710 : i32
        %get3A_712 = arith.constant 0 : i32
        %get3A_713 = arith.constant 0 : i32
        %get3A_714 = tpu.memref_slice %arg6[%scan3A_139, %get3A_712, %get3A_713] : memref<8x100x64xf32, #tpu.memory_space<vmem>> -> memref<1x100x64xf32, #tpu.memory_space<vmem>>
        %get3A_715 = tpu.memref_squeeze %get3A_714 : memref<1x100x64xf32, #tpu.memory_space<vmem>> -> memref<100x64xf32, #tpu.memory_space<vmem>>
        %get3A_716 = arith.index_cast %add3A_711 : i32 to index
        %get3A_717 = arith.constant 0 : index
        %get3A_718 = tpu.vector_load %get3A_715[%get3A_716, %get3A_717] {strides = array<i32>} : memref<100x64xf32, #tpu.memory_space<vmem>>, vector<1x16xf32>,
        %get3A_719 = vector.shape_cast %get3A_718 : vector<1x16xf32> to vector<16xf32>
        %add3A_720 = arith.addf %add3A_640, %get3A_719 : vector<16xf32>
        %get3A_721 = arith.constant 0 : i32
        %get3A_722 = arith.constant 0 : i32
        %get3A_723 = tpu.memref_slice %arg6[%scan3A_139, %get3A_721, %get3A_722] : memref<8x100x64xf32, #tpu.memory_space<vmem>> -> memref<1x100x64xf32, #tpu.memory_space<vmem>>
        %get3A_724 = tpu.memref_squeeze %get3A_723 : memref<1x100x64xf32, #tpu.memory_space<vmem>> -> memref<100x64xf32, #tpu.memory_space<vmem>>
        %get3A_725 = arith.index_cast %add3A_711 : i32 to index
        %get3A_726 = arith.constant 16 : index
        %get3A_727 = tpu.vector_load %get3A_724[%get3A_725, %get3A_726] {strides = array<i32>} : memref<100x64xf32, #tpu.memory_space<vmem>>, vector<1x16xf32>,
        %get3A_728 = vector.shape_cast %get3A_727 : vector<1x16xf32> to vector<16xf32>
        %add3A_729 = arith.addf %add3A_649, %get3A_728 : vector<16xf32>
        %get3A_730 = arith.constant 0 : i32
        %get3A_731 = arith.constant 0 : i32
        %get3A_732 = tpu.memref_slice %arg6[%scan3A_139, %get3A_730, %get3A_731] : memref<8x100x64xf32, #tpu.memory_space<vmem>> -> memref<1x100x64xf32, #tpu.memory_space<vmem>>
        %get3A_733 = tpu.memref_squeeze %get3A_732 : memref<1x100x64xf32, #tpu.memory_space<vmem>> -> memref<100x64xf32, #tpu.memory_space<vmem>>
        %get3A_734 = arith.index_cast %add3A_711 : i32 to index
        %get3A_735 = arith.constant 32 : index
        %get3A_736 = tpu.vector_load %get3A_733[%get3A_734, %get3A_735] {strides = array<i32>} : memref<100x64xf32, #tpu.memory_space<vmem>>, vector<1x16xf32>,
        %get3A_737 = vector.shape_cast %get3A_736 : vector<1x16xf32> to vector<16xf32>
        %add3A_738 = arith.addf %add3A_658, %get3A_737 : vector<16xf32>
        %get3A_739 = arith.constant 0 : i32
        %get3A_740 = arith.constant 0 : i32
        %get3A_741 = tpu.memref_slice %arg6[%scan3A_139, %get3A_739, %get3A_740] : memref<8x100x64xf32, #tpu.memory_space<vmem>> -> memref<1x100x64xf32, #tpu.memory_space<vmem>>
        %get3A_742 = tpu.memref_squeeze %get3A_741 : memref<1x100x64xf32, #tpu.memory_space<vmem>> -> memref<100x64xf32, #tpu.memory_space<vmem>>
        %get3A_743 = arith.index_cast %add3A_711 : i32 to index
        %get3A_744 = arith.constant 48 : index
        %get3A_745 = tpu.vector_load %get3A_742[%get3A_743, %get3A_744] {strides = array<i32>} : memref<100x64xf32, #tpu.memory_space<vmem>>, vector<1x16xf32>,
        %get3A_746 = vector.shape_cast %get3A_745 : vector<1x16xf32> to vector<16xf32>
        %add3A_747 = arith.addf %add3A_667, %get3A_746 : vector<16xf32>
        %mul3A_748 = arith.constant 10 : i32
        %mul3A_749 = arith.muli %scan3A_540, %mul3A_748 : i32
        %add3A_750 = arith.constant 5 : i32
        %add3A_751 = arith.addi %mul3A_749, %add3A_750 : i32
        %get3A_752 = arith.constant 0 : i32
        %get3A_753 = arith.constant 0 : i32
        %get3A_754 = tpu.memref_slice %arg6[%scan3A_139, %get3A_752, %get3A_753] : memref<8x100x64xf32, #tpu.memory_space<vmem>> -> memref<1x100x64xf32, #tpu.memory_space<vmem>>
        %get3A_755 = tpu.memref_squeeze %get3A_754 : memref<1x100x64xf32, #tpu.memory_space<vmem>> -> memref<100x64xf32, #tpu.memory_space<vmem>>
        %get3A_756 = arith.index_cast %add3A_751 : i32 to index
        %get3A_757 = arith.constant 0 : index
        %get3A_758 = tpu.vector_load %get3A_755[%get3A_756, %get3A_757] {strides = array<i32>} : memref<100x64xf32, #tpu.memory_space<vmem>>, vector<1x16xf32>,
        %get3A_759 = vector.shape_cast %get3A_758 : vector<1x16xf32> to vector<16xf32>
        %add3A_760 = arith.addf %add3A_680, %get3A_759 : vector<16xf32>
        %get3A_761 = arith.constant 0 : i32
        %get3A_762 = arith.constant 0 : i32
        %get3A_763 = tpu.memref_slice %arg6[%scan3A_139, %get3A_761, %get3A_762] : memref<8x100x64xf32, #tpu.memory_space<vmem>> -> memref<1x100x64xf32, #tpu.memory_space<vmem>>
        %get3A_764 = tpu.memref_squeeze %get3A_763 : memref<1x100x64xf32, #tpu.memory_space<vmem>> -> memref<100x64xf32, #tpu.memory_space<vmem>>
        %get3A_765 = arith.index_cast %add3A_751 : i32 to index
        %get3A_766 = arith.constant 16 : index
        %get3A_767 = tpu.vector_load %get3A_764[%get3A_765, %get3A_766] {strides = array<i32>} : memref<100x64xf32, #tpu.memory_space<vmem>>, vector<1x16xf32>,
        %get3A_768 = vector.shape_cast %get3A_767 : vector<1x16xf32> to vector<16xf32>
        %add3A_769 = arith.addf %add3A_689, %get3A_768 : vector<16xf32>
        %get3A_770 = arith.constant 0 : i32
        %get3A_771 = arith.constant 0 : i32
        %get3A_772 = tpu.memref_slice %arg6[%scan3A_139, %get3A_770, %get3A_771] : memref<8x100x64xf32, #tpu.memory_space<vmem>> -> memref<1x100x64xf32, #tpu.memory_space<vmem>>
        %get3A_773 = tpu.memref_squeeze %get3A_772 : memref<1x100x64xf32, #tpu.memory_space<vmem>> -> memref<100x64xf32, #tpu.memory_space<vmem>>
        %get3A_774 = arith.index_cast %add3A_751 : i32 to index
        %get3A_775 = arith.constant 32 : index
        %get3A_776 = tpu.vector_load %get3A_773[%get3A_774, %get3A_775] {strides = array<i32>} : memref<100x64xf32, #tpu.memory_space<vmem>>, vector<1x16xf32>,
        %get3A_777 = vector.shape_cast %get3A_776 : vector<1x16xf32> to vector<16xf32>
        %add3A_778 = arith.addf %add3A_698, %get3A_777 : vector<16xf32>
        %get3A_779 = arith.constant 0 : i32
        %get3A_780 = arith.constant 0 : i32
        %get3A_781 = tpu.memref_slice %arg6[%scan3A_139, %get3A_779, %get3A_780] : memref<8x100x64xf32, #tpu.memory_space<vmem>> -> memref<1x100x64xf32, #tpu.memory_space<vmem>>
        %get3A_782 = tpu.memref_squeeze %get3A_781 : memref<1x100x64xf32, #tpu.memory_space<vmem>> -> memref<100x64xf32, #tpu.memory_space<vmem>>
        %get3A_783 = arith.index_cast %add3A_751 : i32 to index
        %get3A_784 = arith.constant 48 : index
        %get3A_785 = tpu.vector_load %get3A_782[%get3A_783, %get3A_784] {strides = array<i32>} : memref<100x64xf32, #tpu.memory_space<vmem>>, vector<1x16xf32>,
        %get3A_786 = vector.shape_cast %get3A_785 : vector<1x16xf32> to vector<16xf32>
        %add3A_787 = arith.addf %add3A_707, %get3A_786 : vector<16xf32>
        %mul3A_788 = arith.constant 10 : i32
        %mul3A_789 = arith.muli %scan3A_540, %mul3A_788 : i32
        %add3A_790 = arith.constant 6 : i32
        %add3A_791 = arith.addi %mul3A_789, %add3A_790 : i32
        %get3A_792 = arith.constant 0 : i32
        %get3A_793 = arith.constant 0 : i32
        %get3A_794 = tpu.memref_slice %arg6[%scan3A_139, %get3A_792, %get3A_793] : memref<8x100x64xf32, #tpu.memory_space<vmem>> -> memref<1x100x64xf32, #tpu.memory_space<vmem>>
        %get3A_795 = tpu.memref_squeeze %get3A_794 : memref<1x100x64xf32, #tpu.memory_space<vmem>> -> memref<100x64xf32, #tpu.memory_space<vmem>>
        %get3A_796 = arith.index_cast %add3A_791 : i32 to index
        %get3A_797 = arith.constant 0 : index
        %get3A_798 = tpu.vector_load %get3A_795[%get3A_796, %get3A_797] {strides = array<i32>} : memref<100x64xf32, #tpu.memory_space<vmem>>, vector<1x16xf32>,
        %get3A_799 = vector.shape_cast %get3A_798 : vector<1x16xf32> to vector<16xf32>
        %add3A_800 = arith.addf %add3A_720, %get3A_799 : vector<16xf32>
        %get3A_801 = arith.constant 0 : i32
        %get3A_802 = arith.constant 0 : i32
        %get3A_803 = tpu.memref_slice %arg6[%scan3A_139, %get3A_801, %get3A_802] : memref<8x100x64xf32, #tpu.memory_space<vmem>> -> memref<1x100x64xf32, #tpu.memory_space<vmem>>
        %get3A_804 = tpu.memref_squeeze %get3A_803 : memref<1x100x64xf32, #tpu.memory_space<vmem>> -> memref<100x64xf32, #tpu.memory_space<vmem>>
        %get3A_805 = arith.index_cast %add3A_791 : i32 to index
        %get3A_806 = arith.constant 16 : index
        %get3A_807 = tpu.vector_load %get3A_804[%get3A_805, %get3A_806] {strides = array<i32>} : memref<100x64xf32, #tpu.memory_space<vmem>>, vector<1x16xf32>,
        %get3A_808 = vector.shape_cast %get3A_807 : vector<1x16xf32> to vector<16xf32>
        %add3A_809 = arith.addf %add3A_729, %get3A_808 : vector<16xf32>
        %get3A_810 = arith.constant 0 : i32
        %get3A_811 = arith.constant 0 : i32
        %get3A_812 = tpu.memref_slice %arg6[%scan3A_139, %get3A_810, %get3A_811] : memref<8x100x64xf32, #tpu.memory_space<vmem>> -> memref<1x100x64xf32, #tpu.memory_space<vmem>>
        %get3A_813 = tpu.memref_squeeze %get3A_812 : memref<1x100x64xf32, #tpu.memory_space<vmem>> -> memref<100x64xf32, #tpu.memory_space<vmem>>
        %get3A_814 = arith.index_cast %add3A_791 : i32 to index
        %get3A_815 = arith.constant 32 : index
        %get3A_816 = tpu.vector_load %get3A_813[%get3A_814, %get3A_815] {strides = array<i32>} : memref<100x64xf32, #tpu.memory_space<vmem>>, vector<1x16xf32>,
        %get3A_817 = vector.shape_cast %get3A_816 : vector<1x16xf32> to vector<16xf32>
        %add3A_818 = arith.addf %add3A_738, %get3A_817 : vector<16xf32>
        %get3A_819 = arith.constant 0 : i32
        %get3A_820 = arith.constant 0 : i32
        %get3A_821 = tpu.memref_slice %arg6[%scan3A_139, %get3A_819, %get3A_820] : memref<8x100x64xf32, #tpu.memory_space<vmem>> -> memref<1x100x64xf32, #tpu.memory_space<vmem>>
        %get3A_822 = tpu.memref_squeeze %get3A_821 : memref<1x100x64xf32, #tpu.memory_space<vmem>> -> memref<100x64xf32, #tpu.memory_space<vmem>>
        %get3A_823 = arith.index_cast %add3A_791 : i32 to index
        %get3A_824 = arith.constant 48 : index
        %get3A_825 = tpu.vector_load %get3A_822[%get3A_823, %get3A_824] {strides = array<i32>} : memref<100x64xf32, #tpu.memory_space<vmem>>, vector<1x16xf32>,
        %get3A_826 = vector.shape_cast %get3A_825 : vector<1x16xf32> to vector<16xf32>
        %add3A_827 = arith.addf %add3A_747, %get3A_826 : vector<16xf32>
        %mul3A_828 = arith.constant 10 : i32
        %mul3A_829 = arith.muli %scan3A_540, %mul3A_828 : i32
        %add3A_830 = arith.constant 7 : i32
        %add3A_831 = arith.addi %mul3A_829, %add3A_830 : i32
        %get3A_832 = arith.constant 0 : i32
        %get3A_833 = arith.constant 0 : i32
        %get3A_834 = tpu.memref_slice %arg6[%scan3A_139, %get3A_832, %get3A_833] : memref<8x100x64xf32, #tpu.memory_space<vmem>> -> memref<1x100x64xf32, #tpu.memory_space<vmem>>
        %get3A_835 = tpu.memref_squeeze %get3A_834 : memref<1x100x64xf32, #tpu.memory_space<vmem>> -> memref<100x64xf32, #tpu.memory_space<vmem>>
        %get3A_836 = arith.index_cast %add3A_831 : i32 to index
        %get3A_837 = arith.constant 0 : index
        %get3A_838 = tpu.vector_load %get3A_835[%get3A_836, %get3A_837] {strides = array<i32>} : memref<100x64xf32, #tpu.memory_space<vmem>>, vector<1x16xf32>,
        %get3A_839 = vector.shape_cast %get3A_838 : vector<1x16xf32> to vector<16xf32>
        %add3A_840 = arith.addf %add3A_760, %get3A_839 : vector<16xf32>
        %get3A_841 = arith.constant 0 : i32
        %get3A_842 = arith.constant 0 : i32
        %get3A_843 = tpu.memref_slice %arg6[%scan3A_139, %get3A_841, %get3A_842] : memref<8x100x64xf32, #tpu.memory_space<vmem>> -> memref<1x100x64xf32, #tpu.memory_space<vmem>>
        %get3A_844 = tpu.memref_squeeze %get3A_843 : memref<1x100x64xf32, #tpu.memory_space<vmem>> -> memref<100x64xf32, #tpu.memory_space<vmem>>
        %get3A_845 = arith.index_cast %add3A_831 : i32 to index
        %get3A_846 = arith.constant 16 : index
        %get3A_847 = tpu.vector_load %get3A_844[%get3A_845, %get3A_846] {strides = array<i32>} : memref<100x64xf32, #tpu.memory_space<vmem>>, vector<1x16xf32>,
        %get3A_848 = vector.shape_cast %get3A_847 : vector<1x16xf32> to vector<16xf32>
        %add3A_849 = arith.addf %add3A_769, %get3A_848 : vector<16xf32>
        %get3A_850 = arith.constant 0 : i32
        %get3A_851 = arith.constant 0 : i32
        %get3A_852 = tpu.memref_slice %arg6[%scan3A_139, %get3A_850, %get3A_851] : memref<8x100x64xf32, #tpu.memory_space<vmem>> -> memref<1x100x64xf32, #tpu.memory_space<vmem>>
        %get3A_853 = tpu.memref_squeeze %get3A_852 : memref<1x100x64xf32, #tpu.memory_space<vmem>> -> memref<100x64xf32, #tpu.memory_space<vmem>>
        %get3A_854 = arith.index_cast %add3A_831 : i32 to index
        %get3A_855 = arith.constant 32 : index
        %get3A_856 = tpu.vector_load %get3A_853[%get3A_854, %get3A_855] {strides = array<i32>} : memref<100x64xf32, #tpu.memory_space<vmem>>, vector<1x16xf32>,
        %get3A_857 = vector.shape_cast %get3A_856 : vector<1x16xf32> to vector<16xf32>
        %add3A_858 = arith.addf %add3A_778, %get3A_857 : vector<16xf32>
        %get3A_859 = arith.constant 0 : i32
        %get3A_860 = arith.constant 0 : i32
        %get3A_861 = tpu.memref_slice %arg6[%scan3A_139, %get3A_859, %get3A_860] : memref<8x100x64xf32, #tpu.memory_space<vmem>> -> memref<1x100x64xf32, #tpu.memory_space<vmem>>
        %get3A_862 = tpu.memref_squeeze %get3A_861 : memref<1x100x64xf32, #tpu.memory_space<vmem>> -> memref<100x64xf32, #tpu.memory_space<vmem>>
        %get3A_863 = arith.index_cast %add3A_831 : i32 to index
        %get3A_864 = arith.constant 48 : index
        %get3A_865 = tpu.vector_load %get3A_862[%get3A_863, %get3A_864] {strides = array<i32>} : memref<100x64xf32, #tpu.memory_space<vmem>>, vector<1x16xf32>,
        %get3A_866 = vector.shape_cast %get3A_865 : vector<1x16xf32> to vector<16xf32>
        %add3A_867 = arith.addf %add3A_787, %get3A_866 : vector<16xf32>
        %mul3A_868 = arith.constant 10 : i32
        %mul3A_869 = arith.muli %scan3A_540, %mul3A_868 : i32
        %add3A_870 = arith.constant 8 : i32
        %add3A_871 = arith.addi %mul3A_869, %add3A_870 : i32
        %get3A_872 = arith.constant 0 : i32
        %get3A_873 = arith.constant 0 : i32
        %get3A_874 = tpu.memref_slice %arg6[%scan3A_139, %get3A_872, %get3A_873] : memref<8x100x64xf32, #tpu.memory_space<vmem>> -> memref<1x100x64xf32, #tpu.memory_space<vmem>>
        %get3A_875 = tpu.memref_squeeze %get3A_874 : memref<1x100x64xf32, #tpu.memory_space<vmem>> -> memref<100x64xf32, #tpu.memory_space<vmem>>
        %get3A_876 = arith.index_cast %add3A_871 : i32 to index
        %get3A_877 = arith.constant 0 : index
        %get3A_878 = tpu.vector_load %get3A_875[%get3A_876, %get3A_877] {strides = array<i32>} : memref<100x64xf32, #tpu.memory_space<vmem>>, vector<1x16xf32>,
        %get3A_879 = vector.shape_cast %get3A_878 : vector<1x16xf32> to vector<16xf32>
        %add3A_880 = arith.addf %add3A_800, %get3A_879 : vector<16xf32>
        %get3A_881 = arith.constant 0 : i32
        %get3A_882 = arith.constant 0 : i32
        %get3A_883 = tpu.memref_slice %arg6[%scan3A_139, %get3A_881, %get3A_882] : memref<8x100x64xf32, #tpu.memory_space<vmem>> -> memref<1x100x64xf32, #tpu.memory_space<vmem>>
        %get3A_884 = tpu.memref_squeeze %get3A_883 : memref<1x100x64xf32, #tpu.memory_space<vmem>> -> memref<100x64xf32, #tpu.memory_space<vmem>>
        %get3A_885 = arith.index_cast %add3A_871 : i32 to index
        %get3A_886 = arith.constant 16 : index
        %get3A_887 = tpu.vector_load %get3A_884[%get3A_885, %get3A_886] {strides = array<i32>} : memref<100x64xf32, #tpu.memory_space<vmem>>, vector<1x16xf32>,
        %get3A_888 = vector.shape_cast %get3A_887 : vector<1x16xf32> to vector<16xf32>
        %add3A_889 = arith.addf %add3A_809, %get3A_888 : vector<16xf32>
        %get3A_890 = arith.constant 0 : i32
        %get3A_891 = arith.constant 0 : i32
        %get3A_892 = tpu.memref_slice %arg6[%scan3A_139, %get3A_890, %get3A_891] : memref<8x100x64xf32, #tpu.memory_space<vmem>> -> memref<1x100x64xf32, #tpu.memory_space<vmem>>
        %get3A_893 = tpu.memref_squeeze %get3A_892 : memref<1x100x64xf32, #tpu.memory_space<vmem>> -> memref<100x64xf32, #tpu.memory_space<vmem>>
        %get3A_894 = arith.index_cast %add3A_871 : i32 to index
        %get3A_895 = arith.constant 32 : index
        %get3A_896 = tpu.vector_load %get3A_893[%get3A_894, %get3A_895] {strides = array<i32>} : memref<100x64xf32, #tpu.memory_space<vmem>>, vector<1x16xf32>,
        %get3A_897 = vector.shape_cast %get3A_896 : vector<1x16xf32> to vector<16xf32>
        %add3A_898 = arith.addf %add3A_818, %get3A_897 : vector<16xf32>
        %get3A_899 = arith.constant 0 : i32
        %get3A_900 = arith.constant 0 : i32
        %get3A_901 = tpu.memref_slice %arg6[%scan3A_139, %get3A_899, %get3A_900] : memref<8x100x64xf32, #tpu.memory_space<vmem>> -> memref<1x100x64xf32, #tpu.memory_space<vmem>>
        %get3A_902 = tpu.memref_squeeze %get3A_901 : memref<1x100x64xf32, #tpu.memory_space<vmem>> -> memref<100x64xf32, #tpu.memory_space<vmem>>
        %get3A_903 = arith.index_cast %add3A_871 : i32 to index
        %get3A_904 = arith.constant 48 : index
        %get3A_905 = tpu.vector_load %get3A_902[%get3A_903, %get3A_904] {strides = array<i32>} : memref<100x64xf32, #tpu.memory_space<vmem>>, vector<1x16xf32>,
        %get3A_906 = vector.shape_cast %get3A_905 : vector<1x16xf32> to vector<16xf32>
        %add3A_907 = arith.addf %add3A_827, %get3A_906 : vector<16xf32>
        %mul3A_908 = arith.constant 10 : i32
        %mul3A_909 = arith.muli %scan3A_540, %mul3A_908 : i32
        %add3A_910 = arith.constant 9 : i32
        %add3A_911 = arith.addi %mul3A_909, %add3A_910 : i32
        %get3A_912 = arith.constant 0 : i32
        %get3A_913 = arith.constant 0 : i32
        %get3A_914 = tpu.memref_slice %arg6[%scan3A_139, %get3A_912, %get3A_913] : memref<8x100x64xf32, #tpu.memory_space<vmem>> -> memref<1x100x64xf32, #tpu.memory_space<vmem>>
        %get3A_915 = tpu.memref_squeeze %get3A_914 : memref<1x100x64xf32, #tpu.memory_space<vmem>> -> memref<100x64xf32, #tpu.memory_space<vmem>>
        %get3A_916 = arith.index_cast %add3A_911 : i32 to index
        %get3A_917 = arith.constant 0 : index
        %get3A_918 = tpu.vector_load %get3A_915[%get3A_916, %get3A_917] {strides = array<i32>} : memref<100x64xf32, #tpu.memory_space<vmem>>, vector<1x16xf32>,
        %get3A_919 = vector.shape_cast %get3A_918 : vector<1x16xf32> to vector<16xf32>
        %add3A_920 = arith.addf %add3A_840, %get3A_919 : vector<16xf32>
        %get3A_921 = arith.constant 0 : i32
        %get3A_922 = arith.constant 0 : i32
        %get3A_923 = tpu.memref_slice %arg6[%scan3A_139, %get3A_921, %get3A_922] : memref<8x100x64xf32, #tpu.memory_space<vmem>> -> memref<1x100x64xf32, #tpu.memory_space<vmem>>
        %get3A_924 = tpu.memref_squeeze %get3A_923 : memref<1x100x64xf32, #tpu.memory_space<vmem>> -> memref<100x64xf32, #tpu.memory_space<vmem>>
        %get3A_925 = arith.index_cast %add3A_911 : i32 to index
        %get3A_926 = arith.constant 16 : index
        %get3A_927 = tpu.vector_load %get3A_924[%get3A_925, %get3A_926] {strides = array<i32>} : memref<100x64xf32, #tpu.memory_space<vmem>>, vector<1x16xf32>,
        %get3A_928 = vector.shape_cast %get3A_927 : vector<1x16xf32> to vector<16xf32>
        %add3A_929 = arith.addf %add3A_849, %get3A_928 : vector<16xf32>
        %get3A_930 = arith.constant 0 : i32
        %get3A_931 = arith.constant 0 : i32
        %get3A_932 = tpu.memref_slice %arg6[%scan3A_139, %get3A_930, %get3A_931] : memref<8x100x64xf32, #tpu.memory_space<vmem>> -> memref<1x100x64xf32, #tpu.memory_space<vmem>>
        %get3A_933 = tpu.memref_squeeze %get3A_932 : memref<1x100x64xf32, #tpu.memory_space<vmem>> -> memref<100x64xf32, #tpu.memory_space<vmem>>
        %get3A_934 = arith.index_cast %add3A_911 : i32 to index
        %get3A_935 = arith.constant 32 : index
        %get3A_936 = tpu.vector_load %get3A_933[%get3A_934, %get3A_935] {strides = array<i32>} : memref<100x64xf32, #tpu.memory_space<vmem>>, vector<1x16xf32>,
        %get3A_937 = vector.shape_cast %get3A_936 : vector<1x16xf32> to vector<16xf32>
        %add3A_938 = arith.addf %add3A_858, %get3A_937 : vector<16xf32>
        %get3A_939 = arith.constant 0 : i32
        %get3A_940 = arith.constant 0 : i32
        %get3A_941 = tpu.memref_slice %arg6[%scan3A_139, %get3A_939, %get3A_940] : memref<8x100x64xf32, #tpu.memory_space<vmem>> -> memref<1x100x64xf32, #tpu.memory_space<vmem>>
        %get3A_942 = tpu.memref_squeeze %get3A_941 : memref<1x100x64xf32, #tpu.memory_space<vmem>> -> memref<100x64xf32, #tpu.memory_space<vmem>>
        %get3A_943 = arith.index_cast %add3A_911 : i32 to index
        %get3A_944 = arith.constant 48 : index
        %get3A_945 = tpu.vector_load %get3A_942[%get3A_943, %get3A_944] {strides = array<i32>} : memref<100x64xf32, #tpu.memory_space<vmem>>, vector<1x16xf32>,
        %get3A_946 = vector.shape_cast %get3A_945 : vector<1x16xf32> to vector<16xf32>
        %add3A_947 = arith.addf %add3A_867, %get3A_946 : vector<16xf32>
        scf.yield %add3A_880, %add3A_889, %add3A_898, %add3A_907, %add3A_920, %add3A_929, %add3A_938, %add3A_947 : vector<16xf32>, vector<16xf32>, vector<16xf32>, vector<16xf32>, vector<16xf32>, vector<16xf32>, vector<16xf32>, vector<16xf32>
      }
      %scan3A_145 = arith.constant 10 : i32
      %lt3A = arith.constant 31 : i32
      %lt3A_146 = arith.cmpi slt, %scan3A_105, %lt3A : i32
      %convert_element_type3A = arith.extui %lt3A_146 : i1 to i32
      %cond3A = arith.constant 0 : i32
      %cond3A_147 = arith.cmpi ne, %convert_element_type3A, %cond3A : i32
      scf.if %cond3A_147 {
        %add3A_540 = arith.constant 8 : i32
        %add3A_541 = arith.addi %add3A_128, %add3A_540 : i32
        %dma_start3A_542 = arith.constant 0 : i32
        %dma_start3A_543 = arith.constant 0 : i32
        %dma_start3A_544 = arith.constant 0 : i32
        %dma_start3A_545 = tpu.memref_slice %arg6[%dma_start3A_542, %dma_start3A_543, %dma_start3A_544] : memref<8x100x64xf32, #tpu.memory_space<vmem>> -> memref<1x100x64xf32, #tpu.memory_space<vmem>>
        %dma_start3A_546 = tpu.memref_squeeze %dma_start3A_545 : memref<1x100x64xf32, #tpu.memory_space<vmem>> -> memref<100x64xf32, #tpu.memory_space<vmem>>
        %dma_start3A_547 = arith.constant 0 : i32
        %dma_start3A_548 = tpu.memref_slice %arg5[%add3A_541, %dma_start3A_547] : memref<256x100xi32, #tpu.memory_space<vmem>> -> memref<1x100xi32, #tpu.memory_space<vmem>>
        %dma_start3A_549 = tpu.memref_squeeze %dma_start3A_548 : memref<1x100xi32, #tpu.memory_space<vmem>> -> memref<100xi32, #tpu.memory_space<vmem>>
        %dma_start3A_550 = arith.constant 0 : i32
        %dma_start3A_551 = arith.constant 0 : i32
        %dma_start3A_552 = tpu.memref_slice %arg3[%dma_start3A_550, %dma_start3A_551] : memref<1000000x64xf32, #tpu.memory_space<hbm>> -> memref<1000000x64xf32, #tpu.memory_space<hbm>>
        tpu.enqueue_indirect_dma source(%dma_start3A_552 : memref<1000000x64xf32, #tpu.memory_space<hbm>>) target(%dma_start3A_546 : memref<100x64xf32, #tpu.memory_space<vmem>>) offsets(%dma_start3A_549 : memref<100xi32, #tpu.memory_space<vmem>>) semaphore(%arg8 : memref<!tpu.dma_semaphore, #tpu.memory_space<semaphore_mem>>)
      } else {
      }
      %mul3A_148 = arith.constant 8 : i32
      %mul3A_149 = arith.muli %mul3A_148, %scan3A_105 : i32
      %add3A_150 = arith.constant 1 : i32
      %add3A_151 = arith.addi %mul3A_149, %add3A_150 : i32
      %dma_wait3A_152 = arith.constant 1 : i32
      %dma_wait3A_153 = arith.constant 0 : i32
      %dma_wait3A_154 = arith.constant 0 : i32
      %dma_wait3A_155 = tpu.memref_slice %arg6[%dma_wait3A_152, %dma_wait3A_153, %dma_wait3A_154] : memref<8x100x64xf32, #tpu.memory_space<vmem>> -> memref<1x100x64xf32, #tpu.memory_space<vmem>>
      %dma_wait3A_156 = tpu.memref_squeeze %dma_wait3A_155 : memref<1x100x64xf32, #tpu.memory_space<vmem>> -> memref<100x64xf32, #tpu.memory_space<vmem>>
      %dma_wait3A_157 = arith.constant 0 : i32
      %dma_wait3A_158 = tpu.memref_slice %arg5[%add3A_151, %dma_wait3A_157] : memref<256x100xi32, #tpu.memory_space<vmem>> -> memref<1x100xi32, #tpu.memory_space<vmem>>
      %dma_wait3A_159 = tpu.memref_squeeze %dma_wait3A_158 : memref<1x100xi32, #tpu.memory_space<vmem>> -> memref<100xi32, #tpu.memory_space<vmem>>
      %dma_wait3A_160 = arith.constant 0 : i32
      %dma_wait3A_161 = arith.constant 0 : i32
      %dma_wait3A_162 = tpu.memref_slice %arg3[%dma_wait3A_160, %dma_wait3A_161] : memref<1000000x64xf32, #tpu.memory_space<hbm>> -> memref<1000000x64xf32, #tpu.memory_space<hbm>>
      tpu.wait_indirect_dma semaphore(%arg9 : memref<!tpu.dma_semaphore, #tpu.memory_space<semaphore_mem>>) src(%dma_wait3A_162 : memref<1000000x64xf32, #tpu.memory_space<hbm>>) dst(%dma_wait3A_156 : memref<100x64xf32, #tpu.memory_space<vmem>>)
      %scan3A_163 = arith.constant 1 : i32
      %scan3A_164 = arith.constant 0 : i32
      %scan3A_165 = arith.constant 10 : i32
      %scan3A_166 = arith.addi %scan3A_164, %scan3A_165 : i32
      %scan3A_167 = arith.constant 1 : i32
      %scan3A_168:8 = scf.for %scan3A_540 = %scan3A_164 to %scan3A_166 step %scan3A_167 iter_args(%scan3A_541 = %scan3A_144#0, %scan3A_542 = %scan3A_144#1, %scan3A_543 = %scan3A_144#2, %scan3A_544 = %scan3A_144#3, %scan3A_545 = %scan3A_144#4, %scan3A_546 = %scan3A_144#5, %scan3A_547 = %scan3A_144#6, %scan3A_548 = %scan3A_144#7) -> (vector<16xf32>, vector<16xf32>, vector<16xf32>, vector<16xf32>, vector<16xf32>, vector<16xf32>, vector<16xf32>, vector<16xf32>)  : i32 {
        %mul3A_549 = arith.constant 10 : i32
        %mul3A_550 = arith.muli %scan3A_540, %mul3A_549 : i32
        %add3A_551 = arith.constant 0 : i32
        %add3A_552 = arith.addi %mul3A_550, %add3A_551 : i32
        %get3A = arith.constant 0 : i32
        %get3A_553 = arith.constant 0 : i32
        %get3A_554 = tpu.memref_slice %arg6[%scan3A_163, %get3A, %get3A_553] : memref<8x100x64xf32, #tpu.memory_space<vmem>> -> memref<1x100x64xf32, #tpu.memory_space<vmem>>
        %get3A_555 = tpu.memref_squeeze %get3A_554 : memref<1x100x64xf32, #tpu.memory_space<vmem>> -> memref<100x64xf32, #tpu.memory_space<vmem>>
        %get3A_556 = arith.index_cast %add3A_552 : i32 to index
        %get3A_557 = arith.constant 0 : index
        %get3A_558 = tpu.vector_load %get3A_555[%get3A_556, %get3A_557] {strides = array<i32>} : memref<100x64xf32, #tpu.memory_space<vmem>>, vector<1x16xf32>,
        %get3A_559 = vector.shape_cast %get3A_558 : vector<1x16xf32> to vector<16xf32>
        %add3A_560 = arith.addf %scan3A_541, %get3A_559 : vector<16xf32>
        %get3A_561 = arith.constant 0 : i32
        %get3A_562 = arith.constant 0 : i32
        %get3A_563 = tpu.memref_slice %arg6[%scan3A_163, %get3A_561, %get3A_562] : memref<8x100x64xf32, #tpu.memory_space<vmem>> -> memref<1x100x64xf32, #tpu.memory_space<vmem>>
        %get3A_564 = tpu.memref_squeeze %get3A_563 : memref<1x100x64xf32, #tpu.memory_space<vmem>> -> memref<100x64xf32, #tpu.memory_space<vmem>>
        %get3A_565 = arith.index_cast %add3A_552 : i32 to index
        %get3A_566 = arith.constant 16 : index
        %get3A_567 = tpu.vector_load %get3A_564[%get3A_565, %get3A_566] {strides = array<i32>} : memref<100x64xf32, #tpu.memory_space<vmem>>, vector<1x16xf32>,
        %get3A_568 = vector.shape_cast %get3A_567 : vector<1x16xf32> to vector<16xf32>
        %add3A_569 = arith.addf %scan3A_542, %get3A_568 : vector<16xf32>
        %get3A_570 = arith.constant 0 : i32
        %get3A_571 = arith.constant 0 : i32
        %get3A_572 = tpu.memref_slice %arg6[%scan3A_163, %get3A_570, %get3A_571] : memref<8x100x64xf32, #tpu.memory_space<vmem>> -> memref<1x100x64xf32, #tpu.memory_space<vmem>>
        %get3A_573 = tpu.memref_squeeze %get3A_572 : memref<1x100x64xf32, #tpu.memory_space<vmem>> -> memref<100x64xf32, #tpu.memory_space<vmem>>
        %get3A_574 = arith.index_cast %add3A_552 : i32 to index
        %get3A_575 = arith.constant 32 : index
        %get3A_576 = tpu.vector_load %get3A_573[%get3A_574, %get3A_575] {strides = array<i32>} : memref<100x64xf32, #tpu.memory_space<vmem>>, vector<1x16xf32>,
        %get3A_577 = vector.shape_cast %get3A_576 : vector<1x16xf32> to vector<16xf32>
        %add3A_578 = arith.addf %scan3A_543, %get3A_577 : vector<16xf32>
        %get3A_579 = arith.constant 0 : i32
        %get3A_580 = arith.constant 0 : i32
        %get3A_581 = tpu.memref_slice %arg6[%scan3A_163, %get3A_579, %get3A_580] : memref<8x100x64xf32, #tpu.memory_space<vmem>> -> memref<1x100x64xf32, #tpu.memory_space<vmem>>
        %get3A_582 = tpu.memref_squeeze %get3A_581 : memref<1x100x64xf32, #tpu.memory_space<vmem>> -> memref<100x64xf32, #tpu.memory_space<vmem>>
        %get3A_583 = arith.index_cast %add3A_552 : i32 to index
        %get3A_584 = arith.constant 48 : index
        %get3A_585 = tpu.vector_load %get3A_582[%get3A_583, %get3A_584] {strides = array<i32>} : memref<100x64xf32, #tpu.memory_space<vmem>>, vector<1x16xf32>,
        %get3A_586 = vector.shape_cast %get3A_585 : vector<1x16xf32> to vector<16xf32>
        %add3A_587 = arith.addf %scan3A_544, %get3A_586 : vector<16xf32>
        %mul3A_588 = arith.constant 10 : i32
        %mul3A_589 = arith.muli %scan3A_540, %mul3A_588 : i32
        %add3A_590 = arith.constant 1 : i32
        %add3A_591 = arith.addi %mul3A_589, %add3A_590 : i32
        %get3A_592 = arith.constant 0 : i32
        %get3A_593 = arith.constant 0 : i32
        %get3A_594 = tpu.memref_slice %arg6[%scan3A_163, %get3A_592, %get3A_593] : memref<8x100x64xf32, #tpu.memory_space<vmem>> -> memref<1x100x64xf32, #tpu.memory_space<vmem>>
        %get3A_595 = tpu.memref_squeeze %get3A_594 : memref<1x100x64xf32, #tpu.memory_space<vmem>> -> memref<100x64xf32, #tpu.memory_space<vmem>>
        %get3A_596 = arith.index_cast %add3A_591 : i32 to index
        %get3A_597 = arith.constant 0 : index
        %get3A_598 = tpu.vector_load %get3A_595[%get3A_596, %get3A_597] {strides = array<i32>} : memref<100x64xf32, #tpu.memory_space<vmem>>, vector<1x16xf32>,
        %get3A_599 = vector.shape_cast %get3A_598 : vector<1x16xf32> to vector<16xf32>
        %add3A_600 = arith.addf %scan3A_545, %get3A_599 : vector<16xf32>
        %get3A_601 = arith.constant 0 : i32
        %get3A_602 = arith.constant 0 : i32
        %get3A_603 = tpu.memref_slice %arg6[%scan3A_163, %get3A_601, %get3A_602] : memref<8x100x64xf32, #tpu.memory_space<vmem>> -> memref<1x100x64xf32, #tpu.memory_space<vmem>>
        %get3A_604 = tpu.memref_squeeze %get3A_603 : memref<1x100x64xf32, #tpu.memory_space<vmem>> -> memref<100x64xf32, #tpu.memory_space<vmem>>
        %get3A_605 = arith.index_cast %add3A_591 : i32 to index
        %get3A_606 = arith.constant 16 : index
        %get3A_607 = tpu.vector_load %get3A_604[%get3A_605, %get3A_606] {strides = array<i32>} : memref<100x64xf32, #tpu.memory_space<vmem>>, vector<1x16xf32>,
        %get3A_608 = vector.shape_cast %get3A_607 : vector<1x16xf32> to vector<16xf32>
        %add3A_609 = arith.addf %scan3A_546, %get3A_608 : vector<16xf32>
        %get3A_610 = arith.constant 0 : i32
        %get3A_611 = arith.constant 0 : i32
        %get3A_612 = tpu.memref_slice %arg6[%scan3A_163, %get3A_610, %get3A_611] : memref<8x100x64xf32, #tpu.memory_space<vmem>> -> memref<1x100x64xf32, #tpu.memory_space<vmem>>
        %get3A_613 = tpu.memref_squeeze %get3A_612 : memref<1x100x64xf32, #tpu.memory_space<vmem>> -> memref<100x64xf32, #tpu.memory_space<vmem>>
        %get3A_614 = arith.index_cast %add3A_591 : i32 to index
        %get3A_615 = arith.constant 32 : index
        %get3A_616 = tpu.vector_load %get3A_613[%get3A_614, %get3A_615] {strides = array<i32>} : memref<100x64xf32, #tpu.memory_space<vmem>>, vector<1x16xf32>,
        %get3A_617 = vector.shape_cast %get3A_616 : vector<1x16xf32> to vector<16xf32>
        %add3A_618 = arith.addf %scan3A_547, %get3A_617 : vector<16xf32>
        %get3A_619 = arith.constant 0 : i32
        %get3A_620 = arith.constant 0 : i32
        %get3A_621 = tpu.memref_slice %arg6[%scan3A_163, %get3A_619, %get3A_620] : memref<8x100x64xf32, #tpu.memory_space<vmem>> -> memref<1x100x64xf32, #tpu.memory_space<vmem>>
        %get3A_622 = tpu.memref_squeeze %get3A_621 : memref<1x100x64xf32, #tpu.memory_space<vmem>> -> memref<100x64xf32, #tpu.memory_space<vmem>>
        %get3A_623 = arith.index_cast %add3A_591 : i32 to index
        %get3A_624 = arith.constant 48 : index
        %get3A_625 = tpu.vector_load %get3A_622[%get3A_623, %get3A_624] {strides = array<i32>} : memref<100x64xf32, #tpu.memory_space<vmem>>, vector<1x16xf32>,
        %get3A_626 = vector.shape_cast %get3A_625 : vector<1x16xf32> to vector<16xf32>
        %add3A_627 = arith.addf %scan3A_548, %get3A_626 : vector<16xf32>
        %mul3A_628 = arith.constant 10 : i32
        %mul3A_629 = arith.muli %scan3A_540, %mul3A_628 : i32
        %add3A_630 = arith.constant 2 : i32
        %add3A_631 = arith.addi %mul3A_629, %add3A_630 : i32
        %get3A_632 = arith.constant 0 : i32
        %get3A_633 = arith.constant 0 : i32
        %get3A_634 = tpu.memref_slice %arg6[%scan3A_163, %get3A_632, %get3A_633] : memref<8x100x64xf32, #tpu.memory_space<vmem>> -> memref<1x100x64xf32, #tpu.memory_space<vmem>>
        %get3A_635 = tpu.memref_squeeze %get3A_634 : memref<1x100x64xf32, #tpu.memory_space<vmem>> -> memref<100x64xf32, #tpu.memory_space<vmem>>
        %get3A_636 = arith.index_cast %add3A_631 : i32 to index
        %get3A_637 = arith.constant 0 : index
        %get3A_638 = tpu.vector_load %get3A_635[%get3A_636, %get3A_637] {strides = array<i32>} : memref<100x64xf32, #tpu.memory_space<vmem>>, vector<1x16xf32>,
        %get3A_639 = vector.shape_cast %get3A_638 : vector<1x16xf32> to vector<16xf32>
        %add3A_640 = arith.addf %add3A_560, %get3A_639 : vector<16xf32>
        %get3A_641 = arith.constant 0 : i32
        %get3A_642 = arith.constant 0 : i32
        %get3A_643 = tpu.memref_slice %arg6[%scan3A_163, %get3A_641, %get3A_642] : memref<8x100x64xf32, #tpu.memory_space<vmem>> -> memref<1x100x64xf32, #tpu.memory_space<vmem>>
        %get3A_644 = tpu.memref_squeeze %get3A_643 : memref<1x100x64xf32, #tpu.memory_space<vmem>> -> memref<100x64xf32, #tpu.memory_space<vmem>>
        %get3A_645 = arith.index_cast %add3A_631 : i32 to index
        %get3A_646 = arith.constant 16 : index
        %get3A_647 = tpu.vector_load %get3A_644[%get3A_645, %get3A_646] {strides = array<i32>} : memref<100x64xf32, #tpu.memory_space<vmem>>, vector<1x16xf32>,
        %get3A_648 = vector.shape_cast %get3A_647 : vector<1x16xf32> to vector<16xf32>
        %add3A_649 = arith.addf %add3A_569, %get3A_648 : vector<16xf32>
        %get3A_650 = arith.constant 0 : i32
        %get3A_651 = arith.constant 0 : i32
        %get3A_652 = tpu.memref_slice %arg6[%scan3A_163, %get3A_650, %get3A_651] : memref<8x100x64xf32, #tpu.memory_space<vmem>> -> memref<1x100x64xf32, #tpu.memory_space<vmem>>
        %get3A_653 = tpu.memref_squeeze %get3A_652 : memref<1x100x64xf32, #tpu.memory_space<vmem>> -> memref<100x64xf32, #tpu.memory_space<vmem>>
        %get3A_654 = arith.index_cast %add3A_631 : i32 to index
        %get3A_655 = arith.constant 32 : index
        %get3A_656 = tpu.vector_load %get3A_653[%get3A_654, %get3A_655] {strides = array<i32>} : memref<100x64xf32, #tpu.memory_space<vmem>>, vector<1x16xf32>,
        %get3A_657 = vector.shape_cast %get3A_656 : vector<1x16xf32> to vector<16xf32>
        %add3A_658 = arith.addf %add3A_578, %get3A_657 : vector<16xf32>
        %get3A_659 = arith.constant 0 : i32
        %get3A_660 = arith.constant 0 : i32
        %get3A_661 = tpu.memref_slice %arg6[%scan3A_163, %get3A_659, %get3A_660] : memref<8x100x64xf32, #tpu.memory_space<vmem>> -> memref<1x100x64xf32, #tpu.memory_space<vmem>>
        %get3A_662 = tpu.memref_squeeze %get3A_661 : memref<1x100x64xf32, #tpu.memory_space<vmem>> -> memref<100x64xf32, #tpu.memory_space<vmem>>
        %get3A_663 = arith.index_cast %add3A_631 : i32 to index
        %get3A_664 = arith.constant 48 : index
        %get3A_665 = tpu.vector_load %get3A_662[%get3A_663, %get3A_664] {strides = array<i32>} : memref<100x64xf32, #tpu.memory_space<vmem>>, vector<1x16xf32>,
        %get3A_666 = vector.shape_cast %get3A_665 : vector<1x16xf32> to vector<16xf32>
        %add3A_667 = arith.addf %add3A_587, %get3A_666 : vector<16xf32>
        %mul3A_668 = arith.constant 10 : i32
        %mul3A_669 = arith.muli %scan3A_540, %mul3A_668 : i32
        %add3A_670 = arith.constant 3 : i32
        %add3A_671 = arith.addi %mul3A_669, %add3A_670 : i32
        %get3A_672 = arith.constant 0 : i32
        %get3A_673 = arith.constant 0 : i32
        %get3A_674 = tpu.memref_slice %arg6[%scan3A_163, %get3A_672, %get3A_673] : memref<8x100x64xf32, #tpu.memory_space<vmem>> -> memref<1x100x64xf32, #tpu.memory_space<vmem>>
        %get3A_675 = tpu.memref_squeeze %get3A_674 : memref<1x100x64xf32, #tpu.memory_space<vmem>> -> memref<100x64xf32, #tpu.memory_space<vmem>>
        %get3A_676 = arith.index_cast %add3A_671 : i32 to index
        %get3A_677 = arith.constant 0 : index
        %get3A_678 = tpu.vector_load %get3A_675[%get3A_676, %get3A_677] {strides = array<i32>} : memref<100x64xf32, #tpu.memory_space<vmem>>, vector<1x16xf32>,
        %get3A_679 = vector.shape_cast %get3A_678 : vector<1x16xf32> to vector<16xf32>
        %add3A_680 = arith.addf %add3A_600, %get3A_679 : vector<16xf32>
        %get3A_681 = arith.constant 0 : i32
        %get3A_682 = arith.constant 0 : i32
        %get3A_683 = tpu.memref_slice %arg6[%scan3A_163, %get3A_681, %get3A_682] : memref<8x100x64xf32, #tpu.memory_space<vmem>> -> memref<1x100x64xf32, #tpu.memory_space<vmem>>
        %get3A_684 = tpu.memref_squeeze %get3A_683 : memref<1x100x64xf32, #tpu.memory_space<vmem>> -> memref<100x64xf32, #tpu.memory_space<vmem>>
        %get3A_685 = arith.index_cast %add3A_671 : i32 to index
        %get3A_686 = arith.constant 16 : index
        %get3A_687 = tpu.vector_load %get3A_684[%get3A_685, %get3A_686] {strides = array<i32>} : memref<100x64xf32, #tpu.memory_space<vmem>>, vector<1x16xf32>,
        %get3A_688 = vector.shape_cast %get3A_687 : vector<1x16xf32> to vector<16xf32>
        %add3A_689 = arith.addf %add3A_609, %get3A_688 : vector<16xf32>
        %get3A_690 = arith.constant 0 : i32
        %get3A_691 = arith.constant 0 : i32
        %get3A_692 = tpu.memref_slice %arg6[%scan3A_163, %get3A_690, %get3A_691] : memref<8x100x64xf32, #tpu.memory_space<vmem>> -> memref<1x100x64xf32, #tpu.memory_space<vmem>>
        %get3A_693 = tpu.memref_squeeze %get3A_692 : memref<1x100x64xf32, #tpu.memory_space<vmem>> -> memref<100x64xf32, #tpu.memory_space<vmem>>
        %get3A_694 = arith.index_cast %add3A_671 : i32 to index
        %get3A_695 = arith.constant 32 : index
        %get3A_696 = tpu.vector_load %get3A_693[%get3A_694, %get3A_695] {strides = array<i32>} : memref<100x64xf32, #tpu.memory_space<vmem>>, vector<1x16xf32>,
        %get3A_697 = vector.shape_cast %get3A_696 : vector<1x16xf32> to vector<16xf32>
        %add3A_698 = arith.addf %add3A_618, %get3A_697 : vector<16xf32>
        %get3A_699 = arith.constant 0 : i32
        %get3A_700 = arith.constant 0 : i32
        %get3A_701 = tpu.memref_slice %arg6[%scan3A_163, %get3A_699, %get3A_700] : memref<8x100x64xf32, #tpu.memory_space<vmem>> -> memref<1x100x64xf32, #tpu.memory_space<vmem>>
        %get3A_702 = tpu.memref_squeeze %get3A_701 : memref<1x100x64xf32, #tpu.memory_space<vmem>> -> memref<100x64xf32, #tpu.memory_space<vmem>>
        %get3A_703 = arith.index_cast %add3A_671 : i32 to index
        %get3A_704 = arith.constant 48 : index
        %get3A_705 = tpu.vector_load %get3A_702[%get3A_703, %get3A_704] {strides = array<i32>} : memref<100x64xf32, #tpu.memory_space<vmem>>, vector<1x16xf32>,
        %get3A_706 = vector.shape_cast %get3A_705 : vector<1x16xf32> to vector<16xf32>
        %add3A_707 = arith.addf %add3A_627, %get3A_706 : vector<16xf32>
        %mul3A_708 = arith.constant 10 : i32
        %mul3A_709 = arith.muli %scan3A_540, %mul3A_708 : i32
        %add3A_710 = arith.constant 4 : i32
        %add3A_711 = arith.addi %mul3A_709, %add3A_710 : i32
        %get3A_712 = arith.constant 0 : i32
        %get3A_713 = arith.constant 0 : i32
        %get3A_714 = tpu.memref_slice %arg6[%scan3A_163, %get3A_712, %get3A_713] : memref<8x100x64xf32, #tpu.memory_space<vmem>> -> memref<1x100x64xf32, #tpu.memory_space<vmem>>
        %get3A_715 = tpu.memref_squeeze %get3A_714 : memref<1x100x64xf32, #tpu.memory_space<vmem>> -> memref<100x64xf32, #tpu.memory_space<vmem>>
        %get3A_716 = arith.index_cast %add3A_711 : i32 to index
        %get3A_717 = arith.constant 0 : index
        %get3A_718 = tpu.vector_load %get3A_715[%get3A_716, %get3A_717] {strides = array<i32>} : memref<100x64xf32, #tpu.memory_space<vmem>>, vector<1x16xf32>,
        %get3A_719 = vector.shape_cast %get3A_718 : vector<1x16xf32> to vector<16xf32>
        %add3A_720 = arith.addf %add3A_640, %get3A_719 : vector<16xf32>
        %get3A_721 = arith.constant 0 : i32
        %get3A_722 = arith.constant 0 : i32
        %get3A_723 = tpu.memref_slice %arg6[%scan3A_163, %get3A_721, %get3A_722] : memref<8x100x64xf32, #tpu.memory_space<vmem>> -> memref<1x100x64xf32, #tpu.memory_space<vmem>>
        %get3A_724 = tpu.memref_squeeze %get3A_723 : memref<1x100x64xf32, #tpu.memory_space<vmem>> -> memref<100x64xf32, #tpu.memory_space<vmem>>
        %get3A_725 = arith.index_cast %add3A_711 : i32 to index
        %get3A_726 = arith.constant 16 : index
        %get3A_727 = tpu.vector_load %get3A_724[%get3A_725, %get3A_726] {strides = array<i32>} : memref<100x64xf32, #tpu.memory_space<vmem>>, vector<1x16xf32>,
        %get3A_728 = vector.shape_cast %get3A_727 : vector<1x16xf32> to vector<16xf32>
        %add3A_729 = arith.addf %add3A_649, %get3A_728 : vector<16xf32>
        %get3A_730 = arith.constant 0 : i32
        %get3A_731 = arith.constant 0 : i32
        %get3A_732 = tpu.memref_slice %arg6[%scan3A_163, %get3A_730, %get3A_731] : memref<8x100x64xf32, #tpu.memory_space<vmem>> -> memref<1x100x64xf32, #tpu.memory_space<vmem>>
        %get3A_733 = tpu.memref_squeeze %get3A_732 : memref<1x100x64xf32, #tpu.memory_space<vmem>> -> memref<100x64xf32, #tpu.memory_space<vmem>>
        %get3A_734 = arith.index_cast %add3A_711 : i32 to index
        %get3A_735 = arith.constant 32 : index
        %get3A_736 = tpu.vector_load %get3A_733[%get3A_734, %get3A_735] {strides = array<i32>} : memref<100x64xf32, #tpu.memory_space<vmem>>, vector<1x16xf32>,
        %get3A_737 = vector.shape_cast %get3A_736 : vector<1x16xf32> to vector<16xf32>
        %add3A_738 = arith.addf %add3A_658, %get3A_737 : vector<16xf32>
        %get3A_739 = arith.constant 0 : i32
        %get3A_740 = arith.constant 0 : i32
        %get3A_741 = tpu.memref_slice %arg6[%scan3A_163, %get3A_739, %get3A_740] : memref<8x100x64xf32, #tpu.memory_space<vmem>> -> memref<1x100x64xf32, #tpu.memory_space<vmem>>
        %get3A_742 = tpu.memref_squeeze %get3A_741 : memref<1x100x64xf32, #tpu.memory_space<vmem>> -> memref<100x64xf32, #tpu.memory_space<vmem>>
        %get3A_743 = arith.index_cast %add3A_711 : i32 to index
        %get3A_744 = arith.constant 48 : index
        %get3A_745 = tpu.vector_load %get3A_742[%get3A_743, %get3A_744] {strides = array<i32>} : memref<100x64xf32, #tpu.memory_space<vmem>>, vector<1x16xf32>,
        %get3A_746 = vector.shape_cast %get3A_745 : vector<1x16xf32> to vector<16xf32>
        %add3A_747 = arith.addf %add3A_667, %get3A_746 : vector<16xf32>
        %mul3A_748 = arith.constant 10 : i32
        %mul3A_749 = arith.muli %scan3A_540, %mul3A_748 : i32
        %add3A_750 = arith.constant 5 : i32
        %add3A_751 = arith.addi %mul3A_749, %add3A_750 : i32
        %get3A_752 = arith.constant 0 : i32
        %get3A_753 = arith.constant 0 : i32
        %get3A_754 = tpu.memref_slice %arg6[%scan3A_163, %get3A_752, %get3A_753] : memref<8x100x64xf32, #tpu.memory_space<vmem>> -> memref<1x100x64xf32, #tpu.memory_space<vmem>>
        %get3A_755 = tpu.memref_squeeze %get3A_754 : memref<1x100x64xf32, #tpu.memory_space<vmem>> -> memref<100x64xf32, #tpu.memory_space<vmem>>
        %get3A_756 = arith.index_cast %add3A_751 : i32 to index
        %get3A_757 = arith.constant 0 : index
        %get3A_758 = tpu.vector_load %get3A_755[%get3A_756, %get3A_757] {strides = array<i32>} : memref<100x64xf32, #tpu.memory_space<vmem>>, vector<1x16xf32>,
        %get3A_759 = vector.shape_cast %get3A_758 : vector<1x16xf32> to vector<16xf32>
        %add3A_760 = arith.addf %add3A_680, %get3A_759 : vector<16xf32>
        %get3A_761 = arith.constant 0 : i32
        %get3A_762 = arith.constant 0 : i32
        %get3A_763 = tpu.memref_slice %arg6[%scan3A_163, %get3A_761, %get3A_762] : memref<8x100x64xf32, #tpu.memory_space<vmem>> -> memref<1x100x64xf32, #tpu.memory_space<vmem>>
        %get3A_764 = tpu.memref_squeeze %get3A_763 : memref<1x100x64xf32, #tpu.memory_space<vmem>> -> memref<100x64xf32, #tpu.memory_space<vmem>>
        %get3A_765 = arith.index_cast %add3A_751 : i32 to index
        %get3A_766 = arith.constant 16 : index
        %get3A_767 = tpu.vector_load %get3A_764[%get3A_765, %get3A_766] {strides = array<i32>} : memref<100x64xf32, #tpu.memory_space<vmem>>, vector<1x16xf32>,
        %get3A_768 = vector.shape_cast %get3A_767 : vector<1x16xf32> to vector<16xf32>
        %add3A_769 = arith.addf %add3A_689, %get3A_768 : vector<16xf32>
        %get3A_770 = arith.constant 0 : i32
        %get3A_771 = arith.constant 0 : i32
        %get3A_772 = tpu.memref_slice %arg6[%scan3A_163, %get3A_770, %get3A_771] : memref<8x100x64xf32, #tpu.memory_space<vmem>> -> memref<1x100x64xf32, #tpu.memory_space<vmem>>
        %get3A_773 = tpu.memref_squeeze %get3A_772 : memref<1x100x64xf32, #tpu.memory_space<vmem>> -> memref<100x64xf32, #tpu.memory_space<vmem>>
        %get3A_774 = arith.index_cast %add3A_751 : i32 to index
        %get3A_775 = arith.constant 32 : index
        %get3A_776 = tpu.vector_load %get3A_773[%get3A_774, %get3A_775] {strides = array<i32>} : memref<100x64xf32, #tpu.memory_space<vmem>>, vector<1x16xf32>,
        %get3A_777 = vector.shape_cast %get3A_776 : vector<1x16xf32> to vector<16xf32>
        %add3A_778 = arith.addf %add3A_698, %get3A_777 : vector<16xf32>
        %get3A_779 = arith.constant 0 : i32
        %get3A_780 = arith.constant 0 : i32
        %get3A_781 = tpu.memref_slice %arg6[%scan3A_163, %get3A_779, %get3A_780] : memref<8x100x64xf32, #tpu.memory_space<vmem>> -> memref<1x100x64xf32, #tpu.memory_space<vmem>>
        %get3A_782 = tpu.memref_squeeze %get3A_781 : memref<1x100x64xf32, #tpu.memory_space<vmem>> -> memref<100x64xf32, #tpu.memory_space<vmem>>
        %get3A_783 = arith.index_cast %add3A_751 : i32 to index
        %get3A_784 = arith.constant 48 : index
        %get3A_785 = tpu.vector_load %get3A_782[%get3A_783, %get3A_784] {strides = array<i32>} : memref<100x64xf32, #tpu.memory_space<vmem>>, vector<1x16xf32>,
        %get3A_786 = vector.shape_cast %get3A_785 : vector<1x16xf32> to vector<16xf32>
        %add3A_787 = arith.addf %add3A_707, %get3A_786 : vector<16xf32>
        %mul3A_788 = arith.constant 10 : i32
        %mul3A_789 = arith.muli %scan3A_540, %mul3A_788 : i32
        %add3A_790 = arith.constant 6 : i32
        %add3A_791 = arith.addi %mul3A_789, %add3A_790 : i32
        %get3A_792 = arith.constant 0 : i32
        %get3A_793 = arith.constant 0 : i32
        %get3A_794 = tpu.memref_slice %arg6[%scan3A_163, %get3A_792, %get3A_793] : memref<8x100x64xf32, #tpu.memory_space<vmem>> -> memref<1x100x64xf32, #tpu.memory_space<vmem>>
        %get3A_795 = tpu.memref_squeeze %get3A_794 : memref<1x100x64xf32, #tpu.memory_space<vmem>> -> memref<100x64xf32, #tpu.memory_space<vmem>>
        %get3A_796 = arith.index_cast %add3A_791 : i32 to index
        %get3A_797 = arith.constant 0 : index
        %get3A_798 = tpu.vector_load %get3A_795[%get3A_796, %get3A_797] {strides = array<i32>} : memref<100x64xf32, #tpu.memory_space<vmem>>, vector<1x16xf32>,
        %get3A_799 = vector.shape_cast %get3A_798 : vector<1x16xf32> to vector<16xf32>
        %add3A_800 = arith.addf %add3A_720, %get3A_799 : vector<16xf32>
        %get3A_801 = arith.constant 0 : i32
        %get3A_802 = arith.constant 0 : i32
        %get3A_803 = tpu.memref_slice %arg6[%scan3A_163, %get3A_801, %get3A_802] : memref<8x100x64xf32, #tpu.memory_space<vmem>> -> memref<1x100x64xf32, #tpu.memory_space<vmem>>
        %get3A_804 = tpu.memref_squeeze %get3A_803 : memref<1x100x64xf32, #tpu.memory_space<vmem>> -> memref<100x64xf32, #tpu.memory_space<vmem>>
        %get3A_805 = arith.index_cast %add3A_791 : i32 to index
        %get3A_806 = arith.constant 16 : index
        %get3A_807 = tpu.vector_load %get3A_804[%get3A_805, %get3A_806] {strides = array<i32>} : memref<100x64xf32, #tpu.memory_space<vmem>>, vector<1x16xf32>,
        %get3A_808 = vector.shape_cast %get3A_807 : vector<1x16xf32> to vector<16xf32>
        %add3A_809 = arith.addf %add3A_729, %get3A_808 : vector<16xf32>
        %get3A_810 = arith.constant 0 : i32
        %get3A_811 = arith.constant 0 : i32
        %get3A_812 = tpu.memref_slice %arg6[%scan3A_163, %get3A_810, %get3A_811] : memref<8x100x64xf32, #tpu.memory_space<vmem>> -> memref<1x100x64xf32, #tpu.memory_space<vmem>>
        %get3A_813 = tpu.memref_squeeze %get3A_812 : memref<1x100x64xf32, #tpu.memory_space<vmem>> -> memref<100x64xf32, #tpu.memory_space<vmem>>
        %get3A_814 = arith.index_cast %add3A_791 : i32 to index
        %get3A_815 = arith.constant 32 : index
        %get3A_816 = tpu.vector_load %get3A_813[%get3A_814, %get3A_815] {strides = array<i32>} : memref<100x64xf32, #tpu.memory_space<vmem>>, vector<1x16xf32>,
        %get3A_817 = vector.shape_cast %get3A_816 : vector<1x16xf32> to vector<16xf32>
        %add3A_818 = arith.addf %add3A_738, %get3A_817 : vector<16xf32>
        %get3A_819 = arith.constant 0 : i32
        %get3A_820 = arith.constant 0 : i32
        %get3A_821 = tpu.memref_slice %arg6[%scan3A_163, %get3A_819, %get3A_820] : memref<8x100x64xf32, #tpu.memory_space<vmem>> -> memref<1x100x64xf32, #tpu.memory_space<vmem>>
        %get3A_822 = tpu.memref_squeeze %get3A_821 : memref<1x100x64xf32, #tpu.memory_space<vmem>> -> memref<100x64xf32, #tpu.memory_space<vmem>>
        %get3A_823 = arith.index_cast %add3A_791 : i32 to index
        %get3A_824 = arith.constant 48 : index
        %get3A_825 = tpu.vector_load %get3A_822[%get3A_823, %get3A_824] {strides = array<i32>} : memref<100x64xf32, #tpu.memory_space<vmem>>, vector<1x16xf32>,
        %get3A_826 = vector.shape_cast %get3A_825 : vector<1x16xf32> to vector<16xf32>
        %add3A_827 = arith.addf %add3A_747, %get3A_826 : vector<16xf32>
        %mul3A_828 = arith.constant 10 : i32
        %mul3A_829 = arith.muli %scan3A_540, %mul3A_828 : i32
        %add3A_830 = arith.constant 7 : i32
        %add3A_831 = arith.addi %mul3A_829, %add3A_830 : i32
        %get3A_832 = arith.constant 0 : i32
        %get3A_833 = arith.constant 0 : i32
        %get3A_834 = tpu.memref_slice %arg6[%scan3A_163, %get3A_832, %get3A_833] : memref<8x100x64xf32, #tpu.memory_space<vmem>> -> memref<1x100x64xf32, #tpu.memory_space<vmem>>
        %get3A_835 = tpu.memref_squeeze %get3A_834 : memref<1x100x64xf32, #tpu.memory_space<vmem>> -> memref<100x64xf32, #tpu.memory_space<vmem>>
        %get3A_836 = arith.index_cast %add3A_831 : i32 to index
        %get3A_837 = arith.constant 0 : index
        %get3A_838 = tpu.vector_load %get3A_835[%get3A_836, %get3A_837] {strides = array<i32>} : memref<100x64xf32, #tpu.memory_space<vmem>>, vector<1x16xf32>,
        %get3A_839 = vector.shape_cast %get3A_838 : vector<1x16xf32> to vector<16xf32>
        %add3A_840 = arith.addf %add3A_760, %get3A_839 : vector<16xf32>
        %get3A_841 = arith.constant 0 : i32
        %get3A_842 = arith.constant 0 : i32
        %get3A_843 = tpu.memref_slice %arg6[%scan3A_163, %get3A_841, %get3A_842] : memref<8x100x64xf32, #tpu.memory_space<vmem>> -> memref<1x100x64xf32, #tpu.memory_space<vmem>>
        %get3A_844 = tpu.memref_squeeze %get3A_843 : memref<1x100x64xf32, #tpu.memory_space<vmem>> -> memref<100x64xf32, #tpu.memory_space<vmem>>
        %get3A_845 = arith.index_cast %add3A_831 : i32 to index
        %get3A_846 = arith.constant 16 : index
        %get3A_847 = tpu.vector_load %get3A_844[%get3A_845, %get3A_846] {strides = array<i32>} : memref<100x64xf32, #tpu.memory_space<vmem>>, vector<1x16xf32>,
        %get3A_848 = vector.shape_cast %get3A_847 : vector<1x16xf32> to vector<16xf32>
        %add3A_849 = arith.addf %add3A_769, %get3A_848 : vector<16xf32>
        %get3A_850 = arith.constant 0 : i32
        %get3A_851 = arith.constant 0 : i32
        %get3A_852 = tpu.memref_slice %arg6[%scan3A_163, %get3A_850, %get3A_851] : memref<8x100x64xf32, #tpu.memory_space<vmem>> -> memref<1x100x64xf32, #tpu.memory_space<vmem>>
        %get3A_853 = tpu.memref_squeeze %get3A_852 : memref<1x100x64xf32, #tpu.memory_space<vmem>> -> memref<100x64xf32, #tpu.memory_space<vmem>>
        %get3A_854 = arith.index_cast %add3A_831 : i32 to index
        %get3A_855 = arith.constant 32 : index
        %get3A_856 = tpu.vector_load %get3A_853[%get3A_854, %get3A_855] {strides = array<i32>} : memref<100x64xf32, #tpu.memory_space<vmem>>, vector<1x16xf32>,
        %get3A_857 = vector.shape_cast %get3A_856 : vector<1x16xf32> to vector<16xf32>
        %add3A_858 = arith.addf %add3A_778, %get3A_857 : vector<16xf32>
        %get3A_859 = arith.constant 0 : i32
        %get3A_860 = arith.constant 0 : i32
        %get3A_861 = tpu.memref_slice %arg6[%scan3A_163, %get3A_859, %get3A_860] : memref<8x100x64xf32, #tpu.memory_space<vmem>> -> memref<1x100x64xf32, #tpu.memory_space<vmem>>
        %get3A_862 = tpu.memref_squeeze %get3A_861 : memref<1x100x64xf32, #tpu.memory_space<vmem>> -> memref<100x64xf32, #tpu.memory_space<vmem>>
        %get3A_863 = arith.index_cast %add3A_831 : i32 to index
        %get3A_864 = arith.constant 48 : index
        %get3A_865 = tpu.vector_load %get3A_862[%get3A_863, %get3A_864] {strides = array<i32>} : memref<100x64xf32, #tpu.memory_space<vmem>>, vector<1x16xf32>,
        %get3A_866 = vector.shape_cast %get3A_865 : vector<1x16xf32> to vector<16xf32>
        %add3A_867 = arith.addf %add3A_787, %get3A_866 : vector<16xf32>
        %mul3A_868 = arith.constant 10 : i32
        %mul3A_869 = arith.muli %scan3A_540, %mul3A_868 : i32
        %add3A_870 = arith.constant 8 : i32
        %add3A_871 = arith.addi %mul3A_869, %add3A_870 : i32
        %get3A_872 = arith.constant 0 : i32
        %get3A_873 = arith.constant 0 : i32
        %get3A_874 = tpu.memref_slice %arg6[%scan3A_163, %get3A_872, %get3A_873] : memref<8x100x64xf32, #tpu.memory_space<vmem>> -> memref<1x100x64xf32, #tpu.memory_space<vmem>>
        %get3A_875 = tpu.memref_squeeze %get3A_874 : memref<1x100x64xf32, #tpu.memory_space<vmem>> -> memref<100x64xf32, #tpu.memory_space<vmem>>
        %get3A_876 = arith.index_cast %add3A_871 : i32 to index
        %get3A_877 = arith.constant 0 : index
        %get3A_878 = tpu.vector_load %get3A_875[%get3A_876, %get3A_877] {strides = array<i32>} : memref<100x64xf32, #tpu.memory_space<vmem>>, vector<1x16xf32>,
        %get3A_879 = vector.shape_cast %get3A_878 : vector<1x16xf32> to vector<16xf32>
        %add3A_880 = arith.addf %add3A_800, %get3A_879 : vector<16xf32>
        %get3A_881 = arith.constant 0 : i32
        %get3A_882 = arith.constant 0 : i32
        %get3A_883 = tpu.memref_slice %arg6[%scan3A_163, %get3A_881, %get3A_882] : memref<8x100x64xf32, #tpu.memory_space<vmem>> -> memref<1x100x64xf32, #tpu.memory_space<vmem>>
        %get3A_884 = tpu.memref_squeeze %get3A_883 : memref<1x100x64xf32, #tpu.memory_space<vmem>> -> memref<100x64xf32, #tpu.memory_space<vmem>>
        %get3A_885 = arith.index_cast %add3A_871 : i32 to index
        %get3A_886 = arith.constant 16 : index
        %get3A_887 = tpu.vector_load %get3A_884[%get3A_885, %get3A_886] {strides = array<i32>} : memref<100x64xf32, #tpu.memory_space<vmem>>, vector<1x16xf32>,
        %get3A_888 = vector.shape_cast %get3A_887 : vector<1x16xf32> to vector<16xf32>
        %add3A_889 = arith.addf %add3A_809, %get3A_888 : vector<16xf32>
        %get3A_890 = arith.constant 0 : i32
        %get3A_891 = arith.constant 0 : i32
        %get3A_892 = tpu.memref_slice %arg6[%scan3A_163, %get3A_890, %get3A_891] : memref<8x100x64xf32, #tpu.memory_space<vmem>> -> memref<1x100x64xf32, #tpu.memory_space<vmem>>
        %get3A_893 = tpu.memref_squeeze %get3A_892 : memref<1x100x64xf32, #tpu.memory_space<vmem>> -> memref<100x64xf32, #tpu.memory_space<vmem>>
        %get3A_894 = arith.index_cast %add3A_871 : i32 to index
        %get3A_895 = arith.constant 32 : index
        %get3A_896 = tpu.vector_load %get3A_893[%get3A_894, %get3A_895] {strides = array<i32>} : memref<100x64xf32, #tpu.memory_space<vmem>>, vector<1x16xf32>,
        %get3A_897 = vector.shape_cast %get3A_896 : vector<1x16xf32> to vector<16xf32>
        %add3A_898 = arith.addf %add3A_818, %get3A_897 : vector<16xf32>
        %get3A_899 = arith.constant 0 : i32
        %get3A_900 = arith.constant 0 : i32
        %get3A_901 = tpu.memref_slice %arg6[%scan3A_163, %get3A_899, %get3A_900] : memref<8x100x64xf32, #tpu.memory_space<vmem>> -> memref<1x100x64xf32, #tpu.memory_space<vmem>>
        %get3A_902 = tpu.memref_squeeze %get3A_901 : memref<1x100x64xf32, #tpu.memory_space<vmem>> -> memref<100x64xf32, #tpu.memory_space<vmem>>
        %get3A_903 = arith.index_cast %add3A_871 : i32 to index
        %get3A_904 = arith.constant 48 : index
        %get3A_905 = tpu.vector_load %get3A_902[%get3A_903, %get3A_904] {strides = array<i32>} : memref<100x64xf32, #tpu.memory_space<vmem>>, vector<1x16xf32>,
        %get3A_906 = vector.shape_cast %get3A_905 : vector<1x16xf32> to vector<16xf32>
        %add3A_907 = arith.addf %add3A_827, %get3A_906 : vector<16xf32>
        %mul3A_908 = arith.constant 10 : i32
        %mul3A_909 = arith.muli %scan3A_540, %mul3A_908 : i32
        %add3A_910 = arith.constant 9 : i32
        %add3A_911 = arith.addi %mul3A_909, %add3A_910 : i32
        %get3A_912 = arith.constant 0 : i32
        %get3A_913 = arith.constant 0 : i32
        %get3A_914 = tpu.memref_slice %arg6[%scan3A_163, %get3A_912, %get3A_913] : memref<8x100x64xf32, #tpu.memory_space<vmem>> -> memref<1x100x64xf32, #tpu.memory_space<vmem>>
        %get3A_915 = tpu.memref_squeeze %get3A_914 : memref<1x100x64xf32, #tpu.memory_space<vmem>> -> memref<100x64xf32, #tpu.memory_space<vmem>>
        %get3A_916 = arith.index_cast %add3A_911 : i32 to index
        %get3A_917 = arith.constant 0 : index
        %get3A_918 = tpu.vector_load %get3A_915[%get3A_916, %get3A_917] {strides = array<i32>} : memref<100x64xf32, #tpu.memory_space<vmem>>, vector<1x16xf32>,
        %get3A_919 = vector.shape_cast %get3A_918 : vector<1x16xf32> to vector<16xf32>
        %add3A_920 = arith.addf %add3A_840, %get3A_919 : vector<16xf32>
        %get3A_921 = arith.constant 0 : i32
        %get3A_922 = arith.constant 0 : i32
        %get3A_923 = tpu.memref_slice %arg6[%scan3A_163, %get3A_921, %get3A_922] : memref<8x100x64xf32, #tpu.memory_space<vmem>> -> memref<1x100x64xf32, #tpu.memory_space<vmem>>
        %get3A_924 = tpu.memref_squeeze %get3A_923 : memref<1x100x64xf32, #tpu.memory_space<vmem>> -> memref<100x64xf32, #tpu.memory_space<vmem>>
        %get3A_925 = arith.index_cast %add3A_911 : i32 to index
        %get3A_926 = arith.constant 16 : index
        %get3A_927 = tpu.vector_load %get3A_924[%get3A_925, %get3A_926] {strides = array<i32>} : memref<100x64xf32, #tpu.memory_space<vmem>>, vector<1x16xf32>,
        %get3A_928 = vector.shape_cast %get3A_927 : vector<1x16xf32> to vector<16xf32>
        %add3A_929 = arith.addf %add3A_849, %get3A_928 : vector<16xf32>
        %get3A_930 = arith.constant 0 : i32
        %get3A_931 = arith.constant 0 : i32
        %get3A_932 = tpu.memref_slice %arg6[%scan3A_163, %get3A_930, %get3A_931] : memref<8x100x64xf32, #tpu.memory_space<vmem>> -> memref<1x100x64xf32, #tpu.memory_space<vmem>>
        %get3A_933 = tpu.memref_squeeze %get3A_932 : memref<1x100x64xf32, #tpu.memory_space<vmem>> -> memref<100x64xf32, #tpu.memory_space<vmem>>
        %get3A_934 = arith.index_cast %add3A_911 : i32 to index
        %get3A_935 = arith.constant 32 : index
        %get3A_936 = tpu.vector_load %get3A_933[%get3A_934, %get3A_935] {strides = array<i32>} : memref<100x64xf32, #tpu.memory_space<vmem>>, vector<1x16xf32>,
        %get3A_937 = vector.shape_cast %get3A_936 : vector<1x16xf32> to vector<16xf32>
        %add3A_938 = arith.addf %add3A_858, %get3A_937 : vector<16xf32>
        %get3A_939 = arith.constant 0 : i32
        %get3A_940 = arith.constant 0 : i32
        %get3A_941 = tpu.memref_slice %arg6[%scan3A_163, %get3A_939, %get3A_940] : memref<8x100x64xf32, #tpu.memory_space<vmem>> -> memref<1x100x64xf32, #tpu.memory_space<vmem>>
        %get3A_942 = tpu.memref_squeeze %get3A_941 : memref<1x100x64xf32, #tpu.memory_space<vmem>> -> memref<100x64xf32, #tpu.memory_space<vmem>>
        %get3A_943 = arith.index_cast %add3A_911 : i32 to index
        %get3A_944 = arith.constant 48 : index
        %get3A_945 = tpu.vector_load %get3A_942[%get3A_943, %get3A_944] {strides = array<i32>} : memref<100x64xf32, #tpu.memory_space<vmem>>, vector<1x16xf32>,
        %get3A_946 = vector.shape_cast %get3A_945 : vector<1x16xf32> to vector<16xf32>
        %add3A_947 = arith.addf %add3A_867, %get3A_946 : vector<16xf32>
        scf.yield %add3A_880, %add3A_889, %add3A_898, %add3A_907, %add3A_920, %add3A_929, %add3A_938, %add3A_947 : vector<16xf32>, vector<16xf32>, vector<16xf32>, vector<16xf32>, vector<16xf32>, vector<16xf32>, vector<16xf32>, vector<16xf32>
      }
      %scan3A_169 = arith.constant 10 : i32
      %lt3A_170 = arith.constant 31 : i32
      %lt3A_171 = arith.cmpi slt, %scan3A_105, %lt3A_170 : i32
      %convert_element_type3A_172 = arith.extui %lt3A_171 : i1 to i32
      %cond3A_173 = arith.constant 0 : i32
      %cond3A_174 = arith.cmpi ne, %convert_element_type3A_172, %cond3A_173 : i32
      scf.if %cond3A_174 {
        %add3A_540 = arith.constant 8 : i32
        %add3A_541 = arith.addi %add3A_151, %add3A_540 : i32
        %dma_start3A_542 = arith.constant 1 : i32
        %dma_start3A_543 = arith.constant 0 : i32
        %dma_start3A_544 = arith.constant 0 : i32
        %dma_start3A_545 = tpu.memref_slice %arg6[%dma_start3A_542, %dma_start3A_543, %dma_start3A_544] : memref<8x100x64xf32, #tpu.memory_space<vmem>> -> memref<1x100x64xf32, #tpu.memory_space<vmem>>
        %dma_start3A_546 = tpu.memref_squeeze %dma_start3A_545 : memref<1x100x64xf32, #tpu.memory_space<vmem>> -> memref<100x64xf32, #tpu.memory_space<vmem>>
        %dma_start3A_547 = arith.constant 0 : i32
        %dma_start3A_548 = tpu.memref_slice %arg5[%add3A_541, %dma_start3A_547] : memref<256x100xi32, #tpu.memory_space<vmem>> -> memref<1x100xi32, #tpu.memory_space<vmem>>
        %dma_start3A_549 = tpu.memref_squeeze %dma_start3A_548 : memref<1x100xi32, #tpu.memory_space<vmem>> -> memref<100xi32, #tpu.memory_space<vmem>>
        %dma_start3A_550 = arith.constant 0 : i32
        %dma_start3A_551 = arith.constant 0 : i32
        %dma_start3A_552 = tpu.memref_slice %arg3[%dma_start3A_550, %dma_start3A_551] : memref<1000000x64xf32, #tpu.memory_space<hbm>> -> memref<1000000x64xf32, #tpu.memory_space<hbm>>
        tpu.enqueue_indirect_dma source(%dma_start3A_552 : memref<1000000x64xf32, #tpu.memory_space<hbm>>) target(%dma_start3A_546 : memref<100x64xf32, #tpu.memory_space<vmem>>) offsets(%dma_start3A_549 : memref<100xi32, #tpu.memory_space<vmem>>) semaphore(%arg9 : memref<!tpu.dma_semaphore, #tpu.memory_space<semaphore_mem>>)
      } else {
      }
      %add3A_175 = arith.addf %scan3A_168#0, %scan3A_168#4 : vector<16xf32>
      %mul3A_176 = arith.constant 5.000000e-03 : f32
      %mul3A_177 = vector.broadcast %mul3A_176 : f32 to vector<16xf32>
      %mul3A_178 = arith.mulf %add3A_175, %mul3A_177 : vector<16xf32>
      %swap3A = arith.index_cast %add3A_109 : i32 to index
      %swap3A_179 = arith.constant 0 : index
      %swap3A_180 = tpu.vector_load %arg7[%swap3A, %swap3A_179] {strides = array<i32>} : memref<128x64xf32, #tpu.memory_space<vmem>>, vector<1x16xf32>,
      %swap3A_181 = vector.shape_cast %swap3A_180 : vector<1x16xf32> to vector<16xf32>
      %swap3A_182 = vector.shape_cast %mul3A_178 : vector<16xf32> to vector<1x16xf32>
      tpu.vector_store %arg7[%swap3A, %swap3A_179], %swap3A_182 {strides = array<i32>} : memref<128x64xf32, #tpu.memory_space<vmem>>, vector<1x16xf32>,
      %add3A_183 = arith.addf %scan3A_168#1, %scan3A_168#5 : vector<16xf32>
      %mul3A_184 = arith.constant 5.000000e-03 : f32
      %mul3A_185 = vector.broadcast %mul3A_184 : f32 to vector<16xf32>
      %mul3A_186 = arith.mulf %add3A_183, %mul3A_185 : vector<16xf32>
      %swap3A_187 = arith.index_cast %add3A_109 : i32 to index
      %swap3A_188 = arith.constant 16 : index
      %swap3A_189 = tpu.vector_load %arg7[%swap3A_187, %swap3A_188] {strides = array<i32>} : memref<128x64xf32, #tpu.memory_space<vmem>>, vector<1x16xf32>,
      %swap3A_190 = vector.shape_cast %swap3A_189 : vector<1x16xf32> to vector<16xf32>
      %swap3A_191 = vector.shape_cast %mul3A_186 : vector<16xf32> to vector<1x16xf32>
      tpu.vector_store %arg7[%swap3A_187, %swap3A_188], %swap3A_191 {strides = array<i32>} : memref<128x64xf32, #tpu.memory_space<vmem>>, vector<1x16xf32>,
      %add3A_192 = arith.addf %scan3A_168#2, %scan3A_168#6 : vector<16xf32>
      %mul3A_193 = arith.constant 5.000000e-03 : f32
      %mul3A_194 = vector.broadcast %mul3A_193 : f32 to vector<16xf32>
      %mul3A_195 = arith.mulf %add3A_192, %mul3A_194 : vector<16xf32>
      %swap3A_196 = arith.index_cast %add3A_109 : i32 to index
      %swap3A_197 = arith.constant 32 : index
      %swap3A_198 = tpu.vector_load %arg7[%swap3A_196, %swap3A_197] {strides = array<i32>} : memref<128x64xf32, #tpu.memory_space<vmem>>, vector<1x16xf32>,
      %swap3A_199 = vector.shape_cast %swap3A_198 : vector<1x16xf32> to vector<16xf32>
      %swap3A_200 = vector.shape_cast %mul3A_195 : vector<16xf32> to vector<1x16xf32>
      tpu.vector_store %arg7[%swap3A_196, %swap3A_197], %swap3A_200 {strides = array<i32>} : memref<128x64xf32, #tpu.memory_space<vmem>>, vector<1x16xf32>,
      %add3A_201 = arith.addf %scan3A_168#3, %scan3A_168#7 : vector<16xf32>
      %mul3A_202 = arith.constant 5.000000e-03 : f32
      %mul3A_203 = vector.broadcast %mul3A_202 : f32 to vector<16xf32>
      %mul3A_204 = arith.mulf %add3A_201, %mul3A_203 : vector<16xf32>
      %swap3A_205 = arith.index_cast %add3A_109 : i32 to index
      %swap3A_206 = arith.constant 48 : index
      %swap3A_207 = tpu.vector_load %arg7[%swap3A_205, %swap3A_206] {strides = array<i32>} : memref<128x64xf32, #tpu.memory_space<vmem>>, vector<1x16xf32>,
      %swap3A_208 = vector.shape_cast %swap3A_207 : vector<1x16xf32> to vector<16xf32>
      %swap3A_209 = vector.shape_cast %mul3A_204 : vector<16xf32> to vector<1x16xf32>
      tpu.vector_store %arg7[%swap3A_205, %swap3A_206], %swap3A_209 {strides = array<i32>} : memref<128x64xf32, #tpu.memory_space<vmem>>, vector<1x16xf32>,
      %mul3A_210 = arith.constant 4 : i32
      %mul3A_211 = arith.muli %mul3A_210, %scan3A_105 : i32
      %add3A_212 = arith.constant 1 : i32
      %add3A_213 = arith.addi %mul3A_211, %add3A_212 : i32
      %broadcast_in_dim3A_214 = arith.constant 0.000000e+00 : f32
      %broadcast_in_dim3A_215 = vector.broadcast %broadcast_in_dim3A_214 : f32 to vector<16xf32>
      %broadcast_in_dim3A_216 = arith.constant 0.000000e+00 : f32
      %broadcast_in_dim3A_217 = vector.broadcast %broadcast_in_dim3A_216 : f32 to vector<16xf32>
      %broadcast_in_dim3A_218 = arith.constant 0.000000e+00 : f32
      %broadcast_in_dim3A_219 = vector.broadcast %broadcast_in_dim3A_218 : f32 to vector<16xf32>
      %broadcast_in_dim3A_220 = arith.constant 0.000000e+00 : f32
      %broadcast_in_dim3A_221 = vector.broadcast %broadcast_in_dim3A_220 : f32 to vector<16xf32>
      %broadcast_in_dim3A_222 = arith.constant 0.000000e+00 : f32
      %broadcast_in_dim3A_223 = vector.broadcast %broadcast_in_dim3A_222 : f32 to vector<16xf32>
      %broadcast_in_dim3A_224 = arith.constant 0.000000e+00 : f32
      %broadcast_in_dim3A_225 = vector.broadcast %broadcast_in_dim3A_224 : f32 to vector<16xf32>
      %broadcast_in_dim3A_226 = arith.constant 0.000000e+00 : f32
      %broadcast_in_dim3A_227 = vector.broadcast %broadcast_in_dim3A_226 : f32 to vector<16xf32>
      %broadcast_in_dim3A_228 = arith.constant 0.000000e+00 : f32
      %broadcast_in_dim3A_229 = vector.broadcast %broadcast_in_dim3A_228 : f32 to vector<16xf32>
      %mul3A_230 = arith.constant 8 : i32
      %mul3A_231 = arith.muli %mul3A_230, %scan3A_105 : i32
      %add3A_232 = arith.constant 2 : i32
      %add3A_233 = arith.addi %mul3A_231, %add3A_232 : i32
      %dma_wait3A_234 = arith.constant 2 : i32
      %dma_wait3A_235 = arith.constant 0 : i32
      %dma_wait3A_236 = arith.constant 0 : i32
      %dma_wait3A_237 = tpu.memref_slice %arg6[%dma_wait3A_234, %dma_wait3A_235, %dma_wait3A_236] : memref<8x100x64xf32, #tpu.memory_space<vmem>> -> memref<1x100x64xf32, #tpu.memory_space<vmem>>
      %dma_wait3A_238 = tpu.memref_squeeze %dma_wait3A_237 : memref<1x100x64xf32, #tpu.memory_space<vmem>> -> memref<100x64xf32, #tpu.memory_space<vmem>>
      %dma_wait3A_239 = arith.constant 0 : i32
      %dma_wait3A_240 = tpu.memref_slice %arg5[%add3A_233, %dma_wait3A_239] : memref<256x100xi32, #tpu.memory_space<vmem>> -> memref<1x100xi32, #tpu.memory_space<vmem>>
      %dma_wait3A_241 = tpu.memref_squeeze %dma_wait3A_240 : memref<1x100xi32, #tpu.memory_space<vmem>> -> memref<100xi32, #tpu.memory_space<vmem>>
      %dma_wait3A_242 = arith.constant 0 : i32
      %dma_wait3A_243 = arith.constant 0 : i32
      %dma_wait3A_244 = tpu.memref_slice %arg3[%dma_wait3A_242, %dma_wait3A_243] : memref<1000000x64xf32, #tpu.memory_space<hbm>> -> memref<1000000x64xf32, #tpu.memory_space<hbm>>
      tpu.wait_indirect_dma semaphore(%arg10 : memref<!tpu.dma_semaphore, #tpu.memory_space<semaphore_mem>>) src(%dma_wait3A_244 : memref<1000000x64xf32, #tpu.memory_space<hbm>>) dst(%dma_wait3A_238 : memref<100x64xf32, #tpu.memory_space<vmem>>)
      %scan3A_245 = arith.constant 2 : i32
      %scan3A_246 = arith.constant 0 : i32
      %scan3A_247 = arith.constant 10 : i32
      %scan3A_248 = arith.addi %scan3A_246, %scan3A_247 : i32
      %scan3A_249 = arith.constant 1 : i32
      %scan3A_250:8 = scf.for %scan3A_540 = %scan3A_246 to %scan3A_248 step %scan3A_249 iter_args(%scan3A_541 = %broadcast_in_dim3A_215, %scan3A_542 = %broadcast_in_dim3A_217, %scan3A_543 = %broadcast_in_dim3A_219, %scan3A_544 = %broadcast_in_dim3A_221, %scan3A_545 = %broadcast_in_dim3A_223, %scan3A_546 = %broadcast_in_dim3A_225, %scan3A_547 = %broadcast_in_dim3A_227, %scan3A_548 = %broadcast_in_dim3A_229) -> (vector<16xf32>, vector<16xf32>, vector<16xf32>, vector<16xf32>, vector<16xf32>, vector<16xf32>, vector<16xf32>, vector<16xf32>)  : i32 {
        %mul3A_549 = arith.constant 10 : i32
        %mul3A_550 = arith.muli %scan3A_540, %mul3A_549 : i32
        %add3A_551 = arith.constant 0 : i32
        %add3A_552 = arith.addi %mul3A_550, %add3A_551 : i32
        %get3A = arith.constant 0 : i32
        %get3A_553 = arith.constant 0 : i32
        %get3A_554 = tpu.memref_slice %arg6[%scan3A_245, %get3A, %get3A_553] : memref<8x100x64xf32, #tpu.memory_space<vmem>> -> memref<1x100x64xf32, #tpu.memory_space<vmem>>
        %get3A_555 = tpu.memref_squeeze %get3A_554 : memref<1x100x64xf32, #tpu.memory_space<vmem>> -> memref<100x64xf32, #tpu.memory_space<vmem>>
        %get3A_556 = arith.index_cast %add3A_552 : i32 to index
        %get3A_557 = arith.constant 0 : index
        %get3A_558 = tpu.vector_load %get3A_555[%get3A_556, %get3A_557] {strides = array<i32>} : memref<100x64xf32, #tpu.memory_space<vmem>>, vector<1x16xf32>,
        %get3A_559 = vector.shape_cast %get3A_558 : vector<1x16xf32> to vector<16xf32>
        %add3A_560 = arith.addf %scan3A_541, %get3A_559 : vector<16xf32>
        %get3A_561 = arith.constant 0 : i32
        %get3A_562 = arith.constant 0 : i32
        %get3A_563 = tpu.memref_slice %arg6[%scan3A_245, %get3A_561, %get3A_562] : memref<8x100x64xf32, #tpu.memory_space<vmem>> -> memref<1x100x64xf32, #tpu.memory_space<vmem>>
        %get3A_564 = tpu.memref_squeeze %get3A_563 : memref<1x100x64xf32, #tpu.memory_space<vmem>> -> memref<100x64xf32, #tpu.memory_space<vmem>>
        %get3A_565 = arith.index_cast %add3A_552 : i32 to index
        %get3A_566 = arith.constant 16 : index
        %get3A_567 = tpu.vector_load %get3A_564[%get3A_565, %get3A_566] {strides = array<i32>} : memref<100x64xf32, #tpu.memory_space<vmem>>, vector<1x16xf32>,
        %get3A_568 = vector.shape_cast %get3A_567 : vector<1x16xf32> to vector<16xf32>
        %add3A_569 = arith.addf %scan3A_542, %get3A_568 : vector<16xf32>
        %get3A_570 = arith.constant 0 : i32
        %get3A_571 = arith.constant 0 : i32
        %get3A_572 = tpu.memref_slice %arg6[%scan3A_245, %get3A_570, %get3A_571] : memref<8x100x64xf32, #tpu.memory_space<vmem>> -> memref<1x100x64xf32, #tpu.memory_space<vmem>>
        %get3A_573 = tpu.memref_squeeze %get3A_572 : memref<1x100x64xf32, #tpu.memory_space<vmem>> -> memref<100x64xf32, #tpu.memory_space<vmem>>
        %get3A_574 = arith.index_cast %add3A_552 : i32 to index
        %get3A_575 = arith.constant 32 : index
        %get3A_576 = tpu.vector_load %get3A_573[%get3A_574, %get3A_575] {strides = array<i32>} : memref<100x64xf32, #tpu.memory_space<vmem>>, vector<1x16xf32>,
        %get3A_577 = vector.shape_cast %get3A_576 : vector<1x16xf32> to vector<16xf32>
        %add3A_578 = arith.addf %scan3A_543, %get3A_577 : vector<16xf32>
        %get3A_579 = arith.constant 0 : i32
        %get3A_580 = arith.constant 0 : i32
        %get3A_581 = tpu.memref_slice %arg6[%scan3A_245, %get3A_579, %get3A_580] : memref<8x100x64xf32, #tpu.memory_space<vmem>> -> memref<1x100x64xf32, #tpu.memory_space<vmem>>
        %get3A_582 = tpu.memref_squeeze %get3A_581 : memref<1x100x64xf32, #tpu.memory_space<vmem>> -> memref<100x64xf32, #tpu.memory_space<vmem>>
        %get3A_583 = arith.index_cast %add3A_552 : i32 to index
        %get3A_584 = arith.constant 48 : index
        %get3A_585 = tpu.vector_load %get3A_582[%get3A_583, %get3A_584] {strides = array<i32>} : memref<100x64xf32, #tpu.memory_space<vmem>>, vector<1x16xf32>,
        %get3A_586 = vector.shape_cast %get3A_585 : vector<1x16xf32> to vector<16xf32>
        %add3A_587 = arith.addf %scan3A_544, %get3A_586 : vector<16xf32>
        %mul3A_588 = arith.constant 10 : i32
        %mul3A_589 = arith.muli %scan3A_540, %mul3A_588 : i32
        %add3A_590 = arith.constant 1 : i32
        %add3A_591 = arith.addi %mul3A_589, %add3A_590 : i32
        %get3A_592 = arith.constant 0 : i32
        %get3A_593 = arith.constant 0 : i32
        %get3A_594 = tpu.memref_slice %arg6[%scan3A_245, %get3A_592, %get3A_593] : memref<8x100x64xf32, #tpu.memory_space<vmem>> -> memref<1x100x64xf32, #tpu.memory_space<vmem>>
        %get3A_595 = tpu.memref_squeeze %get3A_594 : memref<1x100x64xf32, #tpu.memory_space<vmem>> -> memref<100x64xf32, #tpu.memory_space<vmem>>
        %get3A_596 = arith.index_cast %add3A_591 : i32 to index
        %get3A_597 = arith.constant 0 : index
        %get3A_598 = tpu.vector_load %get3A_595[%get3A_596, %get3A_597] {strides = array<i32>} : memref<100x64xf32, #tpu.memory_space<vmem>>, vector<1x16xf32>,
        %get3A_599 = vector.shape_cast %get3A_598 : vector<1x16xf32> to vector<16xf32>
        %add3A_600 = arith.addf %scan3A_545, %get3A_599 : vector<16xf32>
        %get3A_601 = arith.constant 0 : i32
        %get3A_602 = arith.constant 0 : i32
        %get3A_603 = tpu.memref_slice %arg6[%scan3A_245, %get3A_601, %get3A_602] : memref<8x100x64xf32, #tpu.memory_space<vmem>> -> memref<1x100x64xf32, #tpu.memory_space<vmem>>
        %get3A_604 = tpu.memref_squeeze %get3A_603 : memref<1x100x64xf32, #tpu.memory_space<vmem>> -> memref<100x64xf32, #tpu.memory_space<vmem>>
        %get3A_605 = arith.index_cast %add3A_591 : i32 to index
        %get3A_606 = arith.constant 16 : index
        %get3A_607 = tpu.vector_load %get3A_604[%get3A_605, %get3A_606] {strides = array<i32>} : memref<100x64xf32, #tpu.memory_space<vmem>>, vector<1x16xf32>,
        %get3A_608 = vector.shape_cast %get3A_607 : vector<1x16xf32> to vector<16xf32>
        %add3A_609 = arith.addf %scan3A_546, %get3A_608 : vector<16xf32>
        %get3A_610 = arith.constant 0 : i32
        %get3A_611 = arith.constant 0 : i32
        %get3A_612 = tpu.memref_slice %arg6[%scan3A_245, %get3A_610, %get3A_611] : memref<8x100x64xf32, #tpu.memory_space<vmem>> -> memref<1x100x64xf32, #tpu.memory_space<vmem>>
        %get3A_613 = tpu.memref_squeeze %get3A_612 : memref<1x100x64xf32, #tpu.memory_space<vmem>> -> memref<100x64xf32, #tpu.memory_space<vmem>>
        %get3A_614 = arith.index_cast %add3A_591 : i32 to index
        %get3A_615 = arith.constant 32 : index
        %get3A_616 = tpu.vector_load %get3A_613[%get3A_614, %get3A_615] {strides = array<i32>} : memref<100x64xf32, #tpu.memory_space<vmem>>, vector<1x16xf32>,
        %get3A_617 = vector.shape_cast %get3A_616 : vector<1x16xf32> to vector<16xf32>
        %add3A_618 = arith.addf %scan3A_547, %get3A_617 : vector<16xf32>
        %get3A_619 = arith.constant 0 : i32
        %get3A_620 = arith.constant 0 : i32
        %get3A_621 = tpu.memref_slice %arg6[%scan3A_245, %get3A_619, %get3A_620] : memref<8x100x64xf32, #tpu.memory_space<vmem>> -> memref<1x100x64xf32, #tpu.memory_space<vmem>>
        %get3A_622 = tpu.memref_squeeze %get3A_621 : memref<1x100x64xf32, #tpu.memory_space<vmem>> -> memref<100x64xf32, #tpu.memory_space<vmem>>
        %get3A_623 = arith.index_cast %add3A_591 : i32 to index
        %get3A_624 = arith.constant 48 : index
        %get3A_625 = tpu.vector_load %get3A_622[%get3A_623, %get3A_624] {strides = array<i32>} : memref<100x64xf32, #tpu.memory_space<vmem>>, vector<1x16xf32>,
        %get3A_626 = vector.shape_cast %get3A_625 : vector<1x16xf32> to vector<16xf32>
        %add3A_627 = arith.addf %scan3A_548, %get3A_626 : vector<16xf32>
        %mul3A_628 = arith.constant 10 : i32
        %mul3A_629 = arith.muli %scan3A_540, %mul3A_628 : i32
        %add3A_630 = arith.constant 2 : i32
        %add3A_631 = arith.addi %mul3A_629, %add3A_630 : i32
        %get3A_632 = arith.constant 0 : i32
        %get3A_633 = arith.constant 0 : i32
        %get3A_634 = tpu.memref_slice %arg6[%scan3A_245, %get3A_632, %get3A_633] : memref<8x100x64xf32, #tpu.memory_space<vmem>> -> memref<1x100x64xf32, #tpu.memory_space<vmem>>
        %get3A_635 = tpu.memref_squeeze %get3A_634 : memref<1x100x64xf32, #tpu.memory_space<vmem>> -> memref<100x64xf32, #tpu.memory_space<vmem>>
        %get3A_636 = arith.index_cast %add3A_631 : i32 to index
        %get3A_637 = arith.constant 0 : index
        %get3A_638 = tpu.vector_load %get3A_635[%get3A_636, %get3A_637] {strides = array<i32>} : memref<100x64xf32, #tpu.memory_space<vmem>>, vector<1x16xf32>,
        %get3A_639 = vector.shape_cast %get3A_638 : vector<1x16xf32> to vector<16xf32>
        %add3A_640 = arith.addf %add3A_560, %get3A_639 : vector<16xf32>
        %get3A_641 = arith.constant 0 : i32
        %get3A_642 = arith.constant 0 : i32
        %get3A_643 = tpu.memref_slice %arg6[%scan3A_245, %get3A_641, %get3A_642] : memref<8x100x64xf32, #tpu.memory_space<vmem>> -> memref<1x100x64xf32, #tpu.memory_space<vmem>>
        %get3A_644 = tpu.memref_squeeze %get3A_643 : memref<1x100x64xf32, #tpu.memory_space<vmem>> -> memref<100x64xf32, #tpu.memory_space<vmem>>
        %get3A_645 = arith.index_cast %add3A_631 : i32 to index
        %get3A_646 = arith.constant 16 : index
        %get3A_647 = tpu.vector_load %get3A_644[%get3A_645, %get3A_646] {strides = array<i32>} : memref<100x64xf32, #tpu.memory_space<vmem>>, vector<1x16xf32>,
        %get3A_648 = vector.shape_cast %get3A_647 : vector<1x16xf32> to vector<16xf32>
        %add3A_649 = arith.addf %add3A_569, %get3A_648 : vector<16xf32>
        %get3A_650 = arith.constant 0 : i32
        %get3A_651 = arith.constant 0 : i32
        %get3A_652 = tpu.memref_slice %arg6[%scan3A_245, %get3A_650, %get3A_651] : memref<8x100x64xf32, #tpu.memory_space<vmem>> -> memref<1x100x64xf32, #tpu.memory_space<vmem>>
        %get3A_653 = tpu.memref_squeeze %get3A_652 : memref<1x100x64xf32, #tpu.memory_space<vmem>> -> memref<100x64xf32, #tpu.memory_space<vmem>>
        %get3A_654 = arith.index_cast %add3A_631 : i32 to index
        %get3A_655 = arith.constant 32 : index
        %get3A_656 = tpu.vector_load %get3A_653[%get3A_654, %get3A_655] {strides = array<i32>} : memref<100x64xf32, #tpu.memory_space<vmem>>, vector<1x16xf32>,
        %get3A_657 = vector.shape_cast %get3A_656 : vector<1x16xf32> to vector<16xf32>
        %add3A_658 = arith.addf %add3A_578, %get3A_657 : vector<16xf32>
        %get3A_659 = arith.constant 0 : i32
        %get3A_660 = arith.constant 0 : i32
        %get3A_661 = tpu.memref_slice %arg6[%scan3A_245, %get3A_659, %get3A_660] : memref<8x100x64xf32, #tpu.memory_space<vmem>> -> memref<1x100x64xf32, #tpu.memory_space<vmem>>
        %get3A_662 = tpu.memref_squeeze %get3A_661 : memref<1x100x64xf32, #tpu.memory_space<vmem>> -> memref<100x64xf32, #tpu.memory_space<vmem>>
        %get3A_663 = arith.index_cast %add3A_631 : i32 to index
        %get3A_664 = arith.constant 48 : index
        %get3A_665 = tpu.vector_load %get3A_662[%get3A_663, %get3A_664] {strides = array<i32>} : memref<100x64xf32, #tpu.memory_space<vmem>>, vector<1x16xf32>,
        %get3A_666 = vector.shape_cast %get3A_665 : vector<1x16xf32> to vector<16xf32>
        %add3A_667 = arith.addf %add3A_587, %get3A_666 : vector<16xf32>
        %mul3A_668 = arith.constant 10 : i32
        %mul3A_669 = arith.muli %scan3A_540, %mul3A_668 : i32
        %add3A_670 = arith.constant 3 : i32
        %add3A_671 = arith.addi %mul3A_669, %add3A_670 : i32
        %get3A_672 = arith.constant 0 : i32
        %get3A_673 = arith.constant 0 : i32
        %get3A_674 = tpu.memref_slice %arg6[%scan3A_245, %get3A_672, %get3A_673] : memref<8x100x64xf32, #tpu.memory_space<vmem>> -> memref<1x100x64xf32, #tpu.memory_space<vmem>>
        %get3A_675 = tpu.memref_squeeze %get3A_674 : memref<1x100x64xf32, #tpu.memory_space<vmem>> -> memref<100x64xf32, #tpu.memory_space<vmem>>
        %get3A_676 = arith.index_cast %add3A_671 : i32 to index
        %get3A_677 = arith.constant 0 : index
        %get3A_678 = tpu.vector_load %get3A_675[%get3A_676, %get3A_677] {strides = array<i32>} : memref<100x64xf32, #tpu.memory_space<vmem>>, vector<1x16xf32>,
        %get3A_679 = vector.shape_cast %get3A_678 : vector<1x16xf32> to vector<16xf32>
        %add3A_680 = arith.addf %add3A_600, %get3A_679 : vector<16xf32>
        %get3A_681 = arith.constant 0 : i32
        %get3A_682 = arith.constant 0 : i32
        %get3A_683 = tpu.memref_slice %arg6[%scan3A_245, %get3A_681, %get3A_682] : memref<8x100x64xf32, #tpu.memory_space<vmem>> -> memref<1x100x64xf32, #tpu.memory_space<vmem>>
        %get3A_684 = tpu.memref_squeeze %get3A_683 : memref<1x100x64xf32, #tpu.memory_space<vmem>> -> memref<100x64xf32, #tpu.memory_space<vmem>>
        %get3A_685 = arith.index_cast %add3A_671 : i32 to index
        %get3A_686 = arith.constant 16 : index
        %get3A_687 = tpu.vector_load %get3A_684[%get3A_685, %get3A_686] {strides = array<i32>} : memref<100x64xf32, #tpu.memory_space<vmem>>, vector<1x16xf32>,
        %get3A_688 = vector.shape_cast %get3A_687 : vector<1x16xf32> to vector<16xf32>
        %add3A_689 = arith.addf %add3A_609, %get3A_688 : vector<16xf32>
        %get3A_690 = arith.constant 0 : i32
        %get3A_691 = arith.constant 0 : i32
        %get3A_692 = tpu.memref_slice %arg6[%scan3A_245, %get3A_690, %get3A_691] : memref<8x100x64xf32, #tpu.memory_space<vmem>> -> memref<1x100x64xf32, #tpu.memory_space<vmem>>
        %get3A_693 = tpu.memref_squeeze %get3A_692 : memref<1x100x64xf32, #tpu.memory_space<vmem>> -> memref<100x64xf32, #tpu.memory_space<vmem>>
        %get3A_694 = arith.index_cast %add3A_671 : i32 to index
        %get3A_695 = arith.constant 32 : index
        %get3A_696 = tpu.vector_load %get3A_693[%get3A_694, %get3A_695] {strides = array<i32>} : memref<100x64xf32, #tpu.memory_space<vmem>>, vector<1x16xf32>,
        %get3A_697 = vector.shape_cast %get3A_696 : vector<1x16xf32> to vector<16xf32>
        %add3A_698 = arith.addf %add3A_618, %get3A_697 : vector<16xf32>
        %get3A_699 = arith.constant 0 : i32
        %get3A_700 = arith.constant 0 : i32
        %get3A_701 = tpu.memref_slice %arg6[%scan3A_245, %get3A_699, %get3A_700] : memref<8x100x64xf32, #tpu.memory_space<vmem>> -> memref<1x100x64xf32, #tpu.memory_space<vmem>>
        %get3A_702 = tpu.memref_squeeze %get3A_701 : memref<1x100x64xf32, #tpu.memory_space<vmem>> -> memref<100x64xf32, #tpu.memory_space<vmem>>
        %get3A_703 = arith.index_cast %add3A_671 : i32 to index
        %get3A_704 = arith.constant 48 : index
        %get3A_705 = tpu.vector_load %get3A_702[%get3A_703, %get3A_704] {strides = array<i32>} : memref<100x64xf32, #tpu.memory_space<vmem>>, vector<1x16xf32>,
        %get3A_706 = vector.shape_cast %get3A_705 : vector<1x16xf32> to vector<16xf32>
        %add3A_707 = arith.addf %add3A_627, %get3A_706 : vector<16xf32>
        %mul3A_708 = arith.constant 10 : i32
        %mul3A_709 = arith.muli %scan3A_540, %mul3A_708 : i32
        %add3A_710 = arith.constant 4 : i32
        %add3A_711 = arith.addi %mul3A_709, %add3A_710 : i32
        %get3A_712 = arith.constant 0 : i32
        %get3A_713 = arith.constant 0 : i32
        %get3A_714 = tpu.memref_slice %arg6[%scan3A_245, %get3A_712, %get3A_713] : memref<8x100x64xf32, #tpu.memory_space<vmem>> -> memref<1x100x64xf32, #tpu.memory_space<vmem>>
        %get3A_715 = tpu.memref_squeeze %get3A_714 : memref<1x100x64xf32, #tpu.memory_space<vmem>> -> memref<100x64xf32, #tpu.memory_space<vmem>>
        %get3A_716 = arith.index_cast %add3A_711 : i32 to index
        %get3A_717 = arith.constant 0 : index
        %get3A_718 = tpu.vector_load %get3A_715[%get3A_716, %get3A_717] {strides = array<i32>} : memref<100x64xf32, #tpu.memory_space<vmem>>, vector<1x16xf32>,
        %get3A_719 = vector.shape_cast %get3A_718 : vector<1x16xf32> to vector<16xf32>
        %add3A_720 = arith.addf %add3A_640, %get3A_719 : vector<16xf32>
        %get3A_721 = arith.constant 0 : i32
        %get3A_722 = arith.constant 0 : i32
        %get3A_723 = tpu.memref_slice %arg6[%scan3A_245, %get3A_721, %get3A_722] : memref<8x100x64xf32, #tpu.memory_space<vmem>> -> memref<1x100x64xf32, #tpu.memory_space<vmem>>
        %get3A_724 = tpu.memref_squeeze %get3A_723 : memref<1x100x64xf32, #tpu.memory_space<vmem>> -> memref<100x64xf32, #tpu.memory_space<vmem>>
        %get3A_725 = arith.index_cast %add3A_711 : i32 to index
        %get3A_726 = arith.constant 16 : index
        %get3A_727 = tpu.vector_load %get3A_724[%get3A_725, %get3A_726] {strides = array<i32>} : memref<100x64xf32, #tpu.memory_space<vmem>>, vector<1x16xf32>,
        %get3A_728 = vector.shape_cast %get3A_727 : vector<1x16xf32> to vector<16xf32>
        %add3A_729 = arith.addf %add3A_649, %get3A_728 : vector<16xf32>
        %get3A_730 = arith.constant 0 : i32
        %get3A_731 = arith.constant 0 : i32
        %get3A_732 = tpu.memref_slice %arg6[%scan3A_245, %get3A_730, %get3A_731] : memref<8x100x64xf32, #tpu.memory_space<vmem>> -> memref<1x100x64xf32, #tpu.memory_space<vmem>>
        %get3A_733 = tpu.memref_squeeze %get3A_732 : memref<1x100x64xf32, #tpu.memory_space<vmem>> -> memref<100x64xf32, #tpu.memory_space<vmem>>
        %get3A_734 = arith.index_cast %add3A_711 : i32 to index
        %get3A_735 = arith.constant 32 : index
        %get3A_736 = tpu.vector_load %get3A_733[%get3A_734, %get3A_735] {strides = array<i32>} : memref<100x64xf32, #tpu.memory_space<vmem>>, vector<1x16xf32>,
        %get3A_737 = vector.shape_cast %get3A_736 : vector<1x16xf32> to vector<16xf32>
        %add3A_738 = arith.addf %add3A_658, %get3A_737 : vector<16xf32>
        %get3A_739 = arith.constant 0 : i32
        %get3A_740 = arith.constant 0 : i32
        %get3A_741 = tpu.memref_slice %arg6[%scan3A_245, %get3A_739, %get3A_740] : memref<8x100x64xf32, #tpu.memory_space<vmem>> -> memref<1x100x64xf32, #tpu.memory_space<vmem>>
        %get3A_742 = tpu.memref_squeeze %get3A_741 : memref<1x100x64xf32, #tpu.memory_space<vmem>> -> memref<100x64xf32, #tpu.memory_space<vmem>>
        %get3A_743 = arith.index_cast %add3A_711 : i32 to index
        %get3A_744 = arith.constant 48 : index
        %get3A_745 = tpu.vector_load %get3A_742[%get3A_743, %get3A_744] {strides = array<i32>} : memref<100x64xf32, #tpu.memory_space<vmem>>, vector<1x16xf32>,
        %get3A_746 = vector.shape_cast %get3A_745 : vector<1x16xf32> to vector<16xf32>
        %add3A_747 = arith.addf %add3A_667, %get3A_746 : vector<16xf32>
        %mul3A_748 = arith.constant 10 : i32
        %mul3A_749 = arith.muli %scan3A_540, %mul3A_748 : i32
        %add3A_750 = arith.constant 5 : i32
        %add3A_751 = arith.addi %mul3A_749, %add3A_750 : i32
        %get3A_752 = arith.constant 0 : i32
        %get3A_753 = arith.constant 0 : i32
        %get3A_754 = tpu.memref_slice %arg6[%scan3A_245, %get3A_752, %get3A_753] : memref<8x100x64xf32, #tpu.memory_space<vmem>> -> memref<1x100x64xf32, #tpu.memory_space<vmem>>
        %get3A_755 = tpu.memref_squeeze %get3A_754 : memref<1x100x64xf32, #tpu.memory_space<vmem>> -> memref<100x64xf32, #tpu.memory_space<vmem>>
        %get3A_756 = arith.index_cast %add3A_751 : i32 to index
        %get3A_757 = arith.constant 0 : index
        %get3A_758 = tpu.vector_load %get3A_755[%get3A_756, %get3A_757] {strides = array<i32>} : memref<100x64xf32, #tpu.memory_space<vmem>>, vector<1x16xf32>,
        %get3A_759 = vector.shape_cast %get3A_758 : vector<1x16xf32> to vector<16xf32>
        %add3A_760 = arith.addf %add3A_680, %get3A_759 : vector<16xf32>
        %get3A_761 = arith.constant 0 : i32
        %get3A_762 = arith.constant 0 : i32
        %get3A_763 = tpu.memref_slice %arg6[%scan3A_245, %get3A_761, %get3A_762] : memref<8x100x64xf32, #tpu.memory_space<vmem>> -> memref<1x100x64xf32, #tpu.memory_space<vmem>>
        %get3A_764 = tpu.memref_squeeze %get3A_763 : memref<1x100x64xf32, #tpu.memory_space<vmem>> -> memref<100x64xf32, #tpu.memory_space<vmem>>
        %get3A_765 = arith.index_cast %add3A_751 : i32 to index
        %get3A_766 = arith.constant 16 : index
        %get3A_767 = tpu.vector_load %get3A_764[%get3A_765, %get3A_766] {strides = array<i32>} : memref<100x64xf32, #tpu.memory_space<vmem>>, vector<1x16xf32>,
        %get3A_768 = vector.shape_cast %get3A_767 : vector<1x16xf32> to vector<16xf32>
        %add3A_769 = arith.addf %add3A_689, %get3A_768 : vector<16xf32>
        %get3A_770 = arith.constant 0 : i32
        %get3A_771 = arith.constant 0 : i32
        %get3A_772 = tpu.memref_slice %arg6[%scan3A_245, %get3A_770, %get3A_771] : memref<8x100x64xf32, #tpu.memory_space<vmem>> -> memref<1x100x64xf32, #tpu.memory_space<vmem>>
        %get3A_773 = tpu.memref_squeeze %get3A_772 : memref<1x100x64xf32, #tpu.memory_space<vmem>> -> memref<100x64xf32, #tpu.memory_space<vmem>>
        %get3A_774 = arith.index_cast %add3A_751 : i32 to index
        %get3A_775 = arith.constant 32 : index
        %get3A_776 = tpu.vector_load %get3A_773[%get3A_774, %get3A_775] {strides = array<i32>} : memref<100x64xf32, #tpu.memory_space<vmem>>, vector<1x16xf32>,
        %get3A_777 = vector.shape_cast %get3A_776 : vector<1x16xf32> to vector<16xf32>
        %add3A_778 = arith.addf %add3A_698, %get3A_777 : vector<16xf32>
        %get3A_779 = arith.constant 0 : i32
        %get3A_780 = arith.constant 0 : i32
        %get3A_781 = tpu.memref_slice %arg6[%scan3A_245, %get3A_779, %get3A_780] : memref<8x100x64xf32, #tpu.memory_space<vmem>> -> memref<1x100x64xf32, #tpu.memory_space<vmem>>
        %get3A_782 = tpu.memref_squeeze %get3A_781 : memref<1x100x64xf32, #tpu.memory_space<vmem>> -> memref<100x64xf32, #tpu.memory_space<vmem>>
        %get3A_783 = arith.index_cast %add3A_751 : i32 to index
        %get3A_784 = arith.constant 48 : index
        %get3A_785 = tpu.vector_load %get3A_782[%get3A_783, %get3A_784] {strides = array<i32>} : memref<100x64xf32, #tpu.memory_space<vmem>>, vector<1x16xf32>,
        %get3A_786 = vector.shape_cast %get3A_785 : vector<1x16xf32> to vector<16xf32>
        %add3A_787 = arith.addf %add3A_707, %get3A_786 : vector<16xf32>
        %mul3A_788 = arith.constant 10 : i32
        %mul3A_789 = arith.muli %scan3A_540, %mul3A_788 : i32
        %add3A_790 = arith.constant 6 : i32
        %add3A_791 = arith.addi %mul3A_789, %add3A_790 : i32
        %get3A_792 = arith.constant 0 : i32
        %get3A_793 = arith.constant 0 : i32
        %get3A_794 = tpu.memref_slice %arg6[%scan3A_245, %get3A_792, %get3A_793] : memref<8x100x64xf32, #tpu.memory_space<vmem>> -> memref<1x100x64xf32, #tpu.memory_space<vmem>>
        %get3A_795 = tpu.memref_squeeze %get3A_794 : memref<1x100x64xf32, #tpu.memory_space<vmem>> -> memref<100x64xf32, #tpu.memory_space<vmem>>
        %get3A_796 = arith.index_cast %add3A_791 : i32 to index
        %get3A_797 = arith.constant 0 : index
        %get3A_798 = tpu.vector_load %get3A_795[%get3A_796, %get3A_797] {strides = array<i32>} : memref<100x64xf32, #tpu.memory_space<vmem>>, vector<1x16xf32>,
        %get3A_799 = vector.shape_cast %get3A_798 : vector<1x16xf32> to vector<16xf32>
        %add3A_800 = arith.addf %add3A_720, %get3A_799 : vector<16xf32>
        %get3A_801 = arith.constant 0 : i32
        %get3A_802 = arith.constant 0 : i32
        %get3A_803 = tpu.memref_slice %arg6[%scan3A_245, %get3A_801, %get3A_802] : memref<8x100x64xf32, #tpu.memory_space<vmem>> -> memref<1x100x64xf32, #tpu.memory_space<vmem>>
        %get3A_804 = tpu.memref_squeeze %get3A_803 : memref<1x100x64xf32, #tpu.memory_space<vmem>> -> memref<100x64xf32, #tpu.memory_space<vmem>>
        %get3A_805 = arith.index_cast %add3A_791 : i32 to index
        %get3A_806 = arith.constant 16 : index
        %get3A_807 = tpu.vector_load %get3A_804[%get3A_805, %get3A_806] {strides = array<i32>} : memref<100x64xf32, #tpu.memory_space<vmem>>, vector<1x16xf32>,
        %get3A_808 = vector.shape_cast %get3A_807 : vector<1x16xf32> to vector<16xf32>
        %add3A_809 = arith.addf %add3A_729, %get3A_808 : vector<16xf32>
        %get3A_810 = arith.constant 0 : i32
        %get3A_811 = arith.constant 0 : i32
        %get3A_812 = tpu.memref_slice %arg6[%scan3A_245, %get3A_810, %get3A_811] : memref<8x100x64xf32, #tpu.memory_space<vmem>> -> memref<1x100x64xf32, #tpu.memory_space<vmem>>
        %get3A_813 = tpu.memref_squeeze %get3A_812 : memref<1x100x64xf32, #tpu.memory_space<vmem>> -> memref<100x64xf32, #tpu.memory_space<vmem>>
        %get3A_814 = arith.index_cast %add3A_791 : i32 to index
        %get3A_815 = arith.constant 32 : index
        %get3A_816 = tpu.vector_load %get3A_813[%get3A_814, %get3A_815] {strides = array<i32>} : memref<100x64xf32, #tpu.memory_space<vmem>>, vector<1x16xf32>,
        %get3A_817 = vector.shape_cast %get3A_816 : vector<1x16xf32> to vector<16xf32>
        %add3A_818 = arith.addf %add3A_738, %get3A_817 : vector<16xf32>
        %get3A_819 = arith.constant 0 : i32
        %get3A_820 = arith.constant 0 : i32
        %get3A_821 = tpu.memref_slice %arg6[%scan3A_245, %get3A_819, %get3A_820] : memref<8x100x64xf32, #tpu.memory_space<vmem>> -> memref<1x100x64xf32, #tpu.memory_space<vmem>>
        %get3A_822 = tpu.memref_squeeze %get3A_821 : memref<1x100x64xf32, #tpu.memory_space<vmem>> -> memref<100x64xf32, #tpu.memory_space<vmem>>
        %get3A_823 = arith.index_cast %add3A_791 : i32 to index
        %get3A_824 = arith.constant 48 : index
        %get3A_825 = tpu.vector_load %get3A_822[%get3A_823, %get3A_824] {strides = array<i32>} : memref<100x64xf32, #tpu.memory_space<vmem>>, vector<1x16xf32>,
        %get3A_826 = vector.shape_cast %get3A_825 : vector<1x16xf32> to vector<16xf32>
        %add3A_827 = arith.addf %add3A_747, %get3A_826 : vector<16xf32>
        %mul3A_828 = arith.constant 10 : i32
        %mul3A_829 = arith.muli %scan3A_540, %mul3A_828 : i32
        %add3A_830 = arith.constant 7 : i32
        %add3A_831 = arith.addi %mul3A_829, %add3A_830 : i32
        %get3A_832 = arith.constant 0 : i32
        %get3A_833 = arith.constant 0 : i32
        %get3A_834 = tpu.memref_slice %arg6[%scan3A_245, %get3A_832, %get3A_833] : memref<8x100x64xf32, #tpu.memory_space<vmem>> -> memref<1x100x64xf32, #tpu.memory_space<vmem>>
        %get3A_835 = tpu.memref_squeeze %get3A_834 : memref<1x100x64xf32, #tpu.memory_space<vmem>> -> memref<100x64xf32, #tpu.memory_space<vmem>>
        %get3A_836 = arith.index_cast %add3A_831 : i32 to index
        %get3A_837 = arith.constant 0 : index
        %get3A_838 = tpu.vector_load %get3A_835[%get3A_836, %get3A_837] {strides = array<i32>} : memref<100x64xf32, #tpu.memory_space<vmem>>, vector<1x16xf32>,
        %get3A_839 = vector.shape_cast %get3A_838 : vector<1x16xf32> to vector<16xf32>
        %add3A_840 = arith.addf %add3A_760, %get3A_839 : vector<16xf32>
        %get3A_841 = arith.constant 0 : i32
        %get3A_842 = arith.constant 0 : i32
        %get3A_843 = tpu.memref_slice %arg6[%scan3A_245, %get3A_841, %get3A_842] : memref<8x100x64xf32, #tpu.memory_space<vmem>> -> memref<1x100x64xf32, #tpu.memory_space<vmem>>
        %get3A_844 = tpu.memref_squeeze %get3A_843 : memref<1x100x64xf32, #tpu.memory_space<vmem>> -> memref<100x64xf32, #tpu.memory_space<vmem>>
        %get3A_845 = arith.index_cast %add3A_831 : i32 to index
        %get3A_846 = arith.constant 16 : index
        %get3A_847 = tpu.vector_load %get3A_844[%get3A_845, %get3A_846] {strides = array<i32>} : memref<100x64xf32, #tpu.memory_space<vmem>>, vector<1x16xf32>,
        %get3A_848 = vector.shape_cast %get3A_847 : vector<1x16xf32> to vector<16xf32>
        %add3A_849 = arith.addf %add3A_769, %get3A_848 : vector<16xf32>
        %get3A_850 = arith.constant 0 : i32
        %get3A_851 = arith.constant 0 : i32
        %get3A_852 = tpu.memref_slice %arg6[%scan3A_245, %get3A_850, %get3A_851] : memref<8x100x64xf32, #tpu.memory_space<vmem>> -> memref<1x100x64xf32, #tpu.memory_space<vmem>>
        %get3A_853 = tpu.memref_squeeze %get3A_852 : memref<1x100x64xf32, #tpu.memory_space<vmem>> -> memref<100x64xf32, #tpu.memory_space<vmem>>
        %get3A_854 = arith.index_cast %add3A_831 : i32 to index
        %get3A_855 = arith.constant 32 : index
        %get3A_856 = tpu.vector_load %get3A_853[%get3A_854, %get3A_855] {strides = array<i32>} : memref<100x64xf32, #tpu.memory_space<vmem>>, vector<1x16xf32>,
        %get3A_857 = vector.shape_cast %get3A_856 : vector<1x16xf32> to vector<16xf32>
        %add3A_858 = arith.addf %add3A_778, %get3A_857 : vector<16xf32>
        %get3A_859 = arith.constant 0 : i32
        %get3A_860 = arith.constant 0 : i32
        %get3A_861 = tpu.memref_slice %arg6[%scan3A_245, %get3A_859, %get3A_860] : memref<8x100x64xf32, #tpu.memory_space<vmem>> -> memref<1x100x64xf32, #tpu.memory_space<vmem>>
        %get3A_862 = tpu.memref_squeeze %get3A_861 : memref<1x100x64xf32, #tpu.memory_space<vmem>> -> memref<100x64xf32, #tpu.memory_space<vmem>>
        %get3A_863 = arith.index_cast %add3A_831 : i32 to index
        %get3A_864 = arith.constant 48 : index
        %get3A_865 = tpu.vector_load %get3A_862[%get3A_863, %get3A_864] {strides = array<i32>} : memref<100x64xf32, #tpu.memory_space<vmem>>, vector<1x16xf32>,
        %get3A_866 = vector.shape_cast %get3A_865 : vector<1x16xf32> to vector<16xf32>
        %add3A_867 = arith.addf %add3A_787, %get3A_866 : vector<16xf32>
        %mul3A_868 = arith.constant 10 : i32
        %mul3A_869 = arith.muli %scan3A_540, %mul3A_868 : i32
        %add3A_870 = arith.constant 8 : i32
        %add3A_871 = arith.addi %mul3A_869, %add3A_870 : i32
        %get3A_872 = arith.constant 0 : i32
        %get3A_873 = arith.constant 0 : i32
        %get3A_874 = tpu.memref_slice %arg6[%scan3A_245, %get3A_872, %get3A_873] : memref<8x100x64xf32, #tpu.memory_space<vmem>> -> memref<1x100x64xf32, #tpu.memory_space<vmem>>
        %get3A_875 = tpu.memref_squeeze %get3A_874 : memref<1x100x64xf32, #tpu.memory_space<vmem>> -> memref<100x64xf32, #tpu.memory_space<vmem>>
        %get3A_876 = arith.index_cast %add3A_871 : i32 to index
        %get3A_877 = arith.constant 0 : index
        %get3A_878 = tpu.vector_load %get3A_875[%get3A_876, %get3A_877] {strides = array<i32>} : memref<100x64xf32, #tpu.memory_space<vmem>>, vector<1x16xf32>,
        %get3A_879 = vector.shape_cast %get3A_878 : vector<1x16xf32> to vector<16xf32>
        %add3A_880 = arith.addf %add3A_800, %get3A_879 : vector<16xf32>
        %get3A_881 = arith.constant 0 : i32
        %get3A_882 = arith.constant 0 : i32
        %get3A_883 = tpu.memref_slice %arg6[%scan3A_245, %get3A_881, %get3A_882] : memref<8x100x64xf32, #tpu.memory_space<vmem>> -> memref<1x100x64xf32, #tpu.memory_space<vmem>>
        %get3A_884 = tpu.memref_squeeze %get3A_883 : memref<1x100x64xf32, #tpu.memory_space<vmem>> -> memref<100x64xf32, #tpu.memory_space<vmem>>
        %get3A_885 = arith.index_cast %add3A_871 : i32 to index
        %get3A_886 = arith.constant 16 : index
        %get3A_887 = tpu.vector_load %get3A_884[%get3A_885, %get3A_886] {strides = array<i32>} : memref<100x64xf32, #tpu.memory_space<vmem>>, vector<1x16xf32>,
        %get3A_888 = vector.shape_cast %get3A_887 : vector<1x16xf32> to vector<16xf32>
        %add3A_889 = arith.addf %add3A_809, %get3A_888 : vector<16xf32>
        %get3A_890 = arith.constant 0 : i32
        %get3A_891 = arith.constant 0 : i32
        %get3A_892 = tpu.memref_slice %arg6[%scan3A_245, %get3A_890, %get3A_891] : memref<8x100x64xf32, #tpu.memory_space<vmem>> -> memref<1x100x64xf32, #tpu.memory_space<vmem>>
        %get3A_893 = tpu.memref_squeeze %get3A_892 : memref<1x100x64xf32, #tpu.memory_space<vmem>> -> memref<100x64xf32, #tpu.memory_space<vmem>>
        %get3A_894 = arith.index_cast %add3A_871 : i32 to index
        %get3A_895 = arith.constant 32 : index
        %get3A_896 = tpu.vector_load %get3A_893[%get3A_894, %get3A_895] {strides = array<i32>} : memref<100x64xf32, #tpu.memory_space<vmem>>, vector<1x16xf32>,
        %get3A_897 = vector.shape_cast %get3A_896 : vector<1x16xf32> to vector<16xf32>
        %add3A_898 = arith.addf %add3A_818, %get3A_897 : vector<16xf32>
        %get3A_899 = arith.constant 0 : i32
        %get3A_900 = arith.constant 0 : i32
        %get3A_901 = tpu.memref_slice %arg6[%scan3A_245, %get3A_899, %get3A_900] : memref<8x100x64xf32, #tpu.memory_space<vmem>> -> memref<1x100x64xf32, #tpu.memory_space<vmem>>
        %get3A_902 = tpu.memref_squeeze %get3A_901 : memref<1x100x64xf32, #tpu.memory_space<vmem>> -> memref<100x64xf32, #tpu.memory_space<vmem>>
        %get3A_903 = arith.index_cast %add3A_871 : i32 to index
        %get3A_904 = arith.constant 48 : index
        %get3A_905 = tpu.vector_load %get3A_902[%get3A_903, %get3A_904] {strides = array<i32>} : memref<100x64xf32, #tpu.memory_space<vmem>>, vector<1x16xf32>,
        %get3A_906 = vector.shape_cast %get3A_905 : vector<1x16xf32> to vector<16xf32>
        %add3A_907 = arith.addf %add3A_827, %get3A_906 : vector<16xf32>
        %mul3A_908 = arith.constant 10 : i32
        %mul3A_909 = arith.muli %scan3A_540, %mul3A_908 : i32
        %add3A_910 = arith.constant 9 : i32
        %add3A_911 = arith.addi %mul3A_909, %add3A_910 : i32
        %get3A_912 = arith.constant 0 : i32
        %get3A_913 = arith.constant 0 : i32
        %get3A_914 = tpu.memref_slice %arg6[%scan3A_245, %get3A_912, %get3A_913] : memref<8x100x64xf32, #tpu.memory_space<vmem>> -> memref<1x100x64xf32, #tpu.memory_space<vmem>>
        %get3A_915 = tpu.memref_squeeze %get3A_914 : memref<1x100x64xf32, #tpu.memory_space<vmem>> -> memref<100x64xf32, #tpu.memory_space<vmem>>
        %get3A_916 = arith.index_cast %add3A_911 : i32 to index
        %get3A_917 = arith.constant 0 : index
        %get3A_918 = tpu.vector_load %get3A_915[%get3A_916, %get3A_917] {strides = array<i32>} : memref<100x64xf32, #tpu.memory_space<vmem>>, vector<1x16xf32>,
        %get3A_919 = vector.shape_cast %get3A_918 : vector<1x16xf32> to vector<16xf32>
        %add3A_920 = arith.addf %add3A_840, %get3A_919 : vector<16xf32>
        %get3A_921 = arith.constant 0 : i32
        %get3A_922 = arith.constant 0 : i32
        %get3A_923 = tpu.memref_slice %arg6[%scan3A_245, %get3A_921, %get3A_922] : memref<8x100x64xf32, #tpu.memory_space<vmem>> -> memref<1x100x64xf32, #tpu.memory_space<vmem>>
        %get3A_924 = tpu.memref_squeeze %get3A_923 : memref<1x100x64xf32, #tpu.memory_space<vmem>> -> memref<100x64xf32, #tpu.memory_space<vmem>>
        %get3A_925 = arith.index_cast %add3A_911 : i32 to index
        %get3A_926 = arith.constant 16 : index
        %get3A_927 = tpu.vector_load %get3A_924[%get3A_925, %get3A_926] {strides = array<i32>} : memref<100x64xf32, #tpu.memory_space<vmem>>, vector<1x16xf32>,
        %get3A_928 = vector.shape_cast %get3A_927 : vector<1x16xf32> to vector<16xf32>
        %add3A_929 = arith.addf %add3A_849, %get3A_928 : vector<16xf32>
        %get3A_930 = arith.constant 0 : i32
        %get3A_931 = arith.constant 0 : i32
        %get3A_932 = tpu.memref_slice %arg6[%scan3A_245, %get3A_930, %get3A_931] : memref<8x100x64xf32, #tpu.memory_space<vmem>> -> memref<1x100x64xf32, #tpu.memory_space<vmem>>
        %get3A_933 = tpu.memref_squeeze %get3A_932 : memref<1x100x64xf32, #tpu.memory_space<vmem>> -> memref<100x64xf32, #tpu.memory_space<vmem>>
        %get3A_934 = arith.index_cast %add3A_911 : i32 to index
        %get3A_935 = arith.constant 32 : index
        %get3A_936 = tpu.vector_load %get3A_933[%get3A_934, %get3A_935] {strides = array<i32>} : memref<100x64xf32, #tpu.memory_space<vmem>>, vector<1x16xf32>,
        %get3A_937 = vector.shape_cast %get3A_936 : vector<1x16xf32> to vector<16xf32>
        %add3A_938 = arith.addf %add3A_858, %get3A_937 : vector<16xf32>
        %get3A_939 = arith.constant 0 : i32
        %get3A_940 = arith.constant 0 : i32
        %get3A_941 = tpu.memref_slice %arg6[%scan3A_245, %get3A_939, %get3A_940] : memref<8x100x64xf32, #tpu.memory_space<vmem>> -> memref<1x100x64xf32, #tpu.memory_space<vmem>>
        %get3A_942 = tpu.memref_squeeze %get3A_941 : memref<1x100x64xf32, #tpu.memory_space<vmem>> -> memref<100x64xf32, #tpu.memory_space<vmem>>
        %get3A_943 = arith.index_cast %add3A_911 : i32 to index
        %get3A_944 = arith.constant 48 : index
        %get3A_945 = tpu.vector_load %get3A_942[%get3A_943, %get3A_944] {strides = array<i32>} : memref<100x64xf32, #tpu.memory_space<vmem>>, vector<1x16xf32>,
        %get3A_946 = vector.shape_cast %get3A_945 : vector<1x16xf32> to vector<16xf32>
        %add3A_947 = arith.addf %add3A_867, %get3A_946 : vector<16xf32>
        scf.yield %add3A_880, %add3A_889, %add3A_898, %add3A_907, %add3A_920, %add3A_929, %add3A_938, %add3A_947 : vector<16xf32>, vector<16xf32>, vector<16xf32>, vector<16xf32>, vector<16xf32>, vector<16xf32>, vector<16xf32>, vector<16xf32>
      }
      %scan3A_251 = arith.constant 10 : i32
      %lt3A_252 = arith.constant 31 : i32
      %lt3A_253 = arith.cmpi slt, %scan3A_105, %lt3A_252 : i32
      %convert_element_type3A_254 = arith.extui %lt3A_253 : i1 to i32
      %cond3A_255 = arith.constant 0 : i32
      %cond3A_256 = arith.cmpi ne, %convert_element_type3A_254, %cond3A_255 : i32
      scf.if %cond3A_256 {
        %add3A_540 = arith.constant 8 : i32
        %add3A_541 = arith.addi %add3A_233, %add3A_540 : i32
        %dma_start3A_542 = arith.constant 2 : i32
        %dma_start3A_543 = arith.constant 0 : i32
        %dma_start3A_544 = arith.constant 0 : i32
        %dma_start3A_545 = tpu.memref_slice %arg6[%dma_start3A_542, %dma_start3A_543, %dma_start3A_544] : memref<8x100x64xf32, #tpu.memory_space<vmem>> -> memref<1x100x64xf32, #tpu.memory_space<vmem>>
        %dma_start3A_546 = tpu.memref_squeeze %dma_start3A_545 : memref<1x100x64xf32, #tpu.memory_space<vmem>> -> memref<100x64xf32, #tpu.memory_space<vmem>>
        %dma_start3A_547 = arith.constant 0 : i32
        %dma_start3A_548 = tpu.memref_slice %arg5[%add3A_541, %dma_start3A_547] : memref<256x100xi32, #tpu.memory_space<vmem>> -> memref<1x100xi32, #tpu.memory_space<vmem>>
        %dma_start3A_549 = tpu.memref_squeeze %dma_start3A_548 : memref<1x100xi32, #tpu.memory_space<vmem>> -> memref<100xi32, #tpu.memory_space<vmem>>
        %dma_start3A_550 = arith.constant 0 : i32
        %dma_start3A_551 = arith.constant 0 : i32
        %dma_start3A_552 = tpu.memref_slice %arg3[%dma_start3A_550, %dma_start3A_551] : memref<1000000x64xf32, #tpu.memory_space<hbm>> -> memref<1000000x64xf32, #tpu.memory_space<hbm>>
        tpu.enqueue_indirect_dma source(%dma_start3A_552 : memref<1000000x64xf32, #tpu.memory_space<hbm>>) target(%dma_start3A_546 : memref<100x64xf32, #tpu.memory_space<vmem>>) offsets(%dma_start3A_549 : memref<100xi32, #tpu.memory_space<vmem>>) semaphore(%arg10 : memref<!tpu.dma_semaphore, #tpu.memory_space<semaphore_mem>>)
      } else {
      }
      %mul3A_257 = arith.constant 8 : i32
      %mul3A_258 = arith.muli %mul3A_257, %scan3A_105 : i32
      %add3A_259 = arith.constant 3 : i32
      %add3A_260 = arith.addi %mul3A_258, %add3A_259 : i32
      %dma_wait3A_261 = arith.constant 3 : i32
      %dma_wait3A_262 = arith.constant 0 : i32
      %dma_wait3A_263 = arith.constant 0 : i32
      %dma_wait3A_264 = tpu.memref_slice %arg6[%dma_wait3A_261, %dma_wait3A_262, %dma_wait3A_263] : memref<8x100x64xf32, #tpu.memory_space<vmem>> -> memref<1x100x64xf32, #tpu.memory_space<vmem>>
      %dma_wait3A_265 = tpu.memref_squeeze %dma_wait3A_264 : memref<1x100x64xf32, #tpu.memory_space<vmem>> -> memref<100x64xf32, #tpu.memory_space<vmem>>
      %dma_wait3A_266 = arith.constant 0 : i32
      %dma_wait3A_267 = tpu.memref_slice %arg5[%add3A_260, %dma_wait3A_266] : memref<256x100xi32, #tpu.memory_space<vmem>> -> memref<1x100xi32, #tpu.memory_space<vmem>>
      %dma_wait3A_268 = tpu.memref_squeeze %dma_wait3A_267 : memref<1x100xi32, #tpu.memory_space<vmem>> -> memref<100xi32, #tpu.memory_space<vmem>>
      %dma_wait3A_269 = arith.constant 0 : i32
      %dma_wait3A_270 = arith.constant 0 : i32
      %dma_wait3A_271 = tpu.memref_slice %arg3[%dma_wait3A_269, %dma_wait3A_270] : memref<1000000x64xf32, #tpu.memory_space<hbm>> -> memref<1000000x64xf32, #tpu.memory_space<hbm>>
      tpu.wait_indirect_dma semaphore(%arg11 : memref<!tpu.dma_semaphore, #tpu.memory_space<semaphore_mem>>) src(%dma_wait3A_271 : memref<1000000x64xf32, #tpu.memory_space<hbm>>) dst(%dma_wait3A_265 : memref<100x64xf32, #tpu.memory_space<vmem>>)
      %scan3A_272 = arith.constant 3 : i32
      %scan3A_273 = arith.constant 0 : i32
      %scan3A_274 = arith.constant 10 : i32
      %scan3A_275 = arith.addi %scan3A_273, %scan3A_274 : i32
      %scan3A_276 = arith.constant 1 : i32
      %scan3A_277:8 = scf.for %scan3A_540 = %scan3A_273 to %scan3A_275 step %scan3A_276 iter_args(%scan3A_541 = %scan3A_250#0, %scan3A_542 = %scan3A_250#1, %scan3A_543 = %scan3A_250#2, %scan3A_544 = %scan3A_250#3, %scan3A_545 = %scan3A_250#4, %scan3A_546 = %scan3A_250#5, %scan3A_547 = %scan3A_250#6, %scan3A_548 = %scan3A_250#7) -> (vector<16xf32>, vector<16xf32>, vector<16xf32>, vector<16xf32>, vector<16xf32>, vector<16xf32>, vector<16xf32>, vector<16xf32>)  : i32 {
        %mul3A_549 = arith.constant 10 : i32
        %mul3A_550 = arith.muli %scan3A_540, %mul3A_549 : i32
        %add3A_551 = arith.constant 0 : i32
        %add3A_552 = arith.addi %mul3A_550, %add3A_551 : i32
        %get3A = arith.constant 0 : i32
        %get3A_553 = arith.constant 0 : i32
        %get3A_554 = tpu.memref_slice %arg6[%scan3A_272, %get3A, %get3A_553] : memref<8x100x64xf32, #tpu.memory_space<vmem>> -> memref<1x100x64xf32, #tpu.memory_space<vmem>>
        %get3A_555 = tpu.memref_squeeze %get3A_554 : memref<1x100x64xf32, #tpu.memory_space<vmem>> -> memref<100x64xf32, #tpu.memory_space<vmem>>
        %get3A_556 = arith.index_cast %add3A_552 : i32 to index
        %get3A_557 = arith.constant 0 : index
        %get3A_558 = tpu.vector_load %get3A_555[%get3A_556, %get3A_557] {strides = array<i32>} : memref<100x64xf32, #tpu.memory_space<vmem>>, vector<1x16xf32>,
        %get3A_559 = vector.shape_cast %get3A_558 : vector<1x16xf32> to vector<16xf32>
        %add3A_560 = arith.addf %scan3A_541, %get3A_559 : vector<16xf32>
        %get3A_561 = arith.constant 0 : i32
        %get3A_562 = arith.constant 0 : i32
        %get3A_563 = tpu.memref_slice %arg6[%scan3A_272, %get3A_561, %get3A_562] : memref<8x100x64xf32, #tpu.memory_space<vmem>> -> memref<1x100x64xf32, #tpu.memory_space<vmem>>
        %get3A_564 = tpu.memref_squeeze %get3A_563 : memref<1x100x64xf32, #tpu.memory_space<vmem>> -> memref<100x64xf32, #tpu.memory_space<vmem>>
        %get3A_565 = arith.index_cast %add3A_552 : i32 to index
        %get3A_566 = arith.constant 16 : index
        %get3A_567 = tpu.vector_load %get3A_564[%get3A_565, %get3A_566] {strides = array<i32>} : memref<100x64xf32, #tpu.memory_space<vmem>>, vector<1x16xf32>,
        %get3A_568 = vector.shape_cast %get3A_567 : vector<1x16xf32> to vector<16xf32>
        %add3A_569 = arith.addf %scan3A_542, %get3A_568 : vector<16xf32>
        %get3A_570 = arith.constant 0 : i32
        %get3A_571 = arith.constant 0 : i32
        %get3A_572 = tpu.memref_slice %arg6[%scan3A_272, %get3A_570, %get3A_571] : memref<8x100x64xf32, #tpu.memory_space<vmem>> -> memref<1x100x64xf32, #tpu.memory_space<vmem>>
        %get3A_573 = tpu.memref_squeeze %get3A_572 : memref<1x100x64xf32, #tpu.memory_space<vmem>> -> memref<100x64xf32, #tpu.memory_space<vmem>>
        %get3A_574 = arith.index_cast %add3A_552 : i32 to index
        %get3A_575 = arith.constant 32 : index
        %get3A_576 = tpu.vector_load %get3A_573[%get3A_574, %get3A_575] {strides = array<i32>} : memref<100x64xf32, #tpu.memory_space<vmem>>, vector<1x16xf32>,
        %get3A_577 = vector.shape_cast %get3A_576 : vector<1x16xf32> to vector<16xf32>
        %add3A_578 = arith.addf %scan3A_543, %get3A_577 : vector<16xf32>
        %get3A_579 = arith.constant 0 : i32
        %get3A_580 = arith.constant 0 : i32
        %get3A_581 = tpu.memref_slice %arg6[%scan3A_272, %get3A_579, %get3A_580] : memref<8x100x64xf32, #tpu.memory_space<vmem>> -> memref<1x100x64xf32, #tpu.memory_space<vmem>>
        %get3A_582 = tpu.memref_squeeze %get3A_581 : memref<1x100x64xf32, #tpu.memory_space<vmem>> -> memref<100x64xf32, #tpu.memory_space<vmem>>
        %get3A_583 = arith.index_cast %add3A_552 : i32 to index
        %get3A_584 = arith.constant 48 : index
        %get3A_585 = tpu.vector_load %get3A_582[%get3A_583, %get3A_584] {strides = array<i32>} : memref<100x64xf32, #tpu.memory_space<vmem>>, vector<1x16xf32>,
        %get3A_586 = vector.shape_cast %get3A_585 : vector<1x16xf32> to vector<16xf32>
        %add3A_587 = arith.addf %scan3A_544, %get3A_586 : vector<16xf32>
        %mul3A_588 = arith.constant 10 : i32
        %mul3A_589 = arith.muli %scan3A_540, %mul3A_588 : i32
        %add3A_590 = arith.constant 1 : i32
        %add3A_591 = arith.addi %mul3A_589, %add3A_590 : i32
        %get3A_592 = arith.constant 0 : i32
        %get3A_593 = arith.constant 0 : i32
        %get3A_594 = tpu.memref_slice %arg6[%scan3A_272, %get3A_592, %get3A_593] : memref<8x100x64xf32, #tpu.memory_space<vmem>> -> memref<1x100x64xf32, #tpu.memory_space<vmem>>
        %get3A_595 = tpu.memref_squeeze %get3A_594 : memref<1x100x64xf32, #tpu.memory_space<vmem>> -> memref<100x64xf32, #tpu.memory_space<vmem>>
        %get3A_596 = arith.index_cast %add3A_591 : i32 to index
        %get3A_597 = arith.constant 0 : index
        %get3A_598 = tpu.vector_load %get3A_595[%get3A_596, %get3A_597] {strides = array<i32>} : memref<100x64xf32, #tpu.memory_space<vmem>>, vector<1x16xf32>,
        %get3A_599 = vector.shape_cast %get3A_598 : vector<1x16xf32> to vector<16xf32>
        %add3A_600 = arith.addf %scan3A_545, %get3A_599 : vector<16xf32>
        %get3A_601 = arith.constant 0 : i32
        %get3A_602 = arith.constant 0 : i32
        %get3A_603 = tpu.memref_slice %arg6[%scan3A_272, %get3A_601, %get3A_602] : memref<8x100x64xf32, #tpu.memory_space<vmem>> -> memref<1x100x64xf32, #tpu.memory_space<vmem>>
        %get3A_604 = tpu.memref_squeeze %get3A_603 : memref<1x100x64xf32, #tpu.memory_space<vmem>> -> memref<100x64xf32, #tpu.memory_space<vmem>>
        %get3A_605 = arith.index_cast %add3A_591 : i32 to index
        %get3A_606 = arith.constant 16 : index
        %get3A_607 = tpu.vector_load %get3A_604[%get3A_605, %get3A_606] {strides = array<i32>} : memref<100x64xf32, #tpu.memory_space<vmem>>, vector<1x16xf32>,
        %get3A_608 = vector.shape_cast %get3A_607 : vector<1x16xf32> to vector<16xf32>
        %add3A_609 = arith.addf %scan3A_546, %get3A_608 : vector<16xf32>
        %get3A_610 = arith.constant 0 : i32
        %get3A_611 = arith.constant 0 : i32
        %get3A_612 = tpu.memref_slice %arg6[%scan3A_272, %get3A_610, %get3A_611] : memref<8x100x64xf32, #tpu.memory_space<vmem>> -> memref<1x100x64xf32, #tpu.memory_space<vmem>>
        %get3A_613 = tpu.memref_squeeze %get3A_612 : memref<1x100x64xf32, #tpu.memory_space<vmem>> -> memref<100x64xf32, #tpu.memory_space<vmem>>
        %get3A_614 = arith.index_cast %add3A_591 : i32 to index
        %get3A_615 = arith.constant 32 : index
        %get3A_616 = tpu.vector_load %get3A_613[%get3A_614, %get3A_615] {strides = array<i32>} : memref<100x64xf32, #tpu.memory_space<vmem>>, vector<1x16xf32>,
        %get3A_617 = vector.shape_cast %get3A_616 : vector<1x16xf32> to vector<16xf32>
        %add3A_618 = arith.addf %scan3A_547, %get3A_617 : vector<16xf32>
        %get3A_619 = arith.constant 0 : i32
        %get3A_620 = arith.constant 0 : i32
        %get3A_621 = tpu.memref_slice %arg6[%scan3A_272, %get3A_619, %get3A_620] : memref<8x100x64xf32, #tpu.memory_space<vmem>> -> memref<1x100x64xf32, #tpu.memory_space<vmem>>
        %get3A_622 = tpu.memref_squeeze %get3A_621 : memref<1x100x64xf32, #tpu.memory_space<vmem>> -> memref<100x64xf32, #tpu.memory_space<vmem>>
        %get3A_623 = arith.index_cast %add3A_591 : i32 to index
        %get3A_624 = arith.constant 48 : index
        %get3A_625 = tpu.vector_load %get3A_622[%get3A_623, %get3A_624] {strides = array<i32>} : memref<100x64xf32, #tpu.memory_space<vmem>>, vector<1x16xf32>,
        %get3A_626 = vector.shape_cast %get3A_625 : vector<1x16xf32> to vector<16xf32>
        %add3A_627 = arith.addf %scan3A_548, %get3A_626 : vector<16xf32>
        %mul3A_628 = arith.constant 10 : i32
        %mul3A_629 = arith.muli %scan3A_540, %mul3A_628 : i32
        %add3A_630 = arith.constant 2 : i32
        %add3A_631 = arith.addi %mul3A_629, %add3A_630 : i32
        %get3A_632 = arith.constant 0 : i32
        %get3A_633 = arith.constant 0 : i32
        %get3A_634 = tpu.memref_slice %arg6[%scan3A_272, %get3A_632, %get3A_633] : memref<8x100x64xf32, #tpu.memory_space<vmem>> -> memref<1x100x64xf32, #tpu.memory_space<vmem>>
        %get3A_635 = tpu.memref_squeeze %get3A_634 : memref<1x100x64xf32, #tpu.memory_space<vmem>> -> memref<100x64xf32, #tpu.memory_space<vmem>>
        %get3A_636 = arith.index_cast %add3A_631 : i32 to index
        %get3A_637 = arith.constant 0 : index
        %get3A_638 = tpu.vector_load %get3A_635[%get3A_636, %get3A_637] {strides = array<i32>} : memref<100x64xf32, #tpu.memory_space<vmem>>, vector<1x16xf32>,
        %get3A_639 = vector.shape_cast %get3A_638 : vector<1x16xf32> to vector<16xf32>
        %add3A_640 = arith.addf %add3A_560, %get3A_639 : vector<16xf32>
        %get3A_641 = arith.constant 0 : i32
        %get3A_642 = arith.constant 0 : i32
        %get3A_643 = tpu.memref_slice %arg6[%scan3A_272, %get3A_641, %get3A_642] : memref<8x100x64xf32, #tpu.memory_space<vmem>> -> memref<1x100x64xf32, #tpu.memory_space<vmem>>
        %get3A_644 = tpu.memref_squeeze %get3A_643 : memref<1x100x64xf32, #tpu.memory_space<vmem>> -> memref<100x64xf32, #tpu.memory_space<vmem>>
        %get3A_645 = arith.index_cast %add3A_631 : i32 to index
        %get3A_646 = arith.constant 16 : index
        %get3A_647 = tpu.vector_load %get3A_644[%get3A_645, %get3A_646] {strides = array<i32>} : memref<100x64xf32, #tpu.memory_space<vmem>>, vector<1x16xf32>,
        %get3A_648 = vector.shape_cast %get3A_647 : vector<1x16xf32> to vector<16xf32>
        %add3A_649 = arith.addf %add3A_569, %get3A_648 : vector<16xf32>
        %get3A_650 = arith.constant 0 : i32
        %get3A_651 = arith.constant 0 : i32
        %get3A_652 = tpu.memref_slice %arg6[%scan3A_272, %get3A_650, %get3A_651] : memref<8x100x64xf32, #tpu.memory_space<vmem>> -> memref<1x100x64xf32, #tpu.memory_space<vmem>>
        %get3A_653 = tpu.memref_squeeze %get3A_652 : memref<1x100x64xf32, #tpu.memory_space<vmem>> -> memref<100x64xf32, #tpu.memory_space<vmem>>
        %get3A_654 = arith.index_cast %add3A_631 : i32 to index
        %get3A_655 = arith.constant 32 : index
        %get3A_656 = tpu.vector_load %get3A_653[%get3A_654, %get3A_655] {strides = array<i32>} : memref<100x64xf32, #tpu.memory_space<vmem>>, vector<1x16xf32>,
        %get3A_657 = vector.shape_cast %get3A_656 : vector<1x16xf32> to vector<16xf32>
        %add3A_658 = arith.addf %add3A_578, %get3A_657 : vector<16xf32>
        %get3A_659 = arith.constant 0 : i32
        %get3A_660 = arith.constant 0 : i32
        %get3A_661 = tpu.memref_slice %arg6[%scan3A_272, %get3A_659, %get3A_660] : memref<8x100x64xf32, #tpu.memory_space<vmem>> -> memref<1x100x64xf32, #tpu.memory_space<vmem>>
        %get3A_662 = tpu.memref_squeeze %get3A_661 : memref<1x100x64xf32, #tpu.memory_space<vmem>> -> memref<100x64xf32, #tpu.memory_space<vmem>>
        %get3A_663 = arith.index_cast %add3A_631 : i32 to index
        %get3A_664 = arith.constant 48 : index
        %get3A_665 = tpu.vector_load %get3A_662[%get3A_663, %get3A_664] {strides = array<i32>} : memref<100x64xf32, #tpu.memory_space<vmem>>, vector<1x16xf32>,
        %get3A_666 = vector.shape_cast %get3A_665 : vector<1x16xf32> to vector<16xf32>
        %add3A_667 = arith.addf %add3A_587, %get3A_666 : vector<16xf32>
        %mul3A_668 = arith.constant 10 : i32
        %mul3A_669 = arith.muli %scan3A_540, %mul3A_668 : i32
        %add3A_670 = arith.constant 3 : i32
        %add3A_671 = arith.addi %mul3A_669, %add3A_670 : i32
        %get3A_672 = arith.constant 0 : i32
        %get3A_673 = arith.constant 0 : i32
        %get3A_674 = tpu.memref_slice %arg6[%scan3A_272, %get3A_672, %get3A_673] : memref<8x100x64xf32, #tpu.memory_space<vmem>> -> memref<1x100x64xf32, #tpu.memory_space<vmem>>
        %get3A_675 = tpu.memref_squeeze %get3A_674 : memref<1x100x64xf32, #tpu.memory_space<vmem>> -> memref<100x64xf32, #tpu.memory_space<vmem>>
        %get3A_676 = arith.index_cast %add3A_671 : i32 to index
        %get3A_677 = arith.constant 0 : index
        %get3A_678 = tpu.vector_load %get3A_675[%get3A_676, %get3A_677] {strides = array<i32>} : memref<100x64xf32, #tpu.memory_space<vmem>>, vector<1x16xf32>,
        %get3A_679 = vector.shape_cast %get3A_678 : vector<1x16xf32> to vector<16xf32>
        %add3A_680 = arith.addf %add3A_600, %get3A_679 : vector<16xf32>
        %get3A_681 = arith.constant 0 : i32
        %get3A_682 = arith.constant 0 : i32
        %get3A_683 = tpu.memref_slice %arg6[%scan3A_272, %get3A_681, %get3A_682] : memref<8x100x64xf32, #tpu.memory_space<vmem>> -> memref<1x100x64xf32, #tpu.memory_space<vmem>>
        %get3A_684 = tpu.memref_squeeze %get3A_683 : memref<1x100x64xf32, #tpu.memory_space<vmem>> -> memref<100x64xf32, #tpu.memory_space<vmem>>
        %get3A_685 = arith.index_cast %add3A_671 : i32 to index
        %get3A_686 = arith.constant 16 : index
        %get3A_687 = tpu.vector_load %get3A_684[%get3A_685, %get3A_686] {strides = array<i32>} : memref<100x64xf32, #tpu.memory_space<vmem>>, vector<1x16xf32>,
        %get3A_688 = vector.shape_cast %get3A_687 : vector<1x16xf32> to vector<16xf32>
        %add3A_689 = arith.addf %add3A_609, %get3A_688 : vector<16xf32>
        %get3A_690 = arith.constant 0 : i32
        %get3A_691 = arith.constant 0 : i32
        %get3A_692 = tpu.memref_slice %arg6[%scan3A_272, %get3A_690, %get3A_691] : memref<8x100x64xf32, #tpu.memory_space<vmem>> -> memref<1x100x64xf32, #tpu.memory_space<vmem>>
        %get3A_693 = tpu.memref_squeeze %get3A_692 : memref<1x100x64xf32, #tpu.memory_space<vmem>> -> memref<100x64xf32, #tpu.memory_space<vmem>>
        %get3A_694 = arith.index_cast %add3A_671 : i32 to index
        %get3A_695 = arith.constant 32 : index
        %get3A_696 = tpu.vector_load %get3A_693[%get3A_694, %get3A_695] {strides = array<i32>} : memref<100x64xf32, #tpu.memory_space<vmem>>, vector<1x16xf32>,
        %get3A_697 = vector.shape_cast %get3A_696 : vector<1x16xf32> to vector<16xf32>
        %add3A_698 = arith.addf %add3A_618, %get3A_697 : vector<16xf32>
        %get3A_699 = arith.constant 0 : i32
        %get3A_700 = arith.constant 0 : i32
        %get3A_701 = tpu.memref_slice %arg6[%scan3A_272, %get3A_699, %get3A_700] : memref<8x100x64xf32, #tpu.memory_space<vmem>> -> memref<1x100x64xf32, #tpu.memory_space<vmem>>
        %get3A_702 = tpu.memref_squeeze %get3A_701 : memref<1x100x64xf32, #tpu.memory_space<vmem>> -> memref<100x64xf32, #tpu.memory_space<vmem>>
        %get3A_703 = arith.index_cast %add3A_671 : i32 to index
        %get3A_704 = arith.constant 48 : index
        %get3A_705 = tpu.vector_load %get3A_702[%get3A_703, %get3A_704] {strides = array<i32>} : memref<100x64xf32, #tpu.memory_space<vmem>>, vector<1x16xf32>,
        %get3A_706 = vector.shape_cast %get3A_705 : vector<1x16xf32> to vector<16xf32>
        %add3A_707 = arith.addf %add3A_627, %get3A_706 : vector<16xf32>
        %mul3A_708 = arith.constant 10 : i32
        %mul3A_709 = arith.muli %scan3A_540, %mul3A_708 : i32
        %add3A_710 = arith.constant 4 : i32
        %add3A_711 = arith.addi %mul3A_709, %add3A_710 : i32
        %get3A_712 = arith.constant 0 : i32
        %get3A_713 = arith.constant 0 : i32
        %get3A_714 = tpu.memref_slice %arg6[%scan3A_272, %get3A_712, %get3A_713] : memref<8x100x64xf32, #tpu.memory_space<vmem>> -> memref<1x100x64xf32, #tpu.memory_space<vmem>>
        %get3A_715 = tpu.memref_squeeze %get3A_714 : memref<1x100x64xf32, #tpu.memory_space<vmem>> -> memref<100x64xf32, #tpu.memory_space<vmem>>
        %get3A_716 = arith.index_cast %add3A_711 : i32 to index
        %get3A_717 = arith.constant 0 : index
        %get3A_718 = tpu.vector_load %get3A_715[%get3A_716, %get3A_717] {strides = array<i32>} : memref<100x64xf32, #tpu.memory_space<vmem>>, vector<1x16xf32>,
        %get3A_719 = vector.shape_cast %get3A_718 : vector<1x16xf32> to vector<16xf32>
        %add3A_720 = arith.addf %add3A_640, %get3A_719 : vector<16xf32>
        %get3A_721 = arith.constant 0 : i32
        %get3A_722 = arith.constant 0 : i32
        %get3A_723 = tpu.memref_slice %arg6[%scan3A_272, %get3A_721, %get3A_722] : memref<8x100x64xf32, #tpu.memory_space<vmem>> -> memref<1x100x64xf32, #tpu.memory_space<vmem>>
        %get3A_724 = tpu.memref_squeeze %get3A_723 : memref<1x100x64xf32, #tpu.memory_space<vmem>> -> memref<100x64xf32, #tpu.memory_space<vmem>>
        %get3A_725 = arith.index_cast %add3A_711 : i32 to index
        %get3A_726 = arith.constant 16 : index
        %get3A_727 = tpu.vector_load %get3A_724[%get3A_725, %get3A_726] {strides = array<i32>} : memref<100x64xf32, #tpu.memory_space<vmem>>, vector<1x16xf32>,
        %get3A_728 = vector.shape_cast %get3A_727 : vector<1x16xf32> to vector<16xf32>
        %add3A_729 = arith.addf %add3A_649, %get3A_728 : vector<16xf32>
        %get3A_730 = arith.constant 0 : i32
        %get3A_731 = arith.constant 0 : i32
        %get3A_732 = tpu.memref_slice %arg6[%scan3A_272, %get3A_730, %get3A_731] : memref<8x100x64xf32, #tpu.memory_space<vmem>> -> memref<1x100x64xf32, #tpu.memory_space<vmem>>
        %get3A_733 = tpu.memref_squeeze %get3A_732 : memref<1x100x64xf32, #tpu.memory_space<vmem>> -> memref<100x64xf32, #tpu.memory_space<vmem>>
        %get3A_734 = arith.index_cast %add3A_711 : i32 to index
        %get3A_735 = arith.constant 32 : index
        %get3A_736 = tpu.vector_load %get3A_733[%get3A_734, %get3A_735] {strides = array<i32>} : memref<100x64xf32, #tpu.memory_space<vmem>>, vector<1x16xf32>,
        %get3A_737 = vector.shape_cast %get3A_736 : vector<1x16xf32> to vector<16xf32>
        %add3A_738 = arith.addf %add3A_658, %get3A_737 : vector<16xf32>
        %get3A_739 = arith.constant 0 : i32
        %get3A_740 = arith.constant 0 : i32
        %get3A_741 = tpu.memref_slice %arg6[%scan3A_272, %get3A_739, %get3A_740] : memref<8x100x64xf32, #tpu.memory_space<vmem>> -> memref<1x100x64xf32, #tpu.memory_space<vmem>>
        %get3A_742 = tpu.memref_squeeze %get3A_741 : memref<1x100x64xf32, #tpu.memory_space<vmem>> -> memref<100x64xf32, #tpu.memory_space<vmem>>
        %get3A_743 = arith.index_cast %add3A_711 : i32 to index
        %get3A_744 = arith.constant 48 : index
        %get3A_745 = tpu.vector_load %get3A_742[%get3A_743, %get3A_744] {strides = array<i32>} : memref<100x64xf32, #tpu.memory_space<vmem>>, vector<1x16xf32>,
        %get3A_746 = vector.shape_cast %get3A_745 : vector<1x16xf32> to vector<16xf32>
        %add3A_747 = arith.addf %add3A_667, %get3A_746 : vector<16xf32>
        %mul3A_748 = arith.constant 10 : i32
        %mul3A_749 = arith.muli %scan3A_540, %mul3A_748 : i32
        %add3A_750 = arith.constant 5 : i32
        %add3A_751 = arith.addi %mul3A_749, %add3A_750 : i32
        %get3A_752 = arith.constant 0 : i32
        %get3A_753 = arith.constant 0 : i32
        %get3A_754 = tpu.memref_slice %arg6[%scan3A_272, %get3A_752, %get3A_753] : memref<8x100x64xf32, #tpu.memory_space<vmem>> -> memref<1x100x64xf32, #tpu.memory_space<vmem>>
        %get3A_755 = tpu.memref_squeeze %get3A_754 : memref<1x100x64xf32, #tpu.memory_space<vmem>> -> memref<100x64xf32, #tpu.memory_space<vmem>>
        %get3A_756 = arith.index_cast %add3A_751 : i32 to index
        %get3A_757 = arith.constant 0 : index
        %get3A_758 = tpu.vector_load %get3A_755[%get3A_756, %get3A_757] {strides = array<i32>} : memref<100x64xf32, #tpu.memory_space<vmem>>, vector<1x16xf32>,
        %get3A_759 = vector.shape_cast %get3A_758 : vector<1x16xf32> to vector<16xf32>
        %add3A_760 = arith.addf %add3A_680, %get3A_759 : vector<16xf32>
        %get3A_761 = arith.constant 0 : i32
        %get3A_762 = arith.constant 0 : i32
        %get3A_763 = tpu.memref_slice %arg6[%scan3A_272, %get3A_761, %get3A_762] : memref<8x100x64xf32, #tpu.memory_space<vmem>> -> memref<1x100x64xf32, #tpu.memory_space<vmem>>
        %get3A_764 = tpu.memref_squeeze %get3A_763 : memref<1x100x64xf32, #tpu.memory_space<vmem>> -> memref<100x64xf32, #tpu.memory_space<vmem>>
        %get3A_765 = arith.index_cast %add3A_751 : i32 to index
        %get3A_766 = arith.constant 16 : index
        %get3A_767 = tpu.vector_load %get3A_764[%get3A_765, %get3A_766] {strides = array<i32>} : memref<100x64xf32, #tpu.memory_space<vmem>>, vector<1x16xf32>,
        %get3A_768 = vector.shape_cast %get3A_767 : vector<1x16xf32> to vector<16xf32>
        %add3A_769 = arith.addf %add3A_689, %get3A_768 : vector<16xf32>
        %get3A_770 = arith.constant 0 : i32
        %get3A_771 = arith.constant 0 : i32
        %get3A_772 = tpu.memref_slice %arg6[%scan3A_272, %get3A_770, %get3A_771] : memref<8x100x64xf32, #tpu.memory_space<vmem>> -> memref<1x100x64xf32, #tpu.memory_space<vmem>>
        %get3A_773 = tpu.memref_squeeze %get3A_772 : memref<1x100x64xf32, #tpu.memory_space<vmem>> -> memref<100x64xf32, #tpu.memory_space<vmem>>
        %get3A_774 = arith.index_cast %add3A_751 : i32 to index
        %get3A_775 = arith.constant 32 : index
        %get3A_776 = tpu.vector_load %get3A_773[%get3A_774, %get3A_775] {strides = array<i32>} : memref<100x64xf32, #tpu.memory_space<vmem>>, vector<1x16xf32>,
        %get3A_777 = vector.shape_cast %get3A_776 : vector<1x16xf32> to vector<16xf32>
        %add3A_778 = arith.addf %add3A_698, %get3A_777 : vector<16xf32>
        %get3A_779 = arith.constant 0 : i32
        %get3A_780 = arith.constant 0 : i32
        %get3A_781 = tpu.memref_slice %arg6[%scan3A_272, %get3A_779, %get3A_780] : memref<8x100x64xf32, #tpu.memory_space<vmem>> -> memref<1x100x64xf32, #tpu.memory_space<vmem>>
        %get3A_782 = tpu.memref_squeeze %get3A_781 : memref<1x100x64xf32, #tpu.memory_space<vmem>> -> memref<100x64xf32, #tpu.memory_space<vmem>>
        %get3A_783 = arith.index_cast %add3A_751 : i32 to index
        %get3A_784 = arith.constant 48 : index
        %get3A_785 = tpu.vector_load %get3A_782[%get3A_783, %get3A_784] {strides = array<i32>} : memref<100x64xf32, #tpu.memory_space<vmem>>, vector<1x16xf32>,
        %get3A_786 = vector.shape_cast %get3A_785 : vector<1x16xf32> to vector<16xf32>
        %add3A_787 = arith.addf %add3A_707, %get3A_786 : vector<16xf32>
        %mul3A_788 = arith.constant 10 : i32
        %mul3A_789 = arith.muli %scan3A_540, %mul3A_788 : i32
        %add3A_790 = arith.constant 6 : i32
        %add3A_791 = arith.addi %mul3A_789, %add3A_790 : i32
        %get3A_792 = arith.constant 0 : i32
        %get3A_793 = arith.constant 0 : i32
        %get3A_794 = tpu.memref_slice %arg6[%scan3A_272, %get3A_792, %get3A_793] : memref<8x100x64xf32, #tpu.memory_space<vmem>> -> memref<1x100x64xf32, #tpu.memory_space<vmem>>
        %get3A_795 = tpu.memref_squeeze %get3A_794 : memref<1x100x64xf32, #tpu.memory_space<vmem>> -> memref<100x64xf32, #tpu.memory_space<vmem>>
        %get3A_796 = arith.index_cast %add3A_791 : i32 to index
        %get3A_797 = arith.constant 0 : index
        %get3A_798 = tpu.vector_load %get3A_795[%get3A_796, %get3A_797] {strides = array<i32>} : memref<100x64xf32, #tpu.memory_space<vmem>>, vector<1x16xf32>,
        %get3A_799 = vector.shape_cast %get3A_798 : vector<1x16xf32> to vector<16xf32>
        %add3A_800 = arith.addf %add3A_720, %get3A_799 : vector<16xf32>
        %get3A_801 = arith.constant 0 : i32
        %get3A_802 = arith.constant 0 : i32
        %get3A_803 = tpu.memref_slice %arg6[%scan3A_272, %get3A_801, %get3A_802] : memref<8x100x64xf32, #tpu.memory_space<vmem>> -> memref<1x100x64xf32, #tpu.memory_space<vmem>>
        %get3A_804 = tpu.memref_squeeze %get3A_803 : memref<1x100x64xf32, #tpu.memory_space<vmem>> -> memref<100x64xf32, #tpu.memory_space<vmem>>
        %get3A_805 = arith.index_cast %add3A_791 : i32 to index
        %get3A_806 = arith.constant 16 : index
        %get3A_807 = tpu.vector_load %get3A_804[%get3A_805, %get3A_806] {strides = array<i32>} : memref<100x64xf32, #tpu.memory_space<vmem>>, vector<1x16xf32>,
        %get3A_808 = vector.shape_cast %get3A_807 : vector<1x16xf32> to vector<16xf32>
        %add3A_809 = arith.addf %add3A_729, %get3A_808 : vector<16xf32>
        %get3A_810 = arith.constant 0 : i32
        %get3A_811 = arith.constant 0 : i32
        %get3A_812 = tpu.memref_slice %arg6[%scan3A_272, %get3A_810, %get3A_811] : memref<8x100x64xf32, #tpu.memory_space<vmem>> -> memref<1x100x64xf32, #tpu.memory_space<vmem>>
        %get3A_813 = tpu.memref_squeeze %get3A_812 : memref<1x100x64xf32, #tpu.memory_space<vmem>> -> memref<100x64xf32, #tpu.memory_space<vmem>>
        %get3A_814 = arith.index_cast %add3A_791 : i32 to index
        %get3A_815 = arith.constant 32 : index
        %get3A_816 = tpu.vector_load %get3A_813[%get3A_814, %get3A_815] {strides = array<i32>} : memref<100x64xf32, #tpu.memory_space<vmem>>, vector<1x16xf32>,
        %get3A_817 = vector.shape_cast %get3A_816 : vector<1x16xf32> to vector<16xf32>
        %add3A_818 = arith.addf %add3A_738, %get3A_817 : vector<16xf32>
        %get3A_819 = arith.constant 0 : i32
        %get3A_820 = arith.constant 0 : i32
        %get3A_821 = tpu.memref_slice %arg6[%scan3A_272, %get3A_819, %get3A_820] : memref<8x100x64xf32, #tpu.memory_space<vmem>> -> memref<1x100x64xf32, #tpu.memory_space<vmem>>
        %get3A_822 = tpu.memref_squeeze %get3A_821 : memref<1x100x64xf32, #tpu.memory_space<vmem>> -> memref<100x64xf32, #tpu.memory_space<vmem>>
        %get3A_823 = arith.index_cast %add3A_791 : i32 to index
        %get3A_824 = arith.constant 48 : index
        %get3A_825 = tpu.vector_load %get3A_822[%get3A_823, %get3A_824] {strides = array<i32>} : memref<100x64xf32, #tpu.memory_space<vmem>>, vector<1x16xf32>,
        %get3A_826 = vector.shape_cast %get3A_825 : vector<1x16xf32> to vector<16xf32>
        %add3A_827 = arith.addf %add3A_747, %get3A_826 : vector<16xf32>
        %mul3A_828 = arith.constant 10 : i32
        %mul3A_829 = arith.muli %scan3A_540, %mul3A_828 : i32
        %add3A_830 = arith.constant 7 : i32
        %add3A_831 = arith.addi %mul3A_829, %add3A_830 : i32
        %get3A_832 = arith.constant 0 : i32
        %get3A_833 = arith.constant 0 : i32
        %get3A_834 = tpu.memref_slice %arg6[%scan3A_272, %get3A_832, %get3A_833] : memref<8x100x64xf32, #tpu.memory_space<vmem>> -> memref<1x100x64xf32, #tpu.memory_space<vmem>>
        %get3A_835 = tpu.memref_squeeze %get3A_834 : memref<1x100x64xf32, #tpu.memory_space<vmem>> -> memref<100x64xf32, #tpu.memory_space<vmem>>
        %get3A_836 = arith.index_cast %add3A_831 : i32 to index
        %get3A_837 = arith.constant 0 : index
        %get3A_838 = tpu.vector_load %get3A_835[%get3A_836, %get3A_837] {strides = array<i32>} : memref<100x64xf32, #tpu.memory_space<vmem>>, vector<1x16xf32>,
        %get3A_839 = vector.shape_cast %get3A_838 : vector<1x16xf32> to vector<16xf32>
        %add3A_840 = arith.addf %add3A_760, %get3A_839 : vector<16xf32>
        %get3A_841 = arith.constant 0 : i32
        %get3A_842 = arith.constant 0 : i32
        %get3A_843 = tpu.memref_slice %arg6[%scan3A_272, %get3A_841, %get3A_842] : memref<8x100x64xf32, #tpu.memory_space<vmem>> -> memref<1x100x64xf32, #tpu.memory_space<vmem>>
        %get3A_844 = tpu.memref_squeeze %get3A_843 : memref<1x100x64xf32, #tpu.memory_space<vmem>> -> memref<100x64xf32, #tpu.memory_space<vmem>>
        %get3A_845 = arith.index_cast %add3A_831 : i32 to index
        %get3A_846 = arith.constant 16 : index
        %get3A_847 = tpu.vector_load %get3A_844[%get3A_845, %get3A_846] {strides = array<i32>} : memref<100x64xf32, #tpu.memory_space<vmem>>, vector<1x16xf32>,
        %get3A_848 = vector.shape_cast %get3A_847 : vector<1x16xf32> to vector<16xf32>
        %add3A_849 = arith.addf %add3A_769, %get3A_848 : vector<16xf32>
        %get3A_850 = arith.constant 0 : i32
        %get3A_851 = arith.constant 0 : i32
        %get3A_852 = tpu.memref_slice %arg6[%scan3A_272, %get3A_850, %get3A_851] : memref<8x100x64xf32, #tpu.memory_space<vmem>> -> memref<1x100x64xf32, #tpu.memory_space<vmem>>
        %get3A_853 = tpu.memref_squeeze %get3A_852 : memref<1x100x64xf32, #tpu.memory_space<vmem>> -> memref<100x64xf32, #tpu.memory_space<vmem>>
        %get3A_854 = arith.index_cast %add3A_831 : i32 to index
        %get3A_855 = arith.constant 32 : index
        %get3A_856 = tpu.vector_load %get3A_853[%get3A_854, %get3A_855] {strides = array<i32>} : memref<100x64xf32, #tpu.memory_space<vmem>>, vector<1x16xf32>,
        %get3A_857 = vector.shape_cast %get3A_856 : vector<1x16xf32> to vector<16xf32>
        %add3A_858 = arith.addf %add3A_778, %get3A_857 : vector<16xf32>
        %get3A_859 = arith.constant 0 : i32
        %get3A_860 = arith.constant 0 : i32
        %get3A_861 = tpu.memref_slice %arg6[%scan3A_272, %get3A_859, %get3A_860] : memref<8x100x64xf32, #tpu.memory_space<vmem>> -> memref<1x100x64xf32, #tpu.memory_space<vmem>>
        %get3A_862 = tpu.memref_squeeze %get3A_861 : memref<1x100x64xf32, #tpu.memory_space<vmem>> -> memref<100x64xf32, #tpu.memory_space<vmem>>
        %get3A_863 = arith.index_cast %add3A_831 : i32 to index
        %get3A_864 = arith.constant 48 : index
        %get3A_865 = tpu.vector_load %get3A_862[%get3A_863, %get3A_864] {strides = array<i32>} : memref<100x64xf32, #tpu.memory_space<vmem>>, vector<1x16xf32>,
        %get3A_866 = vector.shape_cast %get3A_865 : vector<1x16xf32> to vector<16xf32>
        %add3A_867 = arith.addf %add3A_787, %get3A_866 : vector<16xf32>
        %mul3A_868 = arith.constant 10 : i32
        %mul3A_869 = arith.muli %scan3A_540, %mul3A_868 : i32
        %add3A_870 = arith.constant 8 : i32
        %add3A_871 = arith.addi %mul3A_869, %add3A_870 : i32
        %get3A_872 = arith.constant 0 : i32
        %get3A_873 = arith.constant 0 : i32
        %get3A_874 = tpu.memref_slice %arg6[%scan3A_272, %get3A_872, %get3A_873] : memref<8x100x64xf32, #tpu.memory_space<vmem>> -> memref<1x100x64xf32, #tpu.memory_space<vmem>>
        %get3A_875 = tpu.memref_squeeze %get3A_874 : memref<1x100x64xf32, #tpu.memory_space<vmem>> -> memref<100x64xf32, #tpu.memory_space<vmem>>
        %get3A_876 = arith.index_cast %add3A_871 : i32 to index
        %get3A_877 = arith.constant 0 : index
        %get3A_878 = tpu.vector_load %get3A_875[%get3A_876, %get3A_877] {strides = array<i32>} : memref<100x64xf32, #tpu.memory_space<vmem>>, vector<1x16xf32>,
        %get3A_879 = vector.shape_cast %get3A_878 : vector<1x16xf32> to vector<16xf32>
        %add3A_880 = arith.addf %add3A_800, %get3A_879 : vector<16xf32>
        %get3A_881 = arith.constant 0 : i32
        %get3A_882 = arith.constant 0 : i32
        %get3A_883 = tpu.memref_slice %arg6[%scan3A_272, %get3A_881, %get3A_882] : memref<8x100x64xf32, #tpu.memory_space<vmem>> -> memref<1x100x64xf32, #tpu.memory_space<vmem>>
        %get3A_884 = tpu.memref_squeeze %get3A_883 : memref<1x100x64xf32, #tpu.memory_space<vmem>> -> memref<100x64xf32, #tpu.memory_space<vmem>>
        %get3A_885 = arith.index_cast %add3A_871 : i32 to index
        %get3A_886 = arith.constant 16 : index
        %get3A_887 = tpu.vector_load %get3A_884[%get3A_885, %get3A_886] {strides = array<i32>} : memref<100x64xf32, #tpu.memory_space<vmem>>, vector<1x16xf32>,
        %get3A_888 = vector.shape_cast %get3A_887 : vector<1x16xf32> to vector<16xf32>
        %add3A_889 = arith.addf %add3A_809, %get3A_888 : vector<16xf32>
        %get3A_890 = arith.constant 0 : i32
        %get3A_891 = arith.constant 0 : i32
        %get3A_892 = tpu.memref_slice %arg6[%scan3A_272, %get3A_890, %get3A_891] : memref<8x100x64xf32, #tpu.memory_space<vmem>> -> memref<1x100x64xf32, #tpu.memory_space<vmem>>
        %get3A_893 = tpu.memref_squeeze %get3A_892 : memref<1x100x64xf32, #tpu.memory_space<vmem>> -> memref<100x64xf32, #tpu.memory_space<vmem>>
        %get3A_894 = arith.index_cast %add3A_871 : i32 to index
        %get3A_895 = arith.constant 32 : index
        %get3A_896 = tpu.vector_load %get3A_893[%get3A_894, %get3A_895] {strides = array<i32>} : memref<100x64xf32, #tpu.memory_space<vmem>>, vector<1x16xf32>,
        %get3A_897 = vector.shape_cast %get3A_896 : vector<1x16xf32> to vector<16xf32>
        %add3A_898 = arith.addf %add3A_818, %get3A_897 : vector<16xf32>
        %get3A_899 = arith.constant 0 : i32
        %get3A_900 = arith.constant 0 : i32
        %get3A_901 = tpu.memref_slice %arg6[%scan3A_272, %get3A_899, %get3A_900] : memref<8x100x64xf32, #tpu.memory_space<vmem>> -> memref<1x100x64xf32, #tpu.memory_space<vmem>>
        %get3A_902 = tpu.memref_squeeze %get3A_901 : memref<1x100x64xf32, #tpu.memory_space<vmem>> -> memref<100x64xf32, #tpu.memory_space<vmem>>
        %get3A_903 = arith.index_cast %add3A_871 : i32 to index
        %get3A_904 = arith.constant 48 : index
        %get3A_905 = tpu.vector_load %get3A_902[%get3A_903, %get3A_904] {strides = array<i32>} : memref<100x64xf32, #tpu.memory_space<vmem>>, vector<1x16xf32>,
        %get3A_906 = vector.shape_cast %get3A_905 : vector<1x16xf32> to vector<16xf32>
        %add3A_907 = arith.addf %add3A_827, %get3A_906 : vector<16xf32>
        %mul3A_908 = arith.constant 10 : i32
        %mul3A_909 = arith.muli %scan3A_540, %mul3A_908 : i32
        %add3A_910 = arith.constant 9 : i32
        %add3A_911 = arith.addi %mul3A_909, %add3A_910 : i32
        %get3A_912 = arith.constant 0 : i32
        %get3A_913 = arith.constant 0 : i32
        %get3A_914 = tpu.memref_slice %arg6[%scan3A_272, %get3A_912, %get3A_913] : memref<8x100x64xf32, #tpu.memory_space<vmem>> -> memref<1x100x64xf32, #tpu.memory_space<vmem>>
        %get3A_915 = tpu.memref_squeeze %get3A_914 : memref<1x100x64xf32, #tpu.memory_space<vmem>> -> memref<100x64xf32, #tpu.memory_space<vmem>>
        %get3A_916 = arith.index_cast %add3A_911 : i32 to index
        %get3A_917 = arith.constant 0 : index
        %get3A_918 = tpu.vector_load %get3A_915[%get3A_916, %get3A_917] {strides = array<i32>} : memref<100x64xf32, #tpu.memory_space<vmem>>, vector<1x16xf32>,
        %get3A_919 = vector.shape_cast %get3A_918 : vector<1x16xf32> to vector<16xf32>
        %add3A_920 = arith.addf %add3A_840, %get3A_919 : vector<16xf32>
        %get3A_921 = arith.constant 0 : i32
        %get3A_922 = arith.constant 0 : i32
        %get3A_923 = tpu.memref_slice %arg6[%scan3A_272, %get3A_921, %get3A_922] : memref<8x100x64xf32, #tpu.memory_space<vmem>> -> memref<1x100x64xf32, #tpu.memory_space<vmem>>
        %get3A_924 = tpu.memref_squeeze %get3A_923 : memref<1x100x64xf32, #tpu.memory_space<vmem>> -> memref<100x64xf32, #tpu.memory_space<vmem>>
        %get3A_925 = arith.index_cast %add3A_911 : i32 to index
        %get3A_926 = arith.constant 16 : index
        %get3A_927 = tpu.vector_load %get3A_924[%get3A_925, %get3A_926] {strides = array<i32>} : memref<100x64xf32, #tpu.memory_space<vmem>>, vector<1x16xf32>,
        %get3A_928 = vector.shape_cast %get3A_927 : vector<1x16xf32> to vector<16xf32>
        %add3A_929 = arith.addf %add3A_849, %get3A_928 : vector<16xf32>
        %get3A_930 = arith.constant 0 : i32
        %get3A_931 = arith.constant 0 : i32
        %get3A_932 = tpu.memref_slice %arg6[%scan3A_272, %get3A_930, %get3A_931] : memref<8x100x64xf32, #tpu.memory_space<vmem>> -> memref<1x100x64xf32, #tpu.memory_space<vmem>>
        %get3A_933 = tpu.memref_squeeze %get3A_932 : memref<1x100x64xf32, #tpu.memory_space<vmem>> -> memref<100x64xf32, #tpu.memory_space<vmem>>
        %get3A_934 = arith.index_cast %add3A_911 : i32 to index
        %get3A_935 = arith.constant 32 : index
        %get3A_936 = tpu.vector_load %get3A_933[%get3A_934, %get3A_935] {strides = array<i32>} : memref<100x64xf32, #tpu.memory_space<vmem>>, vector<1x16xf32>,
        %get3A_937 = vector.shape_cast %get3A_936 : vector<1x16xf32> to vector<16xf32>
        %add3A_938 = arith.addf %add3A_858, %get3A_937 : vector<16xf32>
        %get3A_939 = arith.constant 0 : i32
        %get3A_940 = arith.constant 0 : i32
        %get3A_941 = tpu.memref_slice %arg6[%scan3A_272, %get3A_939, %get3A_940] : memref<8x100x64xf32, #tpu.memory_space<vmem>> -> memref<1x100x64xf32, #tpu.memory_space<vmem>>
        %get3A_942 = tpu.memref_squeeze %get3A_941 : memref<1x100x64xf32, #tpu.memory_space<vmem>> -> memref<100x64xf32, #tpu.memory_space<vmem>>
        %get3A_943 = arith.index_cast %add3A_911 : i32 to index
        %get3A_944 = arith.constant 48 : index
        %get3A_945 = tpu.vector_load %get3A_942[%get3A_943, %get3A_944] {strides = array<i32>} : memref<100x64xf32, #tpu.memory_space<vmem>>, vector<1x16xf32>,
        %get3A_946 = vector.shape_cast %get3A_945 : vector<1x16xf32> to vector<16xf32>
        %add3A_947 = arith.addf %add3A_867, %get3A_946 : vector<16xf32>
        scf.yield %add3A_880, %add3A_889, %add3A_898, %add3A_907, %add3A_920, %add3A_929, %add3A_938, %add3A_947 : vector<16xf32>, vector<16xf32>, vector<16xf32>, vector<16xf32>, vector<16xf32>, vector<16xf32>, vector<16xf32>, vector<16xf32>
      }
      %scan3A_278 = arith.constant 10 : i32
      %lt3A_279 = arith.constant 31 : i32
      %lt3A_280 = arith.cmpi slt, %scan3A_105, %lt3A_279 : i32
      %convert_element_type3A_281 = arith.extui %lt3A_280 : i1 to i32
      %cond3A_282 = arith.constant 0 : i32
      %cond3A_283 = arith.cmpi ne, %convert_element_type3A_281, %cond3A_282 : i32
      scf.if %cond3A_283 {
        %add3A_540 = arith.constant 8 : i32
        %add3A_541 = arith.addi %add3A_260, %add3A_540 : i32
        %dma_start3A_542 = arith.constant 3 : i32
        %dma_start3A_543 = arith.constant 0 : i32
        %dma_start3A_544 = arith.constant 0 : i32
        %dma_start3A_545 = tpu.memref_slice %arg6[%dma_start3A_542, %dma_start3A_543, %dma_start3A_544] : memref<8x100x64xf32, #tpu.memory_space<vmem>> -> memref<1x100x64xf32, #tpu.memory_space<vmem>>
        %dma_start3A_546 = tpu.memref_squeeze %dma_start3A_545 : memref<1x100x64xf32, #tpu.memory_space<vmem>> -> memref<100x64xf32, #tpu.memory_space<vmem>>
        %dma_start3A_547 = arith.constant 0 : i32
        %dma_start3A_548 = tpu.memref_slice %arg5[%add3A_541, %dma_start3A_547] : memref<256x100xi32, #tpu.memory_space<vmem>> -> memref<1x100xi32, #tpu.memory_space<vmem>>
        %dma_start3A_549 = tpu.memref_squeeze %dma_start3A_548 : memref<1x100xi32, #tpu.memory_space<vmem>> -> memref<100xi32, #tpu.memory_space<vmem>>
        %dma_start3A_550 = arith.constant 0 : i32
        %dma_start3A_551 = arith.constant 0 : i32
        %dma_start3A_552 = tpu.memref_slice %arg3[%dma_start3A_550, %dma_start3A_551] : memref<1000000x64xf32, #tpu.memory_space<hbm>> -> memref<1000000x64xf32, #tpu.memory_space<hbm>>
        tpu.enqueue_indirect_dma source(%dma_start3A_552 : memref<1000000x64xf32, #tpu.memory_space<hbm>>) target(%dma_start3A_546 : memref<100x64xf32, #tpu.memory_space<vmem>>) offsets(%dma_start3A_549 : memref<100xi32, #tpu.memory_space<vmem>>) semaphore(%arg11 : memref<!tpu.dma_semaphore, #tpu.memory_space<semaphore_mem>>)
      } else {
      }
      %add3A_284 = arith.addf %scan3A_277#0, %scan3A_277#4 : vector<16xf32>
      %mul3A_285 = arith.constant 5.000000e-03 : f32
      %mul3A_286 = vector.broadcast %mul3A_285 : f32 to vector<16xf32>
      %mul3A_287 = arith.mulf %add3A_284, %mul3A_286 : vector<16xf32>
      %swap3A_288 = arith.index_cast %add3A_213 : i32 to index
      %swap3A_289 = arith.constant 0 : index
      %swap3A_290 = tpu.vector_load %arg7[%swap3A_288, %swap3A_289] {strides = array<i32>} : memref<128x64xf32, #tpu.memory_space<vmem>>, vector<1x16xf32>,
      %swap3A_291 = vector.shape_cast %swap3A_290 : vector<1x16xf32> to vector<16xf32>
      %swap3A_292 = vector.shape_cast %mul3A_287 : vector<16xf32> to vector<1x16xf32>
      tpu.vector_store %arg7[%swap3A_288, %swap3A_289], %swap3A_292 {strides = array<i32>} : memref<128x64xf32, #tpu.memory_space<vmem>>, vector<1x16xf32>,
      %add3A_293 = arith.addf %scan3A_277#1, %scan3A_277#5 : vector<16xf32>
      %mul3A_294 = arith.constant 5.000000e-03 : f32
      %mul3A_295 = vector.broadcast %mul3A_294 : f32 to vector<16xf32>
      %mul3A_296 = arith.mulf %add3A_293, %mul3A_295 : vector<16xf32>
      %swap3A_297 = arith.index_cast %add3A_213 : i32 to index
      %swap3A_298 = arith.constant 16 : index
      %swap3A_299 = tpu.vector_load %arg7[%swap3A_297, %swap3A_298] {strides = array<i32>} : memref<128x64xf32, #tpu.memory_space<vmem>>, vector<1x16xf32>,
      %swap3A_300 = vector.shape_cast %swap3A_299 : vector<1x16xf32> to vector<16xf32>
      %swap3A_301 = vector.shape_cast %mul3A_296 : vector<16xf32> to vector<1x16xf32>
      tpu.vector_store %arg7[%swap3A_297, %swap3A_298], %swap3A_301 {strides = array<i32>} : memref<128x64xf32, #tpu.memory_space<vmem>>, vector<1x16xf32>,
      %add3A_302 = arith.addf %scan3A_277#2, %scan3A_277#6 : vector<16xf32>
      %mul3A_303 = arith.constant 5.000000e-03 : f32
      %mul3A_304 = vector.broadcast %mul3A_303 : f32 to vector<16xf32>
      %mul3A_305 = arith.mulf %add3A_302, %mul3A_304 : vector<16xf32>
      %swap3A_306 = arith.index_cast %add3A_213 : i32 to index
      %swap3A_307 = arith.constant 32 : index
      %swap3A_308 = tpu.vector_load %arg7[%swap3A_306, %swap3A_307] {strides = array<i32>} : memref<128x64xf32, #tpu.memory_space<vmem>>, vector<1x16xf32>,
      %swap3A_309 = vector.shape_cast %swap3A_308 : vector<1x16xf32> to vector<16xf32>
      %swap3A_310 = vector.shape_cast %mul3A_305 : vector<16xf32> to vector<1x16xf32>
      tpu.vector_store %arg7[%swap3A_306, %swap3A_307], %swap3A_310 {strides = array<i32>} : memref<128x64xf32, #tpu.memory_space<vmem>>, vector<1x16xf32>,
      %add3A_311 = arith.addf %scan3A_277#3, %scan3A_277#7 : vector<16xf32>
      %mul3A_312 = arith.constant 5.000000e-03 : f32
      %mul3A_313 = vector.broadcast %mul3A_312 : f32 to vector<16xf32>
      %mul3A_314 = arith.mulf %add3A_311, %mul3A_313 : vector<16xf32>
      %swap3A_315 = arith.index_cast %add3A_213 : i32 to index
      %swap3A_316 = arith.constant 48 : index
      %swap3A_317 = tpu.vector_load %arg7[%swap3A_315, %swap3A_316] {strides = array<i32>} : memref<128x64xf32, #tpu.memory_space<vmem>>, vector<1x16xf32>,
      %swap3A_318 = vector.shape_cast %swap3A_317 : vector<1x16xf32> to vector<16xf32>
      %swap3A_319 = vector.shape_cast %mul3A_314 : vector<16xf32> to vector<1x16xf32>
      tpu.vector_store %arg7[%swap3A_315, %swap3A_316], %swap3A_319 {strides = array<i32>} : memref<128x64xf32, #tpu.memory_space<vmem>>, vector<1x16xf32>,
      %mul3A_320 = arith.constant 4 : i32
      %mul3A_321 = arith.muli %mul3A_320, %scan3A_105 : i32
      %add3A_322 = arith.constant 2 : i32
      %add3A_323 = arith.addi %mul3A_321, %add3A_322 : i32
      %broadcast_in_dim3A_324 = arith.constant 0.000000e+00 : f32
      %broadcast_in_dim3A_325 = vector.broadcast %broadcast_in_dim3A_324 : f32 to vector<16xf32>
      %broadcast_in_dim3A_326 = arith.constant 0.000000e+00 : f32
      %broadcast_in_dim3A_327 = vector.broadcast %broadcast_in_dim3A_326 : f32 to vector<16xf32>
      %broadcast_in_dim3A_328 = arith.constant 0.000000e+00 : f32
      %broadcast_in_dim3A_329 = vector.broadcast %broadcast_in_dim3A_328 : f32 to vector<16xf32>
      %broadcast_in_dim3A_330 = arith.constant 0.000000e+00 : f32
      %broadcast_in_dim3A_331 = vector.broadcast %broadcast_in_dim3A_330 : f32 to vector<16xf32>
      %broadcast_in_dim3A_332 = arith.constant 0.000000e+00 : f32
      %broadcast_in_dim3A_333 = vector.broadcast %broadcast_in_dim3A_332 : f32 to vector<16xf32>
      %broadcast_in_dim3A_334 = arith.constant 0.000000e+00 : f32
      %broadcast_in_dim3A_335 = vector.broadcast %broadcast_in_dim3A_334 : f32 to vector<16xf32>
      %broadcast_in_dim3A_336 = arith.constant 0.000000e+00 : f32
      %broadcast_in_dim3A_337 = vector.broadcast %broadcast_in_dim3A_336 : f32 to vector<16xf32>
      %broadcast_in_dim3A_338 = arith.constant 0.000000e+00 : f32
      %broadcast_in_dim3A_339 = vector.broadcast %broadcast_in_dim3A_338 : f32 to vector<16xf32>
      %mul3A_340 = arith.constant 8 : i32
      %mul3A_341 = arith.muli %mul3A_340, %scan3A_105 : i32
      %add3A_342 = arith.constant 4 : i32
      %add3A_343 = arith.addi %mul3A_341, %add3A_342 : i32
      %dma_wait3A_344 = arith.constant 4 : i32
      %dma_wait3A_345 = arith.constant 0 : i32
      %dma_wait3A_346 = arith.constant 0 : i32
      %dma_wait3A_347 = tpu.memref_slice %arg6[%dma_wait3A_344, %dma_wait3A_345, %dma_wait3A_346] : memref<8x100x64xf32, #tpu.memory_space<vmem>> -> memref<1x100x64xf32, #tpu.memory_space<vmem>>
      %dma_wait3A_348 = tpu.memref_squeeze %dma_wait3A_347 : memref<1x100x64xf32, #tpu.memory_space<vmem>> -> memref<100x64xf32, #tpu.memory_space<vmem>>
      %dma_wait3A_349 = arith.constant 0 : i32
      %dma_wait3A_350 = tpu.memref_slice %arg5[%add3A_343, %dma_wait3A_349] : memref<256x100xi32, #tpu.memory_space<vmem>> -> memref<1x100xi32, #tpu.memory_space<vmem>>
      %dma_wait3A_351 = tpu.memref_squeeze %dma_wait3A_350 : memref<1x100xi32, #tpu.memory_space<vmem>> -> memref<100xi32, #tpu.memory_space<vmem>>
      %dma_wait3A_352 = arith.constant 0 : i32
      %dma_wait3A_353 = arith.constant 0 : i32
      %dma_wait3A_354 = tpu.memref_slice %arg3[%dma_wait3A_352, %dma_wait3A_353] : memref<1000000x64xf32, #tpu.memory_space<hbm>> -> memref<1000000x64xf32, #tpu.memory_space<hbm>>
      tpu.wait_indirect_dma semaphore(%arg12 : memref<!tpu.dma_semaphore, #tpu.memory_space<semaphore_mem>>) src(%dma_wait3A_354 : memref<1000000x64xf32, #tpu.memory_space<hbm>>) dst(%dma_wait3A_348 : memref<100x64xf32, #tpu.memory_space<vmem>>)
      %scan3A_355 = arith.constant 4 : i32
      %scan3A_356 = arith.constant 0 : i32
      %scan3A_357 = arith.constant 10 : i32
      %scan3A_358 = arith.addi %scan3A_356, %scan3A_357 : i32
      %scan3A_359 = arith.constant 1 : i32
      %scan3A_360:8 = scf.for %scan3A_540 = %scan3A_356 to %scan3A_358 step %scan3A_359 iter_args(%scan3A_541 = %broadcast_in_dim3A_325, %scan3A_542 = %broadcast_in_dim3A_327, %scan3A_543 = %broadcast_in_dim3A_329, %scan3A_544 = %broadcast_in_dim3A_331, %scan3A_545 = %broadcast_in_dim3A_333, %scan3A_546 = %broadcast_in_dim3A_335, %scan3A_547 = %broadcast_in_dim3A_337, %scan3A_548 = %broadcast_in_dim3A_339) -> (vector<16xf32>, vector<16xf32>, vector<16xf32>, vector<16xf32>, vector<16xf32>, vector<16xf32>, vector<16xf32>, vector<16xf32>)  : i32 {
        %mul3A_549 = arith.constant 10 : i32
        %mul3A_550 = arith.muli %scan3A_540, %mul3A_549 : i32
        %add3A_551 = arith.constant 0 : i32
        %add3A_552 = arith.addi %mul3A_550, %add3A_551 : i32
        %get3A = arith.constant 0 : i32
        %get3A_553 = arith.constant 0 : i32
        %get3A_554 = tpu.memref_slice %arg6[%scan3A_355, %get3A, %get3A_553] : memref<8x100x64xf32, #tpu.memory_space<vmem>> -> memref<1x100x64xf32, #tpu.memory_space<vmem>>
        %get3A_555 = tpu.memref_squeeze %get3A_554 : memref<1x100x64xf32, #tpu.memory_space<vmem>> -> memref<100x64xf32, #tpu.memory_space<vmem>>
        %get3A_556 = arith.index_cast %add3A_552 : i32 to index
        %get3A_557 = arith.constant 0 : index
        %get3A_558 = tpu.vector_load %get3A_555[%get3A_556, %get3A_557] {strides = array<i32>} : memref<100x64xf32, #tpu.memory_space<vmem>>, vector<1x16xf32>,
        %get3A_559 = vector.shape_cast %get3A_558 : vector<1x16xf32> to vector<16xf32>
        %add3A_560 = arith.addf %scan3A_541, %get3A_559 : vector<16xf32>
        %get3A_561 = arith.constant 0 : i32
        %get3A_562 = arith.constant 0 : i32
        %get3A_563 = tpu.memref_slice %arg6[%scan3A_355, %get3A_561, %get3A_562] : memref<8x100x64xf32, #tpu.memory_space<vmem>> -> memref<1x100x64xf32, #tpu.memory_space<vmem>>
        %get3A_564 = tpu.memref_squeeze %get3A_563 : memref<1x100x64xf32, #tpu.memory_space<vmem>> -> memref<100x64xf32, #tpu.memory_space<vmem>>
        %get3A_565 = arith.index_cast %add3A_552 : i32 to index
        %get3A_566 = arith.constant 16 : index
        %get3A_567 = tpu.vector_load %get3A_564[%get3A_565, %get3A_566] {strides = array<i32>} : memref<100x64xf32, #tpu.memory_space<vmem>>, vector<1x16xf32>,
        %get3A_568 = vector.shape_cast %get3A_567 : vector<1x16xf32> to vector<16xf32>
        %add3A_569 = arith.addf %scan3A_542, %get3A_568 : vector<16xf32>
        %get3A_570 = arith.constant 0 : i32
        %get3A_571 = arith.constant 0 : i32
        %get3A_572 = tpu.memref_slice %arg6[%scan3A_355, %get3A_570, %get3A_571] : memref<8x100x64xf32, #tpu.memory_space<vmem>> -> memref<1x100x64xf32, #tpu.memory_space<vmem>>
        %get3A_573 = tpu.memref_squeeze %get3A_572 : memref<1x100x64xf32, #tpu.memory_space<vmem>> -> memref<100x64xf32, #tpu.memory_space<vmem>>
        %get3A_574 = arith.index_cast %add3A_552 : i32 to index
        %get3A_575 = arith.constant 32 : index
        %get3A_576 = tpu.vector_load %get3A_573[%get3A_574, %get3A_575] {strides = array<i32>} : memref<100x64xf32, #tpu.memory_space<vmem>>, vector<1x16xf32>,
        %get3A_577 = vector.shape_cast %get3A_576 : vector<1x16xf32> to vector<16xf32>
        %add3A_578 = arith.addf %scan3A_543, %get3A_577 : vector<16xf32>
        %get3A_579 = arith.constant 0 : i32
        %get3A_580 = arith.constant 0 : i32
        %get3A_581 = tpu.memref_slice %arg6[%scan3A_355, %get3A_579, %get3A_580] : memref<8x100x64xf32, #tpu.memory_space<vmem>> -> memref<1x100x64xf32, #tpu.memory_space<vmem>>
        %get3A_582 = tpu.memref_squeeze %get3A_581 : memref<1x100x64xf32, #tpu.memory_space<vmem>> -> memref<100x64xf32, #tpu.memory_space<vmem>>
        %get3A_583 = arith.index_cast %add3A_552 : i32 to index
        %get3A_584 = arith.constant 48 : index
        %get3A_585 = tpu.vector_load %get3A_582[%get3A_583, %get3A_584] {strides = array<i32>} : memref<100x64xf32, #tpu.memory_space<vmem>>, vector<1x16xf32>,
        %get3A_586 = vector.shape_cast %get3A_585 : vector<1x16xf32> to vector<16xf32>
        %add3A_587 = arith.addf %scan3A_544, %get3A_586 : vector<16xf32>
        %mul3A_588 = arith.constant 10 : i32
        %mul3A_589 = arith.muli %scan3A_540, %mul3A_588 : i32
        %add3A_590 = arith.constant 1 : i32
        %add3A_591 = arith.addi %mul3A_589, %add3A_590 : i32
        %get3A_592 = arith.constant 0 : i32
        %get3A_593 = arith.constant 0 : i32
        %get3A_594 = tpu.memref_slice %arg6[%scan3A_355, %get3A_592, %get3A_593] : memref<8x100x64xf32, #tpu.memory_space<vmem>> -> memref<1x100x64xf32, #tpu.memory_space<vmem>>
        %get3A_595 = tpu.memref_squeeze %get3A_594 : memref<1x100x64xf32, #tpu.memory_space<vmem>> -> memref<100x64xf32, #tpu.memory_space<vmem>>
        %get3A_596 = arith.index_cast %add3A_591 : i32 to index
        %get3A_597 = arith.constant 0 : index
        %get3A_598 = tpu.vector_load %get3A_595[%get3A_596, %get3A_597] {strides = array<i32>} : memref<100x64xf32, #tpu.memory_space<vmem>>, vector<1x16xf32>,
        %get3A_599 = vector.shape_cast %get3A_598 : vector<1x16xf32> to vector<16xf32>
        %add3A_600 = arith.addf %scan3A_545, %get3A_599 : vector<16xf32>
        %get3A_601 = arith.constant 0 : i32
        %get3A_602 = arith.constant 0 : i32
        %get3A_603 = tpu.memref_slice %arg6[%scan3A_355, %get3A_601, %get3A_602] : memref<8x100x64xf32, #tpu.memory_space<vmem>> -> memref<1x100x64xf32, #tpu.memory_space<vmem>>
        %get3A_604 = tpu.memref_squeeze %get3A_603 : memref<1x100x64xf32, #tpu.memory_space<vmem>> -> memref<100x64xf32, #tpu.memory_space<vmem>>
        %get3A_605 = arith.index_cast %add3A_591 : i32 to index
        %get3A_606 = arith.constant 16 : index
        %get3A_607 = tpu.vector_load %get3A_604[%get3A_605, %get3A_606] {strides = array<i32>} : memref<100x64xf32, #tpu.memory_space<vmem>>, vector<1x16xf32>,
        %get3A_608 = vector.shape_cast %get3A_607 : vector<1x16xf32> to vector<16xf32>
        %add3A_609 = arith.addf %scan3A_546, %get3A_608 : vector<16xf32>
        %get3A_610 = arith.constant 0 : i32
        %get3A_611 = arith.constant 0 : i32
        %get3A_612 = tpu.memref_slice %arg6[%scan3A_355, %get3A_610, %get3A_611] : memref<8x100x64xf32, #tpu.memory_space<vmem>> -> memref<1x100x64xf32, #tpu.memory_space<vmem>>
        %get3A_613 = tpu.memref_squeeze %get3A_612 : memref<1x100x64xf32, #tpu.memory_space<vmem>> -> memref<100x64xf32, #tpu.memory_space<vmem>>
        %get3A_614 = arith.index_cast %add3A_591 : i32 to index
        %get3A_615 = arith.constant 32 : index
        %get3A_616 = tpu.vector_load %get3A_613[%get3A_614, %get3A_615] {strides = array<i32>} : memref<100x64xf32, #tpu.memory_space<vmem>>, vector<1x16xf32>,
        %get3A_617 = vector.shape_cast %get3A_616 : vector<1x16xf32> to vector<16xf32>
        %add3A_618 = arith.addf %scan3A_547, %get3A_617 : vector<16xf32>
        %get3A_619 = arith.constant 0 : i32
        %get3A_620 = arith.constant 0 : i32
        %get3A_621 = tpu.memref_slice %arg6[%scan3A_355, %get3A_619, %get3A_620] : memref<8x100x64xf32, #tpu.memory_space<vmem>> -> memref<1x100x64xf32, #tpu.memory_space<vmem>>
        %get3A_622 = tpu.memref_squeeze %get3A_621 : memref<1x100x64xf32, #tpu.memory_space<vmem>> -> memref<100x64xf32, #tpu.memory_space<vmem>>
        %get3A_623 = arith.index_cast %add3A_591 : i32 to index
        %get3A_624 = arith.constant 48 : index
        %get3A_625 = tpu.vector_load %get3A_622[%get3A_623, %get3A_624] {strides = array<i32>} : memref<100x64xf32, #tpu.memory_space<vmem>>, vector<1x16xf32>,
        %get3A_626 = vector.shape_cast %get3A_625 : vector<1x16xf32> to vector<16xf32>
        %add3A_627 = arith.addf %scan3A_548, %get3A_626 : vector<16xf32>
        %mul3A_628 = arith.constant 10 : i32
        %mul3A_629 = arith.muli %scan3A_540, %mul3A_628 : i32
        %add3A_630 = arith.constant 2 : i32
        %add3A_631 = arith.addi %mul3A_629, %add3A_630 : i32
        %get3A_632 = arith.constant 0 : i32
        %get3A_633 = arith.constant 0 : i32
        %get3A_634 = tpu.memref_slice %arg6[%scan3A_355, %get3A_632, %get3A_633] : memref<8x100x64xf32, #tpu.memory_space<vmem>> -> memref<1x100x64xf32, #tpu.memory_space<vmem>>
        %get3A_635 = tpu.memref_squeeze %get3A_634 : memref<1x100x64xf32, #tpu.memory_space<vmem>> -> memref<100x64xf32, #tpu.memory_space<vmem>>
        %get3A_636 = arith.index_cast %add3A_631 : i32 to index
        %get3A_637 = arith.constant 0 : index
        %get3A_638 = tpu.vector_load %get3A_635[%get3A_636, %get3A_637] {strides = array<i32>} : memref<100x64xf32, #tpu.memory_space<vmem>>, vector<1x16xf32>,
        %get3A_639 = vector.shape_cast %get3A_638 : vector<1x16xf32> to vector<16xf32>
        %add3A_640 = arith.addf %add3A_560, %get3A_639 : vector<16xf32>
        %get3A_641 = arith.constant 0 : i32
        %get3A_642 = arith.constant 0 : i32
        %get3A_643 = tpu.memref_slice %arg6[%scan3A_355, %get3A_641, %get3A_642] : memref<8x100x64xf32, #tpu.memory_space<vmem>> -> memref<1x100x64xf32, #tpu.memory_space<vmem>>
        %get3A_644 = tpu.memref_squeeze %get3A_643 : memref<1x100x64xf32, #tpu.memory_space<vmem>> -> memref<100x64xf32, #tpu.memory_space<vmem>>
        %get3A_645 = arith.index_cast %add3A_631 : i32 to index
        %get3A_646 = arith.constant 16 : index
        %get3A_647 = tpu.vector_load %get3A_644[%get3A_645, %get3A_646] {strides = array<i32>} : memref<100x64xf32, #tpu.memory_space<vmem>>, vector<1x16xf32>,
        %get3A_648 = vector.shape_cast %get3A_647 : vector<1x16xf32> to vector<16xf32>
        %add3A_649 = arith.addf %add3A_569, %get3A_648 : vector<16xf32>
        %get3A_650 = arith.constant 0 : i32
        %get3A_651 = arith.constant 0 : i32
        %get3A_652 = tpu.memref_slice %arg6[%scan3A_355, %get3A_650, %get3A_651] : memref<8x100x64xf32, #tpu.memory_space<vmem>> -> memref<1x100x64xf32, #tpu.memory_space<vmem>>
        %get3A_653 = tpu.memref_squeeze %get3A_652 : memref<1x100x64xf32, #tpu.memory_space<vmem>> -> memref<100x64xf32, #tpu.memory_space<vmem>>
        %get3A_654 = arith.index_cast %add3A_631 : i32 to index
        %get3A_655 = arith.constant 32 : index
        %get3A_656 = tpu.vector_load %get3A_653[%get3A_654, %get3A_655] {strides = array<i32>} : memref<100x64xf32, #tpu.memory_space<vmem>>, vector<1x16xf32>,
        %get3A_657 = vector.shape_cast %get3A_656 : vector<1x16xf32> to vector<16xf32>
        %add3A_658 = arith.addf %add3A_578, %get3A_657 : vector<16xf32>
        %get3A_659 = arith.constant 0 : i32
        %get3A_660 = arith.constant 0 : i32
        %get3A_661 = tpu.memref_slice %arg6[%scan3A_355, %get3A_659, %get3A_660] : memref<8x100x64xf32, #tpu.memory_space<vmem>> -> memref<1x100x64xf32, #tpu.memory_space<vmem>>
        %get3A_662 = tpu.memref_squeeze %get3A_661 : memref<1x100x64xf32, #tpu.memory_space<vmem>> -> memref<100x64xf32, #tpu.memory_space<vmem>>
        %get3A_663 = arith.index_cast %add3A_631 : i32 to index
        %get3A_664 = arith.constant 48 : index
        %get3A_665 = tpu.vector_load %get3A_662[%get3A_663, %get3A_664] {strides = array<i32>} : memref<100x64xf32, #tpu.memory_space<vmem>>, vector<1x16xf32>,
        %get3A_666 = vector.shape_cast %get3A_665 : vector<1x16xf32> to vector<16xf32>
        %add3A_667 = arith.addf %add3A_587, %get3A_666 : vector<16xf32>
        %mul3A_668 = arith.constant 10 : i32
        %mul3A_669 = arith.muli %scan3A_540, %mul3A_668 : i32
        %add3A_670 = arith.constant 3 : i32
        %add3A_671 = arith.addi %mul3A_669, %add3A_670 : i32
        %get3A_672 = arith.constant 0 : i32
        %get3A_673 = arith.constant 0 : i32
        %get3A_674 = tpu.memref_slice %arg6[%scan3A_355, %get3A_672, %get3A_673] : memref<8x100x64xf32, #tpu.memory_space<vmem>> -> memref<1x100x64xf32, #tpu.memory_space<vmem>>
        %get3A_675 = tpu.memref_squeeze %get3A_674 : memref<1x100x64xf32, #tpu.memory_space<vmem>> -> memref<100x64xf32, #tpu.memory_space<vmem>>
        %get3A_676 = arith.index_cast %add3A_671 : i32 to index
        %get3A_677 = arith.constant 0 : index
        %get3A_678 = tpu.vector_load %get3A_675[%get3A_676, %get3A_677] {strides = array<i32>} : memref<100x64xf32, #tpu.memory_space<vmem>>, vector<1x16xf32>,
        %get3A_679 = vector.shape_cast %get3A_678 : vector<1x16xf32> to vector<16xf32>
        %add3A_680 = arith.addf %add3A_600, %get3A_679 : vector<16xf32>
        %get3A_681 = arith.constant 0 : i32
        %get3A_682 = arith.constant 0 : i32
        %get3A_683 = tpu.memref_slice %arg6[%scan3A_355, %get3A_681, %get3A_682] : memref<8x100x64xf32, #tpu.memory_space<vmem>> -> memref<1x100x64xf32, #tpu.memory_space<vmem>>
        %get3A_684 = tpu.memref_squeeze %get3A_683 : memref<1x100x64xf32, #tpu.memory_space<vmem>> -> memref<100x64xf32, #tpu.memory_space<vmem>>
        %get3A_685 = arith.index_cast %add3A_671 : i32 to index
        %get3A_686 = arith.constant 16 : index
        %get3A_687 = tpu.vector_load %get3A_684[%get3A_685, %get3A_686] {strides = array<i32>} : memref<100x64xf32, #tpu.memory_space<vmem>>, vector<1x16xf32>,
        %get3A_688 = vector.shape_cast %get3A_687 : vector<1x16xf32> to vector<16xf32>
        %add3A_689 = arith.addf %add3A_609, %get3A_688 : vector<16xf32>
        %get3A_690 = arith.constant 0 : i32
        %get3A_691 = arith.constant 0 : i32
        %get3A_692 = tpu.memref_slice %arg6[%scan3A_355, %get3A_690, %get3A_691] : memref<8x100x64xf32, #tpu.memory_space<vmem>> -> memref<1x100x64xf32, #tpu.memory_space<vmem>>
        %get3A_693 = tpu.memref_squeeze %get3A_692 : memref<1x100x64xf32, #tpu.memory_space<vmem>> -> memref<100x64xf32, #tpu.memory_space<vmem>>
        %get3A_694 = arith.index_cast %add3A_671 : i32 to index
        %get3A_695 = arith.constant 32 : index
        %get3A_696 = tpu.vector_load %get3A_693[%get3A_694, %get3A_695] {strides = array<i32>} : memref<100x64xf32, #tpu.memory_space<vmem>>, vector<1x16xf32>,
        %get3A_697 = vector.shape_cast %get3A_696 : vector<1x16xf32> to vector<16xf32>
        %add3A_698 = arith.addf %add3A_618, %get3A_697 : vector<16xf32>
        %get3A_699 = arith.constant 0 : i32
        %get3A_700 = arith.constant 0 : i32
        %get3A_701 = tpu.memref_slice %arg6[%scan3A_355, %get3A_699, %get3A_700] : memref<8x100x64xf32, #tpu.memory_space<vmem>> -> memref<1x100x64xf32, #tpu.memory_space<vmem>>
        %get3A_702 = tpu.memref_squeeze %get3A_701 : memref<1x100x64xf32, #tpu.memory_space<vmem>> -> memref<100x64xf32, #tpu.memory_space<vmem>>
        %get3A_703 = arith.index_cast %add3A_671 : i32 to index
        %get3A_704 = arith.constant 48 : index
        %get3A_705 = tpu.vector_load %get3A_702[%get3A_703, %get3A_704] {strides = array<i32>} : memref<100x64xf32, #tpu.memory_space<vmem>>, vector<1x16xf32>,
        %get3A_706 = vector.shape_cast %get3A_705 : vector<1x16xf32> to vector<16xf32>
        %add3A_707 = arith.addf %add3A_627, %get3A_706 : vector<16xf32>
        %mul3A_708 = arith.constant 10 : i32
        %mul3A_709 = arith.muli %scan3A_540, %mul3A_708 : i32
        %add3A_710 = arith.constant 4 : i32
        %add3A_711 = arith.addi %mul3A_709, %add3A_710 : i32
        %get3A_712 = arith.constant 0 : i32
        %get3A_713 = arith.constant 0 : i32
        %get3A_714 = tpu.memref_slice %arg6[%scan3A_355, %get3A_712, %get3A_713] : memref<8x100x64xf32, #tpu.memory_space<vmem>> -> memref<1x100x64xf32, #tpu.memory_space<vmem>>
        %get3A_715 = tpu.memref_squeeze %get3A_714 : memref<1x100x64xf32, #tpu.memory_space<vmem>> -> memref<100x64xf32, #tpu.memory_space<vmem>>
        %get3A_716 = arith.index_cast %add3A_711 : i32 to index
        %get3A_717 = arith.constant 0 : index
        %get3A_718 = tpu.vector_load %get3A_715[%get3A_716, %get3A_717] {strides = array<i32>} : memref<100x64xf32, #tpu.memory_space<vmem>>, vector<1x16xf32>,
        %get3A_719 = vector.shape_cast %get3A_718 : vector<1x16xf32> to vector<16xf32>
        %add3A_720 = arith.addf %add3A_640, %get3A_719 : vector<16xf32>
        %get3A_721 = arith.constant 0 : i32
        %get3A_722 = arith.constant 0 : i32
        %get3A_723 = tpu.memref_slice %arg6[%scan3A_355, %get3A_721, %get3A_722] : memref<8x100x64xf32, #tpu.memory_space<vmem>> -> memref<1x100x64xf32, #tpu.memory_space<vmem>>
        %get3A_724 = tpu.memref_squeeze %get3A_723 : memref<1x100x64xf32, #tpu.memory_space<vmem>> -> memref<100x64xf32, #tpu.memory_space<vmem>>
        %get3A_725 = arith.index_cast %add3A_711 : i32 to index
        %get3A_726 = arith.constant 16 : index
        %get3A_727 = tpu.vector_load %get3A_724[%get3A_725, %get3A_726] {strides = array<i32>} : memref<100x64xf32, #tpu.memory_space<vmem>>, vector<1x16xf32>,
        %get3A_728 = vector.shape_cast %get3A_727 : vector<1x16xf32> to vector<16xf32>
        %add3A_729 = arith.addf %add3A_649, %get3A_728 : vector<16xf32>
        %get3A_730 = arith.constant 0 : i32
        %get3A_731 = arith.constant 0 : i32
        %get3A_732 = tpu.memref_slice %arg6[%scan3A_355, %get3A_730, %get3A_731] : memref<8x100x64xf32, #tpu.memory_space<vmem>> -> memref<1x100x64xf32, #tpu.memory_space<vmem>>
        %get3A_733 = tpu.memref_squeeze %get3A_732 : memref<1x100x64xf32, #tpu.memory_space<vmem>> -> memref<100x64xf32, #tpu.memory_space<vmem>>
        %get3A_734 = arith.index_cast %add3A_711 : i32 to index
        %get3A_735 = arith.constant 32 : index
        %get3A_736 = tpu.vector_load %get3A_733[%get3A_734, %get3A_735] {strides = array<i32>} : memref<100x64xf32, #tpu.memory_space<vmem>>, vector<1x16xf32>,
        %get3A_737 = vector.shape_cast %get3A_736 : vector<1x16xf32> to vector<16xf32>
        %add3A_738 = arith.addf %add3A_658, %get3A_737 : vector<16xf32>
        %get3A_739 = arith.constant 0 : i32
        %get3A_740 = arith.constant 0 : i32
        %get3A_741 = tpu.memref_slice %arg6[%scan3A_355, %get3A_739, %get3A_740] : memref<8x100x64xf32, #tpu.memory_space<vmem>> -> memref<1x100x64xf32, #tpu.memory_space<vmem>>
        %get3A_742 = tpu.memref_squeeze %get3A_741 : memref<1x100x64xf32, #tpu.memory_space<vmem>> -> memref<100x64xf32, #tpu.memory_space<vmem>>
        %get3A_743 = arith.index_cast %add3A_711 : i32 to index
        %get3A_744 = arith.constant 48 : index
        %get3A_745 = tpu.vector_load %get3A_742[%get3A_743, %get3A_744] {strides = array<i32>} : memref<100x64xf32, #tpu.memory_space<vmem>>, vector<1x16xf32>,
        %get3A_746 = vector.shape_cast %get3A_745 : vector<1x16xf32> to vector<16xf32>
        %add3A_747 = arith.addf %add3A_667, %get3A_746 : vector<16xf32>
        %mul3A_748 = arith.constant 10 : i32
        %mul3A_749 = arith.muli %scan3A_540, %mul3A_748 : i32
        %add3A_750 = arith.constant 5 : i32
        %add3A_751 = arith.addi %mul3A_749, %add3A_750 : i32
        %get3A_752 = arith.constant 0 : i32
        %get3A_753 = arith.constant 0 : i32
        %get3A_754 = tpu.memref_slice %arg6[%scan3A_355, %get3A_752, %get3A_753] : memref<8x100x64xf32, #tpu.memory_space<vmem>> -> memref<1x100x64xf32, #tpu.memory_space<vmem>>
        %get3A_755 = tpu.memref_squeeze %get3A_754 : memref<1x100x64xf32, #tpu.memory_space<vmem>> -> memref<100x64xf32, #tpu.memory_space<vmem>>
        %get3A_756 = arith.index_cast %add3A_751 : i32 to index
        %get3A_757 = arith.constant 0 : index
        %get3A_758 = tpu.vector_load %get3A_755[%get3A_756, %get3A_757] {strides = array<i32>} : memref<100x64xf32, #tpu.memory_space<vmem>>, vector<1x16xf32>,
        %get3A_759 = vector.shape_cast %get3A_758 : vector<1x16xf32> to vector<16xf32>
        %add3A_760 = arith.addf %add3A_680, %get3A_759 : vector<16xf32>
        %get3A_761 = arith.constant 0 : i32
        %get3A_762 = arith.constant 0 : i32
        %get3A_763 = tpu.memref_slice %arg6[%scan3A_355, %get3A_761, %get3A_762] : memref<8x100x64xf32, #tpu.memory_space<vmem>> -> memref<1x100x64xf32, #tpu.memory_space<vmem>>
        %get3A_764 = tpu.memref_squeeze %get3A_763 : memref<1x100x64xf32, #tpu.memory_space<vmem>> -> memref<100x64xf32, #tpu.memory_space<vmem>>
        %get3A_765 = arith.index_cast %add3A_751 : i32 to index
        %get3A_766 = arith.constant 16 : index
        %get3A_767 = tpu.vector_load %get3A_764[%get3A_765, %get3A_766] {strides = array<i32>} : memref<100x64xf32, #tpu.memory_space<vmem>>, vector<1x16xf32>,
        %get3A_768 = vector.shape_cast %get3A_767 : vector<1x16xf32> to vector<16xf32>
        %add3A_769 = arith.addf %add3A_689, %get3A_768 : vector<16xf32>
        %get3A_770 = arith.constant 0 : i32
        %get3A_771 = arith.constant 0 : i32
        %get3A_772 = tpu.memref_slice %arg6[%scan3A_355, %get3A_770, %get3A_771] : memref<8x100x64xf32, #tpu.memory_space<vmem>> -> memref<1x100x64xf32, #tpu.memory_space<vmem>>
        %get3A_773 = tpu.memref_squeeze %get3A_772 : memref<1x100x64xf32, #tpu.memory_space<vmem>> -> memref<100x64xf32, #tpu.memory_space<vmem>>
        %get3A_774 = arith.index_cast %add3A_751 : i32 to index
        %get3A_775 = arith.constant 32 : index
        %get3A_776 = tpu.vector_load %get3A_773[%get3A_774, %get3A_775] {strides = array<i32>} : memref<100x64xf32, #tpu.memory_space<vmem>>, vector<1x16xf32>,
        %get3A_777 = vector.shape_cast %get3A_776 : vector<1x16xf32> to vector<16xf32>
        %add3A_778 = arith.addf %add3A_698, %get3A_777 : vector<16xf32>
        %get3A_779 = arith.constant 0 : i32
        %get3A_780 = arith.constant 0 : i32
        %get3A_781 = tpu.memref_slice %arg6[%scan3A_355, %get3A_779, %get3A_780] : memref<8x100x64xf32, #tpu.memory_space<vmem>> -> memref<1x100x64xf32, #tpu.memory_space<vmem>>
        %get3A_782 = tpu.memref_squeeze %get3A_781 : memref<1x100x64xf32, #tpu.memory_space<vmem>> -> memref<100x64xf32, #tpu.memory_space<vmem>>
        %get3A_783 = arith.index_cast %add3A_751 : i32 to index
        %get3A_784 = arith.constant 48 : index
        %get3A_785 = tpu.vector_load %get3A_782[%get3A_783, %get3A_784] {strides = array<i32>} : memref<100x64xf32, #tpu.memory_space<vmem>>, vector<1x16xf32>,
        %get3A_786 = vector.shape_cast %get3A_785 : vector<1x16xf32> to vector<16xf32>
        %add3A_787 = arith.addf %add3A_707, %get3A_786 : vector<16xf32>
        %mul3A_788 = arith.constant 10 : i32
        %mul3A_789 = arith.muli %scan3A_540, %mul3A_788 : i32
        %add3A_790 = arith.constant 6 : i32
        %add3A_791 = arith.addi %mul3A_789, %add3A_790 : i32
        %get3A_792 = arith.constant 0 : i32
        %get3A_793 = arith.constant 0 : i32
        %get3A_794 = tpu.memref_slice %arg6[%scan3A_355, %get3A_792, %get3A_793] : memref<8x100x64xf32, #tpu.memory_space<vmem>> -> memref<1x100x64xf32, #tpu.memory_space<vmem>>
        %get3A_795 = tpu.memref_squeeze %get3A_794 : memref<1x100x64xf32, #tpu.memory_space<vmem>> -> memref<100x64xf32, #tpu.memory_space<vmem>>
        %get3A_796 = arith.index_cast %add3A_791 : i32 to index
        %get3A_797 = arith.constant 0 : index
        %get3A_798 = tpu.vector_load %get3A_795[%get3A_796, %get3A_797] {strides = array<i32>} : memref<100x64xf32, #tpu.memory_space<vmem>>, vector<1x16xf32>,
        %get3A_799 = vector.shape_cast %get3A_798 : vector<1x16xf32> to vector<16xf32>
        %add3A_800 = arith.addf %add3A_720, %get3A_799 : vector<16xf32>
        %get3A_801 = arith.constant 0 : i32
        %get3A_802 = arith.constant 0 : i32
        %get3A_803 = tpu.memref_slice %arg6[%scan3A_355, %get3A_801, %get3A_802] : memref<8x100x64xf32, #tpu.memory_space<vmem>> -> memref<1x100x64xf32, #tpu.memory_space<vmem>>
        %get3A_804 = tpu.memref_squeeze %get3A_803 : memref<1x100x64xf32, #tpu.memory_space<vmem>> -> memref<100x64xf32, #tpu.memory_space<vmem>>
        %get3A_805 = arith.index_cast %add3A_791 : i32 to index
        %get3A_806 = arith.constant 16 : index
        %get3A_807 = tpu.vector_load %get3A_804[%get3A_805, %get3A_806] {strides = array<i32>} : memref<100x64xf32, #tpu.memory_space<vmem>>, vector<1x16xf32>,
        %get3A_808 = vector.shape_cast %get3A_807 : vector<1x16xf32> to vector<16xf32>
        %add3A_809 = arith.addf %add3A_729, %get3A_808 : vector<16xf32>
        %get3A_810 = arith.constant 0 : i32
        %get3A_811 = arith.constant 0 : i32
        %get3A_812 = tpu.memref_slice %arg6[%scan3A_355, %get3A_810, %get3A_811] : memref<8x100x64xf32, #tpu.memory_space<vmem>> -> memref<1x100x64xf32, #tpu.memory_space<vmem>>
        %get3A_813 = tpu.memref_squeeze %get3A_812 : memref<1x100x64xf32, #tpu.memory_space<vmem>> -> memref<100x64xf32, #tpu.memory_space<vmem>>
        %get3A_814 = arith.index_cast %add3A_791 : i32 to index
        %get3A_815 = arith.constant 32 : index
        %get3A_816 = tpu.vector_load %get3A_813[%get3A_814, %get3A_815] {strides = array<i32>} : memref<100x64xf32, #tpu.memory_space<vmem>>, vector<1x16xf32>,
        %get3A_817 = vector.shape_cast %get3A_816 : vector<1x16xf32> to vector<16xf32>
        %add3A_818 = arith.addf %add3A_738, %get3A_817 : vector<16xf32>
        %get3A_819 = arith.constant 0 : i32
        %get3A_820 = arith.constant 0 : i32
        %get3A_821 = tpu.memref_slice %arg6[%scan3A_355, %get3A_819, %get3A_820] : memref<8x100x64xf32, #tpu.memory_space<vmem>> -> memref<1x100x64xf32, #tpu.memory_space<vmem>>
        %get3A_822 = tpu.memref_squeeze %get3A_821 : memref<1x100x64xf32, #tpu.memory_space<vmem>> -> memref<100x64xf32, #tpu.memory_space<vmem>>
        %get3A_823 = arith.index_cast %add3A_791 : i32 to index
        %get3A_824 = arith.constant 48 : index
        %get3A_825 = tpu.vector_load %get3A_822[%get3A_823, %get3A_824] {strides = array<i32>} : memref<100x64xf32, #tpu.memory_space<vmem>>, vector<1x16xf32>,
        %get3A_826 = vector.shape_cast %get3A_825 : vector<1x16xf32> to vector<16xf32>
        %add3A_827 = arith.addf %add3A_747, %get3A_826 : vector<16xf32>
        %mul3A_828 = arith.constant 10 : i32
        %mul3A_829 = arith.muli %scan3A_540, %mul3A_828 : i32
        %add3A_830 = arith.constant 7 : i32
        %add3A_831 = arith.addi %mul3A_829, %add3A_830 : i32
        %get3A_832 = arith.constant 0 : i32
        %get3A_833 = arith.constant 0 : i32
        %get3A_834 = tpu.memref_slice %arg6[%scan3A_355, %get3A_832, %get3A_833] : memref<8x100x64xf32, #tpu.memory_space<vmem>> -> memref<1x100x64xf32, #tpu.memory_space<vmem>>
        %get3A_835 = tpu.memref_squeeze %get3A_834 : memref<1x100x64xf32, #tpu.memory_space<vmem>> -> memref<100x64xf32, #tpu.memory_space<vmem>>
        %get3A_836 = arith.index_cast %add3A_831 : i32 to index
        %get3A_837 = arith.constant 0 : index
        %get3A_838 = tpu.vector_load %get3A_835[%get3A_836, %get3A_837] {strides = array<i32>} : memref<100x64xf32, #tpu.memory_space<vmem>>, vector<1x16xf32>,
        %get3A_839 = vector.shape_cast %get3A_838 : vector<1x16xf32> to vector<16xf32>
        %add3A_840 = arith.addf %add3A_760, %get3A_839 : vector<16xf32>
        %get3A_841 = arith.constant 0 : i32
        %get3A_842 = arith.constant 0 : i32
        %get3A_843 = tpu.memref_slice %arg6[%scan3A_355, %get3A_841, %get3A_842] : memref<8x100x64xf32, #tpu.memory_space<vmem>> -> memref<1x100x64xf32, #tpu.memory_space<vmem>>
        %get3A_844 = tpu.memref_squeeze %get3A_843 : memref<1x100x64xf32, #tpu.memory_space<vmem>> -> memref<100x64xf32, #tpu.memory_space<vmem>>
        %get3A_845 = arith.index_cast %add3A_831 : i32 to index
        %get3A_846 = arith.constant 16 : index
        %get3A_847 = tpu.vector_load %get3A_844[%get3A_845, %get3A_846] {strides = array<i32>} : memref<100x64xf32, #tpu.memory_space<vmem>>, vector<1x16xf32>,
        %get3A_848 = vector.shape_cast %get3A_847 : vector<1x16xf32> to vector<16xf32>
        %add3A_849 = arith.addf %add3A_769, %get3A_848 : vector<16xf32>
        %get3A_850 = arith.constant 0 : i32
        %get3A_851 = arith.constant 0 : i32
        %get3A_852 = tpu.memref_slice %arg6[%scan3A_355, %get3A_850, %get3A_851] : memref<8x100x64xf32, #tpu.memory_space<vmem>> -> memref<1x100x64xf32, #tpu.memory_space<vmem>>
        %get3A_853 = tpu.memref_squeeze %get3A_852 : memref<1x100x64xf32, #tpu.memory_space<vmem>> -> memref<100x64xf32, #tpu.memory_space<vmem>>
        %get3A_854 = arith.index_cast %add3A_831 : i32 to index
        %get3A_855 = arith.constant 32 : index
        %get3A_856 = tpu.vector_load %get3A_853[%get3A_854, %get3A_855] {strides = array<i32>} : memref<100x64xf32, #tpu.memory_space<vmem>>, vector<1x16xf32>,
        %get3A_857 = vector.shape_cast %get3A_856 : vector<1x16xf32> to vector<16xf32>
        %add3A_858 = arith.addf %add3A_778, %get3A_857 : vector<16xf32>
        %get3A_859 = arith.constant 0 : i32
        %get3A_860 = arith.constant 0 : i32
        %get3A_861 = tpu.memref_slice %arg6[%scan3A_355, %get3A_859, %get3A_860] : memref<8x100x64xf32, #tpu.memory_space<vmem>> -> memref<1x100x64xf32, #tpu.memory_space<vmem>>
        %get3A_862 = tpu.memref_squeeze %get3A_861 : memref<1x100x64xf32, #tpu.memory_space<vmem>> -> memref<100x64xf32, #tpu.memory_space<vmem>>
        %get3A_863 = arith.index_cast %add3A_831 : i32 to index
        %get3A_864 = arith.constant 48 : index
        %get3A_865 = tpu.vector_load %get3A_862[%get3A_863, %get3A_864] {strides = array<i32>} : memref<100x64xf32, #tpu.memory_space<vmem>>, vector<1x16xf32>,
        %get3A_866 = vector.shape_cast %get3A_865 : vector<1x16xf32> to vector<16xf32>
        %add3A_867 = arith.addf %add3A_787, %get3A_866 : vector<16xf32>
        %mul3A_868 = arith.constant 10 : i32
        %mul3A_869 = arith.muli %scan3A_540, %mul3A_868 : i32
        %add3A_870 = arith.constant 8 : i32
        %add3A_871 = arith.addi %mul3A_869, %add3A_870 : i32
        %get3A_872 = arith.constant 0 : i32
        %get3A_873 = arith.constant 0 : i32
        %get3A_874 = tpu.memref_slice %arg6[%scan3A_355, %get3A_872, %get3A_873] : memref<8x100x64xf32, #tpu.memory_space<vmem>> -> memref<1x100x64xf32, #tpu.memory_space<vmem>>
        %get3A_875 = tpu.memref_squeeze %get3A_874 : memref<1x100x64xf32, #tpu.memory_space<vmem>> -> memref<100x64xf32, #tpu.memory_space<vmem>>
        %get3A_876 = arith.index_cast %add3A_871 : i32 to index
        %get3A_877 = arith.constant 0 : index
        %get3A_878 = tpu.vector_load %get3A_875[%get3A_876, %get3A_877] {strides = array<i32>} : memref<100x64xf32, #tpu.memory_space<vmem>>, vector<1x16xf32>,
        %get3A_879 = vector.shape_cast %get3A_878 : vector<1x16xf32> to vector<16xf32>
        %add3A_880 = arith.addf %add3A_800, %get3A_879 : vector<16xf32>
        %get3A_881 = arith.constant 0 : i32
        %get3A_882 = arith.constant 0 : i32
        %get3A_883 = tpu.memref_slice %arg6[%scan3A_355, %get3A_881, %get3A_882] : memref<8x100x64xf32, #tpu.memory_space<vmem>> -> memref<1x100x64xf32, #tpu.memory_space<vmem>>
        %get3A_884 = tpu.memref_squeeze %get3A_883 : memref<1x100x64xf32, #tpu.memory_space<vmem>> -> memref<100x64xf32, #tpu.memory_space<vmem>>
        %get3A_885 = arith.index_cast %add3A_871 : i32 to index
        %get3A_886 = arith.constant 16 : index
        %get3A_887 = tpu.vector_load %get3A_884[%get3A_885, %get3A_886] {strides = array<i32>} : memref<100x64xf32, #tpu.memory_space<vmem>>, vector<1x16xf32>,
        %get3A_888 = vector.shape_cast %get3A_887 : vector<1x16xf32> to vector<16xf32>
        %add3A_889 = arith.addf %add3A_809, %get3A_888 : vector<16xf32>
        %get3A_890 = arith.constant 0 : i32
        %get3A_891 = arith.constant 0 : i32
        %get3A_892 = tpu.memref_slice %arg6[%scan3A_355, %get3A_890, %get3A_891] : memref<8x100x64xf32, #tpu.memory_space<vmem>> -> memref<1x100x64xf32, #tpu.memory_space<vmem>>
        %get3A_893 = tpu.memref_squeeze %get3A_892 : memref<1x100x64xf32, #tpu.memory_space<vmem>> -> memref<100x64xf32, #tpu.memory_space<vmem>>
        %get3A_894 = arith.index_cast %add3A_871 : i32 to index
        %get3A_895 = arith.constant 32 : index
        %get3A_896 = tpu.vector_load %get3A_893[%get3A_894, %get3A_895] {strides = array<i32>} : memref<100x64xf32, #tpu.memory_space<vmem>>, vector<1x16xf32>,
        %get3A_897 = vector.shape_cast %get3A_896 : vector<1x16xf32> to vector<16xf32>
        %add3A_898 = arith.addf %add3A_818, %get3A_897 : vector<16xf32>
        %get3A_899 = arith.constant 0 : i32
        %get3A_900 = arith.constant 0 : i32
        %get3A_901 = tpu.memref_slice %arg6[%scan3A_355, %get3A_899, %get3A_900] : memref<8x100x64xf32, #tpu.memory_space<vmem>> -> memref<1x100x64xf32, #tpu.memory_space<vmem>>
        %get3A_902 = tpu.memref_squeeze %get3A_901 : memref<1x100x64xf32, #tpu.memory_space<vmem>> -> memref<100x64xf32, #tpu.memory_space<vmem>>
        %get3A_903 = arith.index_cast %add3A_871 : i32 to index
        %get3A_904 = arith.constant 48 : index
        %get3A_905 = tpu.vector_load %get3A_902[%get3A_903, %get3A_904] {strides = array<i32>} : memref<100x64xf32, #tpu.memory_space<vmem>>, vector<1x16xf32>,
        %get3A_906 = vector.shape_cast %get3A_905 : vector<1x16xf32> to vector<16xf32>
        %add3A_907 = arith.addf %add3A_827, %get3A_906 : vector<16xf32>
        %mul3A_908 = arith.constant 10 : i32
        %mul3A_909 = arith.muli %scan3A_540, %mul3A_908 : i32
        %add3A_910 = arith.constant 9 : i32
        %add3A_911 = arith.addi %mul3A_909, %add3A_910 : i32
        %get3A_912 = arith.constant 0 : i32
        %get3A_913 = arith.constant 0 : i32
        %get3A_914 = tpu.memref_slice %arg6[%scan3A_355, %get3A_912, %get3A_913] : memref<8x100x64xf32, #tpu.memory_space<vmem>> -> memref<1x100x64xf32, #tpu.memory_space<vmem>>
        %get3A_915 = tpu.memref_squeeze %get3A_914 : memref<1x100x64xf32, #tpu.memory_space<vmem>> -> memref<100x64xf32, #tpu.memory_space<vmem>>
        %get3A_916 = arith.index_cast %add3A_911 : i32 to index
        %get3A_917 = arith.constant 0 : index
        %get3A_918 = tpu.vector_load %get3A_915[%get3A_916, %get3A_917] {strides = array<i32>} : memref<100x64xf32, #tpu.memory_space<vmem>>, vector<1x16xf32>,
        %get3A_919 = vector.shape_cast %get3A_918 : vector<1x16xf32> to vector<16xf32>
        %add3A_920 = arith.addf %add3A_840, %get3A_919 : vector<16xf32>
        %get3A_921 = arith.constant 0 : i32
        %get3A_922 = arith.constant 0 : i32
        %get3A_923 = tpu.memref_slice %arg6[%scan3A_355, %get3A_921, %get3A_922] : memref<8x100x64xf32, #tpu.memory_space<vmem>> -> memref<1x100x64xf32, #tpu.memory_space<vmem>>
        %get3A_924 = tpu.memref_squeeze %get3A_923 : memref<1x100x64xf32, #tpu.memory_space<vmem>> -> memref<100x64xf32, #tpu.memory_space<vmem>>
        %get3A_925 = arith.index_cast %add3A_911 : i32 to index
        %get3A_926 = arith.constant 16 : index
        %get3A_927 = tpu.vector_load %get3A_924[%get3A_925, %get3A_926] {strides = array<i32>} : memref<100x64xf32, #tpu.memory_space<vmem>>, vector<1x16xf32>,
        %get3A_928 = vector.shape_cast %get3A_927 : vector<1x16xf32> to vector<16xf32>
        %add3A_929 = arith.addf %add3A_849, %get3A_928 : vector<16xf32>
        %get3A_930 = arith.constant 0 : i32
        %get3A_931 = arith.constant 0 : i32
        %get3A_932 = tpu.memref_slice %arg6[%scan3A_355, %get3A_930, %get3A_931] : memref<8x100x64xf32, #tpu.memory_space<vmem>> -> memref<1x100x64xf32, #tpu.memory_space<vmem>>
        %get3A_933 = tpu.memref_squeeze %get3A_932 : memref<1x100x64xf32, #tpu.memory_space<vmem>> -> memref<100x64xf32, #tpu.memory_space<vmem>>
        %get3A_934 = arith.index_cast %add3A_911 : i32 to index
        %get3A_935 = arith.constant 32 : index
        %get3A_936 = tpu.vector_load %get3A_933[%get3A_934, %get3A_935] {strides = array<i32>} : memref<100x64xf32, #tpu.memory_space<vmem>>, vector<1x16xf32>,
        %get3A_937 = vector.shape_cast %get3A_936 : vector<1x16xf32> to vector<16xf32>
        %add3A_938 = arith.addf %add3A_858, %get3A_937 : vector<16xf32>
        %get3A_939 = arith.constant 0 : i32
        %get3A_940 = arith.constant 0 : i32
        %get3A_941 = tpu.memref_slice %arg6[%scan3A_355, %get3A_939, %get3A_940] : memref<8x100x64xf32, #tpu.memory_space<vmem>> -> memref<1x100x64xf32, #tpu.memory_space<vmem>>
        %get3A_942 = tpu.memref_squeeze %get3A_941 : memref<1x100x64xf32, #tpu.memory_space<vmem>> -> memref<100x64xf32, #tpu.memory_space<vmem>>
        %get3A_943 = arith.index_cast %add3A_911 : i32 to index
        %get3A_944 = arith.constant 48 : index
        %get3A_945 = tpu.vector_load %get3A_942[%get3A_943, %get3A_944] {strides = array<i32>} : memref<100x64xf32, #tpu.memory_space<vmem>>, vector<1x16xf32>,
        %get3A_946 = vector.shape_cast %get3A_945 : vector<1x16xf32> to vector<16xf32>
        %add3A_947 = arith.addf %add3A_867, %get3A_946 : vector<16xf32>
        scf.yield %add3A_880, %add3A_889, %add3A_898, %add3A_907, %add3A_920, %add3A_929, %add3A_938, %add3A_947 : vector<16xf32>, vector<16xf32>, vector<16xf32>, vector<16xf32>, vector<16xf32>, vector<16xf32>, vector<16xf32>, vector<16xf32>
      }
      %scan3A_361 = arith.constant 10 : i32
      %lt3A_362 = arith.constant 31 : i32
      %lt3A_363 = arith.cmpi slt, %scan3A_105, %lt3A_362 : i32
      %convert_element_type3A_364 = arith.extui %lt3A_363 : i1 to i32
      %cond3A_365 = arith.constant 0 : i32
      %cond3A_366 = arith.cmpi ne, %convert_element_type3A_364, %cond3A_365 : i32
      scf.if %cond3A_366 {
        %add3A_540 = arith.constant 8 : i32
        %add3A_541 = arith.addi %add3A_343, %add3A_540 : i32
        %dma_start3A_542 = arith.constant 4 : i32
        %dma_start3A_543 = arith.constant 0 : i32
        %dma_start3A_544 = arith.constant 0 : i32
        %dma_start3A_545 = tpu.memref_slice %arg6[%dma_start3A_542, %dma_start3A_543, %dma_start3A_544] : memref<8x100x64xf32, #tpu.memory_space<vmem>> -> memref<1x100x64xf32, #tpu.memory_space<vmem>>
        %dma_start3A_546 = tpu.memref_squeeze %dma_start3A_545 : memref<1x100x64xf32, #tpu.memory_space<vmem>> -> memref<100x64xf32, #tpu.memory_space<vmem>>
        %dma_start3A_547 = arith.constant 0 : i32
        %dma_start3A_548 = tpu.memref_slice %arg5[%add3A_541, %dma_start3A_547] : memref<256x100xi32, #tpu.memory_space<vmem>> -> memref<1x100xi32, #tpu.memory_space<vmem>>
        %dma_start3A_549 = tpu.memref_squeeze %dma_start3A_548 : memref<1x100xi32, #tpu.memory_space<vmem>> -> memref<100xi32, #tpu.memory_space<vmem>>
        %dma_start3A_550 = arith.constant 0 : i32
        %dma_start3A_551 = arith.constant 0 : i32
        %dma_start3A_552 = tpu.memref_slice %arg3[%dma_start3A_550, %dma_start3A_551] : memref<1000000x64xf32, #tpu.memory_space<hbm>> -> memref<1000000x64xf32, #tpu.memory_space<hbm>>
        tpu.enqueue_indirect_dma source(%dma_start3A_552 : memref<1000000x64xf32, #tpu.memory_space<hbm>>) target(%dma_start3A_546 : memref<100x64xf32, #tpu.memory_space<vmem>>) offsets(%dma_start3A_549 : memref<100xi32, #tpu.memory_space<vmem>>) semaphore(%arg12 : memref<!tpu.dma_semaphore, #tpu.memory_space<semaphore_mem>>)
      } else {
      }
      %mul3A_367 = arith.constant 8 : i32
      %mul3A_368 = arith.muli %mul3A_367, %scan3A_105 : i32
      %add3A_369 = arith.constant 5 : i32
      %add3A_370 = arith.addi %mul3A_368, %add3A_369 : i32
      %dma_wait3A_371 = arith.constant 5 : i32
      %dma_wait3A_372 = arith.constant 0 : i32
      %dma_wait3A_373 = arith.constant 0 : i32
      %dma_wait3A_374 = tpu.memref_slice %arg6[%dma_wait3A_371, %dma_wait3A_372, %dma_wait3A_373] : memref<8x100x64xf32, #tpu.memory_space<vmem>> -> memref<1x100x64xf32, #tpu.memory_space<vmem>>
      %dma_wait3A_375 = tpu.memref_squeeze %dma_wait3A_374 : memref<1x100x64xf32, #tpu.memory_space<vmem>> -> memref<100x64xf32, #tpu.memory_space<vmem>>
      %dma_wait3A_376 = arith.constant 0 : i32
      %dma_wait3A_377 = tpu.memref_slice %arg5[%add3A_370, %dma_wait3A_376] : memref<256x100xi32, #tpu.memory_space<vmem>> -> memref<1x100xi32, #tpu.memory_space<vmem>>
      %dma_wait3A_378 = tpu.memref_squeeze %dma_wait3A_377 : memref<1x100xi32, #tpu.memory_space<vmem>> -> memref<100xi32, #tpu.memory_space<vmem>>
      %dma_wait3A_379 = arith.constant 0 : i32
      %dma_wait3A_380 = arith.constant 0 : i32
      %dma_wait3A_381 = tpu.memref_slice %arg3[%dma_wait3A_379, %dma_wait3A_380] : memref<1000000x64xf32, #tpu.memory_space<hbm>> -> memref<1000000x64xf32, #tpu.memory_space<hbm>>
      tpu.wait_indirect_dma semaphore(%arg13 : memref<!tpu.dma_semaphore, #tpu.memory_space<semaphore_mem>>) src(%dma_wait3A_381 : memref<1000000x64xf32, #tpu.memory_space<hbm>>) dst(%dma_wait3A_375 : memref<100x64xf32, #tpu.memory_space<vmem>>)
      %scan3A_382 = arith.constant 5 : i32
      %scan3A_383 = arith.constant 0 : i32
      %scan3A_384 = arith.constant 10 : i32
      %scan3A_385 = arith.addi %scan3A_383, %scan3A_384 : i32
      %scan3A_386 = arith.constant 1 : i32
      %scan3A_387:8 = scf.for %scan3A_540 = %scan3A_383 to %scan3A_385 step %scan3A_386 iter_args(%scan3A_541 = %scan3A_360#0, %scan3A_542 = %scan3A_360#1, %scan3A_543 = %scan3A_360#2, %scan3A_544 = %scan3A_360#3, %scan3A_545 = %scan3A_360#4, %scan3A_546 = %scan3A_360#5, %scan3A_547 = %scan3A_360#6, %scan3A_548 = %scan3A_360#7) -> (vector<16xf32>, vector<16xf32>, vector<16xf32>, vector<16xf32>, vector<16xf32>, vector<16xf32>, vector<16xf32>, vector<16xf32>)  : i32 {
        %mul3A_549 = arith.constant 10 : i32
        %mul3A_550 = arith.muli %scan3A_540, %mul3A_549 : i32
        %add3A_551 = arith.constant 0 : i32
        %add3A_552 = arith.addi %mul3A_550, %add3A_551 : i32
        %get3A = arith.constant 0 : i32
        %get3A_553 = arith.constant 0 : i32
        %get3A_554 = tpu.memref_slice %arg6[%scan3A_382, %get3A, %get3A_553] : memref<8x100x64xf32, #tpu.memory_space<vmem>> -> memref<1x100x64xf32, #tpu.memory_space<vmem>>
        %get3A_555 = tpu.memref_squeeze %get3A_554 : memref<1x100x64xf32, #tpu.memory_space<vmem>> -> memref<100x64xf32, #tpu.memory_space<vmem>>
        %get3A_556 = arith.index_cast %add3A_552 : i32 to index
        %get3A_557 = arith.constant 0 : index
        %get3A_558 = tpu.vector_load %get3A_555[%get3A_556, %get3A_557] {strides = array<i32>} : memref<100x64xf32, #tpu.memory_space<vmem>>, vector<1x16xf32>,
        %get3A_559 = vector.shape_cast %get3A_558 : vector<1x16xf32> to vector<16xf32>
        %add3A_560 = arith.addf %scan3A_541, %get3A_559 : vector<16xf32>
        %get3A_561 = arith.constant 0 : i32
        %get3A_562 = arith.constant 0 : i32
        %get3A_563 = tpu.memref_slice %arg6[%scan3A_382, %get3A_561, %get3A_562] : memref<8x100x64xf32, #tpu.memory_space<vmem>> -> memref<1x100x64xf32, #tpu.memory_space<vmem>>
        %get3A_564 = tpu.memref_squeeze %get3A_563 : memref<1x100x64xf32, #tpu.memory_space<vmem>> -> memref<100x64xf32, #tpu.memory_space<vmem>>
        %get3A_565 = arith.index_cast %add3A_552 : i32 to index
        %get3A_566 = arith.constant 16 : index
        %get3A_567 = tpu.vector_load %get3A_564[%get3A_565, %get3A_566] {strides = array<i32>} : memref<100x64xf32, #tpu.memory_space<vmem>>, vector<1x16xf32>,
        %get3A_568 = vector.shape_cast %get3A_567 : vector<1x16xf32> to vector<16xf32>
        %add3A_569 = arith.addf %scan3A_542, %get3A_568 : vector<16xf32>
        %get3A_570 = arith.constant 0 : i32
        %get3A_571 = arith.constant 0 : i32
        %get3A_572 = tpu.memref_slice %arg6[%scan3A_382, %get3A_570, %get3A_571] : memref<8x100x64xf32, #tpu.memory_space<vmem>> -> memref<1x100x64xf32, #tpu.memory_space<vmem>>
        %get3A_573 = tpu.memref_squeeze %get3A_572 : memref<1x100x64xf32, #tpu.memory_space<vmem>> -> memref<100x64xf32, #tpu.memory_space<vmem>>
        %get3A_574 = arith.index_cast %add3A_552 : i32 to index
        %get3A_575 = arith.constant 32 : index
        %get3A_576 = tpu.vector_load %get3A_573[%get3A_574, %get3A_575] {strides = array<i32>} : memref<100x64xf32, #tpu.memory_space<vmem>>, vector<1x16xf32>,
        %get3A_577 = vector.shape_cast %get3A_576 : vector<1x16xf32> to vector<16xf32>
        %add3A_578 = arith.addf %scan3A_543, %get3A_577 : vector<16xf32>
        %get3A_579 = arith.constant 0 : i32
        %get3A_580 = arith.constant 0 : i32
        %get3A_581 = tpu.memref_slice %arg6[%scan3A_382, %get3A_579, %get3A_580] : memref<8x100x64xf32, #tpu.memory_space<vmem>> -> memref<1x100x64xf32, #tpu.memory_space<vmem>>
        %get3A_582 = tpu.memref_squeeze %get3A_581 : memref<1x100x64xf32, #tpu.memory_space<vmem>> -> memref<100x64xf32, #tpu.memory_space<vmem>>
        %get3A_583 = arith.index_cast %add3A_552 : i32 to index
        %get3A_584 = arith.constant 48 : index
        %get3A_585 = tpu.vector_load %get3A_582[%get3A_583, %get3A_584] {strides = array<i32>} : memref<100x64xf32, #tpu.memory_space<vmem>>, vector<1x16xf32>,
        %get3A_586 = vector.shape_cast %get3A_585 : vector<1x16xf32> to vector<16xf32>
        %add3A_587 = arith.addf %scan3A_544, %get3A_586 : vector<16xf32>
        %mul3A_588 = arith.constant 10 : i32
        %mul3A_589 = arith.muli %scan3A_540, %mul3A_588 : i32
        %add3A_590 = arith.constant 1 : i32
        %add3A_591 = arith.addi %mul3A_589, %add3A_590 : i32
        %get3A_592 = arith.constant 0 : i32
        %get3A_593 = arith.constant 0 : i32
        %get3A_594 = tpu.memref_slice %arg6[%scan3A_382, %get3A_592, %get3A_593] : memref<8x100x64xf32, #tpu.memory_space<vmem>> -> memref<1x100x64xf32, #tpu.memory_space<vmem>>
        %get3A_595 = tpu.memref_squeeze %get3A_594 : memref<1x100x64xf32, #tpu.memory_space<vmem>> -> memref<100x64xf32, #tpu.memory_space<vmem>>
        %get3A_596 = arith.index_cast %add3A_591 : i32 to index
        %get3A_597 = arith.constant 0 : index
        %get3A_598 = tpu.vector_load %get3A_595[%get3A_596, %get3A_597] {strides = array<i32>} : memref<100x64xf32, #tpu.memory_space<vmem>>, vector<1x16xf32>,
        %get3A_599 = vector.shape_cast %get3A_598 : vector<1x16xf32> to vector<16xf32>
        %add3A_600 = arith.addf %scan3A_545, %get3A_599 : vector<16xf32>
        %get3A_601 = arith.constant 0 : i32
        %get3A_602 = arith.constant 0 : i32
        %get3A_603 = tpu.memref_slice %arg6[%scan3A_382, %get3A_601, %get3A_602] : memref<8x100x64xf32, #tpu.memory_space<vmem>> -> memref<1x100x64xf32, #tpu.memory_space<vmem>>
        %get3A_604 = tpu.memref_squeeze %get3A_603 : memref<1x100x64xf32, #tpu.memory_space<vmem>> -> memref<100x64xf32, #tpu.memory_space<vmem>>
        %get3A_605 = arith.index_cast %add3A_591 : i32 to index
        %get3A_606 = arith.constant 16 : index
        %get3A_607 = tpu.vector_load %get3A_604[%get3A_605, %get3A_606] {strides = array<i32>} : memref<100x64xf32, #tpu.memory_space<vmem>>, vector<1x16xf32>,
        %get3A_608 = vector.shape_cast %get3A_607 : vector<1x16xf32> to vector<16xf32>
        %add3A_609 = arith.addf %scan3A_546, %get3A_608 : vector<16xf32>
        %get3A_610 = arith.constant 0 : i32
        %get3A_611 = arith.constant 0 : i32
        %get3A_612 = tpu.memref_slice %arg6[%scan3A_382, %get3A_610, %get3A_611] : memref<8x100x64xf32, #tpu.memory_space<vmem>> -> memref<1x100x64xf32, #tpu.memory_space<vmem>>
        %get3A_613 = tpu.memref_squeeze %get3A_612 : memref<1x100x64xf32, #tpu.memory_space<vmem>> -> memref<100x64xf32, #tpu.memory_space<vmem>>
        %get3A_614 = arith.index_cast %add3A_591 : i32 to index
        %get3A_615 = arith.constant 32 : index
        %get3A_616 = tpu.vector_load %get3A_613[%get3A_614, %get3A_615] {strides = array<i32>} : memref<100x64xf32, #tpu.memory_space<vmem>>, vector<1x16xf32>,
        %get3A_617 = vector.shape_cast %get3A_616 : vector<1x16xf32> to vector<16xf32>
        %add3A_618 = arith.addf %scan3A_547, %get3A_617 : vector<16xf32>
        %get3A_619 = arith.constant 0 : i32
        %get3A_620 = arith.constant 0 : i32
        %get3A_621 = tpu.memref_slice %arg6[%scan3A_382, %get3A_619, %get3A_620] : memref<8x100x64xf32, #tpu.memory_space<vmem>> -> memref<1x100x64xf32, #tpu.memory_space<vmem>>
        %get3A_622 = tpu.memref_squeeze %get3A_621 : memref<1x100x64xf32, #tpu.memory_space<vmem>> -> memref<100x64xf32, #tpu.memory_space<vmem>>
        %get3A_623 = arith.index_cast %add3A_591 : i32 to index
        %get3A_624 = arith.constant 48 : index
        %get3A_625 = tpu.vector_load %get3A_622[%get3A_623, %get3A_624] {strides = array<i32>} : memref<100x64xf32, #tpu.memory_space<vmem>>, vector<1x16xf32>,
        %get3A_626 = vector.shape_cast %get3A_625 : vector<1x16xf32> to vector<16xf32>
        %add3A_627 = arith.addf %scan3A_548, %get3A_626 : vector<16xf32>
        %mul3A_628 = arith.constant 10 : i32
        %mul3A_629 = arith.muli %scan3A_540, %mul3A_628 : i32
        %add3A_630 = arith.constant 2 : i32
        %add3A_631 = arith.addi %mul3A_629, %add3A_630 : i32
        %get3A_632 = arith.constant 0 : i32
        %get3A_633 = arith.constant 0 : i32
        %get3A_634 = tpu.memref_slice %arg6[%scan3A_382, %get3A_632, %get3A_633] : memref<8x100x64xf32, #tpu.memory_space<vmem>> -> memref<1x100x64xf32, #tpu.memory_space<vmem>>
        %get3A_635 = tpu.memref_squeeze %get3A_634 : memref<1x100x64xf32, #tpu.memory_space<vmem>> -> memref<100x64xf32, #tpu.memory_space<vmem>>
        %get3A_636 = arith.index_cast %add3A_631 : i32 to index
        %get3A_637 = arith.constant 0 : index
        %get3A_638 = tpu.vector_load %get3A_635[%get3A_636, %get3A_637] {strides = array<i32>} : memref<100x64xf32, #tpu.memory_space<vmem>>, vector<1x16xf32>,
        %get3A_639 = vector.shape_cast %get3A_638 : vector<1x16xf32> to vector<16xf32>
        %add3A_640 = arith.addf %add3A_560, %get3A_639 : vector<16xf32>
        %get3A_641 = arith.constant 0 : i32
        %get3A_642 = arith.constant 0 : i32
        %get3A_643 = tpu.memref_slice %arg6[%scan3A_382, %get3A_641, %get3A_642] : memref<8x100x64xf32, #tpu.memory_space<vmem>> -> memref<1x100x64xf32, #tpu.memory_space<vmem>>
        %get3A_644 = tpu.memref_squeeze %get3A_643 : memref<1x100x64xf32, #tpu.memory_space<vmem>> -> memref<100x64xf32, #tpu.memory_space<vmem>>
        %get3A_645 = arith.index_cast %add3A_631 : i32 to index
        %get3A_646 = arith.constant 16 : index
        %get3A_647 = tpu.vector_load %get3A_644[%get3A_645, %get3A_646] {strides = array<i32>} : memref<100x64xf32, #tpu.memory_space<vmem>>, vector<1x16xf32>,
        %get3A_648 = vector.shape_cast %get3A_647 : vector<1x16xf32> to vector<16xf32>
        %add3A_649 = arith.addf %add3A_569, %get3A_648 : vector<16xf32>
        %get3A_650 = arith.constant 0 : i32
        %get3A_651 = arith.constant 0 : i32
        %get3A_652 = tpu.memref_slice %arg6[%scan3A_382, %get3A_650, %get3A_651] : memref<8x100x64xf32, #tpu.memory_space<vmem>> -> memref<1x100x64xf32, #tpu.memory_space<vmem>>
        %get3A_653 = tpu.memref_squeeze %get3A_652 : memref<1x100x64xf32, #tpu.memory_space<vmem>> -> memref<100x64xf32, #tpu.memory_space<vmem>>
        %get3A_654 = arith.index_cast %add3A_631 : i32 to index
        %get3A_655 = arith.constant 32 : index
        %get3A_656 = tpu.vector_load %get3A_653[%get3A_654, %get3A_655] {strides = array<i32>} : memref<100x64xf32, #tpu.memory_space<vmem>>, vector<1x16xf32>,
        %get3A_657 = vector.shape_cast %get3A_656 : vector<1x16xf32> to vector<16xf32>
        %add3A_658 = arith.addf %add3A_578, %get3A_657 : vector<16xf32>
        %get3A_659 = arith.constant 0 : i32
        %get3A_660 = arith.constant 0 : i32
        %get3A_661 = tpu.memref_slice %arg6[%scan3A_382, %get3A_659, %get3A_660] : memref<8x100x64xf32, #tpu.memory_space<vmem>> -> memref<1x100x64xf32, #tpu.memory_space<vmem>>
        %get3A_662 = tpu.memref_squeeze %get3A_661 : memref<1x100x64xf32, #tpu.memory_space<vmem>> -> memref<100x64xf32, #tpu.memory_space<vmem>>
        %get3A_663 = arith.index_cast %add3A_631 : i32 to index
        %get3A_664 = arith.constant 48 : index
        %get3A_665 = tpu.vector_load %get3A_662[%get3A_663, %get3A_664] {strides = array<i32>} : memref<100x64xf32, #tpu.memory_space<vmem>>, vector<1x16xf32>,
        %get3A_666 = vector.shape_cast %get3A_665 : vector<1x16xf32> to vector<16xf32>
        %add3A_667 = arith.addf %add3A_587, %get3A_666 : vector<16xf32>
        %mul3A_668 = arith.constant 10 : i32
        %mul3A_669 = arith.muli %scan3A_540, %mul3A_668 : i32
        %add3A_670 = arith.constant 3 : i32
        %add3A_671 = arith.addi %mul3A_669, %add3A_670 : i32
        %get3A_672 = arith.constant 0 : i32
        %get3A_673 = arith.constant 0 : i32
        %get3A_674 = tpu.memref_slice %arg6[%scan3A_382, %get3A_672, %get3A_673] : memref<8x100x64xf32, #tpu.memory_space<vmem>> -> memref<1x100x64xf32, #tpu.memory_space<vmem>>
        %get3A_675 = tpu.memref_squeeze %get3A_674 : memref<1x100x64xf32, #tpu.memory_space<vmem>> -> memref<100x64xf32, #tpu.memory_space<vmem>>
        %get3A_676 = arith.index_cast %add3A_671 : i32 to index
        %get3A_677 = arith.constant 0 : index
        %get3A_678 = tpu.vector_load %get3A_675[%get3A_676, %get3A_677] {strides = array<i32>} : memref<100x64xf32, #tpu.memory_space<vmem>>, vector<1x16xf32>,
        %get3A_679 = vector.shape_cast %get3A_678 : vector<1x16xf32> to vector<16xf32>
        %add3A_680 = arith.addf %add3A_600, %get3A_679 : vector<16xf32>
        %get3A_681 = arith.constant 0 : i32
        %get3A_682 = arith.constant 0 : i32
        %get3A_683 = tpu.memref_slice %arg6[%scan3A_382, %get3A_681, %get3A_682] : memref<8x100x64xf32, #tpu.memory_space<vmem>> -> memref<1x100x64xf32, #tpu.memory_space<vmem>>
        %get3A_684 = tpu.memref_squeeze %get3A_683 : memref<1x100x64xf32, #tpu.memory_space<vmem>> -> memref<100x64xf32, #tpu.memory_space<vmem>>
        %get3A_685 = arith.index_cast %add3A_671 : i32 to index
        %get3A_686 = arith.constant 16 : index
        %get3A_687 = tpu.vector_load %get3A_684[%get3A_685, %get3A_686] {strides = array<i32>} : memref<100x64xf32, #tpu.memory_space<vmem>>, vector<1x16xf32>,
        %get3A_688 = vector.shape_cast %get3A_687 : vector<1x16xf32> to vector<16xf32>
        %add3A_689 = arith.addf %add3A_609, %get3A_688 : vector<16xf32>
        %get3A_690 = arith.constant 0 : i32
        %get3A_691 = arith.constant 0 : i32
        %get3A_692 = tpu.memref_slice %arg6[%scan3A_382, %get3A_690, %get3A_691] : memref<8x100x64xf32, #tpu.memory_space<vmem>> -> memref<1x100x64xf32, #tpu.memory_space<vmem>>
        %get3A_693 = tpu.memref_squeeze %get3A_692 : memref<1x100x64xf32, #tpu.memory_space<vmem>> -> memref<100x64xf32, #tpu.memory_space<vmem>>
        %get3A_694 = arith.index_cast %add3A_671 : i32 to index
        %get3A_695 = arith.constant 32 : index
        %get3A_696 = tpu.vector_load %get3A_693[%get3A_694, %get3A_695] {strides = array<i32>} : memref<100x64xf32, #tpu.memory_space<vmem>>, vector<1x16xf32>,
        %get3A_697 = vector.shape_cast %get3A_696 : vector<1x16xf32> to vector<16xf32>
        %add3A_698 = arith.addf %add3A_618, %get3A_697 : vector<16xf32>
        %get3A_699 = arith.constant 0 : i32
        %get3A_700 = arith.constant 0 : i32
        %get3A_701 = tpu.memref_slice %arg6[%scan3A_382, %get3A_699, %get3A_700] : memref<8x100x64xf32, #tpu.memory_space<vmem>> -> memref<1x100x64xf32, #tpu.memory_space<vmem>>
        %get3A_702 = tpu.memref_squeeze %get3A_701 : memref<1x100x64xf32, #tpu.memory_space<vmem>> -> memref<100x64xf32, #tpu.memory_space<vmem>>
        %get3A_703 = arith.index_cast %add3A_671 : i32 to index
        %get3A_704 = arith.constant 48 : index
        %get3A_705 = tpu.vector_load %get3A_702[%get3A_703, %get3A_704] {strides = array<i32>} : memref<100x64xf32, #tpu.memory_space<vmem>>, vector<1x16xf32>,
        %get3A_706 = vector.shape_cast %get3A_705 : vector<1x16xf32> to vector<16xf32>
        %add3A_707 = arith.addf %add3A_627, %get3A_706 : vector<16xf32>
        %mul3A_708 = arith.constant 10 : i32
        %mul3A_709 = arith.muli %scan3A_540, %mul3A_708 : i32
        %add3A_710 = arith.constant 4 : i32
        %add3A_711 = arith.addi %mul3A_709, %add3A_710 : i32
        %get3A_712 = arith.constant 0 : i32
        %get3A_713 = arith.constant 0 : i32
        %get3A_714 = tpu.memref_slice %arg6[%scan3A_382, %get3A_712, %get3A_713] : memref<8x100x64xf32, #tpu.memory_space<vmem>> -> memref<1x100x64xf32, #tpu.memory_space<vmem>>
        %get3A_715 = tpu.memref_squeeze %get3A_714 : memref<1x100x64xf32, #tpu.memory_space<vmem>> -> memref<100x64xf32, #tpu.memory_space<vmem>>
        %get3A_716 = arith.index_cast %add3A_711 : i32 to index
        %get3A_717 = arith.constant 0 : index
        %get3A_718 = tpu.vector_load %get3A_715[%get3A_716, %get3A_717] {strides = array<i32>} : memref<100x64xf32, #tpu.memory_space<vmem>>, vector<1x16xf32>,
        %get3A_719 = vector.shape_cast %get3A_718 : vector<1x16xf32> to vector<16xf32>
        %add3A_720 = arith.addf %add3A_640, %get3A_719 : vector<16xf32>
        %get3A_721 = arith.constant 0 : i32
        %get3A_722 = arith.constant 0 : i32
        %get3A_723 = tpu.memref_slice %arg6[%scan3A_382, %get3A_721, %get3A_722] : memref<8x100x64xf32, #tpu.memory_space<vmem>> -> memref<1x100x64xf32, #tpu.memory_space<vmem>>
        %get3A_724 = tpu.memref_squeeze %get3A_723 : memref<1x100x64xf32, #tpu.memory_space<vmem>> -> memref<100x64xf32, #tpu.memory_space<vmem>>
        %get3A_725 = arith.index_cast %add3A_711 : i32 to index
        %get3A_726 = arith.constant 16 : index
        %get3A_727 = tpu.vector_load %get3A_724[%get3A_725, %get3A_726] {strides = array<i32>} : memref<100x64xf32, #tpu.memory_space<vmem>>, vector<1x16xf32>,
        %get3A_728 = vector.shape_cast %get3A_727 : vector<1x16xf32> to vector<16xf32>
        %add3A_729 = arith.addf %add3A_649, %get3A_728 : vector<16xf32>
        %get3A_730 = arith.constant 0 : i32
        %get3A_731 = arith.constant 0 : i32
        %get3A_732 = tpu.memref_slice %arg6[%scan3A_382, %get3A_730, %get3A_731] : memref<8x100x64xf32, #tpu.memory_space<vmem>> -> memref<1x100x64xf32, #tpu.memory_space<vmem>>
        %get3A_733 = tpu.memref_squeeze %get3A_732 : memref<1x100x64xf32, #tpu.memory_space<vmem>> -> memref<100x64xf32, #tpu.memory_space<vmem>>
        %get3A_734 = arith.index_cast %add3A_711 : i32 to index
        %get3A_735 = arith.constant 32 : index
        %get3A_736 = tpu.vector_load %get3A_733[%get3A_734, %get3A_735] {strides = array<i32>} : memref<100x64xf32, #tpu.memory_space<vmem>>, vector<1x16xf32>,
        %get3A_737 = vector.shape_cast %get3A_736 : vector<1x16xf32> to vector<16xf32>
        %add3A_738 = arith.addf %add3A_658, %get3A_737 : vector<16xf32>
        %get3A_739 = arith.constant 0 : i32
        %get3A_740 = arith.constant 0 : i32
        %get3A_741 = tpu.memref_slice %arg6[%scan3A_382, %get3A_739, %get3A_740] : memref<8x100x64xf32, #tpu.memory_space<vmem>> -> memref<1x100x64xf32, #tpu.memory_space<vmem>>
        %get3A_742 = tpu.memref_squeeze %get3A_741 : memref<1x100x64xf32, #tpu.memory_space<vmem>> -> memref<100x64xf32, #tpu.memory_space<vmem>>
        %get3A_743 = arith.index_cast %add3A_711 : i32 to index
        %get3A_744 = arith.constant 48 : index
        %get3A_745 = tpu.vector_load %get3A_742[%get3A_743, %get3A_744] {strides = array<i32>} : memref<100x64xf32, #tpu.memory_space<vmem>>, vector<1x16xf32>,
        %get3A_746 = vector.shape_cast %get3A_745 : vector<1x16xf32> to vector<16xf32>
        %add3A_747 = arith.addf %add3A_667, %get3A_746 : vector<16xf32>
        %mul3A_748 = arith.constant 10 : i32
        %mul3A_749 = arith.muli %scan3A_540, %mul3A_748 : i32
        %add3A_750 = arith.constant 5 : i32
        %add3A_751 = arith.addi %mul3A_749, %add3A_750 : i32
        %get3A_752 = arith.constant 0 : i32
        %get3A_753 = arith.constant 0 : i32
        %get3A_754 = tpu.memref_slice %arg6[%scan3A_382, %get3A_752, %get3A_753] : memref<8x100x64xf32, #tpu.memory_space<vmem>> -> memref<1x100x64xf32, #tpu.memory_space<vmem>>
        %get3A_755 = tpu.memref_squeeze %get3A_754 : memref<1x100x64xf32, #tpu.memory_space<vmem>> -> memref<100x64xf32, #tpu.memory_space<vmem>>
        %get3A_756 = arith.index_cast %add3A_751 : i32 to index
        %get3A_757 = arith.constant 0 : index
        %get3A_758 = tpu.vector_load %get3A_755[%get3A_756, %get3A_757] {strides = array<i32>} : memref<100x64xf32, #tpu.memory_space<vmem>>, vector<1x16xf32>,
        %get3A_759 = vector.shape_cast %get3A_758 : vector<1x16xf32> to vector<16xf32>
        %add3A_760 = arith.addf %add3A_680, %get3A_759 : vector<16xf32>
        %get3A_761 = arith.constant 0 : i32
        %get3A_762 = arith.constant 0 : i32
        %get3A_763 = tpu.memref_slice %arg6[%scan3A_382, %get3A_761, %get3A_762] : memref<8x100x64xf32, #tpu.memory_space<vmem>> -> memref<1x100x64xf32, #tpu.memory_space<vmem>>
        %get3A_764 = tpu.memref_squeeze %get3A_763 : memref<1x100x64xf32, #tpu.memory_space<vmem>> -> memref<100x64xf32, #tpu.memory_space<vmem>>
        %get3A_765 = arith.index_cast %add3A_751 : i32 to index
        %get3A_766 = arith.constant 16 : index
        %get3A_767 = tpu.vector_load %get3A_764[%get3A_765, %get3A_766] {strides = array<i32>} : memref<100x64xf32, #tpu.memory_space<vmem>>, vector<1x16xf32>,
        %get3A_768 = vector.shape_cast %get3A_767 : vector<1x16xf32> to vector<16xf32>
        %add3A_769 = arith.addf %add3A_689, %get3A_768 : vector<16xf32>
        %get3A_770 = arith.constant 0 : i32
        %get3A_771 = arith.constant 0 : i32
        %get3A_772 = tpu.memref_slice %arg6[%scan3A_382, %get3A_770, %get3A_771] : memref<8x100x64xf32, #tpu.memory_space<vmem>> -> memref<1x100x64xf32, #tpu.memory_space<vmem>>
        %get3A_773 = tpu.memref_squeeze %get3A_772 : memref<1x100x64xf32, #tpu.memory_space<vmem>> -> memref<100x64xf32, #tpu.memory_space<vmem>>
        %get3A_774 = arith.index_cast %add3A_751 : i32 to index
        %get3A_775 = arith.constant 32 : index
        %get3A_776 = tpu.vector_load %get3A_773[%get3A_774, %get3A_775] {strides = array<i32>} : memref<100x64xf32, #tpu.memory_space<vmem>>, vector<1x16xf32>,
        %get3A_777 = vector.shape_cast %get3A_776 : vector<1x16xf32> to vector<16xf32>
        %add3A_778 = arith.addf %add3A_698, %get3A_777 : vector<16xf32>
        %get3A_779 = arith.constant 0 : i32
        %get3A_780 = arith.constant 0 : i32
        %get3A_781 = tpu.memref_slice %arg6[%scan3A_382, %get3A_779, %get3A_780] : memref<8x100x64xf32, #tpu.memory_space<vmem>> -> memref<1x100x64xf32, #tpu.memory_space<vmem>>
        %get3A_782 = tpu.memref_squeeze %get3A_781 : memref<1x100x64xf32, #tpu.memory_space<vmem>> -> memref<100x64xf32, #tpu.memory_space<vmem>>
        %get3A_783 = arith.index_cast %add3A_751 : i32 to index
        %get3A_784 = arith.constant 48 : index
        %get3A_785 = tpu.vector_load %get3A_782[%get3A_783, %get3A_784] {strides = array<i32>} : memref<100x64xf32, #tpu.memory_space<vmem>>, vector<1x16xf32>,
        %get3A_786 = vector.shape_cast %get3A_785 : vector<1x16xf32> to vector<16xf32>
        %add3A_787 = arith.addf %add3A_707, %get3A_786 : vector<16xf32>
        %mul3A_788 = arith.constant 10 : i32
        %mul3A_789 = arith.muli %scan3A_540, %mul3A_788 : i32
        %add3A_790 = arith.constant 6 : i32
        %add3A_791 = arith.addi %mul3A_789, %add3A_790 : i32
        %get3A_792 = arith.constant 0 : i32
        %get3A_793 = arith.constant 0 : i32
        %get3A_794 = tpu.memref_slice %arg6[%scan3A_382, %get3A_792, %get3A_793] : memref<8x100x64xf32, #tpu.memory_space<vmem>> -> memref<1x100x64xf32, #tpu.memory_space<vmem>>
        %get3A_795 = tpu.memref_squeeze %get3A_794 : memref<1x100x64xf32, #tpu.memory_space<vmem>> -> memref<100x64xf32, #tpu.memory_space<vmem>>
        %get3A_796 = arith.index_cast %add3A_791 : i32 to index
        %get3A_797 = arith.constant 0 : index
        %get3A_798 = tpu.vector_load %get3A_795[%get3A_796, %get3A_797] {strides = array<i32>} : memref<100x64xf32, #tpu.memory_space<vmem>>, vector<1x16xf32>,
        %get3A_799 = vector.shape_cast %get3A_798 : vector<1x16xf32> to vector<16xf32>
        %add3A_800 = arith.addf %add3A_720, %get3A_799 : vector<16xf32>
        %get3A_801 = arith.constant 0 : i32
        %get3A_802 = arith.constant 0 : i32
        %get3A_803 = tpu.memref_slice %arg6[%scan3A_382, %get3A_801, %get3A_802] : memref<8x100x64xf32, #tpu.memory_space<vmem>> -> memref<1x100x64xf32, #tpu.memory_space<vmem>>
        %get3A_804 = tpu.memref_squeeze %get3A_803 : memref<1x100x64xf32, #tpu.memory_space<vmem>> -> memref<100x64xf32, #tpu.memory_space<vmem>>
        %get3A_805 = arith.index_cast %add3A_791 : i32 to index
        %get3A_806 = arith.constant 16 : index
        %get3A_807 = tpu.vector_load %get3A_804[%get3A_805, %get3A_806] {strides = array<i32>} : memref<100x64xf32, #tpu.memory_space<vmem>>, vector<1x16xf32>,
        %get3A_808 = vector.shape_cast %get3A_807 : vector<1x16xf32> to vector<16xf32>
        %add3A_809 = arith.addf %add3A_729, %get3A_808 : vector<16xf32>
        %get3A_810 = arith.constant 0 : i32
        %get3A_811 = arith.constant 0 : i32
        %get3A_812 = tpu.memref_slice %arg6[%scan3A_382, %get3A_810, %get3A_811] : memref<8x100x64xf32, #tpu.memory_space<vmem>> -> memref<1x100x64xf32, #tpu.memory_space<vmem>>
        %get3A_813 = tpu.memref_squeeze %get3A_812 : memref<1x100x64xf32, #tpu.memory_space<vmem>> -> memref<100x64xf32, #tpu.memory_space<vmem>>
        %get3A_814 = arith.index_cast %add3A_791 : i32 to index
        %get3A_815 = arith.constant 32 : index
        %get3A_816 = tpu.vector_load %get3A_813[%get3A_814, %get3A_815] {strides = array<i32>} : memref<100x64xf32, #tpu.memory_space<vmem>>, vector<1x16xf32>,
        %get3A_817 = vector.shape_cast %get3A_816 : vector<1x16xf32> to vector<16xf32>
        %add3A_818 = arith.addf %add3A_738, %get3A_817 : vector<16xf32>
        %get3A_819 = arith.constant 0 : i32
        %get3A_820 = arith.constant 0 : i32
        %get3A_821 = tpu.memref_slice %arg6[%scan3A_382, %get3A_819, %get3A_820] : memref<8x100x64xf32, #tpu.memory_space<vmem>> -> memref<1x100x64xf32, #tpu.memory_space<vmem>>
        %get3A_822 = tpu.memref_squeeze %get3A_821 : memref<1x100x64xf32, #tpu.memory_space<vmem>> -> memref<100x64xf32, #tpu.memory_space<vmem>>
        %get3A_823 = arith.index_cast %add3A_791 : i32 to index
        %get3A_824 = arith.constant 48 : index
        %get3A_825 = tpu.vector_load %get3A_822[%get3A_823, %get3A_824] {strides = array<i32>} : memref<100x64xf32, #tpu.memory_space<vmem>>, vector<1x16xf32>,
        %get3A_826 = vector.shape_cast %get3A_825 : vector<1x16xf32> to vector<16xf32>
        %add3A_827 = arith.addf %add3A_747, %get3A_826 : vector<16xf32>
        %mul3A_828 = arith.constant 10 : i32
        %mul3A_829 = arith.muli %scan3A_540, %mul3A_828 : i32
        %add3A_830 = arith.constant 7 : i32
        %add3A_831 = arith.addi %mul3A_829, %add3A_830 : i32
        %get3A_832 = arith.constant 0 : i32
        %get3A_833 = arith.constant 0 : i32
        %get3A_834 = tpu.memref_slice %arg6[%scan3A_382, %get3A_832, %get3A_833] : memref<8x100x64xf32, #tpu.memory_space<vmem>> -> memref<1x100x64xf32, #tpu.memory_space<vmem>>
        %get3A_835 = tpu.memref_squeeze %get3A_834 : memref<1x100x64xf32, #tpu.memory_space<vmem>> -> memref<100x64xf32, #tpu.memory_space<vmem>>
        %get3A_836 = arith.index_cast %add3A_831 : i32 to index
        %get3A_837 = arith.constant 0 : index
        %get3A_838 = tpu.vector_load %get3A_835[%get3A_836, %get3A_837] {strides = array<i32>} : memref<100x64xf32, #tpu.memory_space<vmem>>, vector<1x16xf32>,
        %get3A_839 = vector.shape_cast %get3A_838 : vector<1x16xf32> to vector<16xf32>
        %add3A_840 = arith.addf %add3A_760, %get3A_839 : vector<16xf32>
        %get3A_841 = arith.constant 0 : i32
        %get3A_842 = arith.constant 0 : i32
        %get3A_843 = tpu.memref_slice %arg6[%scan3A_382, %get3A_841, %get3A_842] : memref<8x100x64xf32, #tpu.memory_space<vmem>> -> memref<1x100x64xf32, #tpu.memory_space<vmem>>
        %get3A_844 = tpu.memref_squeeze %get3A_843 : memref<1x100x64xf32, #tpu.memory_space<vmem>> -> memref<100x64xf32, #tpu.memory_space<vmem>>
        %get3A_845 = arith.index_cast %add3A_831 : i32 to index
        %get3A_846 = arith.constant 16 : index
        %get3A_847 = tpu.vector_load %get3A_844[%get3A_845, %get3A_846] {strides = array<i32>} : memref<100x64xf32, #tpu.memory_space<vmem>>, vector<1x16xf32>,
        %get3A_848 = vector.shape_cast %get3A_847 : vector<1x16xf32> to vector<16xf32>
        %add3A_849 = arith.addf %add3A_769, %get3A_848 : vector<16xf32>
        %get3A_850 = arith.constant 0 : i32
        %get3A_851 = arith.constant 0 : i32
        %get3A_852 = tpu.memref_slice %arg6[%scan3A_382, %get3A_850, %get3A_851] : memref<8x100x64xf32, #tpu.memory_space<vmem>> -> memref<1x100x64xf32, #tpu.memory_space<vmem>>
        %get3A_853 = tpu.memref_squeeze %get3A_852 : memref<1x100x64xf32, #tpu.memory_space<vmem>> -> memref<100x64xf32, #tpu.memory_space<vmem>>
        %get3A_854 = arith.index_cast %add3A_831 : i32 to index
        %get3A_855 = arith.constant 32 : index
        %get3A_856 = tpu.vector_load %get3A_853[%get3A_854, %get3A_855] {strides = array<i32>} : memref<100x64xf32, #tpu.memory_space<vmem>>, vector<1x16xf32>,
        %get3A_857 = vector.shape_cast %get3A_856 : vector<1x16xf32> to vector<16xf32>
        %add3A_858 = arith.addf %add3A_778, %get3A_857 : vector<16xf32>
        %get3A_859 = arith.constant 0 : i32
        %get3A_860 = arith.constant 0 : i32
        %get3A_861 = tpu.memref_slice %arg6[%scan3A_382, %get3A_859, %get3A_860] : memref<8x100x64xf32, #tpu.memory_space<vmem>> -> memref<1x100x64xf32, #tpu.memory_space<vmem>>
        %get3A_862 = tpu.memref_squeeze %get3A_861 : memref<1x100x64xf32, #tpu.memory_space<vmem>> -> memref<100x64xf32, #tpu.memory_space<vmem>>
        %get3A_863 = arith.index_cast %add3A_831 : i32 to index
        %get3A_864 = arith.constant 48 : index
        %get3A_865 = tpu.vector_load %get3A_862[%get3A_863, %get3A_864] {strides = array<i32>} : memref<100x64xf32, #tpu.memory_space<vmem>>, vector<1x16xf32>,
        %get3A_866 = vector.shape_cast %get3A_865 : vector<1x16xf32> to vector<16xf32>
        %add3A_867 = arith.addf %add3A_787, %get3A_866 : vector<16xf32>
        %mul3A_868 = arith.constant 10 : i32
        %mul3A_869 = arith.muli %scan3A_540, %mul3A_868 : i32
        %add3A_870 = arith.constant 8 : i32
        %add3A_871 = arith.addi %mul3A_869, %add3A_870 : i32
        %get3A_872 = arith.constant 0 : i32
        %get3A_873 = arith.constant 0 : i32
        %get3A_874 = tpu.memref_slice %arg6[%scan3A_382, %get3A_872, %get3A_873] : memref<8x100x64xf32, #tpu.memory_space<vmem>> -> memref<1x100x64xf32, #tpu.memory_space<vmem>>
        %get3A_875 = tpu.memref_squeeze %get3A_874 : memref<1x100x64xf32, #tpu.memory_space<vmem>> -> memref<100x64xf32, #tpu.memory_space<vmem>>
        %get3A_876 = arith.index_cast %add3A_871 : i32 to index
        %get3A_877 = arith.constant 0 : index
        %get3A_878 = tpu.vector_load %get3A_875[%get3A_876, %get3A_877] {strides = array<i32>} : memref<100x64xf32, #tpu.memory_space<vmem>>, vector<1x16xf32>,
        %get3A_879 = vector.shape_cast %get3A_878 : vector<1x16xf32> to vector<16xf32>
        %add3A_880 = arith.addf %add3A_800, %get3A_879 : vector<16xf32>
        %get3A_881 = arith.constant 0 : i32
        %get3A_882 = arith.constant 0 : i32
        %get3A_883 = tpu.memref_slice %arg6[%scan3A_382, %get3A_881, %get3A_882] : memref<8x100x64xf32, #tpu.memory_space<vmem>> -> memref<1x100x64xf32, #tpu.memory_space<vmem>>
        %get3A_884 = tpu.memref_squeeze %get3A_883 : memref<1x100x64xf32, #tpu.memory_space<vmem>> -> memref<100x64xf32, #tpu.memory_space<vmem>>
        %get3A_885 = arith.index_cast %add3A_871 : i32 to index
        %get3A_886 = arith.constant 16 : index
        %get3A_887 = tpu.vector_load %get3A_884[%get3A_885, %get3A_886] {strides = array<i32>} : memref<100x64xf32, #tpu.memory_space<vmem>>, vector<1x16xf32>,
        %get3A_888 = vector.shape_cast %get3A_887 : vector<1x16xf32> to vector<16xf32>
        %add3A_889 = arith.addf %add3A_809, %get3A_888 : vector<16xf32>
        %get3A_890 = arith.constant 0 : i32
        %get3A_891 = arith.constant 0 : i32
        %get3A_892 = tpu.memref_slice %arg6[%scan3A_382, %get3A_890, %get3A_891] : memref<8x100x64xf32, #tpu.memory_space<vmem>> -> memref<1x100x64xf32, #tpu.memory_space<vmem>>
        %get3A_893 = tpu.memref_squeeze %get3A_892 : memref<1x100x64xf32, #tpu.memory_space<vmem>> -> memref<100x64xf32, #tpu.memory_space<vmem>>
        %get3A_894 = arith.index_cast %add3A_871 : i32 to index
        %get3A_895 = arith.constant 32 : index
        %get3A_896 = tpu.vector_load %get3A_893[%get3A_894, %get3A_895] {strides = array<i32>} : memref<100x64xf32, #tpu.memory_space<vmem>>, vector<1x16xf32>,
        %get3A_897 = vector.shape_cast %get3A_896 : vector<1x16xf32> to vector<16xf32>
        %add3A_898 = arith.addf %add3A_818, %get3A_897 : vector<16xf32>
        %get3A_899 = arith.constant 0 : i32
        %get3A_900 = arith.constant 0 : i32
        %get3A_901 = tpu.memref_slice %arg6[%scan3A_382, %get3A_899, %get3A_900] : memref<8x100x64xf32, #tpu.memory_space<vmem>> -> memref<1x100x64xf32, #tpu.memory_space<vmem>>
        %get3A_902 = tpu.memref_squeeze %get3A_901 : memref<1x100x64xf32, #tpu.memory_space<vmem>> -> memref<100x64xf32, #tpu.memory_space<vmem>>
        %get3A_903 = arith.index_cast %add3A_871 : i32 to index
        %get3A_904 = arith.constant 48 : index
        %get3A_905 = tpu.vector_load %get3A_902[%get3A_903, %get3A_904] {strides = array<i32>} : memref<100x64xf32, #tpu.memory_space<vmem>>, vector<1x16xf32>,
        %get3A_906 = vector.shape_cast %get3A_905 : vector<1x16xf32> to vector<16xf32>
        %add3A_907 = arith.addf %add3A_827, %get3A_906 : vector<16xf32>
        %mul3A_908 = arith.constant 10 : i32
        %mul3A_909 = arith.muli %scan3A_540, %mul3A_908 : i32
        %add3A_910 = arith.constant 9 : i32
        %add3A_911 = arith.addi %mul3A_909, %add3A_910 : i32
        %get3A_912 = arith.constant 0 : i32
        %get3A_913 = arith.constant 0 : i32
        %get3A_914 = tpu.memref_slice %arg6[%scan3A_382, %get3A_912, %get3A_913] : memref<8x100x64xf32, #tpu.memory_space<vmem>> -> memref<1x100x64xf32, #tpu.memory_space<vmem>>
        %get3A_915 = tpu.memref_squeeze %get3A_914 : memref<1x100x64xf32, #tpu.memory_space<vmem>> -> memref<100x64xf32, #tpu.memory_space<vmem>>
        %get3A_916 = arith.index_cast %add3A_911 : i32 to index
        %get3A_917 = arith.constant 0 : index
        %get3A_918 = tpu.vector_load %get3A_915[%get3A_916, %get3A_917] {strides = array<i32>} : memref<100x64xf32, #tpu.memory_space<vmem>>, vector<1x16xf32>,
        %get3A_919 = vector.shape_cast %get3A_918 : vector<1x16xf32> to vector<16xf32>
        %add3A_920 = arith.addf %add3A_840, %get3A_919 : vector<16xf32>
        %get3A_921 = arith.constant 0 : i32
        %get3A_922 = arith.constant 0 : i32
        %get3A_923 = tpu.memref_slice %arg6[%scan3A_382, %get3A_921, %get3A_922] : memref<8x100x64xf32, #tpu.memory_space<vmem>> -> memref<1x100x64xf32, #tpu.memory_space<vmem>>
        %get3A_924 = tpu.memref_squeeze %get3A_923 : memref<1x100x64xf32, #tpu.memory_space<vmem>> -> memref<100x64xf32, #tpu.memory_space<vmem>>
        %get3A_925 = arith.index_cast %add3A_911 : i32 to index
        %get3A_926 = arith.constant 16 : index
        %get3A_927 = tpu.vector_load %get3A_924[%get3A_925, %get3A_926] {strides = array<i32>} : memref<100x64xf32, #tpu.memory_space<vmem>>, vector<1x16xf32>,
        %get3A_928 = vector.shape_cast %get3A_927 : vector<1x16xf32> to vector<16xf32>
        %add3A_929 = arith.addf %add3A_849, %get3A_928 : vector<16xf32>
        %get3A_930 = arith.constant 0 : i32
        %get3A_931 = arith.constant 0 : i32
        %get3A_932 = tpu.memref_slice %arg6[%scan3A_382, %get3A_930, %get3A_931] : memref<8x100x64xf32, #tpu.memory_space<vmem>> -> memref<1x100x64xf32, #tpu.memory_space<vmem>>
        %get3A_933 = tpu.memref_squeeze %get3A_932 : memref<1x100x64xf32, #tpu.memory_space<vmem>> -> memref<100x64xf32, #tpu.memory_space<vmem>>
        %get3A_934 = arith.index_cast %add3A_911 : i32 to index
        %get3A_935 = arith.constant 32 : index
        %get3A_936 = tpu.vector_load %get3A_933[%get3A_934, %get3A_935] {strides = array<i32>} : memref<100x64xf32, #tpu.memory_space<vmem>>, vector<1x16xf32>,
        %get3A_937 = vector.shape_cast %get3A_936 : vector<1x16xf32> to vector<16xf32>
        %add3A_938 = arith.addf %add3A_858, %get3A_937 : vector<16xf32>
        %get3A_939 = arith.constant 0 : i32
        %get3A_940 = arith.constant 0 : i32
        %get3A_941 = tpu.memref_slice %arg6[%scan3A_382, %get3A_939, %get3A_940] : memref<8x100x64xf32, #tpu.memory_space<vmem>> -> memref<1x100x64xf32, #tpu.memory_space<vmem>>
        %get3A_942 = tpu.memref_squeeze %get3A_941 : memref<1x100x64xf32, #tpu.memory_space<vmem>> -> memref<100x64xf32, #tpu.memory_space<vmem>>
        %get3A_943 = arith.index_cast %add3A_911 : i32 to index
        %get3A_944 = arith.constant 48 : index
        %get3A_945 = tpu.vector_load %get3A_942[%get3A_943, %get3A_944] {strides = array<i32>} : memref<100x64xf32, #tpu.memory_space<vmem>>, vector<1x16xf32>,
        %get3A_946 = vector.shape_cast %get3A_945 : vector<1x16xf32> to vector<16xf32>
        %add3A_947 = arith.addf %add3A_867, %get3A_946 : vector<16xf32>
        scf.yield %add3A_880, %add3A_889, %add3A_898, %add3A_907, %add3A_920, %add3A_929, %add3A_938, %add3A_947 : vector<16xf32>, vector<16xf32>, vector<16xf32>, vector<16xf32>, vector<16xf32>, vector<16xf32>, vector<16xf32>, vector<16xf32>
      }
      %scan3A_388 = arith.constant 10 : i32
      %lt3A_389 = arith.constant 31 : i32
      %lt3A_390 = arith.cmpi slt, %scan3A_105, %lt3A_389 : i32
      %convert_element_type3A_391 = arith.extui %lt3A_390 : i1 to i32
      %cond3A_392 = arith.constant 0 : i32
      %cond3A_393 = arith.cmpi ne, %convert_element_type3A_391, %cond3A_392 : i32
      scf.if %cond3A_393 {
        %add3A_540 = arith.constant 8 : i32
        %add3A_541 = arith.addi %add3A_370, %add3A_540 : i32
        %dma_start3A_542 = arith.constant 5 : i32
        %dma_start3A_543 = arith.constant 0 : i32
        %dma_start3A_544 = arith.constant 0 : i32
        %dma_start3A_545 = tpu.memref_slice %arg6[%dma_start3A_542, %dma_start3A_543, %dma_start3A_544] : memref<8x100x64xf32, #tpu.memory_space<vmem>> -> memref<1x100x64xf32, #tpu.memory_space<vmem>>
        %dma_start3A_546 = tpu.memref_squeeze %dma_start3A_545 : memref<1x100x64xf32, #tpu.memory_space<vmem>> -> memref<100x64xf32, #tpu.memory_space<vmem>>
        %dma_start3A_547 = arith.constant 0 : i32
        %dma_start3A_548 = tpu.memref_slice %arg5[%add3A_541, %dma_start3A_547] : memref<256x100xi32, #tpu.memory_space<vmem>> -> memref<1x100xi32, #tpu.memory_space<vmem>>
        %dma_start3A_549 = tpu.memref_squeeze %dma_start3A_548 : memref<1x100xi32, #tpu.memory_space<vmem>> -> memref<100xi32, #tpu.memory_space<vmem>>
        %dma_start3A_550 = arith.constant 0 : i32
        %dma_start3A_551 = arith.constant 0 : i32
        %dma_start3A_552 = tpu.memref_slice %arg3[%dma_start3A_550, %dma_start3A_551] : memref<1000000x64xf32, #tpu.memory_space<hbm>> -> memref<1000000x64xf32, #tpu.memory_space<hbm>>
        tpu.enqueue_indirect_dma source(%dma_start3A_552 : memref<1000000x64xf32, #tpu.memory_space<hbm>>) target(%dma_start3A_546 : memref<100x64xf32, #tpu.memory_space<vmem>>) offsets(%dma_start3A_549 : memref<100xi32, #tpu.memory_space<vmem>>) semaphore(%arg13 : memref<!tpu.dma_semaphore, #tpu.memory_space<semaphore_mem>>)
      } else {
      }
      %add3A_394 = arith.addf %scan3A_387#0, %scan3A_387#4 : vector<16xf32>
      %mul3A_395 = arith.constant 5.000000e-03 : f32
      %mul3A_396 = vector.broadcast %mul3A_395 : f32 to vector<16xf32>
      %mul3A_397 = arith.mulf %add3A_394, %mul3A_396 : vector<16xf32>
      %swap3A_398 = arith.index_cast %add3A_323 : i32 to index
      %swap3A_399 = arith.constant 0 : index
      %swap3A_400 = tpu.vector_load %arg7[%swap3A_398, %swap3A_399] {strides = array<i32>} : memref<128x64xf32, #tpu.memory_space<vmem>>, vector<1x16xf32>,
      %swap3A_401 = vector.shape_cast %swap3A_400 : vector<1x16xf32> to vector<16xf32>
      %swap3A_402 = vector.shape_cast %mul3A_397 : vector<16xf32> to vector<1x16xf32>
      tpu.vector_store %arg7[%swap3A_398, %swap3A_399], %swap3A_402 {strides = array<i32>} : memref<128x64xf32, #tpu.memory_space<vmem>>, vector<1x16xf32>,
      %add3A_403 = arith.addf %scan3A_387#1, %scan3A_387#5 : vector<16xf32>
      %mul3A_404 = arith.constant 5.000000e-03 : f32
      %mul3A_405 = vector.broadcast %mul3A_404 : f32 to vector<16xf32>
      %mul3A_406 = arith.mulf %add3A_403, %mul3A_405 : vector<16xf32>
      %swap3A_407 = arith.index_cast %add3A_323 : i32 to index
      %swap3A_408 = arith.constant 16 : index
      %swap3A_409 = tpu.vector_load %arg7[%swap3A_407, %swap3A_408] {strides = array<i32>} : memref<128x64xf32, #tpu.memory_space<vmem>>, vector<1x16xf32>,
      %swap3A_410 = vector.shape_cast %swap3A_409 : vector<1x16xf32> to vector<16xf32>
      %swap3A_411 = vector.shape_cast %mul3A_406 : vector<16xf32> to vector<1x16xf32>
      tpu.vector_store %arg7[%swap3A_407, %swap3A_408], %swap3A_411 {strides = array<i32>} : memref<128x64xf32, #tpu.memory_space<vmem>>, vector<1x16xf32>,
      %add3A_412 = arith.addf %scan3A_387#2, %scan3A_387#6 : vector<16xf32>
      %mul3A_413 = arith.constant 5.000000e-03 : f32
      %mul3A_414 = vector.broadcast %mul3A_413 : f32 to vector<16xf32>
      %mul3A_415 = arith.mulf %add3A_412, %mul3A_414 : vector<16xf32>
      %swap3A_416 = arith.index_cast %add3A_323 : i32 to index
      %swap3A_417 = arith.constant 32 : index
      %swap3A_418 = tpu.vector_load %arg7[%swap3A_416, %swap3A_417] {strides = array<i32>} : memref<128x64xf32, #tpu.memory_space<vmem>>, vector<1x16xf32>,
      %swap3A_419 = vector.shape_cast %swap3A_418 : vector<1x16xf32> to vector<16xf32>
      %swap3A_420 = vector.shape_cast %mul3A_415 : vector<16xf32> to vector<1x16xf32>
      tpu.vector_store %arg7[%swap3A_416, %swap3A_417], %swap3A_420 {strides = array<i32>} : memref<128x64xf32, #tpu.memory_space<vmem>>, vector<1x16xf32>,
      %add3A_421 = arith.addf %scan3A_387#3, %scan3A_387#7 : vector<16xf32>
      %mul3A_422 = arith.constant 5.000000e-03 : f32
      %mul3A_423 = vector.broadcast %mul3A_422 : f32 to vector<16xf32>
      %mul3A_424 = arith.mulf %add3A_421, %mul3A_423 : vector<16xf32>
      %swap3A_425 = arith.index_cast %add3A_323 : i32 to index
      %swap3A_426 = arith.constant 48 : index
      %swap3A_427 = tpu.vector_load %arg7[%swap3A_425, %swap3A_426] {strides = array<i32>} : memref<128x64xf32, #tpu.memory_space<vmem>>, vector<1x16xf32>,
      %swap3A_428 = vector.shape_cast %swap3A_427 : vector<1x16xf32> to vector<16xf32>
      %swap3A_429 = vector.shape_cast %mul3A_424 : vector<16xf32> to vector<1x16xf32>
      tpu.vector_store %arg7[%swap3A_425, %swap3A_426], %swap3A_429 {strides = array<i32>} : memref<128x64xf32, #tpu.memory_space<vmem>>, vector<1x16xf32>,
      %mul3A_430 = arith.constant 4 : i32
      %mul3A_431 = arith.muli %mul3A_430, %scan3A_105 : i32
      %add3A_432 = arith.constant 3 : i32
      %add3A_433 = arith.addi %mul3A_431, %add3A_432 : i32
      %broadcast_in_dim3A_434 = arith.constant 0.000000e+00 : f32
      %broadcast_in_dim3A_435 = vector.broadcast %broadcast_in_dim3A_434 : f32 to vector<16xf32>
      %broadcast_in_dim3A_436 = arith.constant 0.000000e+00 : f32
      %broadcast_in_dim3A_437 = vector.broadcast %broadcast_in_dim3A_436 : f32 to vector<16xf32>
      %broadcast_in_dim3A_438 = arith.constant 0.000000e+00 : f32
      %broadcast_in_dim3A_439 = vector.broadcast %broadcast_in_dim3A_438 : f32 to vector<16xf32>
      %broadcast_in_dim3A_440 = arith.constant 0.000000e+00 : f32
      %broadcast_in_dim3A_441 = vector.broadcast %broadcast_in_dim3A_440 : f32 to vector<16xf32>
      %broadcast_in_dim3A_442 = arith.constant 0.000000e+00 : f32
      %broadcast_in_dim3A_443 = vector.broadcast %broadcast_in_dim3A_442 : f32 to vector<16xf32>
      %broadcast_in_dim3A_444 = arith.constant 0.000000e+00 : f32
      %broadcast_in_dim3A_445 = vector.broadcast %broadcast_in_dim3A_444 : f32 to vector<16xf32>
      %broadcast_in_dim3A_446 = arith.constant 0.000000e+00 : f32
      %broadcast_in_dim3A_447 = vector.broadcast %broadcast_in_dim3A_446 : f32 to vector<16xf32>
      %broadcast_in_dim3A_448 = arith.constant 0.000000e+00 : f32
      %broadcast_in_dim3A_449 = vector.broadcast %broadcast_in_dim3A_448 : f32 to vector<16xf32>
      %mul3A_450 = arith.constant 8 : i32
      %mul3A_451 = arith.muli %mul3A_450, %scan3A_105 : i32
      %add3A_452 = arith.constant 6 : i32
      %add3A_453 = arith.addi %mul3A_451, %add3A_452 : i32
      %dma_wait3A_454 = arith.constant 6 : i32
      %dma_wait3A_455 = arith.constant 0 : i32
      %dma_wait3A_456 = arith.constant 0 : i32
      %dma_wait3A_457 = tpu.memref_slice %arg6[%dma_wait3A_454, %dma_wait3A_455, %dma_wait3A_456] : memref<8x100x64xf32, #tpu.memory_space<vmem>> -> memref<1x100x64xf32, #tpu.memory_space<vmem>>
      %dma_wait3A_458 = tpu.memref_squeeze %dma_wait3A_457 : memref<1x100x64xf32, #tpu.memory_space<vmem>> -> memref<100x64xf32, #tpu.memory_space<vmem>>
      %dma_wait3A_459 = arith.constant 0 : i32
      %dma_wait3A_460 = tpu.memref_slice %arg5[%add3A_453, %dma_wait3A_459] : memref<256x100xi32, #tpu.memory_space<vmem>> -> memref<1x100xi32, #tpu.memory_space<vmem>>
      %dma_wait3A_461 = tpu.memref_squeeze %dma_wait3A_460 : memref<1x100xi32, #tpu.memory_space<vmem>> -> memref<100xi32, #tpu.memory_space<vmem>>
      %dma_wait3A_462 = arith.constant 0 : i32
      %dma_wait3A_463 = arith.constant 0 : i32
      %dma_wait3A_464 = tpu.memref_slice %arg3[%dma_wait3A_462, %dma_wait3A_463] : memref<1000000x64xf32, #tpu.memory_space<hbm>> -> memref<1000000x64xf32, #tpu.memory_space<hbm>>
      tpu.wait_indirect_dma semaphore(%arg14 : memref<!tpu.dma_semaphore, #tpu.memory_space<semaphore_mem>>) src(%dma_wait3A_464 : memref<1000000x64xf32, #tpu.memory_space<hbm>>) dst(%dma_wait3A_458 : memref<100x64xf32, #tpu.memory_space<vmem>>)
      %scan3A_465 = arith.constant 6 : i32
      %scan3A_466 = arith.constant 0 : i32
      %scan3A_467 = arith.constant 10 : i32
      %scan3A_468 = arith.addi %scan3A_466, %scan3A_467 : i32
      %scan3A_469 = arith.constant 1 : i32
      %scan3A_470:8 = scf.for %scan3A_540 = %scan3A_466 to %scan3A_468 step %scan3A_469 iter_args(%scan3A_541 = %broadcast_in_dim3A_435, %scan3A_542 = %broadcast_in_dim3A_437, %scan3A_543 = %broadcast_in_dim3A_439, %scan3A_544 = %broadcast_in_dim3A_441, %scan3A_545 = %broadcast_in_dim3A_443, %scan3A_546 = %broadcast_in_dim3A_445, %scan3A_547 = %broadcast_in_dim3A_447, %scan3A_548 = %broadcast_in_dim3A_449) -> (vector<16xf32>, vector<16xf32>, vector<16xf32>, vector<16xf32>, vector<16xf32>, vector<16xf32>, vector<16xf32>, vector<16xf32>)  : i32 {
        %mul3A_549 = arith.constant 10 : i32
        %mul3A_550 = arith.muli %scan3A_540, %mul3A_549 : i32
        %add3A_551 = arith.constant 0 : i32
        %add3A_552 = arith.addi %mul3A_550, %add3A_551 : i32
        %get3A = arith.constant 0 : i32
        %get3A_553 = arith.constant 0 : i32
        %get3A_554 = tpu.memref_slice %arg6[%scan3A_465, %get3A, %get3A_553] : memref<8x100x64xf32, #tpu.memory_space<vmem>> -> memref<1x100x64xf32, #tpu.memory_space<vmem>>
        %get3A_555 = tpu.memref_squeeze %get3A_554 : memref<1x100x64xf32, #tpu.memory_space<vmem>> -> memref<100x64xf32, #tpu.memory_space<vmem>>
        %get3A_556 = arith.index_cast %add3A_552 : i32 to index
        %get3A_557 = arith.constant 0 : index
        %get3A_558 = tpu.vector_load %get3A_555[%get3A_556, %get3A_557] {strides = array<i32>} : memref<100x64xf32, #tpu.memory_space<vmem>>, vector<1x16xf32>,
        %get3A_559 = vector.shape_cast %get3A_558 : vector<1x16xf32> to vector<16xf32>
        %add3A_560 = arith.addf %scan3A_541, %get3A_559 : vector<16xf32>
        %get3A_561 = arith.constant 0 : i32
        %get3A_562 = arith.constant 0 : i32
        %get3A_563 = tpu.memref_slice %arg6[%scan3A_465, %get3A_561, %get3A_562] : memref<8x100x64xf32, #tpu.memory_space<vmem>> -> memref<1x100x64xf32, #tpu.memory_space<vmem>>
        %get3A_564 = tpu.memref_squeeze %get3A_563 : memref<1x100x64xf32, #tpu.memory_space<vmem>> -> memref<100x64xf32, #tpu.memory_space<vmem>>
        %get3A_565 = arith.index_cast %add3A_552 : i32 to index
        %get3A_566 = arith.constant 16 : index
        %get3A_567 = tpu.vector_load %get3A_564[%get3A_565, %get3A_566] {strides = array<i32>} : memref<100x64xf32, #tpu.memory_space<vmem>>, vector<1x16xf32>,
        %get3A_568 = vector.shape_cast %get3A_567 : vector<1x16xf32> to vector<16xf32>
        %add3A_569 = arith.addf %scan3A_542, %get3A_568 : vector<16xf32>
        %get3A_570 = arith.constant 0 : i32
        %get3A_571 = arith.constant 0 : i32
        %get3A_572 = tpu.memref_slice %arg6[%scan3A_465, %get3A_570, %get3A_571] : memref<8x100x64xf32, #tpu.memory_space<vmem>> -> memref<1x100x64xf32, #tpu.memory_space<vmem>>
        %get3A_573 = tpu.memref_squeeze %get3A_572 : memref<1x100x64xf32, #tpu.memory_space<vmem>> -> memref<100x64xf32, #tpu.memory_space<vmem>>
        %get3A_574 = arith.index_cast %add3A_552 : i32 to index
        %get3A_575 = arith.constant 32 : index
        %get3A_576 = tpu.vector_load %get3A_573[%get3A_574, %get3A_575] {strides = array<i32>} : memref<100x64xf32, #tpu.memory_space<vmem>>, vector<1x16xf32>,
        %get3A_577 = vector.shape_cast %get3A_576 : vector<1x16xf32> to vector<16xf32>
        %add3A_578 = arith.addf %scan3A_543, %get3A_577 : vector<16xf32>
        %get3A_579 = arith.constant 0 : i32
        %get3A_580 = arith.constant 0 : i32
        %get3A_581 = tpu.memref_slice %arg6[%scan3A_465, %get3A_579, %get3A_580] : memref<8x100x64xf32, #tpu.memory_space<vmem>> -> memref<1x100x64xf32, #tpu.memory_space<vmem>>
        %get3A_582 = tpu.memref_squeeze %get3A_581 : memref<1x100x64xf32, #tpu.memory_space<vmem>> -> memref<100x64xf32, #tpu.memory_space<vmem>>
        %get3A_583 = arith.index_cast %add3A_552 : i32 to index
        %get3A_584 = arith.constant 48 : index
        %get3A_585 = tpu.vector_load %get3A_582[%get3A_583, %get3A_584] {strides = array<i32>} : memref<100x64xf32, #tpu.memory_space<vmem>>, vector<1x16xf32>,
        %get3A_586 = vector.shape_cast %get3A_585 : vector<1x16xf32> to vector<16xf32>
        %add3A_587 = arith.addf %scan3A_544, %get3A_586 : vector<16xf32>
        %mul3A_588 = arith.constant 10 : i32
        %mul3A_589 = arith.muli %scan3A_540, %mul3A_588 : i32
        %add3A_590 = arith.constant 1 : i32
        %add3A_591 = arith.addi %mul3A_589, %add3A_590 : i32
        %get3A_592 = arith.constant 0 : i32
        %get3A_593 = arith.constant 0 : i32
        %get3A_594 = tpu.memref_slice %arg6[%scan3A_465, %get3A_592, %get3A_593] : memref<8x100x64xf32, #tpu.memory_space<vmem>> -> memref<1x100x64xf32, #tpu.memory_space<vmem>>
        %get3A_595 = tpu.memref_squeeze %get3A_594 : memref<1x100x64xf32, #tpu.memory_space<vmem>> -> memref<100x64xf32, #tpu.memory_space<vmem>>
        %get3A_596 = arith.index_cast %add3A_591 : i32 to index
        %get3A_597 = arith.constant 0 : index
        %get3A_598 = tpu.vector_load %get3A_595[%get3A_596, %get3A_597] {strides = array<i32>} : memref<100x64xf32, #tpu.memory_space<vmem>>, vector<1x16xf32>,
        %get3A_599 = vector.shape_cast %get3A_598 : vector<1x16xf32> to vector<16xf32>
        %add3A_600 = arith.addf %scan3A_545, %get3A_599 : vector<16xf32>
        %get3A_601 = arith.constant 0 : i32
        %get3A_602 = arith.constant 0 : i32
        %get3A_603 = tpu.memref_slice %arg6[%scan3A_465, %get3A_601, %get3A_602] : memref<8x100x64xf32, #tpu.memory_space<vmem>> -> memref<1x100x64xf32, #tpu.memory_space<vmem>>
        %get3A_604 = tpu.memref_squeeze %get3A_603 : memref<1x100x64xf32, #tpu.memory_space<vmem>> -> memref<100x64xf32, #tpu.memory_space<vmem>>
        %get3A_605 = arith.index_cast %add3A_591 : i32 to index
        %get3A_606 = arith.constant 16 : index
        %get3A_607 = tpu.vector_load %get3A_604[%get3A_605, %get3A_606] {strides = array<i32>} : memref<100x64xf32, #tpu.memory_space<vmem>>, vector<1x16xf32>,
        %get3A_608 = vector.shape_cast %get3A_607 : vector<1x16xf32> to vector<16xf32>
        %add3A_609 = arith.addf %scan3A_546, %get3A_608 : vector<16xf32>
        %get3A_610 = arith.constant 0 : i32
        %get3A_611 = arith.constant 0 : i32
        %get3A_612 = tpu.memref_slice %arg6[%scan3A_465, %get3A_610, %get3A_611] : memref<8x100x64xf32, #tpu.memory_space<vmem>> -> memref<1x100x64xf32, #tpu.memory_space<vmem>>
        %get3A_613 = tpu.memref_squeeze %get3A_612 : memref<1x100x64xf32, #tpu.memory_space<vmem>> -> memref<100x64xf32, #tpu.memory_space<vmem>>
        %get3A_614 = arith.index_cast %add3A_591 : i32 to index
        %get3A_615 = arith.constant 32 : index
        %get3A_616 = tpu.vector_load %get3A_613[%get3A_614, %get3A_615] {strides = array<i32>} : memref<100x64xf32, #tpu.memory_space<vmem>>, vector<1x16xf32>,
        %get3A_617 = vector.shape_cast %get3A_616 : vector<1x16xf32> to vector<16xf32>
        %add3A_618 = arith.addf %scan3A_547, %get3A_617 : vector<16xf32>
        %get3A_619 = arith.constant 0 : i32
        %get3A_620 = arith.constant 0 : i32
        %get3A_621 = tpu.memref_slice %arg6[%scan3A_465, %get3A_619, %get3A_620] : memref<8x100x64xf32, #tpu.memory_space<vmem>> -> memref<1x100x64xf32, #tpu.memory_space<vmem>>
        %get3A_622 = tpu.memref_squeeze %get3A_621 : memref<1x100x64xf32, #tpu.memory_space<vmem>> -> memref<100x64xf32, #tpu.memory_space<vmem>>
        %get3A_623 = arith.index_cast %add3A_591 : i32 to index
        %get3A_624 = arith.constant 48 : index
        %get3A_625 = tpu.vector_load %get3A_622[%get3A_623, %get3A_624] {strides = array<i32>} : memref<100x64xf32, #tpu.memory_space<vmem>>, vector<1x16xf32>,
        %get3A_626 = vector.shape_cast %get3A_625 : vector<1x16xf32> to vector<16xf32>
        %add3A_627 = arith.addf %scan3A_548, %get3A_626 : vector<16xf32>
        %mul3A_628 = arith.constant 10 : i32
        %mul3A_629 = arith.muli %scan3A_540, %mul3A_628 : i32
        %add3A_630 = arith.constant 2 : i32
        %add3A_631 = arith.addi %mul3A_629, %add3A_630 : i32
        %get3A_632 = arith.constant 0 : i32
        %get3A_633 = arith.constant 0 : i32
        %get3A_634 = tpu.memref_slice %arg6[%scan3A_465, %get3A_632, %get3A_633] : memref<8x100x64xf32, #tpu.memory_space<vmem>> -> memref<1x100x64xf32, #tpu.memory_space<vmem>>
        %get3A_635 = tpu.memref_squeeze %get3A_634 : memref<1x100x64xf32, #tpu.memory_space<vmem>> -> memref<100x64xf32, #tpu.memory_space<vmem>>
        %get3A_636 = arith.index_cast %add3A_631 : i32 to index
        %get3A_637 = arith.constant 0 : index
        %get3A_638 = tpu.vector_load %get3A_635[%get3A_636, %get3A_637] {strides = array<i32>} : memref<100x64xf32, #tpu.memory_space<vmem>>, vector<1x16xf32>,
        %get3A_639 = vector.shape_cast %get3A_638 : vector<1x16xf32> to vector<16xf32>
        %add3A_640 = arith.addf %add3A_560, %get3A_639 : vector<16xf32>
        %get3A_641 = arith.constant 0 : i32
        %get3A_642 = arith.constant 0 : i32
        %get3A_643 = tpu.memref_slice %arg6[%scan3A_465, %get3A_641, %get3A_642] : memref<8x100x64xf32, #tpu.memory_space<vmem>> -> memref<1x100x64xf32, #tpu.memory_space<vmem>>
        %get3A_644 = tpu.memref_squeeze %get3A_643 : memref<1x100x64xf32, #tpu.memory_space<vmem>> -> memref<100x64xf32, #tpu.memory_space<vmem>>
        %get3A_645 = arith.index_cast %add3A_631 : i32 to index
        %get3A_646 = arith.constant 16 : index
        %get3A_647 = tpu.vector_load %get3A_644[%get3A_645, %get3A_646] {strides = array<i32>} : memref<100x64xf32, #tpu.memory_space<vmem>>, vector<1x16xf32>,
        %get3A_648 = vector.shape_cast %get3A_647 : vector<1x16xf32> to vector<16xf32>
        %add3A_649 = arith.addf %add3A_569, %get3A_648 : vector<16xf32>
        %get3A_650 = arith.constant 0 : i32
        %get3A_651 = arith.constant 0 : i32
        %get3A_652 = tpu.memref_slice %arg6[%scan3A_465, %get3A_650, %get3A_651] : memref<8x100x64xf32, #tpu.memory_space<vmem>> -> memref<1x100x64xf32, #tpu.memory_space<vmem>>
        %get3A_653 = tpu.memref_squeeze %get3A_652 : memref<1x100x64xf32, #tpu.memory_space<vmem>> -> memref<100x64xf32, #tpu.memory_space<vmem>>
        %get3A_654 = arith.index_cast %add3A_631 : i32 to index
        %get3A_655 = arith.constant 32 : index
        %get3A_656 = tpu.vector_load %get3A_653[%get3A_654, %get3A_655] {strides = array<i32>} : memref<100x64xf32, #tpu.memory_space<vmem>>, vector<1x16xf32>,
        %get3A_657 = vector.shape_cast %get3A_656 : vector<1x16xf32> to vector<16xf32>
        %add3A_658 = arith.addf %add3A_578, %get3A_657 : vector<16xf32>
        %get3A_659 = arith.constant 0 : i32
        %get3A_660 = arith.constant 0 : i32
        %get3A_661 = tpu.memref_slice %arg6[%scan3A_465, %get3A_659, %get3A_660] : memref<8x100x64xf32, #tpu.memory_space<vmem>> -> memref<1x100x64xf32, #tpu.memory_space<vmem>>
        %get3A_662 = tpu.memref_squeeze %get3A_661 : memref<1x100x64xf32, #tpu.memory_space<vmem>> -> memref<100x64xf32, #tpu.memory_space<vmem>>
        %get3A_663 = arith.index_cast %add3A_631 : i32 to index
        %get3A_664 = arith.constant 48 : index
        %get3A_665 = tpu.vector_load %get3A_662[%get3A_663, %get3A_664] {strides = array<i32>} : memref<100x64xf32, #tpu.memory_space<vmem>>, vector<1x16xf32>,
        %get3A_666 = vector.shape_cast %get3A_665 : vector<1x16xf32> to vector<16xf32>
        %add3A_667 = arith.addf %add3A_587, %get3A_666 : vector<16xf32>
        %mul3A_668 = arith.constant 10 : i32
        %mul3A_669 = arith.muli %scan3A_540, %mul3A_668 : i32
        %add3A_670 = arith.constant 3 : i32
        %add3A_671 = arith.addi %mul3A_669, %add3A_670 : i32
        %get3A_672 = arith.constant 0 : i32
        %get3A_673 = arith.constant 0 : i32
        %get3A_674 = tpu.memref_slice %arg6[%scan3A_465, %get3A_672, %get3A_673] : memref<8x100x64xf32, #tpu.memory_space<vmem>> -> memref<1x100x64xf32, #tpu.memory_space<vmem>>
        %get3A_675 = tpu.memref_squeeze %get3A_674 : memref<1x100x64xf32, #tpu.memory_space<vmem>> -> memref<100x64xf32, #tpu.memory_space<vmem>>
        %get3A_676 = arith.index_cast %add3A_671 : i32 to index
        %get3A_677 = arith.constant 0 : index
        %get3A_678 = tpu.vector_load %get3A_675[%get3A_676, %get3A_677] {strides = array<i32>} : memref<100x64xf32, #tpu.memory_space<vmem>>, vector<1x16xf32>,
        %get3A_679 = vector.shape_cast %get3A_678 : vector<1x16xf32> to vector<16xf32>
        %add3A_680 = arith.addf %add3A_600, %get3A_679 : vector<16xf32>
        %get3A_681 = arith.constant 0 : i32
        %get3A_682 = arith.constant 0 : i32
        %get3A_683 = tpu.memref_slice %arg6[%scan3A_465, %get3A_681, %get3A_682] : memref<8x100x64xf32, #tpu.memory_space<vmem>> -> memref<1x100x64xf32, #tpu.memory_space<vmem>>
        %get3A_684 = tpu.memref_squeeze %get3A_683 : memref<1x100x64xf32, #tpu.memory_space<vmem>> -> memref<100x64xf32, #tpu.memory_space<vmem>>
        %get3A_685 = arith.index_cast %add3A_671 : i32 to index
        %get3A_686 = arith.constant 16 : index
        %get3A_687 = tpu.vector_load %get3A_684[%get3A_685, %get3A_686] {strides = array<i32>} : memref<100x64xf32, #tpu.memory_space<vmem>>, vector<1x16xf32>,
        %get3A_688 = vector.shape_cast %get3A_687 : vector<1x16xf32> to vector<16xf32>
        %add3A_689 = arith.addf %add3A_609, %get3A_688 : vector<16xf32>
        %get3A_690 = arith.constant 0 : i32
        %get3A_691 = arith.constant 0 : i32
        %get3A_692 = tpu.memref_slice %arg6[%scan3A_465, %get3A_690, %get3A_691] : memref<8x100x64xf32, #tpu.memory_space<vmem>> -> memref<1x100x64xf32, #tpu.memory_space<vmem>>
        %get3A_693 = tpu.memref_squeeze %get3A_692 : memref<1x100x64xf32, #tpu.memory_space<vmem>> -> memref<100x64xf32, #tpu.memory_space<vmem>>
        %get3A_694 = arith.index_cast %add3A_671 : i32 to index
        %get3A_695 = arith.constant 32 : index
        %get3A_696 = tpu.vector_load %get3A_693[%get3A_694, %get3A_695] {strides = array<i32>} : memref<100x64xf32, #tpu.memory_space<vmem>>, vector<1x16xf32>,
        %get3A_697 = vector.shape_cast %get3A_696 : vector<1x16xf32> to vector<16xf32>
        %add3A_698 = arith.addf %add3A_618, %get3A_697 : vector<16xf32>
        %get3A_699 = arith.constant 0 : i32
        %get3A_700 = arith.constant 0 : i32
        %get3A_701 = tpu.memref_slice %arg6[%scan3A_465, %get3A_699, %get3A_700] : memref<8x100x64xf32, #tpu.memory_space<vmem>> -> memref<1x100x64xf32, #tpu.memory_space<vmem>>
        %get3A_702 = tpu.memref_squeeze %get3A_701 : memref<1x100x64xf32, #tpu.memory_space<vmem>> -> memref<100x64xf32, #tpu.memory_space<vmem>>
        %get3A_703 = arith.index_cast %add3A_671 : i32 to index
        %get3A_704 = arith.constant 48 : index
        %get3A_705 = tpu.vector_load %get3A_702[%get3A_703, %get3A_704] {strides = array<i32>} : memref<100x64xf32, #tpu.memory_space<vmem>>, vector<1x16xf32>,
        %get3A_706 = vector.shape_cast %get3A_705 : vector<1x16xf32> to vector<16xf32>
        %add3A_707 = arith.addf %add3A_627, %get3A_706 : vector<16xf32>
        %mul3A_708 = arith.constant 10 : i32
        %mul3A_709 = arith.muli %scan3A_540, %mul3A_708 : i32
        %add3A_710 = arith.constant 4 : i32
        %add3A_711 = arith.addi %mul3A_709, %add3A_710 : i32
        %get3A_712 = arith.constant 0 : i32
        %get3A_713 = arith.constant 0 : i32
        %get3A_714 = tpu.memref_slice %arg6[%scan3A_465, %get3A_712, %get3A_713] : memref<8x100x64xf32, #tpu.memory_space<vmem>> -> memref<1x100x64xf32, #tpu.memory_space<vmem>>
        %get3A_715 = tpu.memref_squeeze %get3A_714 : memref<1x100x64xf32, #tpu.memory_space<vmem>> -> memref<100x64xf32, #tpu.memory_space<vmem>>
        %get3A_716 = arith.index_cast %add3A_711 : i32 to index
        %get3A_717 = arith.constant 0 : index
        %get3A_718 = tpu.vector_load %get3A_715[%get3A_716, %get3A_717] {strides = array<i32>} : memref<100x64xf32, #tpu.memory_space<vmem>>, vector<1x16xf32>,
        %get3A_719 = vector.shape_cast %get3A_718 : vector<1x16xf32> to vector<16xf32>
        %add3A_720 = arith.addf %add3A_640, %get3A_719 : vector<16xf32>
        %get3A_721 = arith.constant 0 : i32
        %get3A_722 = arith.constant 0 : i32
        %get3A_723 = tpu.memref_slice %arg6[%scan3A_465, %get3A_721, %get3A_722] : memref<8x100x64xf32, #tpu.memory_space<vmem>> -> memref<1x100x64xf32, #tpu.memory_space<vmem>>
        %get3A_724 = tpu.memref_squeeze %get3A_723 : memref<1x100x64xf32, #tpu.memory_space<vmem>> -> memref<100x64xf32, #tpu.memory_space<vmem>>
        %get3A_725 = arith.index_cast %add3A_711 : i32 to index
        %get3A_726 = arith.constant 16 : index
        %get3A_727 = tpu.vector_load %get3A_724[%get3A_725, %get3A_726] {strides = array<i32>} : memref<100x64xf32, #tpu.memory_space<vmem>>, vector<1x16xf32>,
        %get3A_728 = vector.shape_cast %get3A_727 : vector<1x16xf32> to vector<16xf32>
        %add3A_729 = arith.addf %add3A_649, %get3A_728 : vector<16xf32>
        %get3A_730 = arith.constant 0 : i32
        %get3A_731 = arith.constant 0 : i32
        %get3A_732 = tpu.memref_slice %arg6[%scan3A_465, %get3A_730, %get3A_731] : memref<8x100x64xf32, #tpu.memory_space<vmem>> -> memref<1x100x64xf32, #tpu.memory_space<vmem>>
        %get3A_733 = tpu.memref_squeeze %get3A_732 : memref<1x100x64xf32, #tpu.memory_space<vmem>> -> memref<100x64xf32, #tpu.memory_space<vmem>>
        %get3A_734 = arith.index_cast %add3A_711 : i32 to index
        %get3A_735 = arith.constant 32 : index
        %get3A_736 = tpu.vector_load %get3A_733[%get3A_734, %get3A_735] {strides = array<i32>} : memref<100x64xf32, #tpu.memory_space<vmem>>, vector<1x16xf32>,
        %get3A_737 = vector.shape_cast %get3A_736 : vector<1x16xf32> to vector<16xf32>
        %add3A_738 = arith.addf %add3A_658, %get3A_737 : vector<16xf32>
        %get3A_739 = arith.constant 0 : i32
        %get3A_740 = arith.constant 0 : i32
        %get3A_741 = tpu.memref_slice %arg6[%scan3A_465, %get3A_739, %get3A_740] : memref<8x100x64xf32, #tpu.memory_space<vmem>> -> memref<1x100x64xf32, #tpu.memory_space<vmem>>
        %get3A_742 = tpu.memref_squeeze %get3A_741 : memref<1x100x64xf32, #tpu.memory_space<vmem>> -> memref<100x64xf32, #tpu.memory_space<vmem>>
        %get3A_743 = arith.index_cast %add3A_711 : i32 to index
        %get3A_744 = arith.constant 48 : index
        %get3A_745 = tpu.vector_load %get3A_742[%get3A_743, %get3A_744] {strides = array<i32>} : memref<100x64xf32, #tpu.memory_space<vmem>>, vector<1x16xf32>,
        %get3A_746 = vector.shape_cast %get3A_745 : vector<1x16xf32> to vector<16xf32>
        %add3A_747 = arith.addf %add3A_667, %get3A_746 : vector<16xf32>
        %mul3A_748 = arith.constant 10 : i32
        %mul3A_749 = arith.muli %scan3A_540, %mul3A_748 : i32
        %add3A_750 = arith.constant 5 : i32
        %add3A_751 = arith.addi %mul3A_749, %add3A_750 : i32
        %get3A_752 = arith.constant 0 : i32
        %get3A_753 = arith.constant 0 : i32
        %get3A_754 = tpu.memref_slice %arg6[%scan3A_465, %get3A_752, %get3A_753] : memref<8x100x64xf32, #tpu.memory_space<vmem>> -> memref<1x100x64xf32, #tpu.memory_space<vmem>>
        %get3A_755 = tpu.memref_squeeze %get3A_754 : memref<1x100x64xf32, #tpu.memory_space<vmem>> -> memref<100x64xf32, #tpu.memory_space<vmem>>
        %get3A_756 = arith.index_cast %add3A_751 : i32 to index
        %get3A_757 = arith.constant 0 : index
        %get3A_758 = tpu.vector_load %get3A_755[%get3A_756, %get3A_757] {strides = array<i32>} : memref<100x64xf32, #tpu.memory_space<vmem>>, vector<1x16xf32>,
        %get3A_759 = vector.shape_cast %get3A_758 : vector<1x16xf32> to vector<16xf32>
        %add3A_760 = arith.addf %add3A_680, %get3A_759 : vector<16xf32>
        %get3A_761 = arith.constant 0 : i32
        %get3A_762 = arith.constant 0 : i32
        %get3A_763 = tpu.memref_slice %arg6[%scan3A_465, %get3A_761, %get3A_762] : memref<8x100x64xf32, #tpu.memory_space<vmem>> -> memref<1x100x64xf32, #tpu.memory_space<vmem>>
        %get3A_764 = tpu.memref_squeeze %get3A_763 : memref<1x100x64xf32, #tpu.memory_space<vmem>> -> memref<100x64xf32, #tpu.memory_space<vmem>>
        %get3A_765 = arith.index_cast %add3A_751 : i32 to index
        %get3A_766 = arith.constant 16 : index
        %get3A_767 = tpu.vector_load %get3A_764[%get3A_765, %get3A_766] {strides = array<i32>} : memref<100x64xf32, #tpu.memory_space<vmem>>, vector<1x16xf32>,
        %get3A_768 = vector.shape_cast %get3A_767 : vector<1x16xf32> to vector<16xf32>
        %add3A_769 = arith.addf %add3A_689, %get3A_768 : vector<16xf32>
        %get3A_770 = arith.constant 0 : i32
        %get3A_771 = arith.constant 0 : i32
        %get3A_772 = tpu.memref_slice %arg6[%scan3A_465, %get3A_770, %get3A_771] : memref<8x100x64xf32, #tpu.memory_space<vmem>> -> memref<1x100x64xf32, #tpu.memory_space<vmem>>
        %get3A_773 = tpu.memref_squeeze %get3A_772 : memref<1x100x64xf32, #tpu.memory_space<vmem>> -> memref<100x64xf32, #tpu.memory_space<vmem>>
        %get3A_774 = arith.index_cast %add3A_751 : i32 to index
        %get3A_775 = arith.constant 32 : index
        %get3A_776 = tpu.vector_load %get3A_773[%get3A_774, %get3A_775] {strides = array<i32>} : memref<100x64xf32, #tpu.memory_space<vmem>>, vector<1x16xf32>,
        %get3A_777 = vector.shape_cast %get3A_776 : vector<1x16xf32> to vector<16xf32>
        %add3A_778 = arith.addf %add3A_698, %get3A_777 : vector<16xf32>
        %get3A_779 = arith.constant 0 : i32
        %get3A_780 = arith.constant 0 : i32
        %get3A_781 = tpu.memref_slice %arg6[%scan3A_465, %get3A_779, %get3A_780] : memref<8x100x64xf32, #tpu.memory_space<vmem>> -> memref<1x100x64xf32, #tpu.memory_space<vmem>>
        %get3A_782 = tpu.memref_squeeze %get3A_781 : memref<1x100x64xf32, #tpu.memory_space<vmem>> -> memref<100x64xf32, #tpu.memory_space<vmem>>
        %get3A_783 = arith.index_cast %add3A_751 : i32 to index
        %get3A_784 = arith.constant 48 : index
        %get3A_785 = tpu.vector_load %get3A_782[%get3A_783, %get3A_784] {strides = array<i32>} : memref<100x64xf32, #tpu.memory_space<vmem>>, vector<1x16xf32>,
        %get3A_786 = vector.shape_cast %get3A_785 : vector<1x16xf32> to vector<16xf32>
        %add3A_787 = arith.addf %add3A_707, %get3A_786 : vector<16xf32>
        %mul3A_788 = arith.constant 10 : i32
        %mul3A_789 = arith.muli %scan3A_540, %mul3A_788 : i32
        %add3A_790 = arith.constant 6 : i32
        %add3A_791 = arith.addi %mul3A_789, %add3A_790 : i32
        %get3A_792 = arith.constant 0 : i32
        %get3A_793 = arith.constant 0 : i32
        %get3A_794 = tpu.memref_slice %arg6[%scan3A_465, %get3A_792, %get3A_793] : memref<8x100x64xf32, #tpu.memory_space<vmem>> -> memref<1x100x64xf32, #tpu.memory_space<vmem>>
        %get3A_795 = tpu.memref_squeeze %get3A_794 : memref<1x100x64xf32, #tpu.memory_space<vmem>> -> memref<100x64xf32, #tpu.memory_space<vmem>>
        %get3A_796 = arith.index_cast %add3A_791 : i32 to index
        %get3A_797 = arith.constant 0 : index
        %get3A_798 = tpu.vector_load %get3A_795[%get3A_796, %get3A_797] {strides = array<i32>} : memref<100x64xf32, #tpu.memory_space<vmem>>, vector<1x16xf32>,
        %get3A_799 = vector.shape_cast %get3A_798 : vector<1x16xf32> to vector<16xf32>
        %add3A_800 = arith.addf %add3A_720, %get3A_799 : vector<16xf32>
        %get3A_801 = arith.constant 0 : i32
        %get3A_802 = arith.constant 0 : i32
        %get3A_803 = tpu.memref_slice %arg6[%scan3A_465, %get3A_801, %get3A_802] : memref<8x100x64xf32, #tpu.memory_space<vmem>> -> memref<1x100x64xf32, #tpu.memory_space<vmem>>
        %get3A_804 = tpu.memref_squeeze %get3A_803 : memref<1x100x64xf32, #tpu.memory_space<vmem>> -> memref<100x64xf32, #tpu.memory_space<vmem>>
        %get3A_805 = arith.index_cast %add3A_791 : i32 to index
        %get3A_806 = arith.constant 16 : index
        %get3A_807 = tpu.vector_load %get3A_804[%get3A_805, %get3A_806] {strides = array<i32>} : memref<100x64xf32, #tpu.memory_space<vmem>>, vector<1x16xf32>,
        %get3A_808 = vector.shape_cast %get3A_807 : vector<1x16xf32> to vector<16xf32>
        %add3A_809 = arith.addf %add3A_729, %get3A_808 : vector<16xf32>
        %get3A_810 = arith.constant 0 : i32
        %get3A_811 = arith.constant 0 : i32
        %get3A_812 = tpu.memref_slice %arg6[%scan3A_465, %get3A_810, %get3A_811] : memref<8x100x64xf32, #tpu.memory_space<vmem>> -> memref<1x100x64xf32, #tpu.memory_space<vmem>>
        %get3A_813 = tpu.memref_squeeze %get3A_812 : memref<1x100x64xf32, #tpu.memory_space<vmem>> -> memref<100x64xf32, #tpu.memory_space<vmem>>
        %get3A_814 = arith.index_cast %add3A_791 : i32 to index
        %get3A_815 = arith.constant 32 : index
        %get3A_816 = tpu.vector_load %get3A_813[%get3A_814, %get3A_815] {strides = array<i32>} : memref<100x64xf32, #tpu.memory_space<vmem>>, vector<1x16xf32>,
        %get3A_817 = vector.shape_cast %get3A_816 : vector<1x16xf32> to vector<16xf32>
        %add3A_818 = arith.addf %add3A_738, %get3A_817 : vector<16xf32>
        %get3A_819 = arith.constant 0 : i32
        %get3A_820 = arith.constant 0 : i32
        %get3A_821 = tpu.memref_slice %arg6[%scan3A_465, %get3A_819, %get3A_820] : memref<8x100x64xf32, #tpu.memory_space<vmem>> -> memref<1x100x64xf32, #tpu.memory_space<vmem>>
        %get3A_822 = tpu.memref_squeeze %get3A_821 : memref<1x100x64xf32, #tpu.memory_space<vmem>> -> memref<100x64xf32, #tpu.memory_space<vmem>>
        %get3A_823 = arith.index_cast %add3A_791 : i32 to index
        %get3A_824 = arith.constant 48 : index
        %get3A_825 = tpu.vector_load %get3A_822[%get3A_823, %get3A_824] {strides = array<i32>} : memref<100x64xf32, #tpu.memory_space<vmem>>, vector<1x16xf32>,
        %get3A_826 = vector.shape_cast %get3A_825 : vector<1x16xf32> to vector<16xf32>
        %add3A_827 = arith.addf %add3A_747, %get3A_826 : vector<16xf32>
        %mul3A_828 = arith.constant 10 : i32
        %mul3A_829 = arith.muli %scan3A_540, %mul3A_828 : i32
        %add3A_830 = arith.constant 7 : i32
        %add3A_831 = arith.addi %mul3A_829, %add3A_830 : i32
        %get3A_832 = arith.constant 0 : i32
        %get3A_833 = arith.constant 0 : i32
        %get3A_834 = tpu.memref_slice %arg6[%scan3A_465, %get3A_832, %get3A_833] : memref<8x100x64xf32, #tpu.memory_space<vmem>> -> memref<1x100x64xf32, #tpu.memory_space<vmem>>
        %get3A_835 = tpu.memref_squeeze %get3A_834 : memref<1x100x64xf32, #tpu.memory_space<vmem>> -> memref<100x64xf32, #tpu.memory_space<vmem>>
        %get3A_836 = arith.index_cast %add3A_831 : i32 to index
        %get3A_837 = arith.constant 0 : index
        %get3A_838 = tpu.vector_load %get3A_835[%get3A_836, %get3A_837] {strides = array<i32>} : memref<100x64xf32, #tpu.memory_space<vmem>>, vector<1x16xf32>,
        %get3A_839 = vector.shape_cast %get3A_838 : vector<1x16xf32> to vector<16xf32>
        %add3A_840 = arith.addf %add3A_760, %get3A_839 : vector<16xf32>
        %get3A_841 = arith.constant 0 : i32
        %get3A_842 = arith.constant 0 : i32
        %get3A_843 = tpu.memref_slice %arg6[%scan3A_465, %get3A_841, %get3A_842] : memref<8x100x64xf32, #tpu.memory_space<vmem>> -> memref<1x100x64xf32, #tpu.memory_space<vmem>>
        %get3A_844 = tpu.memref_squeeze %get3A_843 : memref<1x100x64xf32, #tpu.memory_space<vmem>> -> memref<100x64xf32, #tpu.memory_space<vmem>>
        %get3A_845 = arith.index_cast %add3A_831 : i32 to index
        %get3A_846 = arith.constant 16 : index
        %get3A_847 = tpu.vector_load %get3A_844[%get3A_845, %get3A_846] {strides = array<i32>} : memref<100x64xf32, #tpu.memory_space<vmem>>, vector<1x16xf32>,
        %get3A_848 = vector.shape_cast %get3A_847 : vector<1x16xf32> to vector<16xf32>
        %add3A_849 = arith.addf %add3A_769, %get3A_848 : vector<16xf32>
        %get3A_850 = arith.constant 0 : i32
        %get3A_851 = arith.constant 0 : i32
        %get3A_852 = tpu.memref_slice %arg6[%scan3A_465, %get3A_850, %get3A_851] : memref<8x100x64xf32, #tpu.memory_space<vmem>> -> memref<1x100x64xf32, #tpu.memory_space<vmem>>
        %get3A_853 = tpu.memref_squeeze %get3A_852 : memref<1x100x64xf32, #tpu.memory_space<vmem>> -> memref<100x64xf32, #tpu.memory_space<vmem>>
        %get3A_854 = arith.index_cast %add3A_831 : i32 to index
        %get3A_855 = arith.constant 32 : index
        %get3A_856 = tpu.vector_load %get3A_853[%get3A_854, %get3A_855] {strides = array<i32>} : memref<100x64xf32, #tpu.memory_space<vmem>>, vector<1x16xf32>,
        %get3A_857 = vector.shape_cast %get3A_856 : vector<1x16xf32> to vector<16xf32>
        %add3A_858 = arith.addf %add3A_778, %get3A_857 : vector<16xf32>
        %get3A_859 = arith.constant 0 : i32
        %get3A_860 = arith.constant 0 : i32
        %get3A_861 = tpu.memref_slice %arg6[%scan3A_465, %get3A_859, %get3A_860] : memref<8x100x64xf32, #tpu.memory_space<vmem>> -> memref<1x100x64xf32, #tpu.memory_space<vmem>>
        %get3A_862 = tpu.memref_squeeze %get3A_861 : memref<1x100x64xf32, #tpu.memory_space<vmem>> -> memref<100x64xf32, #tpu.memory_space<vmem>>
        %get3A_863 = arith.index_cast %add3A_831 : i32 to index
        %get3A_864 = arith.constant 48 : index
        %get3A_865 = tpu.vector_load %get3A_862[%get3A_863, %get3A_864] {strides = array<i32>} : memref<100x64xf32, #tpu.memory_space<vmem>>, vector<1x16xf32>,
        %get3A_866 = vector.shape_cast %get3A_865 : vector<1x16xf32> to vector<16xf32>
        %add3A_867 = arith.addf %add3A_787, %get3A_866 : vector<16xf32>
        %mul3A_868 = arith.constant 10 : i32
        %mul3A_869 = arith.muli %scan3A_540, %mul3A_868 : i32
        %add3A_870 = arith.constant 8 : i32
        %add3A_871 = arith.addi %mul3A_869, %add3A_870 : i32
        %get3A_872 = arith.constant 0 : i32
        %get3A_873 = arith.constant 0 : i32
        %get3A_874 = tpu.memref_slice %arg6[%scan3A_465, %get3A_872, %get3A_873] : memref<8x100x64xf32, #tpu.memory_space<vmem>> -> memref<1x100x64xf32, #tpu.memory_space<vmem>>
        %get3A_875 = tpu.memref_squeeze %get3A_874 : memref<1x100x64xf32, #tpu.memory_space<vmem>> -> memref<100x64xf32, #tpu.memory_space<vmem>>
        %get3A_876 = arith.index_cast %add3A_871 : i32 to index
        %get3A_877 = arith.constant 0 : index
        %get3A_878 = tpu.vector_load %get3A_875[%get3A_876, %get3A_877] {strides = array<i32>} : memref<100x64xf32, #tpu.memory_space<vmem>>, vector<1x16xf32>,
        %get3A_879 = vector.shape_cast %get3A_878 : vector<1x16xf32> to vector<16xf32>
        %add3A_880 = arith.addf %add3A_800, %get3A_879 : vector<16xf32>
        %get3A_881 = arith.constant 0 : i32
        %get3A_882 = arith.constant 0 : i32
        %get3A_883 = tpu.memref_slice %arg6[%scan3A_465, %get3A_881, %get3A_882] : memref<8x100x64xf32, #tpu.memory_space<vmem>> -> memref<1x100x64xf32, #tpu.memory_space<vmem>>
        %get3A_884 = tpu.memref_squeeze %get3A_883 : memref<1x100x64xf32, #tpu.memory_space<vmem>> -> memref<100x64xf32, #tpu.memory_space<vmem>>
        %get3A_885 = arith.index_cast %add3A_871 : i32 to index
        %get3A_886 = arith.constant 16 : index
        %get3A_887 = tpu.vector_load %get3A_884[%get3A_885, %get3A_886] {strides = array<i32>} : memref<100x64xf32, #tpu.memory_space<vmem>>, vector<1x16xf32>,
        %get3A_888 = vector.shape_cast %get3A_887 : vector<1x16xf32> to vector<16xf32>
        %add3A_889 = arith.addf %add3A_809, %get3A_888 : vector<16xf32>
        %get3A_890 = arith.constant 0 : i32
        %get3A_891 = arith.constant 0 : i32
        %get3A_892 = tpu.memref_slice %arg6[%scan3A_465, %get3A_890, %get3A_891] : memref<8x100x64xf32, #tpu.memory_space<vmem>> -> memref<1x100x64xf32, #tpu.memory_space<vmem>>
        %get3A_893 = tpu.memref_squeeze %get3A_892 : memref<1x100x64xf32, #tpu.memory_space<vmem>> -> memref<100x64xf32, #tpu.memory_space<vmem>>
        %get3A_894 = arith.index_cast %add3A_871 : i32 to index
        %get3A_895 = arith.constant 32 : index
        %get3A_896 = tpu.vector_load %get3A_893[%get3A_894, %get3A_895] {strides = array<i32>} : memref<100x64xf32, #tpu.memory_space<vmem>>, vector<1x16xf32>,
        %get3A_897 = vector.shape_cast %get3A_896 : vector<1x16xf32> to vector<16xf32>
        %add3A_898 = arith.addf %add3A_818, %get3A_897 : vector<16xf32>
        %get3A_899 = arith.constant 0 : i32
        %get3A_900 = arith.constant 0 : i32
        %get3A_901 = tpu.memref_slice %arg6[%scan3A_465, %get3A_899, %get3A_900] : memref<8x100x64xf32, #tpu.memory_space<vmem>> -> memref<1x100x64xf32, #tpu.memory_space<vmem>>
        %get3A_902 = tpu.memref_squeeze %get3A_901 : memref<1x100x64xf32, #tpu.memory_space<vmem>> -> memref<100x64xf32, #tpu.memory_space<vmem>>
        %get3A_903 = arith.index_cast %add3A_871 : i32 to index
        %get3A_904 = arith.constant 48 : index
        %get3A_905 = tpu.vector_load %get3A_902[%get3A_903, %get3A_904] {strides = array<i32>} : memref<100x64xf32, #tpu.memory_space<vmem>>, vector<1x16xf32>,
        %get3A_906 = vector.shape_cast %get3A_905 : vector<1x16xf32> to vector<16xf32>
        %add3A_907 = arith.addf %add3A_827, %get3A_906 : vector<16xf32>
        %mul3A_908 = arith.constant 10 : i32
        %mul3A_909 = arith.muli %scan3A_540, %mul3A_908 : i32
        %add3A_910 = arith.constant 9 : i32
        %add3A_911 = arith.addi %mul3A_909, %add3A_910 : i32
        %get3A_912 = arith.constant 0 : i32
        %get3A_913 = arith.constant 0 : i32
        %get3A_914 = tpu.memref_slice %arg6[%scan3A_465, %get3A_912, %get3A_913] : memref<8x100x64xf32, #tpu.memory_space<vmem>> -> memref<1x100x64xf32, #tpu.memory_space<vmem>>
        %get3A_915 = tpu.memref_squeeze %get3A_914 : memref<1x100x64xf32, #tpu.memory_space<vmem>> -> memref<100x64xf32, #tpu.memory_space<vmem>>
        %get3A_916 = arith.index_cast %add3A_911 : i32 to index
        %get3A_917 = arith.constant 0 : index
        %get3A_918 = tpu.vector_load %get3A_915[%get3A_916, %get3A_917] {strides = array<i32>} : memref<100x64xf32, #tpu.memory_space<vmem>>, vector<1x16xf32>,
        %get3A_919 = vector.shape_cast %get3A_918 : vector<1x16xf32> to vector<16xf32>
        %add3A_920 = arith.addf %add3A_840, %get3A_919 : vector<16xf32>
        %get3A_921 = arith.constant 0 : i32
        %get3A_922 = arith.constant 0 : i32
        %get3A_923 = tpu.memref_slice %arg6[%scan3A_465, %get3A_921, %get3A_922] : memref<8x100x64xf32, #tpu.memory_space<vmem>> -> memref<1x100x64xf32, #tpu.memory_space<vmem>>
        %get3A_924 = tpu.memref_squeeze %get3A_923 : memref<1x100x64xf32, #tpu.memory_space<vmem>> -> memref<100x64xf32, #tpu.memory_space<vmem>>
        %get3A_925 = arith.index_cast %add3A_911 : i32 to index
        %get3A_926 = arith.constant 16 : index
        %get3A_927 = tpu.vector_load %get3A_924[%get3A_925, %get3A_926] {strides = array<i32>} : memref<100x64xf32, #tpu.memory_space<vmem>>, vector<1x16xf32>,
        %get3A_928 = vector.shape_cast %get3A_927 : vector<1x16xf32> to vector<16xf32>
        %add3A_929 = arith.addf %add3A_849, %get3A_928 : vector<16xf32>
        %get3A_930 = arith.constant 0 : i32
        %get3A_931 = arith.constant 0 : i32
        %get3A_932 = tpu.memref_slice %arg6[%scan3A_465, %get3A_930, %get3A_931] : memref<8x100x64xf32, #tpu.memory_space<vmem>> -> memref<1x100x64xf32, #tpu.memory_space<vmem>>
        %get3A_933 = tpu.memref_squeeze %get3A_932 : memref<1x100x64xf32, #tpu.memory_space<vmem>> -> memref<100x64xf32, #tpu.memory_space<vmem>>
        %get3A_934 = arith.index_cast %add3A_911 : i32 to index
        %get3A_935 = arith.constant 32 : index
        %get3A_936 = tpu.vector_load %get3A_933[%get3A_934, %get3A_935] {strides = array<i32>} : memref<100x64xf32, #tpu.memory_space<vmem>>, vector<1x16xf32>,
        %get3A_937 = vector.shape_cast %get3A_936 : vector<1x16xf32> to vector<16xf32>
        %add3A_938 = arith.addf %add3A_858, %get3A_937 : vector<16xf32>
        %get3A_939 = arith.constant 0 : i32
        %get3A_940 = arith.constant 0 : i32
        %get3A_941 = tpu.memref_slice %arg6[%scan3A_465, %get3A_939, %get3A_940] : memref<8x100x64xf32, #tpu.memory_space<vmem>> -> memref<1x100x64xf32, #tpu.memory_space<vmem>>
        %get3A_942 = tpu.memref_squeeze %get3A_941 : memref<1x100x64xf32, #tpu.memory_space<vmem>> -> memref<100x64xf32, #tpu.memory_space<vmem>>
        %get3A_943 = arith.index_cast %add3A_911 : i32 to index
        %get3A_944 = arith.constant 48 : index
        %get3A_945 = tpu.vector_load %get3A_942[%get3A_943, %get3A_944] {strides = array<i32>} : memref<100x64xf32, #tpu.memory_space<vmem>>, vector<1x16xf32>,
        %get3A_946 = vector.shape_cast %get3A_945 : vector<1x16xf32> to vector<16xf32>
        %add3A_947 = arith.addf %add3A_867, %get3A_946 : vector<16xf32>
        scf.yield %add3A_880, %add3A_889, %add3A_898, %add3A_907, %add3A_920, %add3A_929, %add3A_938, %add3A_947 : vector<16xf32>, vector<16xf32>, vector<16xf32>, vector<16xf32>, vector<16xf32>, vector<16xf32>, vector<16xf32>, vector<16xf32>
      }
      %scan3A_471 = arith.constant 10 : i32
      %lt3A_472 = arith.constant 31 : i32
      %lt3A_473 = arith.cmpi slt, %scan3A_105, %lt3A_472 : i32
      %convert_element_type3A_474 = arith.extui %lt3A_473 : i1 to i32
      %cond3A_475 = arith.constant 0 : i32
      %cond3A_476 = arith.cmpi ne, %convert_element_type3A_474, %cond3A_475 : i32
      scf.if %cond3A_476 {
        %add3A_540 = arith.constant 8 : i32
        %add3A_541 = arith.addi %add3A_453, %add3A_540 : i32
        %dma_start3A_542 = arith.constant 6 : i32
        %dma_start3A_543 = arith.constant 0 : i32
        %dma_start3A_544 = arith.constant 0 : i32
        %dma_start3A_545 = tpu.memref_slice %arg6[%dma_start3A_542, %dma_start3A_543, %dma_start3A_544] : memref<8x100x64xf32, #tpu.memory_space<vmem>> -> memref<1x100x64xf32, #tpu.memory_space<vmem>>
        %dma_start3A_546 = tpu.memref_squeeze %dma_start3A_545 : memref<1x100x64xf32, #tpu.memory_space<vmem>> -> memref<100x64xf32, #tpu.memory_space<vmem>>
        %dma_start3A_547 = arith.constant 0 : i32
        %dma_start3A_548 = tpu.memref_slice %arg5[%add3A_541, %dma_start3A_547] : memref<256x100xi32, #tpu.memory_space<vmem>> -> memref<1x100xi32, #tpu.memory_space<vmem>>
        %dma_start3A_549 = tpu.memref_squeeze %dma_start3A_548 : memref<1x100xi32, #tpu.memory_space<vmem>> -> memref<100xi32, #tpu.memory_space<vmem>>
        %dma_start3A_550 = arith.constant 0 : i32
        %dma_start3A_551 = arith.constant 0 : i32
        %dma_start3A_552 = tpu.memref_slice %arg3[%dma_start3A_550, %dma_start3A_551] : memref<1000000x64xf32, #tpu.memory_space<hbm>> -> memref<1000000x64xf32, #tpu.memory_space<hbm>>
        tpu.enqueue_indirect_dma source(%dma_start3A_552 : memref<1000000x64xf32, #tpu.memory_space<hbm>>) target(%dma_start3A_546 : memref<100x64xf32, #tpu.memory_space<vmem>>) offsets(%dma_start3A_549 : memref<100xi32, #tpu.memory_space<vmem>>) semaphore(%arg14 : memref<!tpu.dma_semaphore, #tpu.memory_space<semaphore_mem>>)
      } else {
      }
      %mul3A_477 = arith.constant 8 : i32
      %mul3A_478 = arith.muli %mul3A_477, %scan3A_105 : i32
      %add3A_479 = arith.constant 7 : i32
      %add3A_480 = arith.addi %mul3A_478, %add3A_479 : i32
      %dma_wait3A_481 = arith.constant 7 : i32
      %dma_wait3A_482 = arith.constant 0 : i32
      %dma_wait3A_483 = arith.constant 0 : i32
      %dma_wait3A_484 = tpu.memref_slice %arg6[%dma_wait3A_481, %dma_wait3A_482, %dma_wait3A_483] : memref<8x100x64xf32, #tpu.memory_space<vmem>> -> memref<1x100x64xf32, #tpu.memory_space<vmem>>
      %dma_wait3A_485 = tpu.memref_squeeze %dma_wait3A_484 : memref<1x100x64xf32, #tpu.memory_space<vmem>> -> memref<100x64xf32, #tpu.memory_space<vmem>>
      %dma_wait3A_486 = arith.constant 0 : i32
      %dma_wait3A_487 = tpu.memref_slice %arg5[%add3A_480, %dma_wait3A_486] : memref<256x100xi32, #tpu.memory_space<vmem>> -> memref<1x100xi32, #tpu.memory_space<vmem>>
      %dma_wait3A_488 = tpu.memref_squeeze %dma_wait3A_487 : memref<1x100xi32, #tpu.memory_space<vmem>> -> memref<100xi32, #tpu.memory_space<vmem>>
      %dma_wait3A_489 = arith.constant 0 : i32
      %dma_wait3A_490 = arith.constant 0 : i32
      %dma_wait3A_491 = tpu.memref_slice %arg3[%dma_wait3A_489, %dma_wait3A_490] : memref<1000000x64xf32, #tpu.memory_space<hbm>> -> memref<1000000x64xf32, #tpu.memory_space<hbm>>
      tpu.wait_indirect_dma semaphore(%arg15 : memref<!tpu.dma_semaphore, #tpu.memory_space<semaphore_mem>>) src(%dma_wait3A_491 : memref<1000000x64xf32, #tpu.memory_space<hbm>>) dst(%dma_wait3A_485 : memref<100x64xf32, #tpu.memory_space<vmem>>)
      %scan3A_492 = arith.constant 7 : i32
      %scan3A_493 = arith.constant 0 : i32
      %scan3A_494 = arith.constant 10 : i32
      %scan3A_495 = arith.addi %scan3A_493, %scan3A_494 : i32
      %scan3A_496 = arith.constant 1 : i32
      %scan3A_497:8 = scf.for %scan3A_540 = %scan3A_493 to %scan3A_495 step %scan3A_496 iter_args(%scan3A_541 = %scan3A_470#0, %scan3A_542 = %scan3A_470#1, %scan3A_543 = %scan3A_470#2, %scan3A_544 = %scan3A_470#3, %scan3A_545 = %scan3A_470#4, %scan3A_546 = %scan3A_470#5, %scan3A_547 = %scan3A_470#6, %scan3A_548 = %scan3A_470#7) -> (vector<16xf32>, vector<16xf32>, vector<16xf32>, vector<16xf32>, vector<16xf32>, vector<16xf32>, vector<16xf32>, vector<16xf32>)  : i32 {
        %mul3A_549 = arith.constant 10 : i32
        %mul3A_550 = arith.muli %scan3A_540, %mul3A_549 : i32
        %add3A_551 = arith.constant 0 : i32
        %add3A_552 = arith.addi %mul3A_550, %add3A_551 : i32
        %get3A = arith.constant 0 : i32
        %get3A_553 = arith.constant 0 : i32
        %get3A_554 = tpu.memref_slice %arg6[%scan3A_492, %get3A, %get3A_553] : memref<8x100x64xf32, #tpu.memory_space<vmem>> -> memref<1x100x64xf32, #tpu.memory_space<vmem>>
        %get3A_555 = tpu.memref_squeeze %get3A_554 : memref<1x100x64xf32, #tpu.memory_space<vmem>> -> memref<100x64xf32, #tpu.memory_space<vmem>>
        %get3A_556 = arith.index_cast %add3A_552 : i32 to index
        %get3A_557 = arith.constant 0 : index
        %get3A_558 = tpu.vector_load %get3A_555[%get3A_556, %get3A_557] {strides = array<i32>} : memref<100x64xf32, #tpu.memory_space<vmem>>, vector<1x16xf32>,
        %get3A_559 = vector.shape_cast %get3A_558 : vector<1x16xf32> to vector<16xf32>
        %add3A_560 = arith.addf %scan3A_541, %get3A_559 : vector<16xf32>
        %get3A_561 = arith.constant 0 : i32
        %get3A_562 = arith.constant 0 : i32
        %get3A_563 = tpu.memref_slice %arg6[%scan3A_492, %get3A_561, %get3A_562] : memref<8x100x64xf32, #tpu.memory_space<vmem>> -> memref<1x100x64xf32, #tpu.memory_space<vmem>>
        %get3A_564 = tpu.memref_squeeze %get3A_563 : memref<1x100x64xf32, #tpu.memory_space<vmem>> -> memref<100x64xf32, #tpu.memory_space<vmem>>
        %get3A_565 = arith.index_cast %add3A_552 : i32 to index
        %get3A_566 = arith.constant 16 : index
        %get3A_567 = tpu.vector_load %get3A_564[%get3A_565, %get3A_566] {strides = array<i32>} : memref<100x64xf32, #tpu.memory_space<vmem>>, vector<1x16xf32>,
        %get3A_568 = vector.shape_cast %get3A_567 : vector<1x16xf32> to vector<16xf32>
        %add3A_569 = arith.addf %scan3A_542, %get3A_568 : vector<16xf32>
        %get3A_570 = arith.constant 0 : i32
        %get3A_571 = arith.constant 0 : i32
        %get3A_572 = tpu.memref_slice %arg6[%scan3A_492, %get3A_570, %get3A_571] : memref<8x100x64xf32, #tpu.memory_space<vmem>> -> memref<1x100x64xf32, #tpu.memory_space<vmem>>
        %get3A_573 = tpu.memref_squeeze %get3A_572 : memref<1x100x64xf32, #tpu.memory_space<vmem>> -> memref<100x64xf32, #tpu.memory_space<vmem>>
        %get3A_574 = arith.index_cast %add3A_552 : i32 to index
        %get3A_575 = arith.constant 32 : index
        %get3A_576 = tpu.vector_load %get3A_573[%get3A_574, %get3A_575] {strides = array<i32>} : memref<100x64xf32, #tpu.memory_space<vmem>>, vector<1x16xf32>,
        %get3A_577 = vector.shape_cast %get3A_576 : vector<1x16xf32> to vector<16xf32>
        %add3A_578 = arith.addf %scan3A_543, %get3A_577 : vector<16xf32>
        %get3A_579 = arith.constant 0 : i32
        %get3A_580 = arith.constant 0 : i32
        %get3A_581 = tpu.memref_slice %arg6[%scan3A_492, %get3A_579, %get3A_580] : memref<8x100x64xf32, #tpu.memory_space<vmem>> -> memref<1x100x64xf32, #tpu.memory_space<vmem>>
        %get3A_582 = tpu.memref_squeeze %get3A_581 : memref<1x100x64xf32, #tpu.memory_space<vmem>> -> memref<100x64xf32, #tpu.memory_space<vmem>>
        %get3A_583 = arith.index_cast %add3A_552 : i32 to index
        %get3A_584 = arith.constant 48 : index
        %get3A_585 = tpu.vector_load %get3A_582[%get3A_583, %get3A_584] {strides = array<i32>} : memref<100x64xf32, #tpu.memory_space<vmem>>, vector<1x16xf32>,
        %get3A_586 = vector.shape_cast %get3A_585 : vector<1x16xf32> to vector<16xf32>
        %add3A_587 = arith.addf %scan3A_544, %get3A_586 : vector<16xf32>
        %mul3A_588 = arith.constant 10 : i32
        %mul3A_589 = arith.muli %scan3A_540, %mul3A_588 : i32
        %add3A_590 = arith.constant 1 : i32
        %add3A_591 = arith.addi %mul3A_589, %add3A_590 : i32
        %get3A_592 = arith.constant 0 : i32
        %get3A_593 = arith.constant 0 : i32
        %get3A_594 = tpu.memref_slice %arg6[%scan3A_492, %get3A_592, %get3A_593] : memref<8x100x64xf32, #tpu.memory_space<vmem>> -> memref<1x100x64xf32, #tpu.memory_space<vmem>>
        %get3A_595 = tpu.memref_squeeze %get3A_594 : memref<1x100x64xf32, #tpu.memory_space<vmem>> -> memref<100x64xf32, #tpu.memory_space<vmem>>
        %get3A_596 = arith.index_cast %add3A_591 : i32 to index
        %get3A_597 = arith.constant 0 : index
        %get3A_598 = tpu.vector_load %get3A_595[%get3A_596, %get3A_597] {strides = array<i32>} : memref<100x64xf32, #tpu.memory_space<vmem>>, vector<1x16xf32>,
        %get3A_599 = vector.shape_cast %get3A_598 : vector<1x16xf32> to vector<16xf32>
        %add3A_600 = arith.addf %scan3A_545, %get3A_599 : vector<16xf32>
        %get3A_601 = arith.constant 0 : i32
        %get3A_602 = arith.constant 0 : i32
        %get3A_603 = tpu.memref_slice %arg6[%scan3A_492, %get3A_601, %get3A_602] : memref<8x100x64xf32, #tpu.memory_space<vmem>> -> memref<1x100x64xf32, #tpu.memory_space<vmem>>
        %get3A_604 = tpu.memref_squeeze %get3A_603 : memref<1x100x64xf32, #tpu.memory_space<vmem>> -> memref<100x64xf32, #tpu.memory_space<vmem>>
        %get3A_605 = arith.index_cast %add3A_591 : i32 to index
        %get3A_606 = arith.constant 16 : index
        %get3A_607 = tpu.vector_load %get3A_604[%get3A_605, %get3A_606] {strides = array<i32>} : memref<100x64xf32, #tpu.memory_space<vmem>>, vector<1x16xf32>,
        %get3A_608 = vector.shape_cast %get3A_607 : vector<1x16xf32> to vector<16xf32>
        %add3A_609 = arith.addf %scan3A_546, %get3A_608 : vector<16xf32>
        %get3A_610 = arith.constant 0 : i32
        %get3A_611 = arith.constant 0 : i32
        %get3A_612 = tpu.memref_slice %arg6[%scan3A_492, %get3A_610, %get3A_611] : memref<8x100x64xf32, #tpu.memory_space<vmem>> -> memref<1x100x64xf32, #tpu.memory_space<vmem>>
        %get3A_613 = tpu.memref_squeeze %get3A_612 : memref<1x100x64xf32, #tpu.memory_space<vmem>> -> memref<100x64xf32, #tpu.memory_space<vmem>>
        %get3A_614 = arith.index_cast %add3A_591 : i32 to index
        %get3A_615 = arith.constant 32 : index
        %get3A_616 = tpu.vector_load %get3A_613[%get3A_614, %get3A_615] {strides = array<i32>} : memref<100x64xf32, #tpu.memory_space<vmem>>, vector<1x16xf32>,
        %get3A_617 = vector.shape_cast %get3A_616 : vector<1x16xf32> to vector<16xf32>
        %add3A_618 = arith.addf %scan3A_547, %get3A_617 : vector<16xf32>
        %get3A_619 = arith.constant 0 : i32
        %get3A_620 = arith.constant 0 : i32
        %get3A_621 = tpu.memref_slice %arg6[%scan3A_492, %get3A_619, %get3A_620] : memref<8x100x64xf32, #tpu.memory_space<vmem>> -> memref<1x100x64xf32, #tpu.memory_space<vmem>>
        %get3A_622 = tpu.memref_squeeze %get3A_621 : memref<1x100x64xf32, #tpu.memory_space<vmem>> -> memref<100x64xf32, #tpu.memory_space<vmem>>
        %get3A_623 = arith.index_cast %add3A_591 : i32 to index
        %get3A_624 = arith.constant 48 : index
        %get3A_625 = tpu.vector_load %get3A_622[%get3A_623, %get3A_624] {strides = array<i32>} : memref<100x64xf32, #tpu.memory_space<vmem>>, vector<1x16xf32>,
        %get3A_626 = vector.shape_cast %get3A_625 : vector<1x16xf32> to vector<16xf32>
        %add3A_627 = arith.addf %scan3A_548, %get3A_626 : vector<16xf32>
        %mul3A_628 = arith.constant 10 : i32
        %mul3A_629 = arith.muli %scan3A_540, %mul3A_628 : i32
        %add3A_630 = arith.constant 2 : i32
        %add3A_631 = arith.addi %mul3A_629, %add3A_630 : i32
        %get3A_632 = arith.constant 0 : i32
        %get3A_633 = arith.constant 0 : i32
        %get3A_634 = tpu.memref_slice %arg6[%scan3A_492, %get3A_632, %get3A_633] : memref<8x100x64xf32, #tpu.memory_space<vmem>> -> memref<1x100x64xf32, #tpu.memory_space<vmem>>
        %get3A_635 = tpu.memref_squeeze %get3A_634 : memref<1x100x64xf32, #tpu.memory_space<vmem>> -> memref<100x64xf32, #tpu.memory_space<vmem>>
        %get3A_636 = arith.index_cast %add3A_631 : i32 to index
        %get3A_637 = arith.constant 0 : index
        %get3A_638 = tpu.vector_load %get3A_635[%get3A_636, %get3A_637] {strides = array<i32>} : memref<100x64xf32, #tpu.memory_space<vmem>>, vector<1x16xf32>,
        %get3A_639 = vector.shape_cast %get3A_638 : vector<1x16xf32> to vector<16xf32>
        %add3A_640 = arith.addf %add3A_560, %get3A_639 : vector<16xf32>
        %get3A_641 = arith.constant 0 : i32
        %get3A_642 = arith.constant 0 : i32
        %get3A_643 = tpu.memref_slice %arg6[%scan3A_492, %get3A_641, %get3A_642] : memref<8x100x64xf32, #tpu.memory_space<vmem>> -> memref<1x100x64xf32, #tpu.memory_space<vmem>>
        %get3A_644 = tpu.memref_squeeze %get3A_643 : memref<1x100x64xf32, #tpu.memory_space<vmem>> -> memref<100x64xf32, #tpu.memory_space<vmem>>
        %get3A_645 = arith.index_cast %add3A_631 : i32 to index
        %get3A_646 = arith.constant 16 : index
        %get3A_647 = tpu.vector_load %get3A_644[%get3A_645, %get3A_646] {strides = array<i32>} : memref<100x64xf32, #tpu.memory_space<vmem>>, vector<1x16xf32>,
        %get3A_648 = vector.shape_cast %get3A_647 : vector<1x16xf32> to vector<16xf32>
        %add3A_649 = arith.addf %add3A_569, %get3A_648 : vector<16xf32>
        %get3A_650 = arith.constant 0 : i32
        %get3A_651 = arith.constant 0 : i32
        %get3A_652 = tpu.memref_slice %arg6[%scan3A_492, %get3A_650, %get3A_651] : memref<8x100x64xf32, #tpu.memory_space<vmem>> -> memref<1x100x64xf32, #tpu.memory_space<vmem>>
        %get3A_653 = tpu.memref_squeeze %get3A_652 : memref<1x100x64xf32, #tpu.memory_space<vmem>> -> memref<100x64xf32, #tpu.memory_space<vmem>>
        %get3A_654 = arith.index_cast %add3A_631 : i32 to index
        %get3A_655 = arith.constant 32 : index
        %get3A_656 = tpu.vector_load %get3A_653[%get3A_654, %get3A_655] {strides = array<i32>} : memref<100x64xf32, #tpu.memory_space<vmem>>, vector<1x16xf32>,
        %get3A_657 = vector.shape_cast %get3A_656 : vector<1x16xf32> to vector<16xf32>
        %add3A_658 = arith.addf %add3A_578, %get3A_657 : vector<16xf32>
        %get3A_659 = arith.constant 0 : i32
        %get3A_660 = arith.constant 0 : i32
        %get3A_661 = tpu.memref_slice %arg6[%scan3A_492, %get3A_659, %get3A_660] : memref<8x100x64xf32, #tpu.memory_space<vmem>> -> memref<1x100x64xf32, #tpu.memory_space<vmem>>
        %get3A_662 = tpu.memref_squeeze %get3A_661 : memref<1x100x64xf32, #tpu.memory_space<vmem>> -> memref<100x64xf32, #tpu.memory_space<vmem>>
        %get3A_663 = arith.index_cast %add3A_631 : i32 to index
        %get3A_664 = arith.constant 48 : index
        %get3A_665 = tpu.vector_load %get3A_662[%get3A_663, %get3A_664] {strides = array<i32>} : memref<100x64xf32, #tpu.memory_space<vmem>>, vector<1x16xf32>,
        %get3A_666 = vector.shape_cast %get3A_665 : vector<1x16xf32> to vector<16xf32>
        %add3A_667 = arith.addf %add3A_587, %get3A_666 : vector<16xf32>
        %mul3A_668 = arith.constant 10 : i32
        %mul3A_669 = arith.muli %scan3A_540, %mul3A_668 : i32
        %add3A_670 = arith.constant 3 : i32
        %add3A_671 = arith.addi %mul3A_669, %add3A_670 : i32
        %get3A_672 = arith.constant 0 : i32
        %get3A_673 = arith.constant 0 : i32
        %get3A_674 = tpu.memref_slice %arg6[%scan3A_492, %get3A_672, %get3A_673] : memref<8x100x64xf32, #tpu.memory_space<vmem>> -> memref<1x100x64xf32, #tpu.memory_space<vmem>>
        %get3A_675 = tpu.memref_squeeze %get3A_674 : memref<1x100x64xf32, #tpu.memory_space<vmem>> -> memref<100x64xf32, #tpu.memory_space<vmem>>
        %get3A_676 = arith.index_cast %add3A_671 : i32 to index
        %get3A_677 = arith.constant 0 : index
        %get3A_678 = tpu.vector_load %get3A_675[%get3A_676, %get3A_677] {strides = array<i32>} : memref<100x64xf32, #tpu.memory_space<vmem>>, vector<1x16xf32>,
        %get3A_679 = vector.shape_cast %get3A_678 : vector<1x16xf32> to vector<16xf32>
        %add3A_680 = arith.addf %add3A_600, %get3A_679 : vector<16xf32>
        %get3A_681 = arith.constant 0 : i32
        %get3A_682 = arith.constant 0 : i32
        %get3A_683 = tpu.memref_slice %arg6[%scan3A_492, %get3A_681, %get3A_682] : memref<8x100x64xf32, #tpu.memory_space<vmem>> -> memref<1x100x64xf32, #tpu.memory_space<vmem>>
        %get3A_684 = tpu.memref_squeeze %get3A_683 : memref<1x100x64xf32, #tpu.memory_space<vmem>> -> memref<100x64xf32, #tpu.memory_space<vmem>>
        %get3A_685 = arith.index_cast %add3A_671 : i32 to index
        %get3A_686 = arith.constant 16 : index
        %get3A_687 = tpu.vector_load %get3A_684[%get3A_685, %get3A_686] {strides = array<i32>} : memref<100x64xf32, #tpu.memory_space<vmem>>, vector<1x16xf32>,
        %get3A_688 = vector.shape_cast %get3A_687 : vector<1x16xf32> to vector<16xf32>
        %add3A_689 = arith.addf %add3A_609, %get3A_688 : vector<16xf32>
        %get3A_690 = arith.constant 0 : i32
        %get3A_691 = arith.constant 0 : i32
        %get3A_692 = tpu.memref_slice %arg6[%scan3A_492, %get3A_690, %get3A_691] : memref<8x100x64xf32, #tpu.memory_space<vmem>> -> memref<1x100x64xf32, #tpu.memory_space<vmem>>
        %get3A_693 = tpu.memref_squeeze %get3A_692 : memref<1x100x64xf32, #tpu.memory_space<vmem>> -> memref<100x64xf32, #tpu.memory_space<vmem>>
        %get3A_694 = arith.index_cast %add3A_671 : i32 to index
        %get3A_695 = arith.constant 32 : index
        %get3A_696 = tpu.vector_load %get3A_693[%get3A_694, %get3A_695] {strides = array<i32>} : memref<100x64xf32, #tpu.memory_space<vmem>>, vector<1x16xf32>,
        %get3A_697 = vector.shape_cast %get3A_696 : vector<1x16xf32> to vector<16xf32>
        %add3A_698 = arith.addf %add3A_618, %get3A_697 : vector<16xf32>
        %get3A_699 = arith.constant 0 : i32
        %get3A_700 = arith.constant 0 : i32
        %get3A_701 = tpu.memref_slice %arg6[%scan3A_492, %get3A_699, %get3A_700] : memref<8x100x64xf32, #tpu.memory_space<vmem>> -> memref<1x100x64xf32, #tpu.memory_space<vmem>>
        %get3A_702 = tpu.memref_squeeze %get3A_701 : memref<1x100x64xf32, #tpu.memory_space<vmem>> -> memref<100x64xf32, #tpu.memory_space<vmem>>
        %get3A_703 = arith.index_cast %add3A_671 : i32 to index
        %get3A_704 = arith.constant 48 : index
        %get3A_705 = tpu.vector_load %get3A_702[%get3A_703, %get3A_704] {strides = array<i32>} : memref<100x64xf32, #tpu.memory_space<vmem>>, vector<1x16xf32>,
        %get3A_706 = vector.shape_cast %get3A_705 : vector<1x16xf32> to vector<16xf32>
        %add3A_707 = arith.addf %add3A_627, %get3A_706 : vector<16xf32>
        %mul3A_708 = arith.constant 10 : i32
        %mul3A_709 = arith.muli %scan3A_540, %mul3A_708 : i32
        %add3A_710 = arith.constant 4 : i32
        %add3A_711 = arith.addi %mul3A_709, %add3A_710 : i32
        %get3A_712 = arith.constant 0 : i32
        %get3A_713 = arith.constant 0 : i32
        %get3A_714 = tpu.memref_slice %arg6[%scan3A_492, %get3A_712, %get3A_713] : memref<8x100x64xf32, #tpu.memory_space<vmem>> -> memref<1x100x64xf32, #tpu.memory_space<vmem>>
        %get3A_715 = tpu.memref_squeeze %get3A_714 : memref<1x100x64xf32, #tpu.memory_space<vmem>> -> memref<100x64xf32, #tpu.memory_space<vmem>>
        %get3A_716 = arith.index_cast %add3A_711 : i32 to index
        %get3A_717 = arith.constant 0 : index
        %get3A_718 = tpu.vector_load %get3A_715[%get3A_716, %get3A_717] {strides = array<i32>} : memref<100x64xf32, #tpu.memory_space<vmem>>, vector<1x16xf32>,
        %get3A_719 = vector.shape_cast %get3A_718 : vector<1x16xf32> to vector<16xf32>
        %add3A_720 = arith.addf %add3A_640, %get3A_719 : vector<16xf32>
        %get3A_721 = arith.constant 0 : i32
        %get3A_722 = arith.constant 0 : i32
        %get3A_723 = tpu.memref_slice %arg6[%scan3A_492, %get3A_721, %get3A_722] : memref<8x100x64xf32, #tpu.memory_space<vmem>> -> memref<1x100x64xf32, #tpu.memory_space<vmem>>
        %get3A_724 = tpu.memref_squeeze %get3A_723 : memref<1x100x64xf32, #tpu.memory_space<vmem>> -> memref<100x64xf32, #tpu.memory_space<vmem>>
        %get3A_725 = arith.index_cast %add3A_711 : i32 to index
        %get3A_726 = arith.constant 16 : index
        %get3A_727 = tpu.vector_load %get3A_724[%get3A_725, %get3A_726] {strides = array<i32>} : memref<100x64xf32, #tpu.memory_space<vmem>>, vector<1x16xf32>,
        %get3A_728 = vector.shape_cast %get3A_727 : vector<1x16xf32> to vector<16xf32>
        %add3A_729 = arith.addf %add3A_649, %get3A_728 : vector<16xf32>
        %get3A_730 = arith.constant 0 : i32
        %get3A_731 = arith.constant 0 : i32
        %get3A_732 = tpu.memref_slice %arg6[%scan3A_492, %get3A_730, %get3A_731] : memref<8x100x64xf32, #tpu.memory_space<vmem>> -> memref<1x100x64xf32, #tpu.memory_space<vmem>>
        %get3A_733 = tpu.memref_squeeze %get3A_732 : memref<1x100x64xf32, #tpu.memory_space<vmem>> -> memref<100x64xf32, #tpu.memory_space<vmem>>
        %get3A_734 = arith.index_cast %add3A_711 : i32 to index
        %get3A_735 = arith.constant 32 : index
        %get3A_736 = tpu.vector_load %get3A_733[%get3A_734, %get3A_735] {strides = array<i32>} : memref<100x64xf32, #tpu.memory_space<vmem>>, vector<1x16xf32>,
        %get3A_737 = vector.shape_cast %get3A_736 : vector<1x16xf32> to vector<16xf32>
        %add3A_738 = arith.addf %add3A_658, %get3A_737 : vector<16xf32>
        %get3A_739 = arith.constant 0 : i32
        %get3A_740 = arith.constant 0 : i32
        %get3A_741 = tpu.memref_slice %arg6[%scan3A_492, %get3A_739, %get3A_740] : memref<8x100x64xf32, #tpu.memory_space<vmem>> -> memref<1x100x64xf32, #tpu.memory_space<vmem>>
        %get3A_742 = tpu.memref_squeeze %get3A_741 : memref<1x100x64xf32, #tpu.memory_space<vmem>> -> memref<100x64xf32, #tpu.memory_space<vmem>>
        %get3A_743 = arith.index_cast %add3A_711 : i32 to index
        %get3A_744 = arith.constant 48 : index
        %get3A_745 = tpu.vector_load %get3A_742[%get3A_743, %get3A_744] {strides = array<i32>} : memref<100x64xf32, #tpu.memory_space<vmem>>, vector<1x16xf32>,
        %get3A_746 = vector.shape_cast %get3A_745 : vector<1x16xf32> to vector<16xf32>
        %add3A_747 = arith.addf %add3A_667, %get3A_746 : vector<16xf32>
        %mul3A_748 = arith.constant 10 : i32
        %mul3A_749 = arith.muli %scan3A_540, %mul3A_748 : i32
        %add3A_750 = arith.constant 5 : i32
        %add3A_751 = arith.addi %mul3A_749, %add3A_750 : i32
        %get3A_752 = arith.constant 0 : i32
        %get3A_753 = arith.constant 0 : i32
        %get3A_754 = tpu.memref_slice %arg6[%scan3A_492, %get3A_752, %get3A_753] : memref<8x100x64xf32, #tpu.memory_space<vmem>> -> memref<1x100x64xf32, #tpu.memory_space<vmem>>
        %get3A_755 = tpu.memref_squeeze %get3A_754 : memref<1x100x64xf32, #tpu.memory_space<vmem>> -> memref<100x64xf32, #tpu.memory_space<vmem>>
        %get3A_756 = arith.index_cast %add3A_751 : i32 to index
        %get3A_757 = arith.constant 0 : index
        %get3A_758 = tpu.vector_load %get3A_755[%get3A_756, %get3A_757] {strides = array<i32>} : memref<100x64xf32, #tpu.memory_space<vmem>>, vector<1x16xf32>,
        %get3A_759 = vector.shape_cast %get3A_758 : vector<1x16xf32> to vector<16xf32>
        %add3A_760 = arith.addf %add3A_680, %get3A_759 : vector<16xf32>
        %get3A_761 = arith.constant 0 : i32
        %get3A_762 = arith.constant 0 : i32
        %get3A_763 = tpu.memref_slice %arg6[%scan3A_492, %get3A_761, %get3A_762] : memref<8x100x64xf32, #tpu.memory_space<vmem>> -> memref<1x100x64xf32, #tpu.memory_space<vmem>>
        %get3A_764 = tpu.memref_squeeze %get3A_763 : memref<1x100x64xf32, #tpu.memory_space<vmem>> -> memref<100x64xf32, #tpu.memory_space<vmem>>
        %get3A_765 = arith.index_cast %add3A_751 : i32 to index
        %get3A_766 = arith.constant 16 : index
        %get3A_767 = tpu.vector_load %get3A_764[%get3A_765, %get3A_766] {strides = array<i32>} : memref<100x64xf32, #tpu.memory_space<vmem>>, vector<1x16xf32>,
        %get3A_768 = vector.shape_cast %get3A_767 : vector<1x16xf32> to vector<16xf32>
        %add3A_769 = arith.addf %add3A_689, %get3A_768 : vector<16xf32>
        %get3A_770 = arith.constant 0 : i32
        %get3A_771 = arith.constant 0 : i32
        %get3A_772 = tpu.memref_slice %arg6[%scan3A_492, %get3A_770, %get3A_771] : memref<8x100x64xf32, #tpu.memory_space<vmem>> -> memref<1x100x64xf32, #tpu.memory_space<vmem>>
        %get3A_773 = tpu.memref_squeeze %get3A_772 : memref<1x100x64xf32, #tpu.memory_space<vmem>> -> memref<100x64xf32, #tpu.memory_space<vmem>>
        %get3A_774 = arith.index_cast %add3A_751 : i32 to index
        %get3A_775 = arith.constant 32 : index
        %get3A_776 = tpu.vector_load %get3A_773[%get3A_774, %get3A_775] {strides = array<i32>} : memref<100x64xf32, #tpu.memory_space<vmem>>, vector<1x16xf32>,
        %get3A_777 = vector.shape_cast %get3A_776 : vector<1x16xf32> to vector<16xf32>
        %add3A_778 = arith.addf %add3A_698, %get3A_777 : vector<16xf32>
        %get3A_779 = arith.constant 0 : i32
        %get3A_780 = arith.constant 0 : i32
        %get3A_781 = tpu.memref_slice %arg6[%scan3A_492, %get3A_779, %get3A_780] : memref<8x100x64xf32, #tpu.memory_space<vmem>> -> memref<1x100x64xf32, #tpu.memory_space<vmem>>
        %get3A_782 = tpu.memref_squeeze %get3A_781 : memref<1x100x64xf32, #tpu.memory_space<vmem>> -> memref<100x64xf32, #tpu.memory_space<vmem>>
        %get3A_783 = arith.index_cast %add3A_751 : i32 to index
        %get3A_784 = arith.constant 48 : index
        %get3A_785 = tpu.vector_load %get3A_782[%get3A_783, %get3A_784] {strides = array<i32>} : memref<100x64xf32, #tpu.memory_space<vmem>>, vector<1x16xf32>,
        %get3A_786 = vector.shape_cast %get3A_785 : vector<1x16xf32> to vector<16xf32>
        %add3A_787 = arith.addf %add3A_707, %get3A_786 : vector<16xf32>
        %mul3A_788 = arith.constant 10 : i32
        %mul3A_789 = arith.muli %scan3A_540, %mul3A_788 : i32
        %add3A_790 = arith.constant 6 : i32
        %add3A_791 = arith.addi %mul3A_789, %add3A_790 : i32
        %get3A_792 = arith.constant 0 : i32
        %get3A_793 = arith.constant 0 : i32
        %get3A_794 = tpu.memref_slice %arg6[%scan3A_492, %get3A_792, %get3A_793] : memref<8x100x64xf32, #tpu.memory_space<vmem>> -> memref<1x100x64xf32, #tpu.memory_space<vmem>>
        %get3A_795 = tpu.memref_squeeze %get3A_794 : memref<1x100x64xf32, #tpu.memory_space<vmem>> -> memref<100x64xf32, #tpu.memory_space<vmem>>
        %get3A_796 = arith.index_cast %add3A_791 : i32 to index
        %get3A_797 = arith.constant 0 : index
        %get3A_798 = tpu.vector_load %get3A_795[%get3A_796, %get3A_797] {strides = array<i32>} : memref<100x64xf32, #tpu.memory_space<vmem>>, vector<1x16xf32>,
        %get3A_799 = vector.shape_cast %get3A_798 : vector<1x16xf32> to vector<16xf32>
        %add3A_800 = arith.addf %add3A_720, %get3A_799 : vector<16xf32>
        %get3A_801 = arith.constant 0 : i32
        %get3A_802 = arith.constant 0 : i32
        %get3A_803 = tpu.memref_slice %arg6[%scan3A_492, %get3A_801, %get3A_802] : memref<8x100x64xf32, #tpu.memory_space<vmem>> -> memref<1x100x64xf32, #tpu.memory_space<vmem>>
        %get3A_804 = tpu.memref_squeeze %get3A_803 : memref<1x100x64xf32, #tpu.memory_space<vmem>> -> memref<100x64xf32, #tpu.memory_space<vmem>>
        %get3A_805 = arith.index_cast %add3A_791 : i32 to index
        %get3A_806 = arith.constant 16 : index
        %get3A_807 = tpu.vector_load %get3A_804[%get3A_805, %get3A_806] {strides = array<i32>} : memref<100x64xf32, #tpu.memory_space<vmem>>, vector<1x16xf32>,
        %get3A_808 = vector.shape_cast %get3A_807 : vector<1x16xf32> to vector<16xf32>
        %add3A_809 = arith.addf %add3A_729, %get3A_808 : vector<16xf32>
        %get3A_810 = arith.constant 0 : i32
        %get3A_811 = arith.constant 0 : i32
        %get3A_812 = tpu.memref_slice %arg6[%scan3A_492, %get3A_810, %get3A_811] : memref<8x100x64xf32, #tpu.memory_space<vmem>> -> memref<1x100x64xf32, #tpu.memory_space<vmem>>
        %get3A_813 = tpu.memref_squeeze %get3A_812 : memref<1x100x64xf32, #tpu.memory_space<vmem>> -> memref<100x64xf32, #tpu.memory_space<vmem>>
        %get3A_814 = arith.index_cast %add3A_791 : i32 to index
        %get3A_815 = arith.constant 32 : index
        %get3A_816 = tpu.vector_load %get3A_813[%get3A_814, %get3A_815] {strides = array<i32>} : memref<100x64xf32, #tpu.memory_space<vmem>>, vector<1x16xf32>,
        %get3A_817 = vector.shape_cast %get3A_816 : vector<1x16xf32> to vector<16xf32>
        %add3A_818 = arith.addf %add3A_738, %get3A_817 : vector<16xf32>
        %get3A_819 = arith.constant 0 : i32
        %get3A_820 = arith.constant 0 : i32
        %get3A_821 = tpu.memref_slice %arg6[%scan3A_492, %get3A_819, %get3A_820] : memref<8x100x64xf32, #tpu.memory_space<vmem>> -> memref<1x100x64xf32, #tpu.memory_space<vmem>>
        %get3A_822 = tpu.memref_squeeze %get3A_821 : memref<1x100x64xf32, #tpu.memory_space<vmem>> -> memref<100x64xf32, #tpu.memory_space<vmem>>
        %get3A_823 = arith.index_cast %add3A_791 : i32 to index
        %get3A_824 = arith.constant 48 : index
        %get3A_825 = tpu.vector_load %get3A_822[%get3A_823, %get3A_824] {strides = array<i32>} : memref<100x64xf32, #tpu.memory_space<vmem>>, vector<1x16xf32>,
        %get3A_826 = vector.shape_cast %get3A_825 : vector<1x16xf32> to vector<16xf32>
        %add3A_827 = arith.addf %add3A_747, %get3A_826 : vector<16xf32>
        %mul3A_828 = arith.constant 10 : i32
        %mul3A_829 = arith.muli %scan3A_540, %mul3A_828 : i32
        %add3A_830 = arith.constant 7 : i32
        %add3A_831 = arith.addi %mul3A_829, %add3A_830 : i32
        %get3A_832 = arith.constant 0 : i32
        %get3A_833 = arith.constant 0 : i32
        %get3A_834 = tpu.memref_slice %arg6[%scan3A_492, %get3A_832, %get3A_833] : memref<8x100x64xf32, #tpu.memory_space<vmem>> -> memref<1x100x64xf32, #tpu.memory_space<vmem>>
        %get3A_835 = tpu.memref_squeeze %get3A_834 : memref<1x100x64xf32, #tpu.memory_space<vmem>> -> memref<100x64xf32, #tpu.memory_space<vmem>>
        %get3A_836 = arith.index_cast %add3A_831 : i32 to index
        %get3A_837 = arith.constant 0 : index
        %get3A_838 = tpu.vector_load %get3A_835[%get3A_836, %get3A_837] {strides = array<i32>} : memref<100x64xf32, #tpu.memory_space<vmem>>, vector<1x16xf32>,
        %get3A_839 = vector.shape_cast %get3A_838 : vector<1x16xf32> to vector<16xf32>
        %add3A_840 = arith.addf %add3A_760, %get3A_839 : vector<16xf32>
        %get3A_841 = arith.constant 0 : i32
        %get3A_842 = arith.constant 0 : i32
        %get3A_843 = tpu.memref_slice %arg6[%scan3A_492, %get3A_841, %get3A_842] : memref<8x100x64xf32, #tpu.memory_space<vmem>> -> memref<1x100x64xf32, #tpu.memory_space<vmem>>
        %get3A_844 = tpu.memref_squeeze %get3A_843 : memref<1x100x64xf32, #tpu.memory_space<vmem>> -> memref<100x64xf32, #tpu.memory_space<vmem>>
        %get3A_845 = arith.index_cast %add3A_831 : i32 to index
        %get3A_846 = arith.constant 16 : index
        %get3A_847 = tpu.vector_load %get3A_844[%get3A_845, %get3A_846] {strides = array<i32>} : memref<100x64xf32, #tpu.memory_space<vmem>>, vector<1x16xf32>,
        %get3A_848 = vector.shape_cast %get3A_847 : vector<1x16xf32> to vector<16xf32>
        %add3A_849 = arith.addf %add3A_769, %get3A_848 : vector<16xf32>
        %get3A_850 = arith.constant 0 : i32
        %get3A_851 = arith.constant 0 : i32
        %get3A_852 = tpu.memref_slice %arg6[%scan3A_492, %get3A_850, %get3A_851] : memref<8x100x64xf32, #tpu.memory_space<vmem>> -> memref<1x100x64xf32, #tpu.memory_space<vmem>>
        %get3A_853 = tpu.memref_squeeze %get3A_852 : memref<1x100x64xf32, #tpu.memory_space<vmem>> -> memref<100x64xf32, #tpu.memory_space<vmem>>
        %get3A_854 = arith.index_cast %add3A_831 : i32 to index
        %get3A_855 = arith.constant 32 : index
        %get3A_856 = tpu.vector_load %get3A_853[%get3A_854, %get3A_855] {strides = array<i32>} : memref<100x64xf32, #tpu.memory_space<vmem>>, vector<1x16xf32>,
        %get3A_857 = vector.shape_cast %get3A_856 : vector<1x16xf32> to vector<16xf32>
        %add3A_858 = arith.addf %add3A_778, %get3A_857 : vector<16xf32>
        %get3A_859 = arith.constant 0 : i32
        %get3A_860 = arith.constant 0 : i32
        %get3A_861 = tpu.memref_slice %arg6[%scan3A_492, %get3A_859, %get3A_860] : memref<8x100x64xf32, #tpu.memory_space<vmem>> -> memref<1x100x64xf32, #tpu.memory_space<vmem>>
        %get3A_862 = tpu.memref_squeeze %get3A_861 : memref<1x100x64xf32, #tpu.memory_space<vmem>> -> memref<100x64xf32, #tpu.memory_space<vmem>>
        %get3A_863 = arith.index_cast %add3A_831 : i32 to index
        %get3A_864 = arith.constant 48 : index
        %get3A_865 = tpu.vector_load %get3A_862[%get3A_863, %get3A_864] {strides = array<i32>} : memref<100x64xf32, #tpu.memory_space<vmem>>, vector<1x16xf32>,
        %get3A_866 = vector.shape_cast %get3A_865 : vector<1x16xf32> to vector<16xf32>
        %add3A_867 = arith.addf %add3A_787, %get3A_866 : vector<16xf32>
        %mul3A_868 = arith.constant 10 : i32
        %mul3A_869 = arith.muli %scan3A_540, %mul3A_868 : i32
        %add3A_870 = arith.constant 8 : i32
        %add3A_871 = arith.addi %mul3A_869, %add3A_870 : i32
        %get3A_872 = arith.constant 0 : i32
        %get3A_873 = arith.constant 0 : i32
        %get3A_874 = tpu.memref_slice %arg6[%scan3A_492, %get3A_872, %get3A_873] : memref<8x100x64xf32, #tpu.memory_space<vmem>> -> memref<1x100x64xf32, #tpu.memory_space<vmem>>
        %get3A_875 = tpu.memref_squeeze %get3A_874 : memref<1x100x64xf32, #tpu.memory_space<vmem>> -> memref<100x64xf32, #tpu.memory_space<vmem>>
        %get3A_876 = arith.index_cast %add3A_871 : i32 to index
        %get3A_877 = arith.constant 0 : index
        %get3A_878 = tpu.vector_load %get3A_875[%get3A_876, %get3A_877] {strides = array<i32>} : memref<100x64xf32, #tpu.memory_space<vmem>>, vector<1x16xf32>,
        %get3A_879 = vector.shape_cast %get3A_878 : vector<1x16xf32> to vector<16xf32>
        %add3A_880 = arith.addf %add3A_800, %get3A_879 : vector<16xf32>
        %get3A_881 = arith.constant 0 : i32
        %get3A_882 = arith.constant 0 : i32
        %get3A_883 = tpu.memref_slice %arg6[%scan3A_492, %get3A_881, %get3A_882] : memref<8x100x64xf32, #tpu.memory_space<vmem>> -> memref<1x100x64xf32, #tpu.memory_space<vmem>>
        %get3A_884 = tpu.memref_squeeze %get3A_883 : memref<1x100x64xf32, #tpu.memory_space<vmem>> -> memref<100x64xf32, #tpu.memory_space<vmem>>
        %get3A_885 = arith.index_cast %add3A_871 : i32 to index
        %get3A_886 = arith.constant 16 : index
        %get3A_887 = tpu.vector_load %get3A_884[%get3A_885, %get3A_886] {strides = array<i32>} : memref<100x64xf32, #tpu.memory_space<vmem>>, vector<1x16xf32>,
        %get3A_888 = vector.shape_cast %get3A_887 : vector<1x16xf32> to vector<16xf32>
        %add3A_889 = arith.addf %add3A_809, %get3A_888 : vector<16xf32>
        %get3A_890 = arith.constant 0 : i32
        %get3A_891 = arith.constant 0 : i32
        %get3A_892 = tpu.memref_slice %arg6[%scan3A_492, %get3A_890, %get3A_891] : memref<8x100x64xf32, #tpu.memory_space<vmem>> -> memref<1x100x64xf32, #tpu.memory_space<vmem>>
        %get3A_893 = tpu.memref_squeeze %get3A_892 : memref<1x100x64xf32, #tpu.memory_space<vmem>> -> memref<100x64xf32, #tpu.memory_space<vmem>>
        %get3A_894 = arith.index_cast %add3A_871 : i32 to index
        %get3A_895 = arith.constant 32 : index
        %get3A_896 = tpu.vector_load %get3A_893[%get3A_894, %get3A_895] {strides = array<i32>} : memref<100x64xf32, #tpu.memory_space<vmem>>, vector<1x16xf32>,
        %get3A_897 = vector.shape_cast %get3A_896 : vector<1x16xf32> to vector<16xf32>
        %add3A_898 = arith.addf %add3A_818, %get3A_897 : vector<16xf32>
        %get3A_899 = arith.constant 0 : i32
        %get3A_900 = arith.constant 0 : i32
        %get3A_901 = tpu.memref_slice %arg6[%scan3A_492, %get3A_899, %get3A_900] : memref<8x100x64xf32, #tpu.memory_space<vmem>> -> memref<1x100x64xf32, #tpu.memory_space<vmem>>
        %get3A_902 = tpu.memref_squeeze %get3A_901 : memref<1x100x64xf32, #tpu.memory_space<vmem>> -> memref<100x64xf32, #tpu.memory_space<vmem>>
        %get3A_903 = arith.index_cast %add3A_871 : i32 to index
        %get3A_904 = arith.constant 48 : index
        %get3A_905 = tpu.vector_load %get3A_902[%get3A_903, %get3A_904] {strides = array<i32>} : memref<100x64xf32, #tpu.memory_space<vmem>>, vector<1x16xf32>,
        %get3A_906 = vector.shape_cast %get3A_905 : vector<1x16xf32> to vector<16xf32>
        %add3A_907 = arith.addf %add3A_827, %get3A_906 : vector<16xf32>
        %mul3A_908 = arith.constant 10 : i32
        %mul3A_909 = arith.muli %scan3A_540, %mul3A_908 : i32
        %add3A_910 = arith.constant 9 : i32
        %add3A_911 = arith.addi %mul3A_909, %add3A_910 : i32
        %get3A_912 = arith.constant 0 : i32
        %get3A_913 = arith.constant 0 : i32
        %get3A_914 = tpu.memref_slice %arg6[%scan3A_492, %get3A_912, %get3A_913] : memref<8x100x64xf32, #tpu.memory_space<vmem>> -> memref<1x100x64xf32, #tpu.memory_space<vmem>>
        %get3A_915 = tpu.memref_squeeze %get3A_914 : memref<1x100x64xf32, #tpu.memory_space<vmem>> -> memref<100x64xf32, #tpu.memory_space<vmem>>
        %get3A_916 = arith.index_cast %add3A_911 : i32 to index
        %get3A_917 = arith.constant 0 : index
        %get3A_918 = tpu.vector_load %get3A_915[%get3A_916, %get3A_917] {strides = array<i32>} : memref<100x64xf32, #tpu.memory_space<vmem>>, vector<1x16xf32>,
        %get3A_919 = vector.shape_cast %get3A_918 : vector<1x16xf32> to vector<16xf32>
        %add3A_920 = arith.addf %add3A_840, %get3A_919 : vector<16xf32>
        %get3A_921 = arith.constant 0 : i32
        %get3A_922 = arith.constant 0 : i32
        %get3A_923 = tpu.memref_slice %arg6[%scan3A_492, %get3A_921, %get3A_922] : memref<8x100x64xf32, #tpu.memory_space<vmem>> -> memref<1x100x64xf32, #tpu.memory_space<vmem>>
        %get3A_924 = tpu.memref_squeeze %get3A_923 : memref<1x100x64xf32, #tpu.memory_space<vmem>> -> memref<100x64xf32, #tpu.memory_space<vmem>>
        %get3A_925 = arith.index_cast %add3A_911 : i32 to index
        %get3A_926 = arith.constant 16 : index
        %get3A_927 = tpu.vector_load %get3A_924[%get3A_925, %get3A_926] {strides = array<i32>} : memref<100x64xf32, #tpu.memory_space<vmem>>, vector<1x16xf32>,
        %get3A_928 = vector.shape_cast %get3A_927 : vector<1x16xf32> to vector<16xf32>
        %add3A_929 = arith.addf %add3A_849, %get3A_928 : vector<16xf32>
        %get3A_930 = arith.constant 0 : i32
        %get3A_931 = arith.constant 0 : i32
        %get3A_932 = tpu.memref_slice %arg6[%scan3A_492, %get3A_930, %get3A_931] : memref<8x100x64xf32, #tpu.memory_space<vmem>> -> memref<1x100x64xf32, #tpu.memory_space<vmem>>
        %get3A_933 = tpu.memref_squeeze %get3A_932 : memref<1x100x64xf32, #tpu.memory_space<vmem>> -> memref<100x64xf32, #tpu.memory_space<vmem>>
        %get3A_934 = arith.index_cast %add3A_911 : i32 to index
        %get3A_935 = arith.constant 32 : index
        %get3A_936 = tpu.vector_load %get3A_933[%get3A_934, %get3A_935] {strides = array<i32>} : memref<100x64xf32, #tpu.memory_space<vmem>>, vector<1x16xf32>,
        %get3A_937 = vector.shape_cast %get3A_936 : vector<1x16xf32> to vector<16xf32>
        %add3A_938 = arith.addf %add3A_858, %get3A_937 : vector<16xf32>
        %get3A_939 = arith.constant 0 : i32
        %get3A_940 = arith.constant 0 : i32
        %get3A_941 = tpu.memref_slice %arg6[%scan3A_492, %get3A_939, %get3A_940] : memref<8x100x64xf32, #tpu.memory_space<vmem>> -> memref<1x100x64xf32, #tpu.memory_space<vmem>>
        %get3A_942 = tpu.memref_squeeze %get3A_941 : memref<1x100x64xf32, #tpu.memory_space<vmem>> -> memref<100x64xf32, #tpu.memory_space<vmem>>
        %get3A_943 = arith.index_cast %add3A_911 : i32 to index
        %get3A_944 = arith.constant 48 : index
        %get3A_945 = tpu.vector_load %get3A_942[%get3A_943, %get3A_944] {strides = array<i32>} : memref<100x64xf32, #tpu.memory_space<vmem>>, vector<1x16xf32>,
        %get3A_946 = vector.shape_cast %get3A_945 : vector<1x16xf32> to vector<16xf32>
        %add3A_947 = arith.addf %add3A_867, %get3A_946 : vector<16xf32>
        scf.yield %add3A_880, %add3A_889, %add3A_898, %add3A_907, %add3A_920, %add3A_929, %add3A_938, %add3A_947 : vector<16xf32>, vector<16xf32>, vector<16xf32>, vector<16xf32>, vector<16xf32>, vector<16xf32>, vector<16xf32>, vector<16xf32>
      }
      %scan3A_498 = arith.constant 10 : i32
      %lt3A_499 = arith.constant 31 : i32
      %lt3A_500 = arith.cmpi slt, %scan3A_105, %lt3A_499 : i32
      %convert_element_type3A_501 = arith.extui %lt3A_500 : i1 to i32
      %cond3A_502 = arith.constant 0 : i32
      %cond3A_503 = arith.cmpi ne, %convert_element_type3A_501, %cond3A_502 : i32
      scf.if %cond3A_503 {
        %add3A_540 = arith.constant 8 : i32
        %add3A_541 = arith.addi %add3A_480, %add3A_540 : i32
        %dma_start3A_542 = arith.constant 7 : i32
        %dma_start3A_543 = arith.constant 0 : i32
        %dma_start3A_544 = arith.constant 0 : i32
        %dma_start3A_545 = tpu.memref_slice %arg6[%dma_start3A_542, %dma_start3A_543, %dma_start3A_544] : memref<8x100x64xf32, #tpu.memory_space<vmem>> -> memref<1x100x64xf32, #tpu.memory_space<vmem>>
        %dma_start3A_546 = tpu.memref_squeeze %dma_start3A_545 : memref<1x100x64xf32, #tpu.memory_space<vmem>> -> memref<100x64xf32, #tpu.memory_space<vmem>>
        %dma_start3A_547 = arith.constant 0 : i32
        %dma_start3A_548 = tpu.memref_slice %arg5[%add3A_541, %dma_start3A_547] : memref<256x100xi32, #tpu.memory_space<vmem>> -> memref<1x100xi32, #tpu.memory_space<vmem>>
        %dma_start3A_549 = tpu.memref_squeeze %dma_start3A_548 : memref<1x100xi32, #tpu.memory_space<vmem>> -> memref<100xi32, #tpu.memory_space<vmem>>
        %dma_start3A_550 = arith.constant 0 : i32
        %dma_start3A_551 = arith.constant 0 : i32
        %dma_start3A_552 = tpu.memref_slice %arg3[%dma_start3A_550, %dma_start3A_551] : memref<1000000x64xf32, #tpu.memory_space<hbm>> -> memref<1000000x64xf32, #tpu.memory_space<hbm>>
        tpu.enqueue_indirect_dma source(%dma_start3A_552 : memref<1000000x64xf32, #tpu.memory_space<hbm>>) target(%dma_start3A_546 : memref<100x64xf32, #tpu.memory_space<vmem>>) offsets(%dma_start3A_549 : memref<100xi32, #tpu.memory_space<vmem>>) semaphore(%arg15 : memref<!tpu.dma_semaphore, #tpu.memory_space<semaphore_mem>>)
      } else {
      }
      %add3A_504 = arith.addf %scan3A_497#0, %scan3A_497#4 : vector<16xf32>
      %mul3A_505 = arith.constant 5.000000e-03 : f32
      %mul3A_506 = vector.broadcast %mul3A_505 : f32 to vector<16xf32>
      %mul3A_507 = arith.mulf %add3A_504, %mul3A_506 : vector<16xf32>
      %swap3A_508 = arith.index_cast %add3A_433 : i32 to index
      %swap3A_509 = arith.constant 0 : index
      %swap3A_510 = tpu.vector_load %arg7[%swap3A_508, %swap3A_509] {strides = array<i32>} : memref<128x64xf32, #tpu.memory_space<vmem>>, vector<1x16xf32>,
      %swap3A_511 = vector.shape_cast %swap3A_510 : vector<1x16xf32> to vector<16xf32>
      %swap3A_512 = vector.shape_cast %mul3A_507 : vector<16xf32> to vector<1x16xf32>
      tpu.vector_store %arg7[%swap3A_508, %swap3A_509], %swap3A_512 {strides = array<i32>} : memref<128x64xf32, #tpu.memory_space<vmem>>, vector<1x16xf32>,
      %add3A_513 = arith.addf %scan3A_497#1, %scan3A_497#5 : vector<16xf32>
      %mul3A_514 = arith.constant 5.000000e-03 : f32
      %mul3A_515 = vector.broadcast %mul3A_514 : f32 to vector<16xf32>
      %mul3A_516 = arith.mulf %add3A_513, %mul3A_515 : vector<16xf32>
      %swap3A_517 = arith.index_cast %add3A_433 : i32 to index
      %swap3A_518 = arith.constant 16 : index
      %swap3A_519 = tpu.vector_load %arg7[%swap3A_517, %swap3A_518] {strides = array<i32>} : memref<128x64xf32, #tpu.memory_space<vmem>>, vector<1x16xf32>,
      %swap3A_520 = vector.shape_cast %swap3A_519 : vector<1x16xf32> to vector<16xf32>
      %swap3A_521 = vector.shape_cast %mul3A_516 : vector<16xf32> to vector<1x16xf32>
      tpu.vector_store %arg7[%swap3A_517, %swap3A_518], %swap3A_521 {strides = array<i32>} : memref<128x64xf32, #tpu.memory_space<vmem>>, vector<1x16xf32>,
      %add3A_522 = arith.addf %scan3A_497#2, %scan3A_497#6 : vector<16xf32>
      %mul3A_523 = arith.constant 5.000000e-03 : f32
      %mul3A_524 = vector.broadcast %mul3A_523 : f32 to vector<16xf32>
      %mul3A_525 = arith.mulf %add3A_522, %mul3A_524 : vector<16xf32>
      %swap3A_526 = arith.index_cast %add3A_433 : i32 to index
      %swap3A_527 = arith.constant 32 : index
      %swap3A_528 = tpu.vector_load %arg7[%swap3A_526, %swap3A_527] {strides = array<i32>} : memref<128x64xf32, #tpu.memory_space<vmem>>, vector<1x16xf32>,
      %swap3A_529 = vector.shape_cast %swap3A_528 : vector<1x16xf32> to vector<16xf32>
      %swap3A_530 = vector.shape_cast %mul3A_525 : vector<16xf32> to vector<1x16xf32>
      tpu.vector_store %arg7[%swap3A_526, %swap3A_527], %swap3A_530 {strides = array<i32>} : memref<128x64xf32, #tpu.memory_space<vmem>>, vector<1x16xf32>,
      %add3A_531 = arith.addf %scan3A_497#3, %scan3A_497#7 : vector<16xf32>
      %mul3A_532 = arith.constant 5.000000e-03 : f32
      %mul3A_533 = vector.broadcast %mul3A_532 : f32 to vector<16xf32>
      %mul3A_534 = arith.mulf %add3A_531, %mul3A_533 : vector<16xf32>
      %swap3A_535 = arith.index_cast %add3A_433 : i32 to index
      %swap3A_536 = arith.constant 48 : index
      %swap3A_537 = tpu.vector_load %arg7[%swap3A_535, %swap3A_536] {strides = array<i32>} : memref<128x64xf32, #tpu.memory_space<vmem>>, vector<1x16xf32>,
      %swap3A_538 = vector.shape_cast %swap3A_537 : vector<1x16xf32> to vector<16xf32>
      %swap3A_539 = vector.shape_cast %mul3A_534 : vector<16xf32> to vector<1x16xf32>
      tpu.vector_store %arg7[%swap3A_535, %swap3A_536], %swap3A_539 {strides = array<i32>} : memref<128x64xf32, #tpu.memory_space<vmem>>, vector<1x16xf32>,
    }
    %scan3A_104 = arith.constant 32 : i32
    "tpu.region"() ({
      %run_scoped3A = tpu.sem_alloc : memref<!tpu.dma_semaphore, #tpu.memory_space<semaphore_mem>>
      %dma_start3A_105 = arith.constant 0 : i32
      %dma_start3A_106 = tpu.memref_slice %arg4[%mul3A_4, %dma_start3A_105] : memref<4096x64xf32, #tpu.memory_space<hbm>> -> memref<128x64xf32, #tpu.memory_space<hbm>>
      %dma_start3A_107 = arith.constant 0 : i32
      %dma_start3A_108 = tpu.memref_slice %arg4[%mul3A_4, %dma_start3A_107] : memref<4096x64xf32, #tpu.memory_space<hbm>> -> memref<128x64xf32, #tpu.memory_space<hbm>>
      tpu.enqueue_dma source(%arg7 : memref<128x64xf32, #tpu.memory_space<vmem>>) target(%dma_start3A_108 : memref<128x64xf32, #tpu.memory_space<hbm>>) target_semaphore(%run_scoped3A : memref<!tpu.dma_semaphore, #tpu.memory_space<semaphore_mem>>)
      %dma_wait3A = arith.constant 0 : i32
      %dma_wait3A_109 = tpu.memref_slice %arg4[%mul3A_4, %dma_wait3A] : memref<4096x64xf32, #tpu.memory_space<hbm>> -> memref<128x64xf32, #tpu.memory_space<hbm>>
      %dma_wait3A_110 = arith.constant 0 : i32
      %dma_wait3A_111 = tpu.memref_slice %arg4[%mul3A_4, %dma_wait3A_110] : memref<4096x64xf32, #tpu.memory_space<hbm>> -> memref<128x64xf32, #tpu.memory_space<hbm>>
      tpu.wait_dma2 semaphore(%run_scoped3A : memref<!tpu.dma_semaphore, #tpu.memory_space<semaphore_mem>>) src(%arg7 : memref<128x64xf32, #tpu.memory_space<vmem>>) dst(%dma_wait3A_111 : memref<128x64xf32, #tpu.memory_space<hbm>>)
      tpu.yield
    }) : () -> ()
    return
  }
}

</mosaic_0001>

<sc_bundles>
// kernel: kernel.3.cloned.1.call-start
scs
__scs_entry_jumppad:
0x0: {  	(pc) =	sbr.rel $0x88, $3  }
0x1: {  	(tag) =	ssettag $0x0;
	lr =	simm.s32 $0x1  }
0x2: {  	[smem:$0x3F9F] =	sst lr;
	_ =	strace $0xD0000000  }
0x3: {  	_ = 	snop  }
0x4: {  	_ = 	snop  }
0x5: {  	_ = 	snop  }
0x6: {  	_ = 	snop  }
0x7: {  	_ = 	snop  }
__scs_overlays_trampoline_lowered:
0x8: {  	[smem:$0x3FAE] =	sst s0  }
0x9: {  	[smem:$0x3FAF] =	sst s1  }
0xa: {  	[smem:$0x3FB0] =	sst s2  }
0xb: {  	[smem:$0x3FB1] =	sst s3  }
0xc: {  	[smem:$0x3FB2] =	sst s4  }
0xd: {  	[smem:$0x3FB3] =	sst s5  }
0xe: {  	[smem:$0x3FB4] =	sst s6  }
0xf: {  	[smem:$0x3FB5] =	sst s7  }
0x10: {  	[smem:$0x3FB6] =	sst s8  }
0x11: {  	[smem:$0x3FB7] =	sst s9;
	s0 =	simm.s32 @!p0 $0x0  }
0x12: {  	s1 =	sld [smem:$0x3F9D];
	s0 =	simm.s32 @p0 $0x1  }
0x13: {  	[smem:$0x3FB8] =	sst s0;
	s0 =	simm.s32 @!p1 $0x0  }
0x14: {  	s2 =	sld [smem:$0x3F9C];
	s0 =	simm.s32 @p1 $0x1  }
0x15: {  	[smem:$0x3FB9] =	sst s0;
	s0 =	simm.s32 @!p2 $0x0  }
0x16: {  	s3 =	sld [smem:$0x3FDB];
	s0 =	simm.s32 @p2 $0x1  }
0x17: {  	s4 =	simm.s32 $0x1BF5;
	[smem:$0x3FBB] =	sst s0  }
0x18: {  	s0 =	sld [smem:$0x3F9E];
	_ =	swait.ge [sflag:s4], $0x0  }
0x19: {  	s7 =	sld [smem:$0x3F9F]  }
0x1a: {  	s8 =	sadd.s32 $0xFFFFE003, lr  }
0x1b: {  	s9 =	sadd.s32 $0xFFFFFEF7, lr;
	s5 =	simm.s32 $0xFFFFFFFF;
	p2 =	slt.u32 s8, $0xFFFFF086  }
0x1c: {  	p1 =	slt.u32 s9, $0xF7A;
	s5 =	simm.s32 @!p2 $0x0  }
0x1d: {  	s5 =	simm.s32 @p1 $0x1;
	p0 =	seq.s32 s7, s2  }
0x1e: {  	s7 =	smul.u32 @!p0 $0xF7A, s2;
	p2 =	seq.s32 @!p0 s5, $0x0  }
0x1f: {  	s9 =	smul.u32 $0xF7A, s1;
	s8 =	simm.s32 @!p0 $0x1BF5;
	p2 =	por !p2, p0  }
0x20: {  	[sflag:s8] =	ssyncset.s32 @!p0 $0xFFFFF086;
	s6 =	sadd.s32 @!p0 s3, s7;
	s7 =	simm.s32 @!p0 $0x108  }
0x21: {  	s3 =	sadd.s32 s3, s9;
	s6 =	sadd.s32 @!p0 $0x88, s6;
	s7 =	simm.s32 @p2 $0x1082  }
0x22: {  	[simem:s7], [sflag:s8] =	dma.local @!p0 [hbm:s6], $0xF7A  }
0x23: {  	s9 =	sor.u32 $0xD0000000, s2;
	s6 =	simm.s32 $0x108;
	_ =	swait.ge @!p0 [sflag:s8], $0x0  }
0x24: {  	s3 =	sadd.s32 $0x88, s3;
	s6 =	simm.s32 @!p1 $0x1082;
	[sflag:s4] =	ssyncset.s32 $0xFFFFF086  }
0x25: {  	[simem:s6], [sflag:s4] =	dma.local [hbm:s3], $0xF7A  }
0x26: {  	[smem:$0x3F9F] =	sst s1;
	(tag) =	ssettag s2;
	_ =	strace s9  }
0x27: {  	s1 =	sld [smem:$0x3FAF]  }
0x28: {  	s2 =	sld [smem:$0x3FB0]  }
0x29: {  	s4 =	sld [smem:$0x3FB2]  }
0x2a: {  	p0 =	seq.s32 s5, $0x0;
	s5 =	sld [smem:$0x3FB3]  }
0x2b: {  	s6 =	sld [smem:$0x3FB4]  }
0x2c: {  	s7 =	sld [smem:$0x3FB5]  }
0x2d: {  	s3 =	simm.s32 $0x108;
	s8 =	sld [smem:$0x3FB6]  }
0x2e: {  	s3 =	simm.s32 @!p0 $0x1082;
	s9 =	sld [smem:$0x3FB7]  }
0x2f: {  	lr =	sadd.s32 s0, s3;
	s0 =	sld [smem:$0x3FAE]  }
0x30: {  	s3 =	sld [smem:$0x3FB1]  }
0x31: {  	[smem:$0x3FBA] =	sst s10  }
0x32: {  	s10 =	sld [smem:$0x3FB8];
	_ =	sdelay $0x3  }
0x33: {  	p0 =	seq.s32 s10, $0x1;
	s10 =	sld [smem:$0x3FBA];
	_ =	sdelay $0x3  }
0x34: {  	[smem:$0x3FBA] =	sst s10  }
0x35: {  	s10 =	sld [smem:$0x3FB9];
	_ =	sdelay $0x3  }
0x36: {  	p1 =	seq.s32 s10, $0x1;
	s10 =	sld [smem:$0x3FBA];
	_ =	sdelay $0x3  }
0x37: {  	[smem:$0x3FBA] =	sst s10  }
0x38: {  	s10 =	sld [smem:$0x3FBB]  }
0x39: {  	_ = 	snop;
	(pc) =	sbr.ind lr, $3  }
0x3a: {  	_ = 	snop  }
0x3b: {  	_ = 	snop  }
0x3c: {  	p2 =	seq.s32 s10, $0x1;
	s10 =	sld [smem:$0x3FBA]  }
0x3d: {  	_ =	shalt  }
0x3e: {  	_ =	shalt  }
0x3f: {  	_ =	shalt  }
0x40: {  	_ =	shalt  }
0x41: {  	_ =	shalt  }
0x42: {  	_ =	shalt  }
0x43: {  	_ =	shalt  }
0x44: {  	_ =	shalt  }
0x45: {  	_ =	shalt  }
0x46: {  	_ =	shalt  }
0x47: {  	_ =	shalt  }
0x48: {  	_ =	shalt  }
0x49: {  	_ =	shalt  }
0x4a: {  	_ =	shalt  }
0x4b: {  	_ =	shalt  }
0x4c: {  	_ =	shalt  }
0x4d: {  	_ =	shalt  }
0x4e: {  	_ =	shalt  }
0x4f: {  	_ =	shalt  }
0x50: {  	_ =	shalt  }
0x51: {  	_ =	shalt  }
0x52: {  	_ =	shalt  }
0x53: {  	_ =	shalt  }
0x54: {  	_ =	shalt  }
0x55: {  	_ =	shalt  }
0x56: {  	_ =	shalt  }
0x57: {  	_ =	shalt  }
0x58: {  	_ =	shalt  }
0x59: {  	_ =	shalt  }
0x5a: {  	_ =	shalt  }
0x5b: {  	_ =	shalt  }
0x5c: {  	_ =	shalt  }
0x5d: {  	_ =	shalt  }
0x5e: {  	_ =	shalt  }
0x5f: {  	_ =	shalt  }
0x60: {  	_ =	shalt  }
0x61: {  	_ =	shalt  }
0x62: {  	_ =	shalt  }
0x63: {  	_ =	shalt  }
0x64: {  	_ =	shalt  }
0x65: {  	_ =	shalt  }
0x66: {  	_ =	shalt  }
0x67: {  	_ =	shalt  }
0x68: {  	_ =	shalt  }
0x69: {  	_ =	shalt  }
0x6a: {  	_ =	shalt  }
0x6b: {  	_ =	shalt  }
0x6c: {  	_ =	shalt  }
0x6d: {  	_ =	shalt  }
0x6e: {  	_ =	shalt  }
0x6f: {  	_ =	shalt  }
0x70: {  	_ =	shalt  }
0x71: {  	_ =	shalt  }
0x72: {  	_ =	shalt  }
0x73: {  	_ =	shalt  }
0x74: {  	_ =	shalt  }
0x75: {  	_ =	shalt  }
0x76: {  	_ =	shalt  }
0x77: {  	_ =	shalt  }
0x78: {  	_ =	shalt  }
0x79: {  	_ =	shalt  }
0x7a: {  	_ =	shalt  }
0x7b: {  	_ =	shalt  }
0x7c: {  	_ =	shalt  }
0x7d: {  	_ =	shalt  }
0x7e: {  	_ =	shalt  }
0x7f: {  	_ =	shalt  }
0x80: {  	_ =	shalt  }
0x81: {  	_ =	shalt  }
0x82: {  	_ =	shalt  }
0x83: {  	_ =	shalt  }
0x84: {  	_ =	shalt  }
0x85: {  	_ =	shalt  }
0x86: {  	_ =	shalt  }
0x87: {  	_ =	shalt  }
.Lfunc_end0:
.L_simem_size_0:
called_computation_lowered:
.L_overlay_start_0:
0x88: {  	s2 =	sld [smem:$0x3FD9]  }
0x89: {  	s3 =	sld [smem:$0x3FFE];
	_ =	sdelay $0x1  }
0x8a: {  	s1 =	srdreg.scid  }
0x8b: {  	s0 =	sand.u32 $0x1, s1  }
0x8c: {  	s17 =	sshll.u32 s0, $0xA;
	s2 =	sadd.s32 s3, s2  }
0x8d: {  	s2 =	sadd.s32 s2, s17  }
0x8e: {  	[smem:$0x3FC6] =	sst s2  }
0x8f: {  	_ = 	snop  }
0x90: {  	s2 =	sld [smem:$0x3FD0];
	(tm) =	ssettm $0x1  }
0x91: {  	s18 =	sld [smem:$0x3FFB];
	_ =	sdelay $0x3  }
0x92: {  	_ =	strace s18  }
0x93: {  	s3 =	sld [smem:$0x3FFC];
	_ =	sdelay $0x3  }
0x94: {  	_ =	strace s3  }
0x95: {  	s3 =	sld [smem:$0x3FFD];
	_ =	sdelay $0x3  }
0x96: {  	_ =	strace s3  }
0x97: {  	_ =	strace $0x8FFFFFFF  }
0x98: {  	s19 =	sld [smem:$0x3FDB];
	_ =	sdelay $0x1  }
0x99: {  	s4 =	simm.s32 $_scs_section_size  }
0x9a: {  	s5 =	simm.s32 $_size__tile_overlayer_lowered;
	s6 =	simm.s32 $_tile_overlayer_lowered  }
0x9b: {  	s22 =	simm.s32 $0x1BFF;
	s21 =	sshll.u32 s6, $0x1;
	s3 =	sadd.s32 s4, s19  }
0x9c: {  	s7 =	simm.s32 $0x0;
	s20 =	sshll.u32 s5, $0x1;
	s5 =	sadd.s32 s21, s3  }
0x9d: {  	[timem:s7], [sflag:s22] =	dma.local [hbm:s5], s20  }
0x9e: {  	_ =	swait.ge [sflag:s22], s20  }
0x9f: {  	s4 =	ssub.s32 $0x0, s20;
	[sflag:s22] =	ssyncset.done $0x0  }
0xa0: {  	[sflag:s22] =	ssyncadd.s32 s4;
	_ =	sdelay $0x1  }
0xa1: {  	s23 =	simm.s32 $0x1B8B  }
0xa2: {  	_ =	swait.ge [sflag:s23], $0x1  }
0xa3: {  	[sflag:s23] =	ssyncset.done $0x0  }
0xa4: {  	s25 =	simm.s32 $0x1B8E;
	s24 =	sld [smem:$0x3FFE];
	[sflag:s23] =	ssyncadd.s32 $0xFFFFFFFF  }
0xa5: {  	s26 =	simm.s32 $execute0_lowered;
	[smem:$0x3FD2] =	sst s25  }
0xa6: {  	s5 =	sshll.u32 s26, $0x1;
	_ =	strace $0x80000046;
	[dreg:$0x1] =	wrdreg $0xFFFFFFFF  }
0xa7: {  	s28 =	simm.s32 $_size_execute0_lowered;
	s3 =	sadd.s32 s3, s5;
	[dreg:$0x0] =	wrdreg $0x0  }
0xa8: {  	s5 =	sshll.u32 s28, $0x1;
	[dreg:$0x2] =	wrdreg s3  }
0xa9: {  	[dreg:$0x3] =	wrdreg s5  }
0xaa: {  	[dreg:$0x4] =	wrdreg $0xC0  }
0xab: {  	_ =	task [dreg:s7], $0x5FFFF  }
0xac: {  	[dreg:$0x1] =	wrdreg $0xFFFFFFFF  }
0xad: {  	[dreg:$0x0] =	wrdreg $0x60  }
0xae: {  	[dreg:$0x2] =	wrdreg s24  }
0xaf: {  	[dreg:$0x3] =	wrdreg s2  }
0xb0: {  	[dreg:$0x4] =	wrdreg $0x9  }
0xb1: {  	_ =	task.clear_ibuf [dreg:s7], $0x5FFFF;
	_ =	strace $0x90000046  }
0xb2: {  	s29 =	simm.s32 $0x9;
	_ =	strace $0x80000048  }
0xb3: {  	_ =	swait.ge [sflag:s29], $0x1  }
0xb4: {  	[sflag:s29] =	ssyncadd.s32 $0xFFFFFFFF  }
0xb5: {  	_ =	strace $0x90000048  }
0xb6: {  	_ =	sfence  }
0xb7: {  	s30 =	sld [smem:$0x0];
	_ =	sdelay $0x2  }
0xb8: {  	s31 =	sshll.u32 s1, $0xD;
	s1 =	sshrl.u32 s1, $0x2  }
0xb9: {  	s3 =	sand.u32 $0x4000, s31;
	s1 =	sadd.s32 s1, s30  }
0xba: {  	s0 =	sor.u32 s3, s0;
	s1 =	sshll.u32 s1, $0x11  }
0xbb: {  	s0 =	sor.u32 s1, s0  }
0xbc: {  	s0 =	sadd.s32 $0x8F2B, s0  }
0xbd: {  	[sflag:s0] =	ssyncadd.remote.s32 $0x1  }
0xbe: {  	_ =	sfence.sel $0xFFFF  }
0xbf: {  	[dreg:$0x0] =	wrdreg $0xFFFFFFFF;
	(pc) =	sbr.abs _section_cstart, $3  }
0xc0: {  	[dreg:$0x1] =	wrdreg $0xFFFFFFFF  }
0xc1: {  	_ =	task.clear_ibuf [dreg:s7], $0x2FFFF;
	_ =	strace $0x9FFFFFFF  }
0xc2: {  	(tm) =	ssettm $0x7FFFFFFF  }
0xc3: {  	_ =	shalt  }
tec
execute0_lowered:
.L_overlay_start_1:
0x0: {  	(tag) =	ssettag $0x1  }
0x1: {  	s0 =	srdreg.scid;
	s1 =	rddreg [dreg:$0x0]  }
0x2: {  	s2 =	stileid.u32;
	s5 =	rddreg [dreg:$0x1]  }
0x3: {  	s8 =	simm.s32 $0x64;
	s16 =	simm.s32 $0x1A0;
	s17 =	simm.s32 $0xCC00  }
0x4: {  	s18 =	simm.s32 $0x208;
	s19 =	simm.s32 $0xE500;
	s20 =	simm.s32 $0x270  }
0x5: {  	s21 =	simm.s32 $0xFE00;
	s22 =	simm.s32 $0x2D8;
	s23 =	simm.s32 $0x11700  }
0x6: {  	s24 =	simm.s32 $0x1;
	s25 =	simm.s32 $0x2;
	s28 =	simm.s32 $0x4  }
0x7: {  	s29 =	simm.s32 $0x5;
	s30 =	simm.s32 $0x6;
	s31 =	simm.s32 $0x7  }
0x8: {  	s9 =	simm.s32 $0x0;
	s0 =	sand.u32 $0x1, s0;
	s2 =	sshll.u32 s2, $0x1  }
0x9: {  	s4 =	sor.u32 s0, s2;
	s2 =	simm.s32 $0x0;
	s0 =	ssub.s32 $0x2, s0  }
0xa: {  	s3 =	smul.u32 $0xD00, s4;
	[smem:$0x7FF] =	sst s2;
	s7 =	sshrl.u32 s0, $0x1  }
0xb: {  	s26 =	sshll.u32 s4, $0xA;
	_ =	strace $0x80000047;
	s0 =	ssub.s32 s0, s7  }
0xc: {  	s5 =	sadd.s32 s5, s26;
	s7 =	simm.s32 $0x9;
	s26 =	simm.s32 $0x3  }
0xd: {  	s6 =	sadd.s32 s3, s1;
	s3 =	sadd.s32 $0xF42A00, s1;
	s1 =	simm.s32 $0x8  }
0xe: {  	s4 =	sadd.s32 $0x600, s6;
	s6 =	smax.u32 s0, $0x1;
	s0 =	simm.s32 $0x13000  }
.LBB2_1:
0xf: {  	[tilespmem:s2], [sflag:$0x9] =	stream.linear.gather [hbm4b:s4+s2], $0x6800, $0x38;
	[tilespmem:$0x15000] =	vst v63  }
0x10: {  	_ =	swait.ge [sflag:s7], $0x6800  }
0x11: {  	[sflag:s7] =	ssyncset.done $0x0  }
0x12: {  	s10 =	simm.s32 $0x6800;
	[sflag:s7] =	ssyncadd.s32 $0xFFFF9800  }
0x13: {  	[tilespmem:s10], [sflag:$0x1] =	stream.indirect.gather [hbm4b:s3+s8], $0x40, s2, s8, $0xb8;
	[tilespmem:$0x15000] =	vst v63  }
0x14: {  	s15 =	simm.s32 $0x68;
	s11 =	simm.s32 $0x8100  }
0x15: {  	[tilespmem:s11], [sflag:$0x2] =	stream.indirect.gather [hbm4b:s3+s8], $0x40, s15, s8, $0xb8;
	[tilespmem:$0x15000] =	vst v63  }
0x16: {  	s12 =	simm.s32 $0xD0;
	s13 =	simm.s32 $0x9A00  }
0x17: {  	[tilespmem:s13], [sflag:$0x3] =	stream.indirect.gather [hbm4b:s3+s8], $0x40, s12, s8, $0xb8;
	[tilespmem:$0x15000] =	vst v63  }
0x18: {  	s14 =	simm.s32 $0x138;
	s15 =	simm.s32 $0xB300  }
0x19: {  	[tilespmem:s15], [sflag:$0x4] =	stream.indirect.gather [hbm4b:s3+s8], $0x40, s14, s8, $0xb8;
	[tilespmem:$0x15000] =	vst v63  }
0x1a: {  	_ = 	snop  }
0x1b: {  	[tilespmem:s17], [sflag:$0x5] =	stream.indirect.gather [hbm4b:s3+s8], $0x40, s16, s8, $0xb8;
	[tilespmem:$0x15000] =	vst v63  }
0x1c: {  	_ = 	snop  }
0x1d: {  	[tilespmem:s19], [sflag:$0x6] =	stream.indirect.gather [hbm4b:s3+s8], $0x40, s18, s8, $0xb8;
	[tilespmem:$0x15000] =	vst v63  }
0x1e: {  	_ = 	snop  }
0x1f: {  	[tilespmem:s21], [sflag:$0x7] =	stream.indirect.gather [hbm4b:s3+s8], $0x40, s20, s8, $0xb8;
	[tilespmem:$0x15000] =	vst v63  }
0x20: {  	s10 =	simm.s32 $0x0  }
0x21: {  	[tilespmem:s23], [sflag:$0x8] =	stream.indirect.gather [hbm4b:s3+s8], $0x40, s22, s8, $0xb8;
	[tilespmem:$0x15000] =	vst v63  }
.LBB2_2:
0x22: {  	_ =	swait.ge [sflag:s24], $0x1900  }
0x23: {  	[sflag:s24] =	ssyncset.done $0x0  }
0x24: {  	s12 =	simm.s32 $0x0;
	[sflag:s24] =	ssyncadd.s32 $0xFFFFE700  }
0x25: {  	v8 =	vld [tilespmem:s12+$0x6A00]  }
0x26: {  	v9 =	vld [tilespmem:s12+$0x6A10]  }
0x27: {  	v10 =	vld [tilespmem:s12+$0x6A20]  }
0x28: {  	v11 =	vld [tilespmem:s12+$0x6A30]  }
0x29: {  	v0 =	vld [tilespmem:s12+$0x6A40]  }
0x2a: {  	v1 =	vld [tilespmem:s12+$0x6A50]  }
0x2b: {  	v7 =	vld [tilespmem:s12+$0x6980]  }
0x2c: {  	v20 =	vld [tilespmem:s12+$0x6990]  }
0x2d: {  	v17 =	vld [tilespmem:s12+$0x69A0]  }
0x2e: {  	v18 =	vld [tilespmem:s12+$0x69B0]  }
0x2f: {  	v4 =	vld [tilespmem:s12+$0x69C0]  }
0x30: {  	v5 =	vld [tilespmem:s12+$0x69D0]  }
0x31: {  	v2 =	vld [tilespmem:s12+$0x6900]  }
0x32: {  	v3 =	vld [tilespmem:s12+$0x6910]  }
0x33: {  	v6 =	vld [tilespmem:s12+$0x6920]  }
0x34: {  	v12 =	vld [tilespmem:s12+$0x6880]  }
0x35: {  	v13 =	vld [tilespmem:s12+$0x6890]  }
0x36: {  	v14 =	vld [tilespmem:s12+$0x6800]  }
0x37: {  	v15 =	vld [tilespmem:s12+$0x6810]  }
0x38: {  	v21 =	vld [tilespmem:s12+$0x6820]  }
0x39: {  	v22 =	vld [tilespmem:s12+$0x6830]  }
0x3a: {  	v23 =	vld [tilespmem:s12+$0x68A0]  }
0x3b: {  	v25 =	vld [tilespmem:s12+$0x68B0]  }
0x3c: {  	v26 =	vld [tilespmem:s12+$0x6930]  }
0x3d: {  	v16 =	vimm.f32 $0.0e+00;
	v19 =	vld [tilespmem:s12+$0x6940]  }
0x3e: {  	v24 =	vld [tilespmem:s12+$0x6950];
	v14 =	vadd.f32 v14, v16;
	v15 =	vadd.f32 v15, v16  }
0x3f: {  	v29 =	vld [tilespmem:s12+$0x68C0];
	v21 =	vadd.f32 v21, v16;
	v22 =	vadd.f32 v22, v16  }
0x40: {  	v30 =	vld [tilespmem:s12+$0x68D0];
	v12 =	vadd.f32 v12, v14;
	v13 =	vadd.f32 v13, v15  }
0x41: {  	v31 =	vld [tilespmem:s12+$0x6840];
	v63 =	vadd.f32 v23, v21;
	v15 =	vadd.f32 v25, v22;
	v23 =	vimm.f32 $0.0e+00  }
0x42: {  	v32 =	vld [tilespmem:s12+$0x6850];
	v21 =	vimm.f32 $0.0e+00;
	v34 =	vadd.f32 v2, v12;
	v35 =	vadd.f32 v3, v13  }
0x43: {  	s11 =	simm.s32 $0xA00;
	v33 =	vld [tilespmem:s12+$0x6860];
	v22 =	vimm.f32 $0.0e+00;
	v36 =	vadd.f32 v6, v63;
	v37 =	vadd.f32 v26, v15  }
.LBB2_3:
0x44: {  	p0 =	sne.s32 s11, $0x5A00;
	v2 =	vld [tilespmem:s12+$0x6870];
	v3 =	vadd.f32 v7, v34;
	v6 =	vadd.f32 v20, v35  }
0x45: {  	v7 =	vld [tilespmem:s12+$0x68E0];
	v12 =	vadd.f32 v17, v36;
	v13 =	vadd.f32 v18, v37  }
0x46: {  	v14 =	vld [tilespmem:s12+$0x68F0];
	v3 =	vadd.f32 v8, v3;
	v6 =	vadd.f32 v9, v6  }
0x47: {  	v9 =	vld [tilespmem:s12+$0x6960];
	v12 =	vadd.f32 v10, v12;
	v13 =	vadd.f32 v11, v13  }
0x48: {  	v8 =	vadd.f32 v31, v16;
	v10 =	vadd.f32 v32, v23;
	v11 =	vld [tilespmem:s12+$0x6970]  }
0x49: {  	v15 =	vadd.f32 v33, v21;
	v2 =	vadd.f32 v2, v22;
	v16 =	vld [tilespmem:s12+$0x69E0]  }
0x4a: {  	v8 =	vadd.f32 v29, v8;
	v10 =	vadd.f32 v30, v10;
	v17 =	vld [tilespmem:s12+$0x69F0]  }
0x4b: {  	v7 =	vadd.f32 v7, v15;
	v2 =	vadd.f32 v14, v2;
	v14 =	vld [tilespmem:s12+$0x6A60]  }
0x4c: {  	v15 =	vadd.f32 v19, v8;
	v10 =	vadd.f32 v24, v10;
	v18 =	vld [tilespmem:s12+$0x6A70];
	s12 =	sshra.s32 s11, $0x2  }
0x4d: {  	v7 =	vadd.f32 v9, v7;
	v8 =	vld [tilespmem:s12+$0x6A00];
	v2 =	vadd.f32 v11, v2  }
0x4e: {  	v4 =	vadd.f32 v4, v15;
	v5 =	vadd.f32 v5, v10;
	v9 =	vld [tilespmem:s12+$0x6A10]  }
0x4f: {  	v7 =	vadd.f32 v16, v7;
	v10 =	vld [tilespmem:s12+$0x6A20];
	v2 =	vadd.f32 v17, v2  }
0x50: {  	v16 =	vadd.f32 v0, v4;
	v23 =	vadd.f32 v1, v5;
	v11 =	vld [tilespmem:s12+$0x6A30]  }
0x51: {  	v21 =	vadd.f32 v14, v7;
	v0 =	vld [tilespmem:s12+$0x6A40];
	v22 =	vadd.f32 v18, v2  }
0x52: {  	v1 =	vld [tilespmem:s12+$0x6A50]  }
0x53: {  	v7 =	vld [tilespmem:s12+$0x6980]  }
0x54: {  	v20 =	vld [tilespmem:s12+$0x6990]  }
0x55: {  	v17 =	vld [tilespmem:s12+$0x69A0]  }
0x56: {  	v18 =	vld [tilespmem:s12+$0x69B0]  }
0x57: {  	v4 =	vld [tilespmem:s12+$0x69C0]  }
0x58: {  	v5 =	vld [tilespmem:s12+$0x69D0]  }
0x59: {  	v2 =	vld [tilespmem:s12+$0x6900]  }
0x5a: {  	v14 =	vld [tilespmem:s12+$0x6910]  }
0x5b: {  	v15 =	vld [tilespmem:s12+$0x6920]  }
0x5c: {  	v25 =	vld [tilespmem:s12+$0x6930]  }
0x5d: {  	v26 =	vld [tilespmem:s12+$0x6880]  }
0x5e: {  	v27 =	vld [tilespmem:s12+$0x6890]  }
0x5f: {  	v24 =	vld [tilespmem:s12+$0x6800]  }
0x60: {  	v28 =	vld [tilespmem:s12+$0x6810]  }
0x61: {  	v29 =	vld [tilespmem:s12+$0x6820]  }
0x62: {  	v30 =	vld [tilespmem:s12+$0x6830]  }
0x63: {  	v32 =	vld [tilespmem:s12+$0x68A0]  }
0x64: {  	v33 =	vld [tilespmem:s12+$0x68B0]  }
0x65: {  	v19 =	vld [tilespmem:s12+$0x6940]  }
0x66: {  	v3 =	vadd.f32 v24, v3;
	v6 =	vadd.f32 v28, v6;
	v24 =	vld [tilespmem:s12+$0x6950]  }
.Ltmp0:
0x67: {  	v12 =	vadd.f32 v29, v12;
	v13 =	vadd.f32 v30, v13;
	v29 =	vld [tilespmem:s12+$0x68C0];
	(pc) =	sbr.rel @p0 .LBB2_3-.Ltmp0, $4  }
0x68: {  	v3 =	vadd.f32 v26, v3;
	v6 =	vadd.f32 v27, v6;
	v30 =	vld [tilespmem:s12+$0x68D0]  }
0x69: {  	v12 =	vadd.f32 v32, v12;
	v31 =	vld [tilespmem:s12+$0x6840];
	v13 =	vadd.f32 v33, v13  }
0x6a: {  	v34 =	vadd.f32 v2, v3;
	v35 =	vadd.f32 v14, v6;
	v32 =	vld [tilespmem:s12+$0x6850]  }
0x6b: {  	s11 =	sadd.s32 $0xA00, s11;
	v36 =	vadd.f32 v15, v12;
	v33 =	vld [tilespmem:s12+$0x6860];
	v37 =	vadd.f32 v25, v13  }
0x6c: {  	v38 =	vld [tilespmem:s12+$0x6870]  }
0x6d: {  	v39 =	vld [tilespmem:s12+$0x68E0]  }
0x6e: {  	v40 =	vld [tilespmem:s12+$0x68F0]  }
0x6f: {  	v41 =	vld [tilespmem:s12+$0x6960]  }
0x70: {  	v42 =	vld [tilespmem:s12+$0x6970];
	p0 =	seq.s32 s10, $0x1F  }
0x71: {  	v43 =	vld [tilespmem:s12+$0x69E0];
	s11 =	smul.u32 @!p0 $0xD00, s10  }
0x72: {  	v44 =	vld [tilespmem:s12+$0x69F0]  }
0x73: {  	v45 =	vld [tilespmem:s12+$0x6A60];
	s11 =	sshra.s32 @!p0 s11, $0x2  }
0x74: {  	v46 =	vld [tilespmem:s12+$0x6A70];
	s13 =	simm.s32 @!p0 $0x64;
	s14 =	simm.s32 @!p0 $0x6800;
	s12 =	sadd.s32 @!p0 $0x340, s11  }
0x75: {  	[tilespmem:s14], [sflag:$0x1] =	stream.indirect.gather @!p0 [hbm4b:s3+s13], $0x40, s12, s13, $0xb8;
	[tilespmem:$0x15000] =	vst v63  }
0x76: {  	_ =	swait.ge [sflag:s25], $0x1900  }
0x77: {  	[sflag:s25] =	ssyncset.done $0x0  }
0x78: {  	s12 =	simm.s32 $0x0;
	[sflag:s25] =	ssyncadd.s32 $0xFFFFE700  }
0x79: {  	v12 =	vld [tilespmem:s12+$0x8300]  }
0x7a: {  	v13 =	vld [tilespmem:s12+$0x8310]  }
0x7b: {  	v14 =	vld [tilespmem:s12+$0x8320]  }
0x7c: {  	v15 =	vld [tilespmem:s12+$0x8330]  }
0x7d: {  	v2 =	vld [tilespmem:s12+$0x8340]  }
0x7e: {  	v3 =	vld [tilespmem:s12+$0x8350]  }
0x7f: {  	v26 =	vld [tilespmem:s12+$0x8280]  }
0x80: {  	v28 =	vld [tilespmem:s12+$0x8290]  }
0x81: {  	v25 =	vld [tilespmem:s12+$0x82A0]  }
0x82: {  	v27 =	vld [tilespmem:s12+$0x82B0]  }
0x83: {  	v6 =	vld [tilespmem:s12+$0x82C0]  }
0x84: {  	v34 =	vadd.f32 v7, v34;
	v20 =	vadd.f32 v20, v35;
	v7 =	vld [tilespmem:s12+$0x82D0]  }
0x85: {  	v17 =	vadd.f32 v17, v36;
	v18 =	vadd.f32 v18, v37;
	v62 =	vld [tilespmem:s12+$0x8200]  }
0x86: {  	v34 =	vadd.f32 v8, v34;
	v9 =	vadd.f32 v9, v20;
	v20 =	vld [tilespmem:s12+$0x8210]  }
0x87: {  	v8 =	vadd.f32 v31, v16;
	v10 =	vadd.f32 v10, v17;
	v63 =	vld [tilespmem:s12+$0x8220]  }
0x88: {  	v11 =	vadd.f32 v11, v18;
	v16 =	vadd.f32 v32, v23;
	v23 =	vld [tilespmem:s12+$0x8230]  }
0x89: {  	v17 =	vadd.f32 v33, v21;
	v18 =	vadd.f32 v38, v22;
	v21 =	vld [tilespmem:s12+$0x8180]  }
0x8a: {  	v8 =	vadd.f32 v29, v8;
	v16 =	vadd.f32 v30, v16;
	v22 =	vld [tilespmem:s12+$0x8190]  }
0x8b: {  	v17 =	vadd.f32 v39, v17;
	v18 =	vadd.f32 v40, v18;
	v29 =	vld [tilespmem:s12+$0x8100]  }
0x8c: {  	v8 =	vadd.f32 v19, v8;
	v16 =	vadd.f32 v24, v16;
	v19 =	vld [tilespmem:s12+$0x8110]  }
0x8d: {  	v17 =	vadd.f32 v41, v17;
	v18 =	vadd.f32 v42, v18;
	v24 =	vld [tilespmem:s12+$0x8120]  }
0x8e: {  	v4 =	vadd.f32 v4, v8;
	v8 =	vadd.f32 v5, v16;
	v16 =	vld [tilespmem:s12+$0x8130]  }
0x8f: {  	v30 =	vld [tilespmem:s12+$0x81A0];
	v17 =	vadd.f32 v43, v17;
	v18 =	vadd.f32 v44, v18  }
0x90: {  	v31 =	vld [tilespmem:s12+$0x81B0];
	v5 =	vadd.f32 v0, v4;
	v1 =	vadd.f32 v1, v8  }
0x91: {  	v8 =	vld [tilespmem:s12+$0x8240];
	v4 =	vadd.f32 v45, v17;
	v0 =	vadd.f32 v46, v18  }
0x92: {  	v17 =	vadd.f32 v29, v34;
	v18 =	vadd.f32 v19, v9;
	v9 =	vld [tilespmem:s12+$0x8250]  }
0x93: {  	v19 =	vadd.f32 v24, v10;
	v24 =	vadd.f32 v16, v11;
	v10 =	vld [tilespmem:s12+$0x81C0]  }
0x94: {  	v11 =	vld [tilespmem:s12+$0x81D0];
	v21 =	vadd.f32 v21, v17;
	v18 =	vadd.f32 v22, v18  }
0x95: {  	v16 =	vld [tilespmem:s12+$0x8140];
	v22 =	vadd.f32 v30, v19;
	v24 =	vadd.f32 v31, v24  }
0x96: {  	v17 =	vld [tilespmem:s12+$0x8150];
	v19 =	vadd.f32 v62, v21;
	v20 =	vadd.f32 v20, v18  }
0x97: {  	s13 =	simm.s32 $0xA00;
	v18 =	vld [tilespmem:s12+$0x8160];
	v21 =	vadd.f32 v63, v22;
	v22 =	vadd.f32 v23, v24  }
.LBB2_5:
0x98: {  	p1 =	sne.s32 s13, $0x5A00;
	v23 =	vld [tilespmem:s12+$0x8170];
	v19 =	vadd.f32 v26, v19;
	v20 =	vadd.f32 v28, v20  }
0x99: {  	v24 =	vld [tilespmem:s12+$0x81E0];
	v21 =	vadd.f32 v25, v21;
	v22 =	vadd.f32 v27, v22  }
0x9a: {  	v25 =	vld [tilespmem:s12+$0x81F0];
	v19 =	vadd.f32 v12, v19;
	v20 =	vadd.f32 v13, v20  }
0x9b: {  	v13 =	vld [tilespmem:s12+$0x8260];
	v21 =	vadd.f32 v14, v21;
	v22 =	vadd.f32 v15, v22  }
0x9c: {  	v5 =	vadd.f32 v16, v5;
	v1 =	vadd.f32 v17, v1;
	v14 =	vld [tilespmem:s12+$0x8270]  }
0x9d: {  	v4 =	vadd.f32 v18, v4;
	v0 =	vadd.f32 v23, v0;
	v15 =	vld [tilespmem:s12+$0x82E0]  }
0x9e: {  	v5 =	vadd.f32 v10, v5;
	v1 =	vadd.f32 v11, v1;
	v10 =	vld [tilespmem:s12+$0x82F0]  }
0x9f: {  	v4 =	vadd.f32 v24, v4;
	v0 =	vadd.f32 v25, v0;
	v11 =	vld [tilespmem:s12+$0x8360]  }
0xa0: {  	v5 =	vadd.f32 v8, v5;
	v1 =	vadd.f32 v9, v1;
	v8 =	vld [tilespmem:s12+$0x8370];
	s12 =	sshra.s32 s13, $0x2  }
0xa1: {  	v4 =	vadd.f32 v13, v4;
	v12 =	vld [tilespmem:s12+$0x8300];
	v0 =	vadd.f32 v14, v0  }
0xa2: {  	v5 =	vadd.f32 v6, v5;
	v1 =	vadd.f32 v7, v1;
	v13 =	vld [tilespmem:s12+$0x8310]  }
0xa3: {  	v4 =	vadd.f32 v15, v4;
	v14 =	vld [tilespmem:s12+$0x8320];
	v0 =	vadd.f32 v10, v0  }
0xa4: {  	v5 =	vadd.f32 v2, v5;
	v1 =	vadd.f32 v3, v1;
	v15 =	vld [tilespmem:s12+$0x8330]  }
0xa5: {  	v4 =	vadd.f32 v11, v4;
	v2 =	vld [tilespmem:s12+$0x8340];
	v0 =	vadd.f32 v8, v0  }
0xa6: {  	v3 =	vld [tilespmem:s12+$0x8350]  }
0xa7: {  	v26 =	vld [tilespmem:s12+$0x8280]  }
0xa8: {  	v28 =	vld [tilespmem:s12+$0x8290]  }
0xa9: {  	v25 =	vld [tilespmem:s12+$0x82A0]  }
0xaa: {  	v27 =	vld [tilespmem:s12+$0x82B0]  }
0xab: {  	v6 =	vld [tilespmem:s12+$0x82C0]  }
0xac: {  	v7 =	vld [tilespmem:s12+$0x82D0]  }
0xad: {  	v18 =	vld [tilespmem:s12+$0x8200]  }
0xae: {  	v23 =	vld [tilespmem:s12+$0x8210]  }
0xaf: {  	v24 =	vld [tilespmem:s12+$0x8220]  }
0xb0: {  	v29 =	vld [tilespmem:s12+$0x8230]  }
0xb1: {  	v11 =	vld [tilespmem:s12+$0x8180]  }
0xb2: {  	v16 =	vld [tilespmem:s12+$0x8190]  }
0xb3: {  	v9 =	vld [tilespmem:s12+$0x8100]  }
0xb4: {  	v10 =	vld [tilespmem:s12+$0x8110]  }
0xb5: {  	v17 =	vld [tilespmem:s12+$0x8120]  }
0xb6: {  	v30 =	vld [tilespmem:s12+$0x8130]  }
0xb7: {  	v31 =	vld [tilespmem:s12+$0x81A0]  }
0xb8: {  	v32 =	vld [tilespmem:s12+$0x81B0]  }
0xb9: {  	v8 =	vld [tilespmem:s12+$0x8240]  }
0xba: {  	v19 =	vadd.f32 v9, v19;
	v20 =	vadd.f32 v10, v20;
	v9 =	vld [tilespmem:s12+$0x8250]  }
.Ltmp1:
0xbb: {  	v17 =	vadd.f32 v17, v21;
	v21 =	vadd.f32 v30, v22;
	v10 =	vld [tilespmem:s12+$0x81C0];
	(pc) =	sbr.rel @p1 .LBB2_5-.Ltmp1, $4  }
0xbc: {  	v19 =	vadd.f32 v11, v19;
	v20 =	vadd.f32 v16, v20;
	v11 =	vld [tilespmem:s12+$0x81D0]  }
0xbd: {  	v22 =	vadd.f32 v31, v17;
	v16 =	vld [tilespmem:s12+$0x8140];
	v30 =	vadd.f32 v32, v21  }
0xbe: {  	v19 =	vadd.f32 v18, v19;
	v20 =	vadd.f32 v23, v20;
	v17 =	vld [tilespmem:s12+$0x8150]  }
0xbf: {  	s13 =	sadd.s32 $0xA00, s13;
	v21 =	vadd.f32 v24, v22;
	v18 =	vld [tilespmem:s12+$0x8160];
	v22 =	vadd.f32 v29, v30  }
0xc0: {  	v19 =	vadd.f32 v26, v19;
	v20 =	vadd.f32 v28, v20  }
0xc1: {  	v23 =	vld [tilespmem:s12+$0x8170];
	v21 =	vadd.f32 v25, v21;
	v22 =	vadd.f32 v27, v22  }
0xc2: {  	v24 =	vld [tilespmem:s12+$0x81E0];
	v12 =	vadd.f32 v12, v19;
	v13 =	vadd.f32 v13, v20  }
0xc3: {  	v19 =	vld [tilespmem:s12+$0x81F0];
	v5 =	vadd.f32 v16, v5;
	v14 =	vadd.f32 v14, v21  }
0xc4: {  	v16 =	vld [tilespmem:s12+$0x8260];
	v15 =	vadd.f32 v15, v22;
	v1 =	vadd.f32 v17, v1  }
0xc5: {  	v17 =	vld [tilespmem:s12+$0x8270];
	v4 =	vadd.f32 v18, v4;
	v5 =	vadd.f32 v10, v5  }
0xc6: {  	v10 =	vld [tilespmem:s12+$0x82E0];
	v0 =	vadd.f32 v23, v0;
	v1 =	vadd.f32 v11, v1  }
0xc7: {  	v11 =	vld [tilespmem:s12+$0x82F0];
	v4 =	vadd.f32 v24, v4;
	v5 =	vadd.f32 v8, v5  }
0xc8: {  	v8 =	vld [tilespmem:s12+$0x8360];
	v0 =	vadd.f32 v19, v0;
	v1 =	vadd.f32 v9, v1  }
0xc9: {  	v9 =	vld [tilespmem:s12+$0x8370];
	v4 =	vadd.f32 v16, v4;
	v5 =	vadd.f32 v6, v5  }
0xca: {  	v0 =	vadd.f32 v17, v0;
	v1 =	vadd.f32 v7, v1  }
0xcb: {  	v4 =	vadd.f32 v10, v4;
	v2 =	vadd.f32 v2, v5  }
0xcc: {  	v0 =	vadd.f32 v11, v0;
	v1 =	vadd.f32 v3, v1  }
0xcd: {  	s13 =	simm.s32 @!p0 $0x64;
	v3 =	vadd.f32 v8, v4;
	v2 =	vadd.f32 v2, v12  }
0xce: {  	s14 =	simm.s32 @!p0 $0x8100;
	s15 =	sshll.u32 s10, $0x8;
	s12 =	sadd.s32 @!p0 $0x3A8, s11;
	v0 =	vadd.f32 v9, v0;
	v1 =	vadd.f32 v1, v13  }
0xcf: {  	[tilespmem:s14], [sflag:$0x2] =	stream.indirect.gather @!p0 [hbm4b:s3+s13], $0x40, s12, s13, $0xb8;
	v2 =	vmul.f32 $4.999999890e-03, v2;
	v3 =	vadd.f32 v3, v14;
	[tilespmem:$0x15000] =	vst v63  }
0xd0: {  	s12 =	sand.u32 $0x3FFFFF00, s15;
	v1 =	vmul.f32 $4.999999890e-03, v1;
	v0 =	vadd.f32 v0, v15  }
0xd1: {  	[tilespmem:s12+$0x13000] =	vst v2;
	v2 =	vmul.f32 $4.999999890e-03, v3  }
0xd2: {  	[tilespmem:s12+$0x13010] =	vst v1;
	v0 =	vmul.f32 $4.999999890e-03, v0  }
0xd3: {  	[tilespmem:s12+$0x13020] =	vst v2  }
0xd4: {  	[tilespmem:s12+$0x13030] =	vst v0  }
0xd5: {  	_ =	swait.ge [sflag:s26], $0x1900  }
0xd6: {  	[sflag:s26] =	ssyncset.done $0x0  }
0xd7: {  	s13 =	simm.s32 $0x0;
	[sflag:s26] =	ssyncadd.s32 $0xFFFFE700  }
0xd8: {  	v8 =	vld [tilespmem:s13+$0x9C00]  }
0xd9: {  	v9 =	vld [tilespmem:s13+$0x9C10]  }
0xda: {  	v10 =	vld [tilespmem:s13+$0x9C20]  }
0xdb: {  	v12 =	vld [tilespmem:s13+$0x9C30]  }
0xdc: {  	v0 =	vld [tilespmem:s13+$0x9C40]  }
0xdd: {  	v1 =	vld [tilespmem:s13+$0x9C50]  }
0xde: {  	v7 =	vld [tilespmem:s13+$0x9B80]  }
0xdf: {  	v20 =	vld [tilespmem:s13+$0x9B90]  }
0xe0: {  	v17 =	vld [tilespmem:s13+$0x9BA0]  }
0xe1: {  	v18 =	vld [tilespmem:s13+$0x9BB0]  }
0xe2: {  	v4 =	vld [tilespmem:s13+$0x9BC0]  }
0xe3: {  	v5 =	vld [tilespmem:s13+$0x9BD0]  }
0xe4: {  	v2 =	vld [tilespmem:s13+$0x9B00]  }
0xe5: {  	v3 =	vld [tilespmem:s13+$0x9B10]  }
0xe6: {  	v6 =	vld [tilespmem:s13+$0x9B20]  }
0xe7: {  	v11 =	vld [tilespmem:s13+$0x9A80]  }
0xe8: {  	v13 =	vld [tilespmem:s13+$0x9A90]  }
0xe9: {  	v14 =	vld [tilespmem:s13+$0x9A00]  }
0xea: {  	v15 =	vld [tilespmem:s13+$0x9A10]  }
0xeb: {  	v21 =	vld [tilespmem:s13+$0x9A20]  }
0xec: {  	v22 =	vld [tilespmem:s13+$0x9A30]  }
0xed: {  	v23 =	vld [tilespmem:s13+$0x9AA0]  }
0xee: {  	v24 =	vld [tilespmem:s13+$0x9AB0]  }
0xef: {  	v25 =	vld [tilespmem:s13+$0x9B30]  }
0xf0: {  	v16 =	vimm.f32 $0.0e+00;
	v19 =	vld [tilespmem:s13+$0x9B40]  }
0xf1: {  	v27 =	vld [tilespmem:s13+$0x9B50];
	v14 =	vadd.f32 v14, v16;
	v15 =	vadd.f32 v15, v16  }
0xf2: {  	v29 =	vld [tilespmem:s13+$0x9AC0];
	v21 =	vadd.f32 v21, v16;
	v22 =	vadd.f32 v22, v16  }
0xf3: {  	v30 =	vld [tilespmem:s13+$0x9AD0];
	v11 =	vadd.f32 v11, v14;
	v13 =	vadd.f32 v13, v15  }
0xf4: {  	v31 =	vld [tilespmem:s13+$0x9A40];
	v14 =	vadd.f32 v23, v21;
	v15 =	vadd.f32 v24, v22;
	v23 =	vimm.f32 $0.0e+00  }
0xf5: {  	v32 =	vld [tilespmem:s13+$0x9A50];
	v21 =	vimm.f32 $0.0e+00;
	v34 =	vadd.f32 v2, v11;
	v35 =	vadd.f32 v3, v13  }
0xf6: {  	s14 =	simm.s32 $0xA00;
	v33 =	vld [tilespmem:s13+$0x9A60];
	v22 =	vimm.f32 $0.0e+00;
	v36 =	vadd.f32 v6, v14;
	v37 =	vadd.f32 v25, v15  }
.LBB2_7:
0xf7: {  	p1 =	sne.s32 s14, $0x5A00;
	v2 =	vld [tilespmem:s13+$0x9A70];
	v3 =	vadd.f32 v7, v34;
	v6 =	vadd.f32 v20, v35  }
0xf8: {  	v7 =	vld [tilespmem:s13+$0x9AE0];
	v11 =	vadd.f32 v17, v36;
	v13 =	vadd.f32 v18, v37  }
0xf9: {  	v14 =	vld [tilespmem:s13+$0x9AF0];
	v3 =	vadd.f32 v8, v3;
	v6 =	vadd.f32 v9, v6  }
0xfa: {  	v9 =	vld [tilespmem:s13+$0x9B60];
	v11 =	vadd.f32 v10, v11;
	v13 =	vadd.f32 v12, v13  }
0xfb: {  	v8 =	vadd.f32 v31, v16;
	v10 =	vadd.f32 v32, v23;
	v12 =	vld [tilespmem:s13+$0x9B70]  }
0xfc: {  	v15 =	vadd.f32 v33, v21;
	v2 =	vadd.f32 v2, v22;
	v16 =	vld [tilespmem:s13+$0x9BE0]  }
0xfd: {  	v8 =	vadd.f32 v29, v8;
	v10 =	vadd.f32 v30, v10;
	v17 =	vld [tilespmem:s13+$0x9BF0]  }
0xfe: {  	v7 =	vadd.f32 v7, v15;
	v2 =	vadd.f32 v14, v2;
	v14 =	vld [tilespmem:s13+$0x9C60]  }
0xff: {  	v15 =	vadd.f32 v19, v8;
	v10 =	vadd.f32 v27, v10;
	v18 =	vld [tilespmem:s13+$0x9C70];
	s13 =	sshra.s32 s14, $0x2  }
0x100: {  	v7 =	vadd.f32 v9, v7;
	v8 =	vld [tilespmem:s13+$0x9C00];
	v2 =	vadd.f32 v12, v2  }
0x101: {  	v4 =	vadd.f32 v4, v15;
	v5 =	vadd.f32 v5, v10;
	v9 =	vld [tilespmem:s13+$0x9C10]  }
0x102: {  	v7 =	vadd.f32 v16, v7;
	v10 =	vld [tilespmem:s13+$0x9C20];
	v2 =	vadd.f32 v17, v2  }
0x103: {  	v16 =	vadd.f32 v0, v4;
	v23 =	vadd.f32 v1, v5;
	v12 =	vld [tilespmem:s13+$0x9C30]  }
0x104: {  	v21 =	vadd.f32 v14, v7;
	v0 =	vld [tilespmem:s13+$0x9C40];
	v22 =	vadd.f32 v18, v2  }
0x105: {  	v1 =	vld [tilespmem:s13+$0x9C50]  }
0x106: {  	v7 =	vld [tilespmem:s13+$0x9B80]  }
0x107: {  	v20 =	vld [tilespmem:s13+$0x9B90]  }
0x108: {  	v17 =	vld [tilespmem:s13+$0x9BA0]  }
0x109: {  	v18 =	vld [tilespmem:s13+$0x9BB0]  }
0x10a: {  	v4 =	vld [tilespmem:s13+$0x9BC0]  }
0x10b: {  	v5 =	vld [tilespmem:s13+$0x9BD0]  }
0x10c: {  	v2 =	vld [tilespmem:s13+$0x9B00]  }
0x10d: {  	v14 =	vld [tilespmem:s13+$0x9B10]  }
0x10e: {  	v15 =	vld [tilespmem:s13+$0x9B20]  }
0x10f: {  	v24 =	vld [tilespmem:s13+$0x9B30]  }
0x110: {  	v25 =	vld [tilespmem:s13+$0x9A80]  }
0x111: {  	v26 =	vld [tilespmem:s13+$0x9A90]  }
0x112: {  	v27 =	vld [tilespmem:s13+$0x9A00]  }
0x113: {  	v28 =	vld [tilespmem:s13+$0x9A10]  }
0x114: {  	v29 =	vld [tilespmem:s13+$0x9A20]  }
0x115: {  	v30 =	vld [tilespmem:s13+$0x9A30]  }
0x116: {  	v32 =	vld [tilespmem:s13+$0x9AA0]  }
0x117: {  	v33 =	vld [tilespmem:s13+$0x9AB0]  }
0x118: {  	v19 =	vld [tilespmem:s13+$0x9B40]  }
0x119: {  	v3 =	vadd.f32 v27, v3;
	v6 =	vadd.f32 v28, v6;
	v27 =	vld [tilespmem:s13+$0x9B50]  }
.Ltmp2:
0x11a: {  	v11 =	vadd.f32 v29, v11;
	v13 =	vadd.f32 v30, v13;
	v29 =	vld [tilespmem:s13+$0x9AC0];
	(pc) =	sbr.rel @p1 .LBB2_7-.Ltmp2, $4  }
0x11b: {  	v3 =	vadd.f32 v25, v3;
	v6 =	vadd.f32 v26, v6;
	v30 =	vld [tilespmem:s13+$0x9AD0]  }
0x11c: {  	v11 =	vadd.f32 v32, v11;
	v31 =	vld [tilespmem:s13+$0x9A40];
	v13 =	vadd.f32 v33, v13  }
0x11d: {  	v34 =	vadd.f32 v2, v3;
	v35 =	vadd.f32 v14, v6;
	v32 =	vld [tilespmem:s13+$0x9A50]  }
0x11e: {  	s14 =	sadd.s32 $0xA00, s14;
	v36 =	vadd.f32 v15, v11;
	v33 =	vld [tilespmem:s13+$0x9A60];
	v37 =	vadd.f32 v24, v13  }
0x11f: {  	v38 =	vld [tilespmem:s13+$0x9A70]  }
0x120: {  	v39 =	vld [tilespmem:s13+$0x9AE0]  }
0x121: {  	v40 =	vld [tilespmem:s13+$0x9AF0]  }
0x122: {  	v41 =	vld [tilespmem:s13+$0x9B60]  }
0x123: {  	v42 =	vld [tilespmem:s13+$0x9B70]  }
0x124: {  	v43 =	vld [tilespmem:s13+$0x9BE0]  }
0x125: {  	v44 =	vld [tilespmem:s13+$0x9BF0]  }
0x126: {  	v45 =	vld [tilespmem:s13+$0x9C60]  }
0x127: {  	v46 =	vld [tilespmem:s13+$0x9C70];
	s13 =	sadd.s32 @!p0 $0x410, s11;
	s14 =	simm.s32 @!p0 $0x64;
	s15 =	simm.s32 @!p0 $0x9A00  }
0x128: {  	[tilespmem:s15], [sflag:$0x3] =	stream.indirect.gather @!p0 [hbm4b:s3+s14], $0x40, s13, s14, $0xb8;
	[tilespmem:$0x15000] =	vst v63  }
0x129: {  	_ =	swait.ge [sflag:s28], $0x1900  }
0x12a: {  	[sflag:s28] =	ssyncset.done $0x0  }
0x12b: {  	s13 =	simm.s32 $0x0;
	[sflag:s28] =	ssyncadd.s32 $0xFFFFE700  }
0x12c: {  	v11 =	vld [tilespmem:s13+$0xB500]  }
0x12d: {  	v13 =	vld [tilespmem:s13+$0xB510]  }
0x12e: {  	v14 =	vld [tilespmem:s13+$0xB520]  }
0x12f: {  	v15 =	vld [tilespmem:s13+$0xB530]  }
0x130: {  	v2 =	vld [tilespmem:s13+$0xB540]  }
0x131: {  	v3 =	vld [tilespmem:s13+$0xB550]  }
0x132: {  	v25 =	vld [tilespmem:s13+$0xB480]  }
0x133: {  	v28 =	vld [tilespmem:s13+$0xB490]  }
0x134: {  	v24 =	vld [tilespmem:s13+$0xB4A0]  }
0x135: {  	v26 =	vld [tilespmem:s13+$0xB4B0]  }
0x136: {  	v6 =	vld [tilespmem:s13+$0xB4C0]  }
0x137: {  	v34 =	vadd.f32 v7, v34;
	v20 =	vadd.f32 v20, v35;
	v7 =	vld [tilespmem:s13+$0xB4D0]  }
0x138: {  	v17 =	vadd.f32 v17, v36;
	v18 =	vadd.f32 v18, v37;
	v62 =	vld [tilespmem:s13+$0xB400]  }
0x139: {  	v34 =	vadd.f32 v8, v34;
	v9 =	vadd.f32 v9, v20;
	v20 =	vld [tilespmem:s13+$0xB410]  }
0x13a: {  	v8 =	vadd.f32 v31, v16;
	v10 =	vadd.f32 v10, v17;
	v63 =	vld [tilespmem:s13+$0xB420]  }
0x13b: {  	v12 =	vadd.f32 v12, v18;
	v16 =	vadd.f32 v32, v23;
	v23 =	vld [tilespmem:s13+$0xB430]  }
0x13c: {  	v17 =	vadd.f32 v33, v21;
	v8 =	vadd.f32 v29, v8;
	v21 =	vld [tilespmem:s13+$0xB380]  }
0x13d: {  	v18 =	vadd.f32 v38, v22;
	v16 =	vadd.f32 v30, v16;
	v22 =	vld [tilespmem:s13+$0xB390]  }
0x13e: {  	v29 =	vld [tilespmem:s13+$0xB300];
	v17 =	vadd.f32 v39, v17;
	v8 =	vadd.f32 v19, v8  }
0x13f: {  	v19 =	vld [tilespmem:s13+$0xB310];
	v18 =	vadd.f32 v40, v18;
	v16 =	vadd.f32 v27, v16  }
0x140: {  	v27 =	vld [tilespmem:s13+$0xB320];
	v17 =	vadd.f32 v41, v17;
	v4 =	vadd.f32 v4, v8  }
0x141: {  	v18 =	vadd.f32 v42, v18;
	v8 =	vadd.f32 v5, v16;
	v16 =	vld [tilespmem:s13+$0xB330]  }
0x142: {  	v30 =	vld [tilespmem:s13+$0xB3A0];
	v17 =	vadd.f32 v43, v17;
	v5 =	vadd.f32 v0, v4  }
0x143: {  	v31 =	vld [tilespmem:s13+$0xB3B0];
	v18 =	vadd.f32 v44, v18;
	v1 =	vadd.f32 v1, v8  }
0x144: {  	v8 =	vld [tilespmem:s13+$0xB440];
	v4 =	vadd.f32 v45, v17;
	v17 =	vadd.f32 v29, v34  }
0x145: {  	v0 =	vadd.f32 v46, v18;
	v18 =	vadd.f32 v19, v9;
	v9 =	vld [tilespmem:s13+$0xB450]  }
0x146: {  	v19 =	vadd.f32 v27, v10;
	v10 =	vld [tilespmem:s13+$0xB3C0];
	v27 =	vadd.f32 v16, v12  }
0x147: {  	v21 =	vadd.f32 v21, v17;
	v12 =	vld [tilespmem:s13+$0xB3D0];
	v18 =	vadd.f32 v22, v18  }
0x148: {  	v16 =	vld [tilespmem:s13+$0xB340];
	v22 =	vadd.f32 v30, v19;
	v27 =	vadd.f32 v31, v27  }
0x149: {  	v17 =	vld [tilespmem:s13+$0xB350];
	v19 =	vadd.f32 v62, v21;
	v20 =	vadd.f32 v20, v18  }
0x14a: {  	s14 =	simm.s32 $0xA00;
	v18 =	vld [tilespmem:s13+$0xB360];
	v21 =	vadd.f32 v63, v22;
	v22 =	vadd.f32 v23, v27  }
.LBB2_9:
0x14b: {  	p1 =	sne.s32 s14, $0x5A00;
	v23 =	vld [tilespmem:s13+$0xB370];
	v19 =	vadd.f32 v25, v19;
	v20 =	vadd.f32 v28, v20  }
0x14c: {  	v25 =	vld [tilespmem:s13+$0xB3E0];
	v21 =	vadd.f32 v24, v21;
	v22 =	vadd.f32 v26, v22  }
0x14d: {  	v24 =	vld [tilespmem:s13+$0xB3F0];
	v19 =	vadd.f32 v11, v19;
	v20 =	vadd.f32 v13, v20  }
0x14e: {  	v13 =	vld [tilespmem:s13+$0xB460];
	v21 =	vadd.f32 v14, v21;
	v22 =	vadd.f32 v15, v22  }
0x14f: {  	v5 =	vadd.f32 v16, v5;
	v1 =	vadd.f32 v17, v1;
	v14 =	vld [tilespmem:s13+$0xB470]  }
0x150: {  	v4 =	vadd.f32 v18, v4;
	v0 =	vadd.f32 v23, v0;
	v15 =	vld [tilespmem:s13+$0xB4E0]  }
0x151: {  	v5 =	vadd.f32 v10, v5;
	v1 =	vadd.f32 v12, v1;
	v10 =	vld [tilespmem:s13+$0xB4F0]  }
0x152: {  	v4 =	vadd.f32 v25, v4;
	v0 =	vadd.f32 v24, v0;
	v12 =	vld [tilespmem:s13+$0xB560]  }
0x153: {  	v5 =	vadd.f32 v8, v5;
	v1 =	vadd.f32 v9, v1;
	v8 =	vld [tilespmem:s13+$0xB570];
	s13 =	sshra.s32 s14, $0x2  }
0x154: {  	v4 =	vadd.f32 v13, v4;
	v11 =	vld [tilespmem:s13+$0xB500];
	v0 =	vadd.f32 v14, v0  }
0x155: {  	v5 =	vadd.f32 v6, v5;
	v1 =	vadd.f32 v7, v1;
	v13 =	vld [tilespmem:s13+$0xB510]  }
0x156: {  	v4 =	vadd.f32 v15, v4;
	v14 =	vld [tilespmem:s13+$0xB520];
	v0 =	vadd.f32 v10, v0  }
0x157: {  	v5 =	vadd.f32 v2, v5;
	v1 =	vadd.f32 v3, v1;
	v15 =	vld [tilespmem:s13+$0xB530]  }
0x158: {  	v4 =	vadd.f32 v12, v4;
	v2 =	vld [tilespmem:s13+$0xB540];
	v0 =	vadd.f32 v8, v0  }
0x159: {  	v3 =	vld [tilespmem:s13+$0xB550]  }
0x15a: {  	v25 =	vld [tilespmem:s13+$0xB480]  }
0x15b: {  	v28 =	vld [tilespmem:s13+$0xB490]  }
0x15c: {  	v24 =	vld [tilespmem:s13+$0xB4A0]  }
0x15d: {  	v26 =	vld [tilespmem:s13+$0xB4B0]  }
0x15e: {  	v6 =	vld [tilespmem:s13+$0xB4C0]  }
0x15f: {  	v7 =	vld [tilespmem:s13+$0xB4D0]  }
0x160: {  	v18 =	vld [tilespmem:s13+$0xB400]  }
0x161: {  	v23 =	vld [tilespmem:s13+$0xB410]  }
0x162: {  	v27 =	vld [tilespmem:s13+$0xB420]  }
0x163: {  	v29 =	vld [tilespmem:s13+$0xB430]  }
0x164: {  	v12 =	vld [tilespmem:s13+$0xB380]  }
0x165: {  	v16 =	vld [tilespmem:s13+$0xB390]  }
0x166: {  	v9 =	vld [tilespmem:s13+$0xB300]  }
0x167: {  	v10 =	vld [tilespmem:s13+$0xB310]  }
0x168: {  	v17 =	vld [tilespmem:s13+$0xB320]  }
0x169: {  	v30 =	vld [tilespmem:s13+$0xB330]  }
0x16a: {  	v31 =	vld [tilespmem:s13+$0xB3A0]  }
0x16b: {  	v32 =	vld [tilespmem:s13+$0xB3B0]  }
0x16c: {  	v8 =	vld [tilespmem:s13+$0xB440]  }
0x16d: {  	v19 =	vadd.f32 v9, v19;
	v20 =	vadd.f32 v10, v20;
	v9 =	vld [tilespmem:s13+$0xB450]  }
.Ltmp3:
0x16e: {  	v17 =	vadd.f32 v17, v21;
	v21 =	vadd.f32 v30, v22;
	v10 =	vld [tilespmem:s13+$0xB3C0];
	(pc) =	sbr.rel @p1 .LBB2_9-.Ltmp3, $4  }
0x16f: {  	v19 =	vadd.f32 v12, v19;
	v20 =	vadd.f32 v16, v20;
	v12 =	vld [tilespmem:s13+$0xB3D0]  }
0x170: {  	v22 =	vadd.f32 v31, v17;
	v16 =	vld [tilespmem:s13+$0xB340];
	v30 =	vadd.f32 v32, v21  }
0x171: {  	v19 =	vadd.f32 v18, v19;
	v20 =	vadd.f32 v23, v20;
	v17 =	vld [tilespmem:s13+$0xB350]  }
0x172: {  	s14 =	sadd.s32 $0xA00, s14;
	v21 =	vadd.f32 v27, v22;
	v18 =	vld [tilespmem:s13+$0xB360];
	v22 =	vadd.f32 v29, v30  }
0x173: {  	v19 =	vadd.f32 v25, v19;
	v20 =	vadd.f32 v28, v20  }
0x174: {  	v23 =	vld [tilespmem:s13+$0xB370];
	v21 =	vadd.f32 v24, v21;
	v22 =	vadd.f32 v26, v22  }
0x175: {  	v24 =	vld [tilespmem:s13+$0xB3E0];
	v11 =	vadd.f32 v11, v19;
	v13 =	vadd.f32 v13, v20  }
0x176: {  	v19 =	vld [tilespmem:s13+$0xB3F0];
	v5 =	vadd.f32 v16, v5;
	v14 =	vadd.f32 v14, v21  }
0x177: {  	v16 =	vld [tilespmem:s13+$0xB460];
	v15 =	vadd.f32 v15, v22;
	v1 =	vadd.f32 v17, v1  }
0x178: {  	v17 =	vld [tilespmem:s13+$0xB470];
	v4 =	vadd.f32 v18, v4;
	v5 =	vadd.f32 v10, v5  }
0x179: {  	v10 =	vld [tilespmem:s13+$0xB4E0];
	v0 =	vadd.f32 v23, v0;
	v1 =	vadd.f32 v12, v1  }
0x17a: {  	v12 =	vld [tilespmem:s13+$0xB4F0];
	v4 =	vadd.f32 v24, v4;
	v5 =	vadd.f32 v8, v5  }
0x17b: {  	v8 =	vld [tilespmem:s13+$0xB560];
	v0 =	vadd.f32 v19, v0;
	v1 =	vadd.f32 v9, v1  }
0x17c: {  	v9 =	vld [tilespmem:s13+$0xB570];
	v4 =	vadd.f32 v16, v4;
	v5 =	vadd.f32 v6, v5  }
0x17d: {  	v0 =	vadd.f32 v17, v0;
	v1 =	vadd.f32 v7, v1  }
0x17e: {  	v4 =	vadd.f32 v10, v4;
	v2 =	vadd.f32 v2, v5  }
0x17f: {  	v0 =	vadd.f32 v12, v0;
	v1 =	vadd.f32 v3, v1  }
0x180: {  	v3 =	vadd.f32 v8, v4;
	v2 =	vadd.f32 v2, v11  }
0x181: {  	v0 =	vadd.f32 v9, v0;
	v1 =	vadd.f32 v1, v13  }
0x182: {  	s14 =	simm.s32 @!p0 $0x64;
	s15 =	simm.s32 @!p0 $0xB300;
	s13 =	sadd.s32 @!p0 $0x478, s11;
	v2 =	vmul.f32 $4.999999890e-03, v2;
	v3 =	vadd.f32 v3, v14  }
0x183: {  	[tilespmem:s15], [sflag:$0x4] =	stream.indirect.gather @!p0 [hbm4b:s3+s14], $0x40, s13, s14, $0xb8;
	v1 =	vmul.f32 $4.999999890e-03, v1;
	v0 =	vadd.f32 v0, v15;
	[tilespmem:$0x15000] =	vst v63  }
0x184: {  	[tilespmem:s12+$0x13040] =	vst v2;
	v2 =	vmul.f32 $4.999999890e-03, v3  }
0x185: {  	[tilespmem:s12+$0x13050] =	vst v1;
	v0 =	vmul.f32 $4.999999890e-03, v0  }
0x186: {  	[tilespmem:s12+$0x13060] =	vst v2  }
0x187: {  	[tilespmem:s12+$0x13070] =	vst v0  }
0x188: {  	_ =	swait.ge [sflag:s29], $0x1900  }
0x189: {  	[sflag:s29] =	ssyncset.done $0x0  }
0x18a: {  	s13 =	simm.s32 $0x0;
	[sflag:s29] =	ssyncadd.s32 $0xFFFFE700  }
0x18b: {  	v8 =	vld [tilespmem:s13+$0xCE00]  }
0x18c: {  	v9 =	vld [tilespmem:s13+$0xCE10]  }
0x18d: {  	v10 =	vld [tilespmem:s13+$0xCE20]  }
0x18e: {  	v12 =	vld [tilespmem:s13+$0xCE30]  }
0x18f: {  	v0 =	vld [tilespmem:s13+$0xCE40]  }
0x190: {  	v1 =	vld [tilespmem:s13+$0xCE50]  }
0x191: {  	v7 =	vld [tilespmem:s13+$0xCD80]  }
0x192: {  	v20 =	vld [tilespmem:s13+$0xCD90]  }
0x193: {  	v17 =	vld [tilespmem:s13+$0xCDA0]  }
0x194: {  	v18 =	vld [tilespmem:s13+$0xCDB0]  }
0x195: {  	v4 =	vld [tilespmem:s13+$0xCDC0]  }
0x196: {  	v5 =	vld [tilespmem:s13+$0xCDD0]  }
0x197: {  	v2 =	vld [tilespmem:s13+$0xCD00]  }
0x198: {  	v3 =	vld [tilespmem:s13+$0xCD10]  }
0x199: {  	v6 =	vld [tilespmem:s13+$0xCD20]  }
0x19a: {  	v11 =	vld [tilespmem:s13+$0xCC80]  }
0x19b: {  	v13 =	vld [tilespmem:s13+$0xCC90]  }
0x19c: {  	v14 =	vld [tilespmem:s13+$0xCC00]  }
0x19d: {  	v15 =	vld [tilespmem:s13+$0xCC10]  }
0x19e: {  	v21 =	vld [tilespmem:s13+$0xCC20]  }
0x19f: {  	v22 =	vld [tilespmem:s13+$0xCC30]  }
0x1a0: {  	v23 =	vld [tilespmem:s13+$0xCCA0]  }
0x1a1: {  	v24 =	vld [tilespmem:s13+$0xCCB0]  }
0x1a2: {  	v25 =	vld [tilespmem:s13+$0xCD30]  }
0x1a3: {  	v16 =	vimm.f32 $0.0e+00;
	v19 =	vld [tilespmem:s13+$0xCD40]  }
0x1a4: {  	v27 =	vld [tilespmem:s13+$0xCD50];
	v14 =	vadd.f32 v14, v16;
	v15 =	vadd.f32 v15, v16  }
0x1a5: {  	v29 =	vld [tilespmem:s13+$0xCCC0];
	v21 =	vadd.f32 v21, v16;
	v22 =	vadd.f32 v22, v16  }
0x1a6: {  	v30 =	vld [tilespmem:s13+$0xCCD0];
	v11 =	vadd.f32 v11, v14;
	v13 =	vadd.f32 v13, v15  }
0x1a7: {  	v31 =	vld [tilespmem:s13+$0xCC40];
	v14 =	vadd.f32 v23, v21;
	v15 =	vadd.f32 v24, v22;
	v23 =	vimm.f32 $0.0e+00  }
0x1a8: {  	v32 =	vld [tilespmem:s13+$0xCC50];
	v21 =	vimm.f32 $0.0e+00;
	v34 =	vadd.f32 v2, v11;
	v35 =	vadd.f32 v3, v13  }
0x1a9: {  	s14 =	simm.s32 $0xA00;
	v33 =	vld [tilespmem:s13+$0xCC60];
	v22 =	vimm.f32 $0.0e+00;
	v36 =	vadd.f32 v6, v14;
	v37 =	vadd.f32 v25, v15  }
.LBB2_11:
0x1aa: {  	p1 =	sne.s32 s14, $0x5A00;
	v2 =	vld [tilespmem:s13+$0xCC70];
	v3 =	vadd.f32 v7, v34;
	v6 =	vadd.f32 v20, v35  }
0x1ab: {  	v7 =	vld [tilespmem:s13+$0xCCE0];
	v11 =	vadd.f32 v17, v36;
	v13 =	vadd.f32 v18, v37  }
0x1ac: {  	v14 =	vld [tilespmem:s13+$0xCCF0];
	v3 =	vadd.f32 v8, v3;
	v6 =	vadd.f32 v9, v6  }
0x1ad: {  	v9 =	vld [tilespmem:s13+$0xCD60];
	v11 =	vadd.f32 v10, v11;
	v13 =	vadd.f32 v12, v13  }
0x1ae: {  	v8 =	vadd.f32 v31, v16;
	v10 =	vadd.f32 v32, v23;
	v12 =	vld [tilespmem:s13+$0xCD70]  }
0x1af: {  	v15 =	vadd.f32 v33, v21;
	v2 =	vadd.f32 v2, v22;
	v16 =	vld [tilespmem:s13+$0xCDE0]  }
0x1b0: {  	v8 =	vadd.f32 v29, v8;
	v10 =	vadd.f32 v30, v10;
	v17 =	vld [tilespmem:s13+$0xCDF0]  }
0x1b1: {  	v7 =	vadd.f32 v7, v15;
	v2 =	vadd.f32 v14, v2;
	v14 =	vld [tilespmem:s13+$0xCE60]  }
0x1b2: {  	v15 =	vadd.f32 v19, v8;
	v10 =	vadd.f32 v27, v10;
	v18 =	vld [tilespmem:s13+$0xCE70];
	s13 =	sshra.s32 s14, $0x2  }
0x1b3: {  	v7 =	vadd.f32 v9, v7;
	v8 =	vld [tilespmem:s13+$0xCE00];
	v2 =	vadd.f32 v12, v2  }
0x1b4: {  	v4 =	vadd.f32 v4, v15;
	v5 =	vadd.f32 v5, v10;
	v9 =	vld [tilespmem:s13+$0xCE10]  }
0x1b5: {  	v7 =	vadd.f32 v16, v7;
	v10 =	vld [tilespmem:s13+$0xCE20];
	v2 =	vadd.f32 v17, v2  }
0x1b6: {  	v16 =	vadd.f32 v0, v4;
	v23 =	vadd.f32 v1, v5;
	v12 =	vld [tilespmem:s13+$0xCE30]  }
0x1b7: {  	v21 =	vadd.f32 v14, v7;
	v0 =	vld [tilespmem:s13+$0xCE40];
	v22 =	vadd.f32 v18, v2  }
0x1b8: {  	v1 =	vld [tilespmem:s13+$0xCE50]  }
0x1b9: {  	v7 =	vld [tilespmem:s13+$0xCD80]  }
0x1ba: {  	v20 =	vld [tilespmem:s13+$0xCD90]  }
0x1bb: {  	v17 =	vld [tilespmem:s13+$0xCDA0]  }
0x1bc: {  	v18 =	vld [tilespmem:s13+$0xCDB0]  }
0x1bd: {  	v4 =	vld [tilespmem:s13+$0xCDC0]  }
0x1be: {  	v5 =	vld [tilespmem:s13+$0xCDD0]  }
0x1bf: {  	v2 =	vld [tilespmem:s13+$0xCD00]  }
0x1c0: {  	v14 =	vld [tilespmem:s13+$0xCD10]  }
0x1c1: {  	v15 =	vld [tilespmem:s13+$0xCD20]  }
0x1c2: {  	v24 =	vld [tilespmem:s13+$0xCD30]  }
0x1c3: {  	v25 =	vld [tilespmem:s13+$0xCC80]  }
0x1c4: {  	v26 =	vld [tilespmem:s13+$0xCC90]  }
0x1c5: {  	v27 =	vld [tilespmem:s13+$0xCC00]  }
0x1c6: {  	v28 =	vld [tilespmem:s13+$0xCC10]  }
0x1c7: {  	v29 =	vld [tilespmem:s13+$0xCC20]  }
0x1c8: {  	v30 =	vld [tilespmem:s13+$0xCC30]  }
0x1c9: {  	v32 =	vld [tilespmem:s13+$0xCCA0]  }
0x1ca: {  	v33 =	vld [tilespmem:s13+$0xCCB0]  }
0x1cb: {  	v19 =	vld [tilespmem:s13+$0xCD40]  }
0x1cc: {  	v3 =	vadd.f32 v27, v3;
	v6 =	vadd.f32 v28, v6;
	v27 =	vld [tilespmem:s13+$0xCD50]  }
.Ltmp4:
0x1cd: {  	v11 =	vadd.f32 v29, v11;
	v13 =	vadd.f32 v30, v13;
	v29 =	vld [tilespmem:s13+$0xCCC0];
	(pc) =	sbr.rel @p1 .LBB2_11-.Ltmp4, $4  }
0x1ce: {  	v3 =	vadd.f32 v25, v3;
	v6 =	vadd.f32 v26, v6;
	v30 =	vld [tilespmem:s13+$0xCCD0]  }
0x1cf: {  	v11 =	vadd.f32 v32, v11;
	v31 =	vld [tilespmem:s13+$0xCC40];
	v13 =	vadd.f32 v33, v13  }
0x1d0: {  	v34 =	vadd.f32 v2, v3;
	v35 =	vadd.f32 v14, v6;
	v32 =	vld [tilespmem:s13+$0xCC50]  }
0x1d1: {  	s14 =	sadd.s32 $0xA00, s14;
	v36 =	vadd.f32 v15, v11;
	v33 =	vld [tilespmem:s13+$0xCC60];
	v37 =	vadd.f32 v24, v13  }
0x1d2: {  	v38 =	vld [tilespmem:s13+$0xCC70]  }
0x1d3: {  	v39 =	vld [tilespmem:s13+$0xCCE0]  }
0x1d4: {  	v40 =	vld [tilespmem:s13+$0xCCF0]  }
0x1d5: {  	v41 =	vld [tilespmem:s13+$0xCD60]  }
0x1d6: {  	v42 =	vld [tilespmem:s13+$0xCD70]  }
0x1d7: {  	v43 =	vld [tilespmem:s13+$0xCDE0]  }
0x1d8: {  	v44 =	vld [tilespmem:s13+$0xCDF0]  }
0x1d9: {  	v45 =	vld [tilespmem:s13+$0xCE60]  }
0x1da: {  	v46 =	vld [tilespmem:s13+$0xCE70];
	s13 =	sadd.s32 @!p0 $0x4E0, s11;
	s14 =	simm.s32 @!p0 $0x64;
	s15 =	simm.s32 @!p0 $0xCC00  }
0x1db: {  	[tilespmem:s15], [sflag:$0x5] =	stream.indirect.gather @!p0 [hbm4b:s3+s14], $0x40, s13, s14, $0xb8;
	[tilespmem:$0x15000] =	vst v63  }
0x1dc: {  	_ =	swait.ge [sflag:s30], $0x1900  }
0x1dd: {  	[sflag:s30] =	ssyncset.done $0x0  }
0x1de: {  	s13 =	simm.s32 $0x0;
	[sflag:s30] =	ssyncadd.s32 $0xFFFFE700  }
0x1df: {  	v11 =	vld [tilespmem:s13+$0xE700]  }
0x1e0: {  	v13 =	vld [tilespmem:s13+$0xE710]  }
0x1e1: {  	v14 =	vld [tilespmem:s13+$0xE720]  }
0x1e2: {  	v15 =	vld [tilespmem:s13+$0xE730]  }
0x1e3: {  	v2 =	vld [tilespmem:s13+$0xE740]  }
0x1e4: {  	v3 =	vld [tilespmem:s13+$0xE750]  }
0x1e5: {  	v25 =	vld [tilespmem:s13+$0xE680]  }
0x1e6: {  	v28 =	vld [tilespmem:s13+$0xE690]  }
0x1e7: {  	v24 =	vld [tilespmem:s13+$0xE6A0]  }
0x1e8: {  	v26 =	vld [tilespmem:s13+$0xE6B0]  }
0x1e9: {  	v6 =	vld [tilespmem:s13+$0xE6C0]  }
0x1ea: {  	v34 =	vadd.f32 v7, v34;
	v20 =	vadd.f32 v20, v35;
	v7 =	vld [tilespmem:s13+$0xE6D0]  }
0x1eb: {  	v17 =	vadd.f32 v17, v36;
	v18 =	vadd.f32 v18, v37;
	v62 =	vld [tilespmem:s13+$0xE600]  }
0x1ec: {  	v34 =	vadd.f32 v8, v34;
	v9 =	vadd.f32 v9, v20;
	v20 =	vld [tilespmem:s13+$0xE610]  }
0x1ed: {  	v8 =	vadd.f32 v31, v16;
	v10 =	vadd.f32 v10, v17;
	v63 =	vld [tilespmem:s13+$0xE620]  }
0x1ee: {  	v12 =	vadd.f32 v12, v18;
	v16 =	vadd.f32 v32, v23;
	v23 =	vld [tilespmem:s13+$0xE630]  }
0x1ef: {  	v17 =	vadd.f32 v33, v21;
	v8 =	vadd.f32 v29, v8;
	v21 =	vld [tilespmem:s13+$0xE580]  }
0x1f0: {  	v18 =	vadd.f32 v38, v22;
	v16 =	vadd.f32 v30, v16;
	v22 =	vld [tilespmem:s13+$0xE590]  }
0x1f1: {  	v29 =	vld [tilespmem:s13+$0xE500];
	v17 =	vadd.f32 v39, v17;
	v8 =	vadd.f32 v19, v8  }
0x1f2: {  	v19 =	vld [tilespmem:s13+$0xE510];
	v18 =	vadd.f32 v40, v18;
	v16 =	vadd.f32 v27, v16  }
0x1f3: {  	v27 =	vld [tilespmem:s13+$0xE520];
	v17 =	vadd.f32 v41, v17;
	v4 =	vadd.f32 v4, v8  }
0x1f4: {  	v18 =	vadd.f32 v42, v18;
	v8 =	vadd.f32 v5, v16;
	v16 =	vld [tilespmem:s13+$0xE530]  }
0x1f5: {  	v30 =	vld [tilespmem:s13+$0xE5A0];
	v17 =	vadd.f32 v43, v17;
	v5 =	vadd.f32 v0, v4  }
0x1f6: {  	v31 =	vld [tilespmem:s13+$0xE5B0];
	v18 =	vadd.f32 v44, v18;
	v1 =	vadd.f32 v1, v8  }
0x1f7: {  	v8 =	vld [tilespmem:s13+$0xE640];
	v4 =	vadd.f32 v45, v17;
	v17 =	vadd.f32 v29, v34  }
0x1f8: {  	v0 =	vadd.f32 v46, v18;
	v18 =	vadd.f32 v19, v9;
	v9 =	vld [tilespmem:s13+$0xE650]  }
0x1f9: {  	v19 =	vadd.f32 v27, v10;
	v10 =	vld [tilespmem:s13+$0xE5C0];
	v27 =	vadd.f32 v16, v12  }
0x1fa: {  	v21 =	vadd.f32 v21, v17;
	v12 =	vld [tilespmem:s13+$0xE5D0];
	v18 =	vadd.f32 v22, v18  }
0x1fb: {  	v16 =	vld [tilespmem:s13+$0xE540];
	v22 =	vadd.f32 v30, v19;
	v27 =	vadd.f32 v31, v27  }
0x1fc: {  	v17 =	vld [tilespmem:s13+$0xE550];
	v19 =	vadd.f32 v62, v21;
	v20 =	vadd.f32 v20, v18  }
0x1fd: {  	s14 =	simm.s32 $0xA00;
	v18 =	vld [tilespmem:s13+$0xE560];
	v21 =	vadd.f32 v63, v22;
	v22 =	vadd.f32 v23, v27  }
.LBB2_13:
0x1fe: {  	p1 =	sne.s32 s14, $0x5A00;
	v23 =	vld [tilespmem:s13+$0xE570];
	v19 =	vadd.f32 v25, v19;
	v20 =	vadd.f32 v28, v20  }
0x1ff: {  	v25 =	vld [tilespmem:s13+$0xE5E0];
	v21 =	vadd.f32 v24, v21;
	v22 =	vadd.f32 v26, v22  }
0x200: {  	v24 =	vld [tilespmem:s13+$0xE5F0];
	v19 =	vadd.f32 v11, v19;
	v20 =	vadd.f32 v13, v20  }
0x201: {  	v13 =	vld [tilespmem:s13+$0xE660];
	v21 =	vadd.f32 v14, v21;
	v22 =	vadd.f32 v15, v22  }
0x202: {  	v5 =	vadd.f32 v16, v5;
	v1 =	vadd.f32 v17, v1;
	v14 =	vld [tilespmem:s13+$0xE670]  }
0x203: {  	v4 =	vadd.f32 v18, v4;
	v0 =	vadd.f32 v23, v0;
	v15 =	vld [tilespmem:s13+$0xE6E0]  }
0x204: {  	v5 =	vadd.f32 v10, v5;
	v1 =	vadd.f32 v12, v1;
	v10 =	vld [tilespmem:s13+$0xE6F0]  }
0x205: {  	v4 =	vadd.f32 v25, v4;
	v0 =	vadd.f32 v24, v0;
	v12 =	vld [tilespmem:s13+$0xE760]  }
0x206: {  	v5 =	vadd.f32 v8, v5;
	v1 =	vadd.f32 v9, v1;
	v8 =	vld [tilespmem:s13+$0xE770];
	s13 =	sshra.s32 s14, $0x2  }
0x207: {  	v4 =	vadd.f32 v13, v4;
	v11 =	vld [tilespmem:s13+$0xE700];
	v0 =	vadd.f32 v14, v0  }
0x208: {  	v5 =	vadd.f32 v6, v5;
	v1 =	vadd.f32 v7, v1;
	v13 =	vld [tilespmem:s13+$0xE710]  }
0x209: {  	v4 =	vadd.f32 v15, v4;
	v14 =	vld [tilespmem:s13+$0xE720];
	v0 =	vadd.f32 v10, v0  }
0x20a: {  	v5 =	vadd.f32 v2, v5;
	v1 =	vadd.f32 v3, v1;
	v15 =	vld [tilespmem:s13+$0xE730]  }
0x20b: {  	v4 =	vadd.f32 v12, v4;
	v2 =	vld [tilespmem:s13+$0xE740];
	v0 =	vadd.f32 v8, v0  }
0x20c: {  	v3 =	vld [tilespmem:s13+$0xE750]  }
0x20d: {  	v25 =	vld [tilespmem:s13+$0xE680]  }
0x20e: {  	v28 =	vld [tilespmem:s13+$0xE690]  }
0x20f: {  	v24 =	vld [tilespmem:s13+$0xE6A0]  }
0x210: {  	v26 =	vld [tilespmem:s13+$0xE6B0]  }
0x211: {  	v6 =	vld [tilespmem:s13+$0xE6C0]  }
0x212: {  	v7 =	vld [tilespmem:s13+$0xE6D0]  }
0x213: {  	v18 =	vld [tilespmem:s13+$0xE600]  }
0x214: {  	v23 =	vld [tilespmem:s13+$0xE610]  }
0x215: {  	v27 =	vld [tilespmem:s13+$0xE620]  }
0x216: {  	v29 =	vld [tilespmem:s13+$0xE630]  }
0x217: {  	v12 =	vld [tilespmem:s13+$0xE580]  }
0x218: {  	v16 =	vld [tilespmem:s13+$0xE590]  }
0x219: {  	v9 =	vld [tilespmem:s13+$0xE500]  }
0x21a: {  	v10 =	vld [tilespmem:s13+$0xE510]  }
0x21b: {  	v17 =	vld [tilespmem:s13+$0xE520]  }
0x21c: {  	v30 =	vld [tilespmem:s13+$0xE530]  }
0x21d: {  	v31 =	vld [tilespmem:s13+$0xE5A0]  }
0x21e: {  	v32 =	vld [tilespmem:s13+$0xE5B0]  }
0x21f: {  	v8 =	vld [tilespmem:s13+$0xE640]  }
0x220: {  	v19 =	vadd.f32 v9, v19;
	v20 =	vadd.f32 v10, v20;
	v9 =	vld [tilespmem:s13+$0xE650]  }
.Ltmp5:
0x221: {  	v17 =	vadd.f32 v17, v21;
	v21 =	vadd.f32 v30, v22;
	v10 =	vld [tilespmem:s13+$0xE5C0];
	(pc) =	sbr.rel @p1 .LBB2_13-.Ltmp5, $4  }
0x222: {  	v19 =	vadd.f32 v12, v19;
	v20 =	vadd.f32 v16, v20;
	v12 =	vld [tilespmem:s13+$0xE5D0]  }
0x223: {  	v22 =	vadd.f32 v31, v17;
	v16 =	vld [tilespmem:s13+$0xE540];
	v30 =	vadd.f32 v32, v21  }
0x224: {  	v19 =	vadd.f32 v18, v19;
	v20 =	vadd.f32 v23, v20;
	v17 =	vld [tilespmem:s13+$0xE550]  }
0x225: {  	s14 =	sadd.s32 $0xA00, s14;
	v21 =	vadd.f32 v27, v22;
	v18 =	vld [tilespmem:s13+$0xE560];
	v22 =	vadd.f32 v29, v30  }
0x226: {  	v19 =	vadd.f32 v25, v19;
	v20 =	vadd.f32 v28, v20  }
0x227: {  	v23 =	vld [tilespmem:s13+$0xE570];
	v21 =	vadd.f32 v24, v21;
	v22 =	vadd.f32 v26, v22  }
0x228: {  	v24 =	vld [tilespmem:s13+$0xE5E0];
	v11 =	vadd.f32 v11, v19;
	v13 =	vadd.f32 v13, v20  }
0x229: {  	v19 =	vld [tilespmem:s13+$0xE5F0];
	v5 =	vadd.f32 v16, v5;
	v14 =	vadd.f32 v14, v21  }
0x22a: {  	v16 =	vld [tilespmem:s13+$0xE660];
	v15 =	vadd.f32 v15, v22;
	v1 =	vadd.f32 v17, v1  }
0x22b: {  	v17 =	vld [tilespmem:s13+$0xE670];
	v4 =	vadd.f32 v18, v4;
	v5 =	vadd.f32 v10, v5  }
0x22c: {  	v10 =	vld [tilespmem:s13+$0xE6E0];
	v0 =	vadd.f32 v23, v0;
	v1 =	vadd.f32 v12, v1  }
0x22d: {  	v12 =	vld [tilespmem:s13+$0xE6F0];
	v4 =	vadd.f32 v24, v4;
	v5 =	vadd.f32 v8, v5  }
0x22e: {  	v8 =	vld [tilespmem:s13+$0xE760];
	v0 =	vadd.f32 v19, v0;
	v1 =	vadd.f32 v9, v1  }
0x22f: {  	v9 =	vld [tilespmem:s13+$0xE770];
	v4 =	vadd.f32 v16, v4;
	v5 =	vadd.f32 v6, v5  }
0x230: {  	v0 =	vadd.f32 v17, v0;
	v1 =	vadd.f32 v7, v1  }
0x231: {  	v4 =	vadd.f32 v10, v4;
	v2 =	vadd.f32 v2, v5  }
0x232: {  	v0 =	vadd.f32 v12, v0;
	v1 =	vadd.f32 v3, v1  }
0x233: {  	v3 =	vadd.f32 v8, v4;
	v2 =	vadd.f32 v2, v11  }
0x234: {  	v0 =	vadd.f32 v9, v0;
	v1 =	vadd.f32 v1, v13  }
0x235: {  	s14 =	simm.s32 @!p0 $0x64;
	s15 =	simm.s32 @!p0 $0xE500;
	s13 =	sadd.s32 @!p0 $0x548, s11;
	v2 =	vmul.f32 $4.999999890e-03, v2;
	v3 =	vadd.f32 v3, v14  }
0x236: {  	[tilespmem:s15], [sflag:$0x6] =	stream.indirect.gather @!p0 [hbm4b:s3+s14], $0x40, s13, s14, $0xb8;
	v1 =	vmul.f32 $4.999999890e-03, v1;
	v0 =	vadd.f32 v0, v15;
	[tilespmem:$0x15000] =	vst v63  }
0x237: {  	[tilespmem:s12+$0x13080] =	vst v2;
	v2 =	vmul.f32 $4.999999890e-03, v3  }
0x238: {  	[tilespmem:s12+$0x13090] =	vst v1;
	v0 =	vmul.f32 $4.999999890e-03, v0  }
0x239: {  	[tilespmem:s12+$0x130A0] =	vst v2  }
0x23a: {  	[tilespmem:s12+$0x130B0] =	vst v0  }
0x23b: {  	_ =	swait.ge [sflag:s31], $0x1900  }
0x23c: {  	[sflag:s31] =	ssyncset.done $0x0  }
0x23d: {  	s13 =	simm.s32 $0x0;
	[sflag:s31] =	ssyncadd.s32 $0xFFFFE700  }
0x23e: {  	v8 =	vld [tilespmem:s13+$0x10000]  }
0x23f: {  	v9 =	vld [tilespmem:s13+$0x10010]  }
0x240: {  	v10 =	vld [tilespmem:s13+$0x10020]  }
0x241: {  	v12 =	vld [tilespmem:s13+$0x10030]  }
0x242: {  	v0 =	vld [tilespmem:s13+$0x10040]  }
0x243: {  	v1 =	vld [tilespmem:s13+$0x10050]  }
0x244: {  	v7 =	vld [tilespmem:s13+$0xFF80]  }
0x245: {  	v20 =	vld [tilespmem:s13+$0xFF90]  }
0x246: {  	v17 =	vld [tilespmem:s13+$0xFFA0]  }
0x247: {  	v18 =	vld [tilespmem:s13+$0xFFB0]  }
0x248: {  	v4 =	vld [tilespmem:s13+$0xFFC0]  }
0x249: {  	v5 =	vld [tilespmem:s13+$0xFFD0]  }
0x24a: {  	v2 =	vld [tilespmem:s13+$0xFF00]  }
0x24b: {  	v3 =	vld [tilespmem:s13+$0xFF10]  }
0x24c: {  	v6 =	vld [tilespmem:s13+$0xFF20]  }
0x24d: {  	v11 =	vld [tilespmem:s13+$0xFE80]  }
0x24e: {  	v13 =	vld [tilespmem:s13+$0xFE90]  }
0x24f: {  	v14 =	vld [tilespmem:s13+$0xFE00]  }
0x250: {  	v15 =	vld [tilespmem:s13+$0xFE10]  }
0x251: {  	v21 =	vld [tilespmem:s13+$0xFE20]  }
0x252: {  	v22 =	vld [tilespmem:s13+$0xFE30]  }
0x253: {  	v23 =	vld [tilespmem:s13+$0xFEA0]  }
0x254: {  	v24 =	vld [tilespmem:s13+$0xFEB0]  }
0x255: {  	v25 =	vld [tilespmem:s13+$0xFF30]  }
0x256: {  	v16 =	vimm.f32 $0.0e+00;
	v19 =	vld [tilespmem:s13+$0xFF40]  }
0x257: {  	v27 =	vld [tilespmem:s13+$0xFF50];
	v14 =	vadd.f32 v14, v16;
	v15 =	vadd.f32 v15, v16  }
0x258: {  	v29 =	vld [tilespmem:s13+$0xFEC0];
	v21 =	vadd.f32 v21, v16;
	v22 =	vadd.f32 v22, v16  }
0x259: {  	v30 =	vld [tilespmem:s13+$0xFED0];
	v11 =	vadd.f32 v11, v14;
	v13 =	vadd.f32 v13, v15  }
0x25a: {  	v31 =	vld [tilespmem:s13+$0xFE40];
	v14 =	vadd.f32 v23, v21;
	v15 =	vadd.f32 v24, v22;
	v23 =	vimm.f32 $0.0e+00  }
0x25b: {  	v32 =	vld [tilespmem:s13+$0xFE50];
	v21 =	vimm.f32 $0.0e+00;
	v34 =	vadd.f32 v2, v11;
	v35 =	vadd.f32 v3, v13  }
0x25c: {  	s14 =	simm.s32 $0xA00;
	v33 =	vld [tilespmem:s13+$0xFE60];
	v22 =	vimm.f32 $0.0e+00;
	v36 =	vadd.f32 v6, v14;
	v37 =	vadd.f32 v25, v15  }
.LBB2_15:
0x25d: {  	p1 =	sne.s32 s14, $0x5A00;
	v2 =	vld [tilespmem:s13+$0xFE70];
	v3 =	vadd.f32 v7, v34;
	v6 =	vadd.f32 v20, v35  }
0x25e: {  	v7 =	vld [tilespmem:s13+$0xFEE0];
	v11 =	vadd.f32 v17, v36;
	v13 =	vadd.f32 v18, v37  }
0x25f: {  	v14 =	vld [tilespmem:s13+$0xFEF0];
	v3 =	vadd.f32 v8, v3;
	v6 =	vadd.f32 v9, v6  }
0x260: {  	v9 =	vld [tilespmem:s13+$0xFF60];
	v11 =	vadd.f32 v10, v11;
	v13 =	vadd.f32 v12, v13  }
0x261: {  	v8 =	vadd.f32 v31, v16;
	v10 =	vadd.f32 v32, v23;
	v12 =	vld [tilespmem:s13+$0xFF70]  }
0x262: {  	v15 =	vadd.f32 v33, v21;
	v2 =	vadd.f32 v2, v22;
	v16 =	vld [tilespmem:s13+$0xFFE0]  }
0x263: {  	v8 =	vadd.f32 v29, v8;
	v10 =	vadd.f32 v30, v10;
	v17 =	vld [tilespmem:s13+$0xFFF0]  }
0x264: {  	v7 =	vadd.f32 v7, v15;
	v2 =	vadd.f32 v14, v2;
	v14 =	vld [tilespmem:s13+$0x10060]  }
0x265: {  	v15 =	vadd.f32 v19, v8;
	v10 =	vadd.f32 v27, v10;
	v18 =	vld [tilespmem:s13+$0x10070];
	s13 =	sshra.s32 s14, $0x2  }
0x266: {  	v7 =	vadd.f32 v9, v7;
	v8 =	vld [tilespmem:s13+$0x10000];
	v2 =	vadd.f32 v12, v2  }
0x267: {  	v4 =	vadd.f32 v4, v15;
	v5 =	vadd.f32 v5, v10;
	v9 =	vld [tilespmem:s13+$0x10010]  }
0x268: {  	v7 =	vadd.f32 v16, v7;
	v10 =	vld [tilespmem:s13+$0x10020];
	v2 =	vadd.f32 v17, v2  }
0x269: {  	v16 =	vadd.f32 v0, v4;
	v23 =	vadd.f32 v1, v5;
	v12 =	vld [tilespmem:s13+$0x10030]  }
0x26a: {  	v21 =	vadd.f32 v14, v7;
	v0 =	vld [tilespmem:s13+$0x10040];
	v22 =	vadd.f32 v18, v2  }
0x26b: {  	v1 =	vld [tilespmem:s13+$0x10050]  }
0x26c: {  	v7 =	vld [tilespmem:s13+$0xFF80]  }
0x26d: {  	v20 =	vld [tilespmem:s13+$0xFF90]  }
0x26e: {  	v17 =	vld [tilespmem:s13+$0xFFA0]  }
0x26f: {  	v18 =	vld [tilespmem:s13+$0xFFB0]  }
0x270: {  	v4 =	vld [tilespmem:s13+$0xFFC0]  }
0x271: {  	v5 =	vld [tilespmem:s13+$0xFFD0]  }
0x272: {  	v2 =	vld [tilespmem:s13+$0xFF00]  }
0x273: {  	v14 =	vld [tilespmem:s13+$0xFF10]  }
0x274: {  	v15 =	vld [tilespmem:s13+$0xFF20]  }
0x275: {  	v24 =	vld [tilespmem:s13+$0xFF30]  }
0x276: {  	v25 =	vld [tilespmem:s13+$0xFE80]  }
0x277: {  	v26 =	vld [tilespmem:s13+$0xFE90]  }
0x278: {  	v27 =	vld [tilespmem:s13+$0xFE00]  }
0x279: {  	v28 =	vld [tilespmem:s13+$0xFE10]  }
0x27a: {  	v29 =	vld [tilespmem:s13+$0xFE20]  }
0x27b: {  	v30 =	vld [tilespmem:s13+$0xFE30]  }
0x27c: {  	v32 =	vld [tilespmem:s13+$0xFEA0]  }
0x27d: {  	v33 =	vld [tilespmem:s13+$0xFEB0]  }
0x27e: {  	v19 =	vld [tilespmem:s13+$0xFF40]  }
0x27f: {  	v3 =	vadd.f32 v27, v3;
	v6 =	vadd.f32 v28, v6;
	v27 =	vld [tilespmem:s13+$0xFF50]  }
.Ltmp6:
0x280: {  	v11 =	vadd.f32 v29, v11;
	v13 =	vadd.f32 v30, v13;
	v29 =	vld [tilespmem:s13+$0xFEC0];
	(pc) =	sbr.rel @p1 .LBB2_15-.Ltmp6, $4  }
0x281: {  	v3 =	vadd.f32 v25, v3;
	v6 =	vadd.f32 v26, v6;
	v30 =	vld [tilespmem:s13+$0xFED0]  }
0x282: {  	v11 =	vadd.f32 v32, v11;
	v31 =	vld [tilespmem:s13+$0xFE40];
	v13 =	vadd.f32 v33, v13  }
0x283: {  	v34 =	vadd.f32 v2, v3;
	v35 =	vadd.f32 v14, v6;
	v32 =	vld [tilespmem:s13+$0xFE50]  }
0x284: {  	s14 =	sadd.s32 $0xA00, s14;
	v36 =	vadd.f32 v15, v11;
	v33 =	vld [tilespmem:s13+$0xFE60];
	v37 =	vadd.f32 v24, v13  }
0x285: {  	v38 =	vld [tilespmem:s13+$0xFE70]  }
0x286: {  	v39 =	vld [tilespmem:s13+$0xFEE0]  }
0x287: {  	v40 =	vld [tilespmem:s13+$0xFEF0]  }
0x288: {  	v41 =	vld [tilespmem:s13+$0xFF60]  }
0x289: {  	v42 =	vld [tilespmem:s13+$0xFF70]  }
0x28a: {  	v43 =	vld [tilespmem:s13+$0xFFE0]  }
0x28b: {  	v44 =	vld [tilespmem:s13+$0xFFF0]  }
0x28c: {  	v45 =	vld [tilespmem:s13+$0x10060]  }
0x28d: {  	v46 =	vld [tilespmem:s13+$0x10070];
	s13 =	sadd.s32 @!p0 $0x5B0, s11;
	s14 =	simm.s32 @!p0 $0x64;
	s15 =	simm.s32 @!p0 $0xFE00  }
0x28e: {  	[tilespmem:s15], [sflag:$0x7] =	stream.indirect.gather @!p0 [hbm4b:s3+s14], $0x40, s13, s14, $0xb8;
	[tilespmem:$0x15000] =	vst v63  }
0x28f: {  	_ =	swait.ge [sflag:s1], $0x1900  }
0x290: {  	[sflag:s1] =	ssyncset.done $0x0  }
0x291: {  	s13 =	simm.s32 $0x0;
	[sflag:s1] =	ssyncadd.s32 $0xFFFFE700  }
0x292: {  	v11 =	vld [tilespmem:s13+$0x11900]  }
0x293: {  	v13 =	vld [tilespmem:s13+$0x11910]  }
0x294: {  	v14 =	vld [tilespmem:s13+$0x11920]  }
0x295: {  	v15 =	vld [tilespmem:s13+$0x11930]  }
0x296: {  	v2 =	vld [tilespmem:s13+$0x11940]  }
0x297: {  	v3 =	vld [tilespmem:s13+$0x11950]  }
0x298: {  	v25 =	vld [tilespmem:s13+$0x11880]  }
0x299: {  	v28 =	vld [tilespmem:s13+$0x11890]  }
0x29a: {  	v24 =	vld [tilespmem:s13+$0x118A0]  }
0x29b: {  	v26 =	vld [tilespmem:s13+$0x118B0]  }
0x29c: {  	v6 =	vld [tilespmem:s13+$0x118C0]  }
0x29d: {  	v34 =	vadd.f32 v7, v34;
	v20 =	vadd.f32 v20, v35;
	v7 =	vld [tilespmem:s13+$0x118D0]  }
0x29e: {  	v17 =	vadd.f32 v17, v36;
	v18 =	vadd.f32 v18, v37;
	v62 =	vld [tilespmem:s13+$0x11800]  }
0x29f: {  	v34 =	vadd.f32 v8, v34;
	v9 =	vadd.f32 v9, v20;
	v20 =	vld [tilespmem:s13+$0x11810]  }
0x2a0: {  	v8 =	vadd.f32 v31, v16;
	v10 =	vadd.f32 v10, v17;
	v63 =	vld [tilespmem:s13+$0x11820]  }
0x2a1: {  	v12 =	vadd.f32 v12, v18;
	v16 =	vadd.f32 v32, v23;
	v23 =	vld [tilespmem:s13+$0x11830]  }
0x2a2: {  	v17 =	vadd.f32 v33, v21;
	v8 =	vadd.f32 v29, v8;
	v21 =	vld [tilespmem:s13+$0x11780]  }
0x2a3: {  	v18 =	vadd.f32 v38, v22;
	v16 =	vadd.f32 v30, v16;
	v22 =	vld [tilespmem:s13+$0x11790]  }
0x2a4: {  	v29 =	vld [tilespmem:s13+$0x11700];
	v17 =	vadd.f32 v39, v17;
	v8 =	vadd.f32 v19, v8  }
0x2a5: {  	v19 =	vld [tilespmem:s13+$0x11710];
	v18 =	vadd.f32 v40, v18;
	v16 =	vadd.f32 v27, v16  }
0x2a6: {  	v27 =	vld [tilespmem:s13+$0x11720];
	v17 =	vadd.f32 v41, v17;
	v4 =	vadd.f32 v4, v8  }
0x2a7: {  	v18 =	vadd.f32 v42, v18;
	v8 =	vadd.f32 v5, v16;
	v16 =	vld [tilespmem:s13+$0x11730]  }
0x2a8: {  	v30 =	vld [tilespmem:s13+$0x117A0];
	v17 =	vadd.f32 v43, v17;
	v5 =	vadd.f32 v0, v4  }
0x2a9: {  	v31 =	vld [tilespmem:s13+$0x117B0];
	v18 =	vadd.f32 v44, v18;
	v1 =	vadd.f32 v1, v8  }
0x2aa: {  	v8 =	vld [tilespmem:s13+$0x11840];
	v4 =	vadd.f32 v45, v17;
	v17 =	vadd.f32 v29, v34  }
0x2ab: {  	v0 =	vadd.f32 v46, v18;
	v18 =	vadd.f32 v19, v9;
	v9 =	vld [tilespmem:s13+$0x11850]  }
0x2ac: {  	v19 =	vadd.f32 v27, v10;
	v10 =	vld [tilespmem:s13+$0x117C0];
	v27 =	vadd.f32 v16, v12  }
0x2ad: {  	v21 =	vadd.f32 v21, v17;
	v12 =	vld [tilespmem:s13+$0x117D0];
	v18 =	vadd.f32 v22, v18  }
0x2ae: {  	v16 =	vld [tilespmem:s13+$0x11740];
	v22 =	vadd.f32 v30, v19;
	v27 =	vadd.f32 v31, v27  }
0x2af: {  	v17 =	vld [tilespmem:s13+$0x11750];
	v19 =	vadd.f32 v62, v21;
	v20 =	vadd.f32 v20, v18  }
0x2b0: {  	s14 =	simm.s32 $0xA00;
	v18 =	vld [tilespmem:s13+$0x11760];
	v21 =	vadd.f32 v63, v22;
	v22 =	vadd.f32 v23, v27  }
.LBB2_17:
0x2b1: {  	p1 =	sne.s32 s14, $0x5A00;
	v23 =	vld [tilespmem:s13+$0x11770];
	v19 =	vadd.f32 v25, v19;
	v20 =	vadd.f32 v28, v20  }
0x2b2: {  	v25 =	vld [tilespmem:s13+$0x117E0];
	v21 =	vadd.f32 v24, v21;
	v22 =	vadd.f32 v26, v22  }
0x2b3: {  	v24 =	vld [tilespmem:s13+$0x117F0];
	v19 =	vadd.f32 v11, v19;
	v20 =	vadd.f32 v13, v20  }
0x2b4: {  	v13 =	vld [tilespmem:s13+$0x11860];
	v21 =	vadd.f32 v14, v21;
	v22 =	vadd.f32 v15, v22  }
0x2b5: {  	v5 =	vadd.f32 v16, v5;
	v1 =	vadd.f32 v17, v1;
	v14 =	vld [tilespmem:s13+$0x11870]  }
0x2b6: {  	v4 =	vadd.f32 v18, v4;
	v0 =	vadd.f32 v23, v0;
	v15 =	vld [tilespmem:s13+$0x118E0]  }
0x2b7: {  	v5 =	vadd.f32 v10, v5;
	v1 =	vadd.f32 v12, v1;
	v10 =	vld [tilespmem:s13+$0x118F0]  }
0x2b8: {  	v4 =	vadd.f32 v25, v4;
	v0 =	vadd.f32 v24, v0;
	v12 =	vld [tilespmem:s13+$0x11960]  }
0x2b9: {  	v5 =	vadd.f32 v8, v5;
	v1 =	vadd.f32 v9, v1;
	v8 =	vld [tilespmem:s13+$0x11970];
	s13 =	sshra.s32 s14, $0x2  }
0x2ba: {  	v4 =	vadd.f32 v13, v4;
	v11 =	vld [tilespmem:s13+$0x11900];
	v0 =	vadd.f32 v14, v0  }
0x2bb: {  	v5 =	vadd.f32 v6, v5;
	v1 =	vadd.f32 v7, v1;
	v13 =	vld [tilespmem:s13+$0x11910]  }
0x2bc: {  	v4 =	vadd.f32 v15, v4;
	v14 =	vld [tilespmem:s13+$0x11920];
	v0 =	vadd.f32 v10, v0  }
0x2bd: {  	v5 =	vadd.f32 v2, v5;
	v1 =	vadd.f32 v3, v1;
	v15 =	vld [tilespmem:s13+$0x11930]  }
0x2be: {  	v4 =	vadd.f32 v12, v4;
	v2 =	vld [tilespmem:s13+$0x11940];
	v0 =	vadd.f32 v8, v0  }
0x2bf: {  	v3 =	vld [tilespmem:s13+$0x11950]  }
0x2c0: {  	v25 =	vld [tilespmem:s13+$0x11880]  }
0x2c1: {  	v28 =	vld [tilespmem:s13+$0x11890]  }
0x2c2: {  	v24 =	vld [tilespmem:s13+$0x118A0]  }
0x2c3: {  	v26 =	vld [tilespmem:s13+$0x118B0]  }
0x2c4: {  	v6 =	vld [tilespmem:s13+$0x118C0]  }
0x2c5: {  	v7 =	vld [tilespmem:s13+$0x118D0]  }
0x2c6: {  	v18 =	vld [tilespmem:s13+$0x11800]  }
0x2c7: {  	v23 =	vld [tilespmem:s13+$0x11810]  }
0x2c8: {  	v27 =	vld [tilespmem:s13+$0x11820]  }
0x2c9: {  	v29 =	vld [tilespmem:s13+$0x11830]  }
0x2ca: {  	v12 =	vld [tilespmem:s13+$0x11780]  }
0x2cb: {  	v16 =	vld [tilespmem:s13+$0x11790]  }
0x2cc: {  	v9 =	vld [tilespmem:s13+$0x11700]  }
0x2cd: {  	v10 =	vld [tilespmem:s13+$0x11710]  }
0x2ce: {  	v17 =	vld [tilespmem:s13+$0x11720]  }
0x2cf: {  	v30 =	vld [tilespmem:s13+$0x11730]  }
0x2d0: {  	v31 =	vld [tilespmem:s13+$0x117A0]  }
0x2d1: {  	v32 =	vld [tilespmem:s13+$0x117B0]  }
0x2d2: {  	v8 =	vld [tilespmem:s13+$0x11840]  }
0x2d3: {  	v19 =	vadd.f32 v9, v19;
	v20 =	vadd.f32 v10, v20;
	v9 =	vld [tilespmem:s13+$0x11850]  }
.Ltmp7:
0x2d4: {  	v17 =	vadd.f32 v17, v21;
	v21 =	vadd.f32 v30, v22;
	v10 =	vld [tilespmem:s13+$0x117C0];
	(pc) =	sbr.rel @p1 .LBB2_17-.Ltmp7, $4  }
0x2d5: {  	v19 =	vadd.f32 v12, v19;
	v20 =	vadd.f32 v16, v20;
	v12 =	vld [tilespmem:s13+$0x117D0]  }
0x2d6: {  	v22 =	vadd.f32 v31, v17;
	v16 =	vld [tilespmem:s13+$0x11740];
	v30 =	vadd.f32 v32, v21  }
0x2d7: {  	v19 =	vadd.f32 v18, v19;
	v20 =	vadd.f32 v23, v20;
	v17 =	vld [tilespmem:s13+$0x11750]  }
0x2d8: {  	s14 =	sadd.s32 $0xA00, s14;
	v21 =	vadd.f32 v27, v22;
	v18 =	vld [tilespmem:s13+$0x11760];
	v22 =	vadd.f32 v29, v30  }
0x2d9: {  	v19 =	vadd.f32 v25, v19;
	v20 =	vadd.f32 v28, v20  }
0x2da: {  	v23 =	vld [tilespmem:s13+$0x11770];
	v21 =	vadd.f32 v24, v21;
	v22 =	vadd.f32 v26, v22  }
0x2db: {  	v54 =	vld [tilespmem:s13+$0x117E0];
	v11 =	vadd.f32 v11, v19;
	v13 =	vadd.f32 v13, v20  }
0x2dc: {  	v55 =	vld [tilespmem:s13+$0x117F0];
	v5 =	vadd.f32 v16, v5;
	v14 =	vadd.f32 v14, v21  }
0x2dd: {  	v56 =	vld [tilespmem:s13+$0x11860];
	v15 =	vadd.f32 v15, v22;
	v1 =	vadd.f32 v17, v1  }
0x2de: {  	v57 =	vld [tilespmem:s13+$0x11870];
	v4 =	vadd.f32 v18, v4;
	v5 =	vadd.f32 v10, v5  }
0x2df: {  	v58 =	vld [tilespmem:s13+$0x118E0];
	v0 =	vadd.f32 v23, v0;
	v1 =	vadd.f32 v12, v1  }
0x2e0: {  	v59 =	vld [tilespmem:s13+$0x118F0];
	v4 =	vadd.f32 v54, v4;
	v5 =	vadd.f32 v8, v5  }
0x2e1: {  	v60 =	vld [tilespmem:s13+$0x11960];
	v0 =	vadd.f32 v55, v0;
	v1 =	vadd.f32 v9, v1  }
0x2e2: {  	v61 =	vld [tilespmem:s13+$0x11970];
	v4 =	vadd.f32 v56, v4;
	v5 =	vadd.f32 v6, v5  }
0x2e3: {  	v0 =	vadd.f32 v57, v0;
	v1 =	vadd.f32 v7, v1  }
0x2e4: {  	v4 =	vadd.f32 v58, v4;
	v2 =	vadd.f32 v2, v5  }
0x2e5: {  	s11 =	sadd.s32 @!p0 $0x618, s11;
	v0 =	vadd.f32 v59, v0;
	v1 =	vadd.f32 v3, v1  }
0x2e6: {  	s13 =	simm.s32 @!p0 $0x64;
	s14 =	simm.s32 @!p0 $0x11700;
	s10 =	sadd.s32 $0x1, s10;
	v62 =	vadd.f32 v60, v4;
	v2 =	vadd.f32 v2, v11  }
0x2e7: {  	[tilespmem:s14], [sflag:$0x8] =	stream.indirect.gather @!p0 [hbm4b:s3+s13], $0x40, s11, s13, $0xb8;
	v0 =	vadd.f32 v61, v0;
	v1 =	vadd.f32 v1, v13;
	[tilespmem:$0x15000] =	vst v63  }
0x2e8: {  	p0 =	sne.s32 s10, $0x20;
	v2 =	vmul.f32 $4.999999890e-03, v2;
	v3 =	vadd.f32 v62, v14  }
.Ltmp8:
0x2e9: {  	v1 =	vmul.f32 $4.999999890e-03, v1;
	v0 =	vadd.f32 v0, v15;
	(pc) =	sbr.rel @p0 .LBB2_2-.Ltmp8, $4  }
0x2ea: {  	[tilespmem:s12+$0x130C0] =	vst v2;
	v63 =	vmul.f32 $4.999999890e-03, v3  }
0x2eb: {  	[tilespmem:s12+$0x130D0] =	vst v1;
	v0 =	vmul.f32 $4.999999890e-03, v0  }
0x2ec: {  	[tilespmem:s12+$0x130E0] =	vst v63  }
0x2ed: {  	[tilespmem:s12+$0x130F0] =	vst v0  }
0x2ee: {  	s9 =	sadd.s32 $0x1, s9  }
0x2ef: {  	p0 =	sne.s32 s9, s6  }
.Ltmp9:
0x2f0: {  	_ = 	snop;
	(pc) =	sbr.rel @p0 .LBB2_1-.Ltmp9, $4  }
0x2f1: {  	[hbm4b:s5+s2] =	stream.linear.scatter [tilespmem:s0], [sflag:$0x9], $0x2000, $0x38;
	[tilespmem:$0x15000] =	vst v63  }
0x2f2: {  	_ =	swait.ge [sflag:s7], $0x2000  }
0x2f3: {  	[sflag:s7] =	ssyncset.done $0x0  }
0x2f4: {  	[sflag:s7] =	ssyncadd.s32 $0xFFFFE000  }
0x2f5: {  	_ =	sfence.sel $0x180000  }
0x2f6: {  	[bflag:$0x0] =	sbarrier.arrive $0xFFFF  }
0x2f7: {  	_ =	strace $0x90000047  }
0x2f8: {  	s0 =	stileid.u32;
	[bflag:$0x2] =	sbarrier.arrive $0xFFFF  }
0x2f9: {  	p0 =	sne.s32 s0, $0x0;
	s0 =	rddreg [dreg:$0x2]  }
0x2fa: {  	s0 =	sadd.s32 @!p0 $0x100000, s0  }
0x2fb: {  	[sflag:s0] =	ssyncadd.tile.s32 @!p0 $0x1;
	_ =	shalt  }
.Lfunc_end2:
_tile_overlayer_lowered:
.L_overlay_start_2:
0x2fc: {  	(tag) =	ssettag $0x2  }
0x2fd: {  	s0 =	rddreg [dreg:$0x0];
	s2 =	stileid.u32  }
0x2fe: {  	s1 =	rddreg [dreg:$0x1];
	p0 =	sne.s32 s2, $0x0  }
0x2ff: {  	s3 =	rddreg [dreg:$0x2];
	[bflag:$0x3] =	sbarrier.arrive $0xFFFF;
	s2 =	simm.s32 @!p0 $0x1C09  }
0x300: {  	[timem:s3], [sflag:s2] =	dma.local @!p0 [hbm:s0], s1  }
0x301: {  	s0 =	simm.s32 @!p0 $0x9  }
0x302: {  	_ =	swait.ge @!p0 [sflag:s0], s1  }
0x303: {  	s1 =	ssub.s32 @!p0 $0x0, s1;
	[sflag:s0] =	ssyncset.done @!p0 $0x0  }
0x304: {  	[sflag:s0] =	ssyncadd.s32 @!p0 s1  }
0x305: {  	[bflag:$0x3] =	sbarrier.arrive $0xFFFF  }
0x306: {  	_ =	shalt  }

</sc_bundles>
